<compile_context>
chip_gen: v7x
topology: tpu7x:2x2x1
jax: 0.10.2.dev20260603
libtpu: 0.0.44.dev20260713+nightly
codegen_flags: <defaults>
</compile_context>

<pallas_src>
import functools

import jax
import jax.numpy as jnp
from jax import lax
from jax.experimental import pallas as pl
from jax.experimental.pallas import tpu as pltpu
from jax.experimental.pallas import tpu_sc as plsc

EMB = 64
SCALE = 8.0

NC = 2
NS = 16
NW = NC * NS

BW = 128

CB = 2048


def _tc_relayout(tabT):
    e_dim, v_dim = tabT.shape
    ngrid = (v_dim + CB - 1) // CB

    def body(x_ref, o_ref):
        xt = jnp.swapaxes(x_ref[...], 0, 1)
        o_ref[:, :EMB] = xt[: CB // 2] * SCALE
        o_ref[:, EMB:] = xt[CB // 2 :] * SCALE

    return pl.pallas_call(
        body,
        grid=(ngrid,),
        in_specs=[pl.BlockSpec((e_dim, CB), lambda i: (0, i))],
        out_specs=pl.BlockSpec((CB // 2, 2 * EMB), lambda i: (i, 0)),
        out_shape=jax.ShapeDtypeStruct((ngrid * (CB // 2), 2 * EMB),
                                       jnp.float32),
    )(tabT)


def _sc_gather(gidx2d, tabR):
    t_dim, b_dim = gidx2d.shape
    nbh = b_dim // BW
    nblk = t_dim * nbh
    blk_per_w = nblk // NW

    mesh = plsc.VectorSubcoreMesh(core_axis_name="c", subcore_axis_name="s")

    @functools.partial(
        pl.kernel,
        mesh=mesh,
        out_type=jax.ShapeDtypeStruct((nblk * BW, EMB), jnp.float32),
        scratch_types=[
            pltpu.VMEM((8, BW), jnp.int32),
            pltpu.VMEM((8, BW, EMB), jnp.float32),
            pltpu.SemaphoreType.DMA((8,)),
            pltpu.SemaphoreType.DMA((8,)),
            pltpu.SemaphoreType.DMA((8,)),
        ],
        compiler_params=pltpu.CompilerParams(use_tc_tiling_on_sc=False,
                                             needs_layout_passes=False),
    )
    def k(gidx_hbm, tab_hbm, out_hbm, idx_v, rows_v, isem, gsem, ssem):
        wid = lax.axis_index("s") * NC + lax.axis_index("c")
        f0 = wid * blk_per_w

        def fire_idx(f, b):
            t = f // nbh
            bh = f - t * nbh
            pltpu.async_copy(gidx_hbm.at[t, pl.ds(bh * BW, BW)],
                             idx_v.at[b], isem.at[b])

        def wait_idx(b):
            pltpu.make_async_copy(gidx_hbm.at[0, pl.ds(0, BW)],
                                  idx_v.at[b], isem.at[b]).wait()
            for kk in range(BW // 16):
                v = idx_v[b, pl.ds(kk * 16, 16)]
                r = ((v & -2048) + ((v & 1023) << 1)) + ((v >> 10) & 1)
                idx_v[b, pl.ds(kk * 16, 16)] = r

        def fire_gather(b):
            pltpu.async_copy(tab_hbm.at[idx_v.at[b]], rows_v.at[b],
                             gsem.at[b])

        def wait_gather(b):
            pltpu.make_async_copy(tab_hbm.at[pl.ds(0, BW)],
                                  rows_v.at[b], gsem.at[b]).wait()

        def fire_store(f, b):
            pltpu.async_copy(rows_v.at[b],
                             out_hbm.at[pl.ds(f * BW, BW)], ssem.at[b])

        def wait_store(b):
            pltpu.make_async_copy(rows_v.at[b],
                                  out_hbm.at[pl.ds(0, BW)], ssem.at[b]).wait()

        for j in range(8):
            fire_idx(f0 + j, j)
        for j in range(4):
            wait_idx(j)
            fire_gather(j)

        def step(i, carry):
            for b8 in range(8):
                g = i * 8 + b8
                wait_gather(b8)
                fire_store(f0 + g, b8)
                n = g + 4

                @pl.when(n < blk_per_w)
                def _():
                    nb = (b8 + 4) % 8
                    wait_idx(nb)

                    @pl.when(n >= 8)
                    def _():
                        wait_store(nb)

                    fire_gather(nb)

                    @pl.when(n + 4 < blk_per_w)
                    def _():
                        fire_idx(f0 + n + 4, b8)

            return carry

        lax.fori_loop(0, blk_per_w // 8, step, 0)
        for b in range(8):
            wait_store(b)

    return k(gidx2d, tabR)


def kernel(tokens, table):
    b0, b1 = tokens.shape
    tokT = jnp.swapaxes(tokens, 0, 1).astype(jnp.int32)
    tabT = jnp.swapaxes(table, 0, 1)
    tabP = _tc_relayout(tabT)
    tabR = jnp.reshape(jnp.reshape(tabP, (-1,)),
                       (tabP.shape[0] * 2, EMB))
    outv = _sc_gather(tokT, tabR)
    o = jnp.reshape(outv, (b1, b0 // BW, BW, EMB))
    return jnp.reshape(jnp.transpose(o, (1, 2, 0, 3)), (b0, b1, EMB))

# --- scband reference (transcript-rebuilt; emitter-appended) ---
"""Pipeline reference for scband-token-embedding-2869038154403 (READ-ONLY COPY).

The authoritative reference and input builder live on the scoring server;
editing this copy changes nothing except your own understanding.
"""

import jax, jax.numpy as jnp
import numpy as np
import math

VOCAB = 1000000
EMB = 64

def setup_inputs(seed: int = 0) -> dict:
    key = jax.random.key(seed)
    k1, k2 = jax.random.split(key)
    tokens = jax.random.randint(k1, (4096, 200), 0, VOCAB, dtype=jnp.int64 if jax.config.jax_enable_x64 else jnp.int32)
    table = jax.random.normal(k2, (VOCAB, EMB), dtype=jnp.float32)
    return {"tokens": tokens, "table": table}

def reference(tokens, table):
    # Embedding lookup scaled by sqrt(emb_size), matching TokenEmbedding.forward
    emb = jnp.take(table, tokens, axis=0)
    return emb * math.sqrt(EMB)

if __name__ == "__main__":
    import jax
    _d = setup_inputs()
    print(jax.jit(kernel)(*tuple(_d.values())))

</pallas_src>

<mosaic_0001>
#map = affine_map<(d0, d1) -> (0, 0)>
module attributes {stable_mosaic.version = 14 : i64} {
  func.func @k(%arg0: i32, %arg1: i32, %arg2: memref<200x4096xi32, #tpu.memory_space<hbm>>, %arg3: memref<1001472x64xf32, #tpu.memory_space<hbm>>, %arg4: memref<819200x64xf32, #tpu.memory_space<hbm>>, %arg5: memref<8x128xi32, #tpu.memory_space<vmem>>, %arg6: memref<8x128x64xf32, #tpu.memory_space<vmem>>, %arg7: memref<8x!tpu.dma_semaphore, #tpu.memory_space<semaphore_mem>>, %arg8: memref<8x!tpu.dma_semaphore, #tpu.memory_space<semaphore_mem>>, %arg9: memref<8x!tpu.dma_semaphore, #tpu.memory_space<semaphore_mem>>) attributes {dimension_semantics = [#tpu.dimension_semantics<core_parallel>, #tpu.dimension_semantics<subcore_parallel>], iteration_bounds = array<i64: 2, 16>, scalar_prefetch = 0 : i64, scratch_operands = 5 : i64, tpu.core_type = #tpu.core_type<sc_vector_subcore>, window_params = [{transform_indices = #map}, {transform_indices = #map}, {transform_indices = #map}]} {
    %mul3A = arith.constant 2 : i32
    %mul3A_0 = arith.muli %arg1, %mul3A : i32
    %add3A = arith.addi %mul3A_0, %arg0 : i32
    %mul3A_1 = arith.constant 200 : i32
    %mul3A_2 = arith.muli %add3A, %mul3A_1 : i32
    %add3A_3 = arith.constant 0 : i32
    %add3A_4 = arith.addi %mul3A_2, %add3A_3 : i32
    %jit3A = arith.constant 32 : i32
    %div3A = arith.divsi %add3A_4, %jit3A : i32
    %sign3A = arith.constant 0 : i32
    %sign3A_5 = arith.cmpi sgt, %add3A_4, %sign3A : i32
    %sign3A_6 = arith.extui %sign3A_5 : i1 to i32
    %sign3A_7 = arith.constant 0 : i32
    %sign3A_8 = arith.cmpi slt, %add3A_4, %sign3A_7 : i32
    %sign3A_9 = arith.extui %sign3A_8 : i1 to i32
    %sign3A_10 = arith.subi %sign3A_6, %sign3A_9 : i32
    %sign3A_11 = arith.constant 0 : i32
    %sign3A_12 = arith.cmpi sgt, %jit3A, %sign3A_11 : i32
    %sign3A_13 = arith.extui %sign3A_12 : i1 to i32
    %sign3A_14 = arith.constant 0 : i32
    %sign3A_15 = arith.cmpi slt, %jit3A, %sign3A_14 : i32
    %sign3A_16 = arith.extui %sign3A_15 : i1 to i32
    %sign3A_17 = arith.subi %sign3A_13, %sign3A_16 : i32
    %ne3A = arith.cmpi ne, %sign3A_10, %sign3A_17 : i32
    %rem3A = arith.remsi %add3A_4, %jit3A : i32
    %ne3A_18 = arith.constant 0 : i32
    %ne3A_19 = arith.cmpi ne, %rem3A, %ne3A_18 : i32
    %and3A = arith.andi %ne3A, %ne3A_19 : i1
    %sub3A = arith.constant 1 : i32
    %sub3A_20 = arith.subi %div3A, %sub3A : i32
    %select_n3A = arith.select %and3A, %sub3A_20, %div3A : i32
    %mul3A_21 = arith.constant 32 : i32
    %mul3A_22 = arith.muli %select_n3A, %mul3A_21 : i32
    %sub3A_23 = arith.subi %add3A_4, %mul3A_22 : i32
    %mul3A_24 = arith.constant 128 : i32
    %mul3A_25 = arith.muli %sub3A_23, %mul3A_24 : i32
    %dma_start3A = arith.constant 0 : i32
    %dma_start3A_26 = arith.constant 0 : i32
    %dma_start3A_27 = arith.constant 0 : i32
    %dma_start3A_28 = tpu.memref_slice %arg5[%dma_start3A, %dma_start3A_27] : memref<8x128xi32, #tpu.memory_space<vmem>> -> memref<1x128xi32, #tpu.memory_space<vmem>>
    %dma_start3A_29 = tpu.memref_squeeze %dma_start3A_28 : memref<1x128xi32, #tpu.memory_space<vmem>> -> memref<128xi32, #tpu.memory_space<vmem>>
    %dma_start3A_30 = tpu.memref_slice %arg2[%select_n3A, %mul3A_25] : memref<200x4096xi32, #tpu.memory_space<hbm>> -> memref<1x128xi32, #tpu.memory_space<hbm>>
    %dma_start3A_31 = tpu.memref_squeeze %dma_start3A_30 : memref<1x128xi32, #tpu.memory_space<hbm>> -> memref<128xi32, #tpu.memory_space<hbm>>
    %dma_start3A_32 = tpu.memref_slice %arg7[%dma_start3A_26] : memref<8x!tpu.dma_semaphore, #tpu.memory_space<semaphore_mem>> -> memref<1x!tpu.dma_semaphore, #tpu.memory_space<semaphore_mem>>
    %dma_start3A_33 = tpu.memref_squeeze %dma_start3A_32 : memref<1x!tpu.dma_semaphore, #tpu.memory_space<semaphore_mem>> -> memref<!tpu.dma_semaphore, #tpu.memory_space<semaphore_mem>>
    %dma_start3A_34 = arith.constant 0 : i32
    %dma_start3A_35 = tpu.memref_slice %arg5[%dma_start3A, %dma_start3A_34] : memref<8x128xi32, #tpu.memory_space<vmem>> -> memref<1x128xi32, #tpu.memory_space<vmem>>
    %dma_start3A_36 = tpu.memref_squeeze %dma_start3A_35 : memref<1x128xi32, #tpu.memory_space<vmem>> -> memref<128xi32, #tpu.memory_space<vmem>>
    %dma_start3A_37 = tpu.memref_slice %arg2[%select_n3A, %mul3A_25] : memref<200x4096xi32, #tpu.memory_space<hbm>> -> memref<1x128xi32, #tpu.memory_space<hbm>>
    %dma_start3A_38 = tpu.memref_squeeze %dma_start3A_37 : memref<1x128xi32, #tpu.memory_space<hbm>> -> memref<128xi32, #tpu.memory_space<hbm>>
    tpu.enqueue_dma source(%dma_start3A_38 : memref<128xi32, #tpu.memory_space<hbm>>) target(%dma_start3A_36 : memref<128xi32, #tpu.memory_space<vmem>>) target_semaphore(%dma_start3A_33 : memref<!tpu.dma_semaphore, #tpu.memory_space<semaphore_mem>>)
    %add3A_39 = arith.constant 1 : i32
    %add3A_40 = arith.addi %mul3A_2, %add3A_39 : i32
    %jit3A_41 = arith.constant 32 : i32
    %div3A_42 = arith.divsi %add3A_40, %jit3A_41 : i32
    %sign3A_43 = arith.constant 0 : i32
    %sign3A_44 = arith.cmpi sgt, %add3A_40, %sign3A_43 : i32
    %sign3A_45 = arith.extui %sign3A_44 : i1 to i32
    %sign3A_46 = arith.constant 0 : i32
    %sign3A_47 = arith.cmpi slt, %add3A_40, %sign3A_46 : i32
    %sign3A_48 = arith.extui %sign3A_47 : i1 to i32
    %sign3A_49 = arith.subi %sign3A_45, %sign3A_48 : i32
    %sign3A_50 = arith.constant 0 : i32
    %sign3A_51 = arith.cmpi sgt, %jit3A_41, %sign3A_50 : i32
    %sign3A_52 = arith.extui %sign3A_51 : i1 to i32
    %sign3A_53 = arith.constant 0 : i32
    %sign3A_54 = arith.cmpi slt, %jit3A_41, %sign3A_53 : i32
    %sign3A_55 = arith.extui %sign3A_54 : i1 to i32
    %sign3A_56 = arith.subi %sign3A_52, %sign3A_55 : i32
    %ne3A_57 = arith.cmpi ne, %sign3A_49, %sign3A_56 : i32
    %rem3A_58 = arith.remsi %add3A_40, %jit3A_41 : i32
    %ne3A_59 = arith.constant 0 : i32
    %ne3A_60 = arith.cmpi ne, %rem3A_58, %ne3A_59 : i32
    %and3A_61 = arith.andi %ne3A_57, %ne3A_60 : i1
    %sub3A_62 = arith.constant 1 : i32
    %sub3A_63 = arith.subi %div3A_42, %sub3A_62 : i32
    %select_n3A_64 = arith.select %and3A_61, %sub3A_63, %div3A_42 : i32
    %mul3A_65 = arith.constant 32 : i32
    %mul3A_66 = arith.muli %select_n3A_64, %mul3A_65 : i32
    %sub3A_67 = arith.subi %add3A_40, %mul3A_66 : i32
    %mul3A_68 = arith.constant 128 : i32
    %mul3A_69 = arith.muli %sub3A_67, %mul3A_68 : i32
    %dma_start3A_70 = arith.constant 1 : i32
    %dma_start3A_71 = arith.constant 1 : i32
    %dma_start3A_72 = arith.constant 0 : i32
    %dma_start3A_73 = tpu.memref_slice %arg5[%dma_start3A_70, %dma_start3A_72] : memref<8x128xi32, #tpu.memory_space<vmem>> -> memref<1x128xi32, #tpu.memory_space<vmem>>
    %dma_start3A_74 = tpu.memref_squeeze %dma_start3A_73 : memref<1x128xi32, #tpu.memory_space<vmem>> -> memref<128xi32, #tpu.memory_space<vmem>>
    %dma_start3A_75 = tpu.memref_slice %arg2[%select_n3A_64, %mul3A_69] : memref<200x4096xi32, #tpu.memory_space<hbm>> -> memref<1x128xi32, #tpu.memory_space<hbm>>
    %dma_start3A_76 = tpu.memref_squeeze %dma_start3A_75 : memref<1x128xi32, #tpu.memory_space<hbm>> -> memref<128xi32, #tpu.memory_space<hbm>>
    %dma_start3A_77 = tpu.memref_slice %arg7[%dma_start3A_71] : memref<8x!tpu.dma_semaphore, #tpu.memory_space<semaphore_mem>> -> memref<1x!tpu.dma_semaphore, #tpu.memory_space<semaphore_mem>>
    %dma_start3A_78 = tpu.memref_squeeze %dma_start3A_77 : memref<1x!tpu.dma_semaphore, #tpu.memory_space<semaphore_mem>> -> memref<!tpu.dma_semaphore, #tpu.memory_space<semaphore_mem>>
    %dma_start3A_79 = arith.constant 0 : i32
    %dma_start3A_80 = tpu.memref_slice %arg5[%dma_start3A_70, %dma_start3A_79] : memref<8x128xi32, #tpu.memory_space<vmem>> -> memref<1x128xi32, #tpu.memory_space<vmem>>
    %dma_start3A_81 = tpu.memref_squeeze %dma_start3A_80 : memref<1x128xi32, #tpu.memory_space<vmem>> -> memref<128xi32, #tpu.memory_space<vmem>>
    %dma_start3A_82 = tpu.memref_slice %arg2[%select_n3A_64, %mul3A_69] : memref<200x4096xi32, #tpu.memory_space<hbm>> -> memref<1x128xi32, #tpu.memory_space<hbm>>
    %dma_start3A_83 = tpu.memref_squeeze %dma_start3A_82 : memref<1x128xi32, #tpu.memory_space<hbm>> -> memref<128xi32, #tpu.memory_space<hbm>>
    tpu.enqueue_dma source(%dma_start3A_83 : memref<128xi32, #tpu.memory_space<hbm>>) target(%dma_start3A_81 : memref<128xi32, #tpu.memory_space<vmem>>) target_semaphore(%dma_start3A_78 : memref<!tpu.dma_semaphore, #tpu.memory_space<semaphore_mem>>)
    %add3A_84 = arith.constant 2 : i32
    %add3A_85 = arith.addi %mul3A_2, %add3A_84 : i32
    %jit3A_86 = arith.constant 32 : i32
    %div3A_87 = arith.divsi %add3A_85, %jit3A_86 : i32
    %sign3A_88 = arith.constant 0 : i32
    %sign3A_89 = arith.cmpi sgt, %add3A_85, %sign3A_88 : i32
    %sign3A_90 = arith.extui %sign3A_89 : i1 to i32
    %sign3A_91 = arith.constant 0 : i32
    %sign3A_92 = arith.cmpi slt, %add3A_85, %sign3A_91 : i32
    %sign3A_93 = arith.extui %sign3A_92 : i1 to i32
    %sign3A_94 = arith.subi %sign3A_90, %sign3A_93 : i32
    %sign3A_95 = arith.constant 0 : i32
    %sign3A_96 = arith.cmpi sgt, %jit3A_86, %sign3A_95 : i32
    %sign3A_97 = arith.extui %sign3A_96 : i1 to i32
    %sign3A_98 = arith.constant 0 : i32
    %sign3A_99 = arith.cmpi slt, %jit3A_86, %sign3A_98 : i32
    %sign3A_100 = arith.extui %sign3A_99 : i1 to i32
    %sign3A_101 = arith.subi %sign3A_97, %sign3A_100 : i32
    %ne3A_102 = arith.cmpi ne, %sign3A_94, %sign3A_101 : i32
    %rem3A_103 = arith.remsi %add3A_85, %jit3A_86 : i32
    %ne3A_104 = arith.constant 0 : i32
    %ne3A_105 = arith.cmpi ne, %rem3A_103, %ne3A_104 : i32
    %and3A_106 = arith.andi %ne3A_102, %ne3A_105 : i1
    %sub3A_107 = arith.constant 1 : i32
    %sub3A_108 = arith.subi %div3A_87, %sub3A_107 : i32
    %select_n3A_109 = arith.select %and3A_106, %sub3A_108, %div3A_87 : i32
    %mul3A_110 = arith.constant 32 : i32
    %mul3A_111 = arith.muli %select_n3A_109, %mul3A_110 : i32
    %sub3A_112 = arith.subi %add3A_85, %mul3A_111 : i32
    %mul3A_113 = arith.constant 128 : i32
    %mul3A_114 = arith.muli %sub3A_112, %mul3A_113 : i32
    %dma_start3A_115 = arith.constant 2 : i32
    %dma_start3A_116 = arith.constant 2 : i32
    %dma_start3A_117 = arith.constant 0 : i32
    %dma_start3A_118 = tpu.memref_slice %arg5[%dma_start3A_115, %dma_start3A_117] : memref<8x128xi32, #tpu.memory_space<vmem>> -> memref<1x128xi32, #tpu.memory_space<vmem>>
    %dma_start3A_119 = tpu.memref_squeeze %dma_start3A_118 : memref<1x128xi32, #tpu.memory_space<vmem>> -> memref<128xi32, #tpu.memory_space<vmem>>
    %dma_start3A_120 = tpu.memref_slice %arg2[%select_n3A_109, %mul3A_114] : memref<200x4096xi32, #tpu.memory_space<hbm>> -> memref<1x128xi32, #tpu.memory_space<hbm>>
    %dma_start3A_121 = tpu.memref_squeeze %dma_start3A_120 : memref<1x128xi32, #tpu.memory_space<hbm>> -> memref<128xi32, #tpu.memory_space<hbm>>
    %dma_start3A_122 = tpu.memref_slice %arg7[%dma_start3A_116] : memref<8x!tpu.dma_semaphore, #tpu.memory_space<semaphore_mem>> -> memref<1x!tpu.dma_semaphore, #tpu.memory_space<semaphore_mem>>
    %dma_start3A_123 = tpu.memref_squeeze %dma_start3A_122 : memref<1x!tpu.dma_semaphore, #tpu.memory_space<semaphore_mem>> -> memref<!tpu.dma_semaphore, #tpu.memory_space<semaphore_mem>>
    %dma_start3A_124 = arith.constant 0 : i32
    %dma_start3A_125 = tpu.memref_slice %arg5[%dma_start3A_115, %dma_start3A_124] : memref<8x128xi32, #tpu.memory_space<vmem>> -> memref<1x128xi32, #tpu.memory_space<vmem>>
    %dma_start3A_126 = tpu.memref_squeeze %dma_start3A_125 : memref<1x128xi32, #tpu.memory_space<vmem>> -> memref<128xi32, #tpu.memory_space<vmem>>
    %dma_start3A_127 = tpu.memref_slice %arg2[%select_n3A_109, %mul3A_114] : memref<200x4096xi32, #tpu.memory_space<hbm>> -> memref<1x128xi32, #tpu.memory_space<hbm>>
    %dma_start3A_128 = tpu.memref_squeeze %dma_start3A_127 : memref<1x128xi32, #tpu.memory_space<hbm>> -> memref<128xi32, #tpu.memory_space<hbm>>
    tpu.enqueue_dma source(%dma_start3A_128 : memref<128xi32, #tpu.memory_space<hbm>>) target(%dma_start3A_126 : memref<128xi32, #tpu.memory_space<vmem>>) target_semaphore(%dma_start3A_123 : memref<!tpu.dma_semaphore, #tpu.memory_space<semaphore_mem>>)
    %add3A_129 = arith.constant 3 : i32
    %add3A_130 = arith.addi %mul3A_2, %add3A_129 : i32
    %jit3A_131 = arith.constant 32 : i32
    %div3A_132 = arith.divsi %add3A_130, %jit3A_131 : i32
    %sign3A_133 = arith.constant 0 : i32
    %sign3A_134 = arith.cmpi sgt, %add3A_130, %sign3A_133 : i32
    %sign3A_135 = arith.extui %sign3A_134 : i1 to i32
    %sign3A_136 = arith.constant 0 : i32
    %sign3A_137 = arith.cmpi slt, %add3A_130, %sign3A_136 : i32
    %sign3A_138 = arith.extui %sign3A_137 : i1 to i32
    %sign3A_139 = arith.subi %sign3A_135, %sign3A_138 : i32
    %sign3A_140 = arith.constant 0 : i32
    %sign3A_141 = arith.cmpi sgt, %jit3A_131, %sign3A_140 : i32
    %sign3A_142 = arith.extui %sign3A_141 : i1 to i32
    %sign3A_143 = arith.constant 0 : i32
    %sign3A_144 = arith.cmpi slt, %jit3A_131, %sign3A_143 : i32
    %sign3A_145 = arith.extui %sign3A_144 : i1 to i32
    %sign3A_146 = arith.subi %sign3A_142, %sign3A_145 : i32
    %ne3A_147 = arith.cmpi ne, %sign3A_139, %sign3A_146 : i32
    %rem3A_148 = arith.remsi %add3A_130, %jit3A_131 : i32
    %ne3A_149 = arith.constant 0 : i32
    %ne3A_150 = arith.cmpi ne, %rem3A_148, %ne3A_149 : i32
    %and3A_151 = arith.andi %ne3A_147, %ne3A_150 : i1
    %sub3A_152 = arith.constant 1 : i32
    %sub3A_153 = arith.subi %div3A_132, %sub3A_152 : i32
    %select_n3A_154 = arith.select %and3A_151, %sub3A_153, %div3A_132 : i32
    %mul3A_155 = arith.constant 32 : i32
    %mul3A_156 = arith.muli %select_n3A_154, %mul3A_155 : i32
    %sub3A_157 = arith.subi %add3A_130, %mul3A_156 : i32
    %mul3A_158 = arith.constant 128 : i32
    %mul3A_159 = arith.muli %sub3A_157, %mul3A_158 : i32
    %dma_start3A_160 = arith.constant 3 : i32
    %dma_start3A_161 = arith.constant 3 : i32
    %dma_start3A_162 = arith.constant 0 : i32
    %dma_start3A_163 = tpu.memref_slice %arg5[%dma_start3A_160, %dma_start3A_162] : memref<8x128xi32, #tpu.memory_space<vmem>> -> memref<1x128xi32, #tpu.memory_space<vmem>>
    %dma_start3A_164 = tpu.memref_squeeze %dma_start3A_163 : memref<1x128xi32, #tpu.memory_space<vmem>> -> memref<128xi32, #tpu.memory_space<vmem>>
    %dma_start3A_165 = tpu.memref_slice %arg2[%select_n3A_154, %mul3A_159] : memref<200x4096xi32, #tpu.memory_space<hbm>> -> memref<1x128xi32, #tpu.memory_space<hbm>>
    %dma_start3A_166 = tpu.memref_squeeze %dma_start3A_165 : memref<1x128xi32, #tpu.memory_space<hbm>> -> memref<128xi32, #tpu.memory_space<hbm>>
    %dma_start3A_167 = tpu.memref_slice %arg7[%dma_start3A_161] : memref<8x!tpu.dma_semaphore, #tpu.memory_space<semaphore_mem>> -> memref<1x!tpu.dma_semaphore, #tpu.memory_space<semaphore_mem>>
    %dma_start3A_168 = tpu.memref_squeeze %dma_start3A_167 : memref<1x!tpu.dma_semaphore, #tpu.memory_space<semaphore_mem>> -> memref<!tpu.dma_semaphore, #tpu.memory_space<semaphore_mem>>
    %dma_start3A_169 = arith.constant 0 : i32
    %dma_start3A_170 = tpu.memref_slice %arg5[%dma_start3A_160, %dma_start3A_169] : memref<8x128xi32, #tpu.memory_space<vmem>> -> memref<1x128xi32, #tpu.memory_space<vmem>>
    %dma_start3A_171 = tpu.memref_squeeze %dma_start3A_170 : memref<1x128xi32, #tpu.memory_space<vmem>> -> memref<128xi32, #tpu.memory_space<vmem>>
    %dma_start3A_172 = tpu.memref_slice %arg2[%select_n3A_154, %mul3A_159] : memref<200x4096xi32, #tpu.memory_space<hbm>> -> memref<1x128xi32, #tpu.memory_space<hbm>>
    %dma_start3A_173 = tpu.memref_squeeze %dma_start3A_172 : memref<1x128xi32, #tpu.memory_space<hbm>> -> memref<128xi32, #tpu.memory_space<hbm>>
    tpu.enqueue_dma source(%dma_start3A_173 : memref<128xi32, #tpu.memory_space<hbm>>) target(%dma_start3A_171 : memref<128xi32, #tpu.memory_space<vmem>>) target_semaphore(%dma_start3A_168 : memref<!tpu.dma_semaphore, #tpu.memory_space<semaphore_mem>>)
    %add3A_174 = arith.constant 4 : i32
    %add3A_175 = arith.addi %mul3A_2, %add3A_174 : i32
    %jit3A_176 = arith.constant 32 : i32
    %div3A_177 = arith.divsi %add3A_175, %jit3A_176 : i32
    %sign3A_178 = arith.constant 0 : i32
    %sign3A_179 = arith.cmpi sgt, %add3A_175, %sign3A_178 : i32
    %sign3A_180 = arith.extui %sign3A_179 : i1 to i32
    %sign3A_181 = arith.constant 0 : i32
    %sign3A_182 = arith.cmpi slt, %add3A_175, %sign3A_181 : i32
    %sign3A_183 = arith.extui %sign3A_182 : i1 to i32
    %sign3A_184 = arith.subi %sign3A_180, %sign3A_183 : i32
    %sign3A_185 = arith.constant 0 : i32
    %sign3A_186 = arith.cmpi sgt, %jit3A_176, %sign3A_185 : i32
    %sign3A_187 = arith.extui %sign3A_186 : i1 to i32
    %sign3A_188 = arith.constant 0 : i32
    %sign3A_189 = arith.cmpi slt, %jit3A_176, %sign3A_188 : i32
    %sign3A_190 = arith.extui %sign3A_189 : i1 to i32
    %sign3A_191 = arith.subi %sign3A_187, %sign3A_190 : i32
    %ne3A_192 = arith.cmpi ne, %sign3A_184, %sign3A_191 : i32
    %rem3A_193 = arith.remsi %add3A_175, %jit3A_176 : i32
    %ne3A_194 = arith.constant 0 : i32
    %ne3A_195 = arith.cmpi ne, %rem3A_193, %ne3A_194 : i32
    %and3A_196 = arith.andi %ne3A_192, %ne3A_195 : i1
    %sub3A_197 = arith.constant 1 : i32
    %sub3A_198 = arith.subi %div3A_177, %sub3A_197 : i32
    %select_n3A_199 = arith.select %and3A_196, %sub3A_198, %div3A_177 : i32
    %mul3A_200 = arith.constant 32 : i32
    %mul3A_201 = arith.muli %select_n3A_199, %mul3A_200 : i32
    %sub3A_202 = arith.subi %add3A_175, %mul3A_201 : i32
    %mul3A_203 = arith.constant 128 : i32
    %mul3A_204 = arith.muli %sub3A_202, %mul3A_203 : i32
    %dma_start3A_205 = arith.constant 4 : i32
    %dma_start3A_206 = arith.constant 4 : i32
    %dma_start3A_207 = arith.constant 0 : i32
    %dma_start3A_208 = tpu.memref_slice %arg5[%dma_start3A_205, %dma_start3A_207] : memref<8x128xi32, #tpu.memory_space<vmem>> -> memref<1x128xi32, #tpu.memory_space<vmem>>
    %dma_start3A_209 = tpu.memref_squeeze %dma_start3A_208 : memref<1x128xi32, #tpu.memory_space<vmem>> -> memref<128xi32, #tpu.memory_space<vmem>>
    %dma_start3A_210 = tpu.memref_slice %arg2[%select_n3A_199, %mul3A_204] : memref<200x4096xi32, #tpu.memory_space<hbm>> -> memref<1x128xi32, #tpu.memory_space<hbm>>
    %dma_start3A_211 = tpu.memref_squeeze %dma_start3A_210 : memref<1x128xi32, #tpu.memory_space<hbm>> -> memref<128xi32, #tpu.memory_space<hbm>>
    %dma_start3A_212 = tpu.memref_slice %arg7[%dma_start3A_206] : memref<8x!tpu.dma_semaphore, #tpu.memory_space<semaphore_mem>> -> memref<1x!tpu.dma_semaphore, #tpu.memory_space<semaphore_mem>>
    %dma_start3A_213 = tpu.memref_squeeze %dma_start3A_212 : memref<1x!tpu.dma_semaphore, #tpu.memory_space<semaphore_mem>> -> memref<!tpu.dma_semaphore, #tpu.memory_space<semaphore_mem>>
    %dma_start3A_214 = arith.constant 0 : i32
    %dma_start3A_215 = tpu.memref_slice %arg5[%dma_start3A_205, %dma_start3A_214] : memref<8x128xi32, #tpu.memory_space<vmem>> -> memref<1x128xi32, #tpu.memory_space<vmem>>
    %dma_start3A_216 = tpu.memref_squeeze %dma_start3A_215 : memref<1x128xi32, #tpu.memory_space<vmem>> -> memref<128xi32, #tpu.memory_space<vmem>>
    %dma_start3A_217 = tpu.memref_slice %arg2[%select_n3A_199, %mul3A_204] : memref<200x4096xi32, #tpu.memory_space<hbm>> -> memref<1x128xi32, #tpu.memory_space<hbm>>
    %dma_start3A_218 = tpu.memref_squeeze %dma_start3A_217 : memref<1x128xi32, #tpu.memory_space<hbm>> -> memref<128xi32, #tpu.memory_space<hbm>>
    tpu.enqueue_dma source(%dma_start3A_218 : memref<128xi32, #tpu.memory_space<hbm>>) target(%dma_start3A_216 : memref<128xi32, #tpu.memory_space<vmem>>) target_semaphore(%dma_start3A_213 : memref<!tpu.dma_semaphore, #tpu.memory_space<semaphore_mem>>)
    %add3A_219 = arith.constant 5 : i32
    %add3A_220 = arith.addi %mul3A_2, %add3A_219 : i32
    %jit3A_221 = arith.constant 32 : i32
    %div3A_222 = arith.divsi %add3A_220, %jit3A_221 : i32
    %sign3A_223 = arith.constant 0 : i32
    %sign3A_224 = arith.cmpi sgt, %add3A_220, %sign3A_223 : i32
    %sign3A_225 = arith.extui %sign3A_224 : i1 to i32
    %sign3A_226 = arith.constant 0 : i32
    %sign3A_227 = arith.cmpi slt, %add3A_220, %sign3A_226 : i32
    %sign3A_228 = arith.extui %sign3A_227 : i1 to i32
    %sign3A_229 = arith.subi %sign3A_225, %sign3A_228 : i32
    %sign3A_230 = arith.constant 0 : i32
    %sign3A_231 = arith.cmpi sgt, %jit3A_221, %sign3A_230 : i32
    %sign3A_232 = arith.extui %sign3A_231 : i1 to i32
    %sign3A_233 = arith.constant 0 : i32
    %sign3A_234 = arith.cmpi slt, %jit3A_221, %sign3A_233 : i32
    %sign3A_235 = arith.extui %sign3A_234 : i1 to i32
    %sign3A_236 = arith.subi %sign3A_232, %sign3A_235 : i32
    %ne3A_237 = arith.cmpi ne, %sign3A_229, %sign3A_236 : i32
    %rem3A_238 = arith.remsi %add3A_220, %jit3A_221 : i32
    %ne3A_239 = arith.constant 0 : i32
    %ne3A_240 = arith.cmpi ne, %rem3A_238, %ne3A_239 : i32
    %and3A_241 = arith.andi %ne3A_237, %ne3A_240 : i1
    %sub3A_242 = arith.constant 1 : i32
    %sub3A_243 = arith.subi %div3A_222, %sub3A_242 : i32
    %select_n3A_244 = arith.select %and3A_241, %sub3A_243, %div3A_222 : i32
    %mul3A_245 = arith.constant 32 : i32
    %mul3A_246 = arith.muli %select_n3A_244, %mul3A_245 : i32
    %sub3A_247 = arith.subi %add3A_220, %mul3A_246 : i32
    %mul3A_248 = arith.constant 128 : i32
    %mul3A_249 = arith.muli %sub3A_247, %mul3A_248 : i32
    %dma_start3A_250 = arith.constant 5 : i32
    %dma_start3A_251 = arith.constant 5 : i32
    %dma_start3A_252 = arith.constant 0 : i32
    %dma_start3A_253 = tpu.memref_slice %arg5[%dma_start3A_250, %dma_start3A_252] : memref<8x128xi32, #tpu.memory_space<vmem>> -> memref<1x128xi32, #tpu.memory_space<vmem>>
    %dma_start3A_254 = tpu.memref_squeeze %dma_start3A_253 : memref<1x128xi32, #tpu.memory_space<vmem>> -> memref<128xi32, #tpu.memory_space<vmem>>
    %dma_start3A_255 = tpu.memref_slice %arg2[%select_n3A_244, %mul3A_249] : memref<200x4096xi32, #tpu.memory_space<hbm>> -> memref<1x128xi32, #tpu.memory_space<hbm>>
    %dma_start3A_256 = tpu.memref_squeeze %dma_start3A_255 : memref<1x128xi32, #tpu.memory_space<hbm>> -> memref<128xi32, #tpu.memory_space<hbm>>
    %dma_start3A_257 = tpu.memref_slice %arg7[%dma_start3A_251] : memref<8x!tpu.dma_semaphore, #tpu.memory_space<semaphore_mem>> -> memref<1x!tpu.dma_semaphore, #tpu.memory_space<semaphore_mem>>
    %dma_start3A_258 = tpu.memref_squeeze %dma_start3A_257 : memref<1x!tpu.dma_semaphore, #tpu.memory_space<semaphore_mem>> -> memref<!tpu.dma_semaphore, #tpu.memory_space<semaphore_mem>>
    %dma_start3A_259 = arith.constant 0 : i32
    %dma_start3A_260 = tpu.memref_slice %arg5[%dma_start3A_250, %dma_start3A_259] : memref<8x128xi32, #tpu.memory_space<vmem>> -> memref<1x128xi32, #tpu.memory_space<vmem>>
    %dma_start3A_261 = tpu.memref_squeeze %dma_start3A_260 : memref<1x128xi32, #tpu.memory_space<vmem>> -> memref<128xi32, #tpu.memory_space<vmem>>
    %dma_start3A_262 = tpu.memref_slice %arg2[%select_n3A_244, %mul3A_249] : memref<200x4096xi32, #tpu.memory_space<hbm>> -> memref<1x128xi32, #tpu.memory_space<hbm>>
    %dma_start3A_263 = tpu.memref_squeeze %dma_start3A_262 : memref<1x128xi32, #tpu.memory_space<hbm>> -> memref<128xi32, #tpu.memory_space<hbm>>
    tpu.enqueue_dma source(%dma_start3A_263 : memref<128xi32, #tpu.memory_space<hbm>>) target(%dma_start3A_261 : memref<128xi32, #tpu.memory_space<vmem>>) target_semaphore(%dma_start3A_258 : memref<!tpu.dma_semaphore, #tpu.memory_space<semaphore_mem>>)
    %add3A_264 = arith.constant 6 : i32
    %add3A_265 = arith.addi %mul3A_2, %add3A_264 : i32
    %jit3A_266 = arith.constant 32 : i32
    %div3A_267 = arith.divsi %add3A_265, %jit3A_266 : i32
    %sign3A_268 = arith.constant 0 : i32
    %sign3A_269 = arith.cmpi sgt, %add3A_265, %sign3A_268 : i32
    %sign3A_270 = arith.extui %sign3A_269 : i1 to i32
    %sign3A_271 = arith.constant 0 : i32
    %sign3A_272 = arith.cmpi slt, %add3A_265, %sign3A_271 : i32
    %sign3A_273 = arith.extui %sign3A_272 : i1 to i32
    %sign3A_274 = arith.subi %sign3A_270, %sign3A_273 : i32
    %sign3A_275 = arith.constant 0 : i32
    %sign3A_276 = arith.cmpi sgt, %jit3A_266, %sign3A_275 : i32
    %sign3A_277 = arith.extui %sign3A_276 : i1 to i32
    %sign3A_278 = arith.constant 0 : i32
    %sign3A_279 = arith.cmpi slt, %jit3A_266, %sign3A_278 : i32
    %sign3A_280 = arith.extui %sign3A_279 : i1 to i32
    %sign3A_281 = arith.subi %sign3A_277, %sign3A_280 : i32
    %ne3A_282 = arith.cmpi ne, %sign3A_274, %sign3A_281 : i32
    %rem3A_283 = arith.remsi %add3A_265, %jit3A_266 : i32
    %ne3A_284 = arith.constant 0 : i32
    %ne3A_285 = arith.cmpi ne, %rem3A_283, %ne3A_284 : i32
    %and3A_286 = arith.andi %ne3A_282, %ne3A_285 : i1
    %sub3A_287 = arith.constant 1 : i32
    %sub3A_288 = arith.subi %div3A_267, %sub3A_287 : i32
    %select_n3A_289 = arith.select %and3A_286, %sub3A_288, %div3A_267 : i32
    %mul3A_290 = arith.constant 32 : i32
    %mul3A_291 = arith.muli %select_n3A_289, %mul3A_290 : i32
    %sub3A_292 = arith.subi %add3A_265, %mul3A_291 : i32
    %mul3A_293 = arith.constant 128 : i32
    %mul3A_294 = arith.muli %sub3A_292, %mul3A_293 : i32
    %dma_start3A_295 = arith.constant 6 : i32
    %dma_start3A_296 = arith.constant 6 : i32
    %dma_start3A_297 = arith.constant 0 : i32
    %dma_start3A_298 = tpu.memref_slice %arg5[%dma_start3A_295, %dma_start3A_297] : memref<8x128xi32, #tpu.memory_space<vmem>> -> memref<1x128xi32, #tpu.memory_space<vmem>>
    %dma_start3A_299 = tpu.memref_squeeze %dma_start3A_298 : memref<1x128xi32, #tpu.memory_space<vmem>> -> memref<128xi32, #tpu.memory_space<vmem>>
    %dma_start3A_300 = tpu.memref_slice %arg2[%select_n3A_289, %mul3A_294] : memref<200x4096xi32, #tpu.memory_space<hbm>> -> memref<1x128xi32, #tpu.memory_space<hbm>>
    %dma_start3A_301 = tpu.memref_squeeze %dma_start3A_300 : memref<1x128xi32, #tpu.memory_space<hbm>> -> memref<128xi32, #tpu.memory_space<hbm>>
    %dma_start3A_302 = tpu.memref_slice %arg7[%dma_start3A_296] : memref<8x!tpu.dma_semaphore, #tpu.memory_space<semaphore_mem>> -> memref<1x!tpu.dma_semaphore, #tpu.memory_space<semaphore_mem>>
    %dma_start3A_303 = tpu.memref_squeeze %dma_start3A_302 : memref<1x!tpu.dma_semaphore, #tpu.memory_space<semaphore_mem>> -> memref<!tpu.dma_semaphore, #tpu.memory_space<semaphore_mem>>
    %dma_start3A_304 = arith.constant 0 : i32
    %dma_start3A_305 = tpu.memref_slice %arg5[%dma_start3A_295, %dma_start3A_304] : memref<8x128xi32, #tpu.memory_space<vmem>> -> memref<1x128xi32, #tpu.memory_space<vmem>>
    %dma_start3A_306 = tpu.memref_squeeze %dma_start3A_305 : memref<1x128xi32, #tpu.memory_space<vmem>> -> memref<128xi32, #tpu.memory_space<vmem>>
    %dma_start3A_307 = tpu.memref_slice %arg2[%select_n3A_289, %mul3A_294] : memref<200x4096xi32, #tpu.memory_space<hbm>> -> memref<1x128xi32, #tpu.memory_space<hbm>>
    %dma_start3A_308 = tpu.memref_squeeze %dma_start3A_307 : memref<1x128xi32, #tpu.memory_space<hbm>> -> memref<128xi32, #tpu.memory_space<hbm>>
    tpu.enqueue_dma source(%dma_start3A_308 : memref<128xi32, #tpu.memory_space<hbm>>) target(%dma_start3A_306 : memref<128xi32, #tpu.memory_space<vmem>>) target_semaphore(%dma_start3A_303 : memref<!tpu.dma_semaphore, #tpu.memory_space<semaphore_mem>>)
    %add3A_309 = arith.constant 7 : i32
    %add3A_310 = arith.addi %mul3A_2, %add3A_309 : i32
    %jit3A_311 = arith.constant 32 : i32
    %div3A_312 = arith.divsi %add3A_310, %jit3A_311 : i32
    %sign3A_313 = arith.constant 0 : i32
    %sign3A_314 = arith.cmpi sgt, %add3A_310, %sign3A_313 : i32
    %sign3A_315 = arith.extui %sign3A_314 : i1 to i32
    %sign3A_316 = arith.constant 0 : i32
    %sign3A_317 = arith.cmpi slt, %add3A_310, %sign3A_316 : i32
    %sign3A_318 = arith.extui %sign3A_317 : i1 to i32
    %sign3A_319 = arith.subi %sign3A_315, %sign3A_318 : i32
    %sign3A_320 = arith.constant 0 : i32
    %sign3A_321 = arith.cmpi sgt, %jit3A_311, %sign3A_320 : i32
    %sign3A_322 = arith.extui %sign3A_321 : i1 to i32
    %sign3A_323 = arith.constant 0 : i32
    %sign3A_324 = arith.cmpi slt, %jit3A_311, %sign3A_323 : i32
    %sign3A_325 = arith.extui %sign3A_324 : i1 to i32
    %sign3A_326 = arith.subi %sign3A_322, %sign3A_325 : i32
    %ne3A_327 = arith.cmpi ne, %sign3A_319, %sign3A_326 : i32
    %rem3A_328 = arith.remsi %add3A_310, %jit3A_311 : i32
    %ne3A_329 = arith.constant 0 : i32
    %ne3A_330 = arith.cmpi ne, %rem3A_328, %ne3A_329 : i32
    %and3A_331 = arith.andi %ne3A_327, %ne3A_330 : i1
    %sub3A_332 = arith.constant 1 : i32
    %sub3A_333 = arith.subi %div3A_312, %sub3A_332 : i32
    %select_n3A_334 = arith.select %and3A_331, %sub3A_333, %div3A_312 : i32
    %mul3A_335 = arith.constant 32 : i32
    %mul3A_336 = arith.muli %select_n3A_334, %mul3A_335 : i32
    %sub3A_337 = arith.subi %add3A_310, %mul3A_336 : i32
    %mul3A_338 = arith.constant 128 : i32
    %mul3A_339 = arith.muli %sub3A_337, %mul3A_338 : i32
    %dma_start3A_340 = arith.constant 7 : i32
    %dma_start3A_341 = arith.constant 7 : i32
    %dma_start3A_342 = arith.constant 0 : i32
    %dma_start3A_343 = tpu.memref_slice %arg5[%dma_start3A_340, %dma_start3A_342] : memref<8x128xi32, #tpu.memory_space<vmem>> -> memref<1x128xi32, #tpu.memory_space<vmem>>
    %dma_start3A_344 = tpu.memref_squeeze %dma_start3A_343 : memref<1x128xi32, #tpu.memory_space<vmem>> -> memref<128xi32, #tpu.memory_space<vmem>>
    %dma_start3A_345 = tpu.memref_slice %arg2[%select_n3A_334, %mul3A_339] : memref<200x4096xi32, #tpu.memory_space<hbm>> -> memref<1x128xi32, #tpu.memory_space<hbm>>
    %dma_start3A_346 = tpu.memref_squeeze %dma_start3A_345 : memref<1x128xi32, #tpu.memory_space<hbm>> -> memref<128xi32, #tpu.memory_space<hbm>>
    %dma_start3A_347 = tpu.memref_slice %arg7[%dma_start3A_341] : memref<8x!tpu.dma_semaphore, #tpu.memory_space<semaphore_mem>> -> memref<1x!tpu.dma_semaphore, #tpu.memory_space<semaphore_mem>>
    %dma_start3A_348 = tpu.memref_squeeze %dma_start3A_347 : memref<1x!tpu.dma_semaphore, #tpu.memory_space<semaphore_mem>> -> memref<!tpu.dma_semaphore, #tpu.memory_space<semaphore_mem>>
    %dma_start3A_349 = arith.constant 0 : i32
    %dma_start3A_350 = tpu.memref_slice %arg5[%dma_start3A_340, %dma_start3A_349] : memref<8x128xi32, #tpu.memory_space<vmem>> -> memref<1x128xi32, #tpu.memory_space<vmem>>
    %dma_start3A_351 = tpu.memref_squeeze %dma_start3A_350 : memref<1x128xi32, #tpu.memory_space<vmem>> -> memref<128xi32, #tpu.memory_space<vmem>>
    %dma_start3A_352 = tpu.memref_slice %arg2[%select_n3A_334, %mul3A_339] : memref<200x4096xi32, #tpu.memory_space<hbm>> -> memref<1x128xi32, #tpu.memory_space<hbm>>
    %dma_start3A_353 = tpu.memref_squeeze %dma_start3A_352 : memref<1x128xi32, #tpu.memory_space<hbm>> -> memref<128xi32, #tpu.memory_space<hbm>>
    tpu.enqueue_dma source(%dma_start3A_353 : memref<128xi32, #tpu.memory_space<hbm>>) target(%dma_start3A_351 : memref<128xi32, #tpu.memory_space<vmem>>) target_semaphore(%dma_start3A_348 : memref<!tpu.dma_semaphore, #tpu.memory_space<semaphore_mem>>)
    %dma_wait3A = arith.constant 0 : i32
    %dma_wait3A_354 = arith.constant 0 : i32
    %dma_wait3A_355 = arith.constant 0 : i32
    %dma_wait3A_356 = arith.constant 0 : i32
    %dma_wait3A_357 = tpu.memref_slice %arg5[%dma_wait3A_354, %dma_wait3A_356] : memref<8x128xi32, #tpu.memory_space<vmem>> -> memref<1x128xi32, #tpu.memory_space<vmem>>
    %dma_wait3A_358 = tpu.memref_squeeze %dma_wait3A_357 : memref<1x128xi32, #tpu.memory_space<vmem>> -> memref<128xi32, #tpu.memory_space<vmem>>
    %dma_wait3A_359 = arith.constant 0 : i32
    %dma_wait3A_360 = tpu.memref_slice %arg2[%dma_wait3A, %dma_wait3A_359] : memref<200x4096xi32, #tpu.memory_space<hbm>> -> memref<1x128xi32, #tpu.memory_space<hbm>>
    %dma_wait3A_361 = tpu.memref_squeeze %dma_wait3A_360 : memref<1x128xi32, #tpu.memory_space<hbm>> -> memref<128xi32, #tpu.memory_space<hbm>>
    %dma_wait3A_362 = tpu.memref_slice %arg7[%dma_wait3A_355] : memref<8x!tpu.dma_semaphore, #tpu.memory_space<semaphore_mem>> -> memref<1x!tpu.dma_semaphore, #tpu.memory_space<semaphore_mem>>
    %dma_wait3A_363 = tpu.memref_squeeze %dma_wait3A_362 : memref<1x!tpu.dma_semaphore, #tpu.memory_space<semaphore_mem>> -> memref<!tpu.dma_semaphore, #tpu.memory_space<semaphore_mem>>
    %dma_wait3A_364 = arith.constant 0 : i32
    %dma_wait3A_365 = tpu.memref_slice %arg5[%dma_wait3A_354, %dma_wait3A_364] : memref<8x128xi32, #tpu.memory_space<vmem>> -> memref<1x128xi32, #tpu.memory_space<vmem>>
    %dma_wait3A_366 = tpu.memref_squeeze %dma_wait3A_365 : memref<1x128xi32, #tpu.memory_space<vmem>> -> memref<128xi32, #tpu.memory_space<vmem>>
    %dma_wait3A_367 = arith.constant 0 : i32
    %dma_wait3A_368 = tpu.memref_slice %arg2[%dma_wait3A, %dma_wait3A_367] : memref<200x4096xi32, #tpu.memory_space<hbm>> -> memref<1x128xi32, #tpu.memory_space<hbm>>
    %dma_wait3A_369 = tpu.memref_squeeze %dma_wait3A_368 : memref<1x128xi32, #tpu.memory_space<hbm>> -> memref<128xi32, #tpu.memory_space<hbm>>
    tpu.wait_dma2 semaphore(%dma_wait3A_363 : memref<!tpu.dma_semaphore, #tpu.memory_space<semaphore_mem>>) src(%dma_wait3A_369 : memref<128xi32, #tpu.memory_space<hbm>>) dst(%dma_wait3A_366 : memref<128xi32, #tpu.memory_space<vmem>>)
    %get3A = arith.constant 0 : i32
    %get3A_370 = arith.index_cast %get3A : i32 to index
    %get3A_371 = arith.constant 0 : index
    %get3A_372 = tpu.vector_load %arg5[%get3A_370, %get3A_371] {strides = array<i32>} : memref<8x128xi32, #tpu.memory_space<vmem>>, vector<16xi32>,
    %and3A_373 = arith.constant -2048 : i32
    %and3A_374 = vector.broadcast %and3A_373 : i32 to vector<16xi32>
    %and3A_375 = arith.andi %get3A_372, %and3A_374 : vector<16xi32>
    %and3A_376 = arith.constant 1023 : i32
    %and3A_377 = vector.broadcast %and3A_376 : i32 to vector<16xi32>
    %and3A_378 = arith.andi %get3A_372, %and3A_377 : vector<16xi32>
    %shift_left3A = arith.constant 1 : i32
    %shift_left3A_379 = vector.broadcast %shift_left3A : i32 to vector<16xi32>
    %shift_left3A_380 = arith.shli %and3A_378, %shift_left3A_379 : vector<16xi32>
    %add3A_381 = arith.addi %and3A_375, %shift_left3A_380 : vector<16xi32>
    %shift_right_arithmetic3A = arith.constant 10 : i32
    %shift_right_arithmetic3A_382 = vector.broadcast %shift_right_arithmetic3A : i32 to vector<16xi32>
    %shift_right_arithmetic3A_383 = arith.shrsi %get3A_372, %shift_right_arithmetic3A_382 : vector<16xi32>
    %and3A_384 = arith.constant 1 : i32
    %and3A_385 = vector.broadcast %and3A_384 : i32 to vector<16xi32>
    %and3A_386 = arith.andi %shift_right_arithmetic3A_383, %and3A_385 : vector<16xi32>
    %add3A_387 = arith.addi %add3A_381, %and3A_386 : vector<16xi32>
    %swap3A = arith.constant 0 : i32
    %swap3A_388 = arith.index_cast %swap3A : i32 to index
    %swap3A_389 = arith.constant 0 : index
    %swap3A_390 = tpu.vector_load %arg5[%swap3A_388, %swap3A_389] {strides = array<i32>} : memref<8x128xi32, #tpu.memory_space<vmem>>, vector<16xi32>,
    tpu.vector_store %arg5[%swap3A_388, %swap3A_389], %add3A_387 {strides = array<i32>} : memref<8x128xi32, #tpu.memory_space<vmem>>, vector<16xi32>,
    %get3A_391 = arith.constant 0 : i32
    %get3A_392 = arith.index_cast %get3A_391 : i32 to index
    %get3A_393 = arith.constant 16 : index
    %get3A_394 = tpu.vector_load %arg5[%get3A_392, %get3A_393] {strides = array<i32>} : memref<8x128xi32, #tpu.memory_space<vmem>>, vector<16xi32>,
    %and3A_395 = arith.constant -2048 : i32
    %and3A_396 = vector.broadcast %and3A_395 : i32 to vector<16xi32>
    %and3A_397 = arith.andi %get3A_394, %and3A_396 : vector<16xi32>
    %and3A_398 = arith.constant 1023 : i32
    %and3A_399 = vector.broadcast %and3A_398 : i32 to vector<16xi32>
    %and3A_400 = arith.andi %get3A_394, %and3A_399 : vector<16xi32>
    %shift_left3A_401 = arith.constant 1 : i32
    %shift_left3A_402 = vector.broadcast %shift_left3A_401 : i32 to vector<16xi32>
    %shift_left3A_403 = arith.shli %and3A_400, %shift_left3A_402 : vector<16xi32>
    %add3A_404 = arith.addi %and3A_397, %shift_left3A_403 : vector<16xi32>
    %shift_right_arithmetic3A_405 = arith.constant 10 : i32
    %shift_right_arithmetic3A_406 = vector.broadcast %shift_right_arithmetic3A_405 : i32 to vector<16xi32>
    %shift_right_arithmetic3A_407 = arith.shrsi %get3A_394, %shift_right_arithmetic3A_406 : vector<16xi32>
    %and3A_408 = arith.constant 1 : i32
    %and3A_409 = vector.broadcast %and3A_408 : i32 to vector<16xi32>
    %and3A_410 = arith.andi %shift_right_arithmetic3A_407, %and3A_409 : vector<16xi32>
    %add3A_411 = arith.addi %add3A_404, %and3A_410 : vector<16xi32>
    %swap3A_412 = arith.constant 0 : i32
    %swap3A_413 = arith.index_cast %swap3A_412 : i32 to index
    %swap3A_414 = arith.constant 16 : index
    %swap3A_415 = tpu.vector_load %arg5[%swap3A_413, %swap3A_414] {strides = array<i32>} : memref<8x128xi32, #tpu.memory_space<vmem>>, vector<16xi32>,
    tpu.vector_store %arg5[%swap3A_413, %swap3A_414], %add3A_411 {strides = array<i32>} : memref<8x128xi32, #tpu.memory_space<vmem>>, vector<16xi32>,
    %get3A_416 = arith.constant 0 : i32
    %get3A_417 = arith.index_cast %get3A_416 : i32 to index
    %get3A_418 = arith.constant 32 : index
    %get3A_419 = tpu.vector_load %arg5[%get3A_417, %get3A_418] {strides = array<i32>} : memref<8x128xi32, #tpu.memory_space<vmem>>, vector<16xi32>,
    %and3A_420 = arith.constant -2048 : i32
    %and3A_421 = vector.broadcast %and3A_420 : i32 to vector<16xi32>
    %and3A_422 = arith.andi %get3A_419, %and3A_421 : vector<16xi32>
    %and3A_423 = arith.constant 1023 : i32
    %and3A_424 = vector.broadcast %and3A_423 : i32 to vector<16xi32>
    %and3A_425 = arith.andi %get3A_419, %and3A_424 : vector<16xi32>
    %shift_left3A_426 = arith.constant 1 : i32
    %shift_left3A_427 = vector.broadcast %shift_left3A_426 : i32 to vector<16xi32>
    %shift_left3A_428 = arith.shli %and3A_425, %shift_left3A_427 : vector<16xi32>
    %add3A_429 = arith.addi %and3A_422, %shift_left3A_428 : vector<16xi32>
    %shift_right_arithmetic3A_430 = arith.constant 10 : i32
    %shift_right_arithmetic3A_431 = vector.broadcast %shift_right_arithmetic3A_430 : i32 to vector<16xi32>
    %shift_right_arithmetic3A_432 = arith.shrsi %get3A_419, %shift_right_arithmetic3A_431 : vector<16xi32>
    %and3A_433 = arith.constant 1 : i32
    %and3A_434 = vector.broadcast %and3A_433 : i32 to vector<16xi32>
    %and3A_435 = arith.andi %shift_right_arithmetic3A_432, %and3A_434 : vector<16xi32>
    %add3A_436 = arith.addi %add3A_429, %and3A_435 : vector<16xi32>
    %swap3A_437 = arith.constant 0 : i32
    %swap3A_438 = arith.index_cast %swap3A_437 : i32 to index
    %swap3A_439 = arith.constant 32 : index
    %swap3A_440 = tpu.vector_load %arg5[%swap3A_438, %swap3A_439] {strides = array<i32>} : memref<8x128xi32, #tpu.memory_space<vmem>>, vector<16xi32>,
    tpu.vector_store %arg5[%swap3A_438, %swap3A_439], %add3A_436 {strides = array<i32>} : memref<8x128xi32, #tpu.memory_space<vmem>>, vector<16xi32>,
    %get3A_441 = arith.constant 0 : i32
    %get3A_442 = arith.index_cast %get3A_441 : i32 to index
    %get3A_443 = arith.constant 48 : index
    %get3A_444 = tpu.vector_load %arg5[%get3A_442, %get3A_443] {strides = array<i32>} : memref<8x128xi32, #tpu.memory_space<vmem>>, vector<16xi32>,
    %and3A_445 = arith.constant -2048 : i32
    %and3A_446 = vector.broadcast %and3A_445 : i32 to vector<16xi32>
    %and3A_447 = arith.andi %get3A_444, %and3A_446 : vector<16xi32>
    %and3A_448 = arith.constant 1023 : i32
    %and3A_449 = vector.broadcast %and3A_448 : i32 to vector<16xi32>
    %and3A_450 = arith.andi %get3A_444, %and3A_449 : vector<16xi32>
    %shift_left3A_451 = arith.constant 1 : i32
    %shift_left3A_452 = vector.broadcast %shift_left3A_451 : i32 to vector<16xi32>
    %shift_left3A_453 = arith.shli %and3A_450, %shift_left3A_452 : vector<16xi32>
    %add3A_454 = arith.addi %and3A_447, %shift_left3A_453 : vector<16xi32>
    %shift_right_arithmetic3A_455 = arith.constant 10 : i32
    %shift_right_arithmetic3A_456 = vector.broadcast %shift_right_arithmetic3A_455 : i32 to vector<16xi32>
    %shift_right_arithmetic3A_457 = arith.shrsi %get3A_444, %shift_right_arithmetic3A_456 : vector<16xi32>
    %and3A_458 = arith.constant 1 : i32
    %and3A_459 = vector.broadcast %and3A_458 : i32 to vector<16xi32>
    %and3A_460 = arith.andi %shift_right_arithmetic3A_457, %and3A_459 : vector<16xi32>
    %add3A_461 = arith.addi %add3A_454, %and3A_460 : vector<16xi32>
    %swap3A_462 = arith.constant 0 : i32
    %swap3A_463 = arith.index_cast %swap3A_462 : i32 to index
    %swap3A_464 = arith.constant 48 : index
    %swap3A_465 = tpu.vector_load %arg5[%swap3A_463, %swap3A_464] {strides = array<i32>} : memref<8x128xi32, #tpu.memory_space<vmem>>, vector<16xi32>,
    tpu.vector_store %arg5[%swap3A_463, %swap3A_464], %add3A_461 {strides = array<i32>} : memref<8x128xi32, #tpu.memory_space<vmem>>, vector<16xi32>,
    %get3A_466 = arith.constant 0 : i32
    %get3A_467 = arith.index_cast %get3A_466 : i32 to index
    %get3A_468 = arith.constant 64 : index
    %get3A_469 = tpu.vector_load %arg5[%get3A_467, %get3A_468] {strides = array<i32>} : memref<8x128xi32, #tpu.memory_space<vmem>>, vector<16xi32>,
    %and3A_470 = arith.constant -2048 : i32
    %and3A_471 = vector.broadcast %and3A_470 : i32 to vector<16xi32>
    %and3A_472 = arith.andi %get3A_469, %and3A_471 : vector<16xi32>
    %and3A_473 = arith.constant 1023 : i32
    %and3A_474 = vector.broadcast %and3A_473 : i32 to vector<16xi32>
    %and3A_475 = arith.andi %get3A_469, %and3A_474 : vector<16xi32>
    %shift_left3A_476 = arith.constant 1 : i32
    %shift_left3A_477 = vector.broadcast %shift_left3A_476 : i32 to vector<16xi32>
    %shift_left3A_478 = arith.shli %and3A_475, %shift_left3A_477 : vector<16xi32>
    %add3A_479 = arith.addi %and3A_472, %shift_left3A_478 : vector<16xi32>
    %shift_right_arithmetic3A_480 = arith.constant 10 : i32
    %shift_right_arithmetic3A_481 = vector.broadcast %shift_right_arithmetic3A_480 : i32 to vector<16xi32>
    %shift_right_arithmetic3A_482 = arith.shrsi %get3A_469, %shift_right_arithmetic3A_481 : vector<16xi32>
    %and3A_483 = arith.constant 1 : i32
    %and3A_484 = vector.broadcast %and3A_483 : i32 to vector<16xi32>
    %and3A_485 = arith.andi %shift_right_arithmetic3A_482, %and3A_484 : vector<16xi32>
    %add3A_486 = arith.addi %add3A_479, %and3A_485 : vector<16xi32>
    %swap3A_487 = arith.constant 0 : i32
    %swap3A_488 = arith.index_cast %swap3A_487 : i32 to index
    %swap3A_489 = arith.constant 64 : index
    %swap3A_490 = tpu.vector_load %arg5[%swap3A_488, %swap3A_489] {strides = array<i32>} : memref<8x128xi32, #tpu.memory_space<vmem>>, vector<16xi32>,
    tpu.vector_store %arg5[%swap3A_488, %swap3A_489], %add3A_486 {strides = array<i32>} : memref<8x128xi32, #tpu.memory_space<vmem>>, vector<16xi32>,
    %get3A_491 = arith.constant 0 : i32
    %get3A_492 = arith.index_cast %get3A_491 : i32 to index
    %get3A_493 = arith.constant 80 : index
    %get3A_494 = tpu.vector_load %arg5[%get3A_492, %get3A_493] {strides = array<i32>} : memref<8x128xi32, #tpu.memory_space<vmem>>, vector<16xi32>,
    %and3A_495 = arith.constant -2048 : i32
    %and3A_496 = vector.broadcast %and3A_495 : i32 to vector<16xi32>
    %and3A_497 = arith.andi %get3A_494, %and3A_496 : vector<16xi32>
    %and3A_498 = arith.constant 1023 : i32
    %and3A_499 = vector.broadcast %and3A_498 : i32 to vector<16xi32>
    %and3A_500 = arith.andi %get3A_494, %and3A_499 : vector<16xi32>
    %shift_left3A_501 = arith.constant 1 : i32
    %shift_left3A_502 = vector.broadcast %shift_left3A_501 : i32 to vector<16xi32>
    %shift_left3A_503 = arith.shli %and3A_500, %shift_left3A_502 : vector<16xi32>
    %add3A_504 = arith.addi %and3A_497, %shift_left3A_503 : vector<16xi32>
    %shift_right_arithmetic3A_505 = arith.constant 10 : i32
    %shift_right_arithmetic3A_506 = vector.broadcast %shift_right_arithmetic3A_505 : i32 to vector<16xi32>
    %shift_right_arithmetic3A_507 = arith.shrsi %get3A_494, %shift_right_arithmetic3A_506 : vector<16xi32>
    %and3A_508 = arith.constant 1 : i32
    %and3A_509 = vector.broadcast %and3A_508 : i32 to vector<16xi32>
    %and3A_510 = arith.andi %shift_right_arithmetic3A_507, %and3A_509 : vector<16xi32>
    %add3A_511 = arith.addi %add3A_504, %and3A_510 : vector<16xi32>
    %swap3A_512 = arith.constant 0 : i32
    %swap3A_513 = arith.index_cast %swap3A_512 : i32 to index
    %swap3A_514 = arith.constant 80 : index
    %swap3A_515 = tpu.vector_load %arg5[%swap3A_513, %swap3A_514] {strides = array<i32>} : memref<8x128xi32, #tpu.memory_space<vmem>>, vector<16xi32>,
    tpu.vector_store %arg5[%swap3A_513, %swap3A_514], %add3A_511 {strides = array<i32>} : memref<8x128xi32, #tpu.memory_space<vmem>>, vector<16xi32>,
    %get3A_516 = arith.constant 0 : i32
    %get3A_517 = arith.index_cast %get3A_516 : i32 to index
    %get3A_518 = arith.constant 96 : index
    %get3A_519 = tpu.vector_load %arg5[%get3A_517, %get3A_518] {strides = array<i32>} : memref<8x128xi32, #tpu.memory_space<vmem>>, vector<16xi32>,
    %and3A_520 = arith.constant -2048 : i32
    %and3A_521 = vector.broadcast %and3A_520 : i32 to vector<16xi32>
    %and3A_522 = arith.andi %get3A_519, %and3A_521 : vector<16xi32>
    %and3A_523 = arith.constant 1023 : i32
    %and3A_524 = vector.broadcast %and3A_523 : i32 to vector<16xi32>
    %and3A_525 = arith.andi %get3A_519, %and3A_524 : vector<16xi32>
    %shift_left3A_526 = arith.constant 1 : i32
    %shift_left3A_527 = vector.broadcast %shift_left3A_526 : i32 to vector<16xi32>
    %shift_left3A_528 = arith.shli %and3A_525, %shift_left3A_527 : vector<16xi32>
    %add3A_529 = arith.addi %and3A_522, %shift_left3A_528 : vector<16xi32>
    %shift_right_arithmetic3A_530 = arith.constant 10 : i32
    %shift_right_arithmetic3A_531 = vector.broadcast %shift_right_arithmetic3A_530 : i32 to vector<16xi32>
    %shift_right_arithmetic3A_532 = arith.shrsi %get3A_519, %shift_right_arithmetic3A_531 : vector<16xi32>
    %and3A_533 = arith.constant 1 : i32
    %and3A_534 = vector.broadcast %and3A_533 : i32 to vector<16xi32>
    %and3A_535 = arith.andi %shift_right_arithmetic3A_532, %and3A_534 : vector<16xi32>
    %add3A_536 = arith.addi %add3A_529, %and3A_535 : vector<16xi32>
    %swap3A_537 = arith.constant 0 : i32
    %swap3A_538 = arith.index_cast %swap3A_537 : i32 to index
    %swap3A_539 = arith.constant 96 : index
    %swap3A_540 = tpu.vector_load %arg5[%swap3A_538, %swap3A_539] {strides = array<i32>} : memref<8x128xi32, #tpu.memory_space<vmem>>, vector<16xi32>,
    tpu.vector_store %arg5[%swap3A_538, %swap3A_539], %add3A_536 {strides = array<i32>} : memref<8x128xi32, #tpu.memory_space<vmem>>, vector<16xi32>,
    %get3A_541 = arith.constant 0 : i32
    %get3A_542 = arith.index_cast %get3A_541 : i32 to index
    %get3A_543 = arith.constant 112 : index
    %get3A_544 = tpu.vector_load %arg5[%get3A_542, %get3A_543] {strides = array<i32>} : memref<8x128xi32, #tpu.memory_space<vmem>>, vector<16xi32>,
    %and3A_545 = arith.constant -2048 : i32
    %and3A_546 = vector.broadcast %and3A_545 : i32 to vector<16xi32>
    %and3A_547 = arith.andi %get3A_544, %and3A_546 : vector<16xi32>
    %and3A_548 = arith.constant 1023 : i32
    %and3A_549 = vector.broadcast %and3A_548 : i32 to vector<16xi32>
    %and3A_550 = arith.andi %get3A_544, %and3A_549 : vector<16xi32>
    %shift_left3A_551 = arith.constant 1 : i32
    %shift_left3A_552 = vector.broadcast %shift_left3A_551 : i32 to vector<16xi32>
    %shift_left3A_553 = arith.shli %and3A_550, %shift_left3A_552 : vector<16xi32>
    %add3A_554 = arith.addi %and3A_547, %shift_left3A_553 : vector<16xi32>
    %shift_right_arithmetic3A_555 = arith.constant 10 : i32
    %shift_right_arithmetic3A_556 = vector.broadcast %shift_right_arithmetic3A_555 : i32 to vector<16xi32>
    %shift_right_arithmetic3A_557 = arith.shrsi %get3A_544, %shift_right_arithmetic3A_556 : vector<16xi32>
    %and3A_558 = arith.constant 1 : i32
    %and3A_559 = vector.broadcast %and3A_558 : i32 to vector<16xi32>
    %and3A_560 = arith.andi %shift_right_arithmetic3A_557, %and3A_559 : vector<16xi32>
    %add3A_561 = arith.addi %add3A_554, %and3A_560 : vector<16xi32>
    %swap3A_562 = arith.constant 0 : i32
    %swap3A_563 = arith.index_cast %swap3A_562 : i32 to index
    %swap3A_564 = arith.constant 112 : index
    %swap3A_565 = tpu.vector_load %arg5[%swap3A_563, %swap3A_564] {strides = array<i32>} : memref<8x128xi32, #tpu.memory_space<vmem>>, vector<16xi32>,
    tpu.vector_store %arg5[%swap3A_563, %swap3A_564], %add3A_561 {strides = array<i32>} : memref<8x128xi32, #tpu.memory_space<vmem>>, vector<16xi32>,
    %dma_start3A_566 = arith.constant 0 : i32
    %dma_start3A_567 = arith.constant 0 : i32
    %dma_start3A_568 = arith.constant 0 : i32
    %dma_start3A_569 = arith.constant 0 : i32
    %dma_start3A_570 = arith.constant 0 : i32
    %dma_start3A_571 = tpu.memref_slice %arg6[%dma_start3A_567, %dma_start3A_569, %dma_start3A_570] : memref<8x128x64xf32, #tpu.memory_space<vmem>> -> memref<1x128x64xf32, #tpu.memory_space<vmem>>
    %dma_start3A_572 = tpu.memref_squeeze %dma_start3A_571 : memref<1x128x64xf32, #tpu.memory_space<vmem>> -> memref<128x64xf32, #tpu.memory_space<vmem>>
    %dma_start3A_573 = arith.constant 0 : i32
    %dma_start3A_574 = tpu.memref_slice %arg5[%dma_start3A_566, %dma_start3A_573] : memref<8x128xi32, #tpu.memory_space<vmem>> -> memref<1x128xi32, #tpu.memory_space<vmem>>
    %dma_start3A_575 = tpu.memref_squeeze %dma_start3A_574 : memref<1x128xi32, #tpu.memory_space<vmem>> -> memref<128xi32, #tpu.memory_space<vmem>>
    %dma_start3A_576 = arith.constant 0 : i32
    %dma_start3A_577 = arith.constant 0 : i32
    %dma_start3A_578 = tpu.memref_slice %arg3[%dma_start3A_576, %dma_start3A_577] : memref<1001472x64xf32, #tpu.memory_space<hbm>> -> memref<1001472x64xf32, #tpu.memory_space<hbm>>
    %dma_start3A_579 = tpu.memref_slice %arg8[%dma_start3A_568] : memref<8x!tpu.dma_semaphore, #tpu.memory_space<semaphore_mem>> -> memref<1x!tpu.dma_semaphore, #tpu.memory_space<semaphore_mem>>
    %dma_start3A_580 = tpu.memref_squeeze %dma_start3A_579 : memref<1x!tpu.dma_semaphore, #tpu.memory_space<semaphore_mem>> -> memref<!tpu.dma_semaphore, #tpu.memory_space<semaphore_mem>>
    tpu.enqueue_indirect_dma source(%dma_start3A_578 : memref<1001472x64xf32, #tpu.memory_space<hbm>>) target(%dma_start3A_572 : memref<128x64xf32, #tpu.memory_space<vmem>>) offsets(%dma_start3A_575 : memref<128xi32, #tpu.memory_space<vmem>>) semaphore(%dma_start3A_580 : memref<!tpu.dma_semaphore, #tpu.memory_space<semaphore_mem>>)
    %dma_wait3A_581 = arith.constant 0 : i32
    %dma_wait3A_582 = arith.constant 1 : i32
    %dma_wait3A_583 = arith.constant 1 : i32
    %dma_wait3A_584 = arith.constant 0 : i32
    %dma_wait3A_585 = tpu.memref_slice %arg5[%dma_wait3A_582, %dma_wait3A_584] : memref<8x128xi32, #tpu.memory_space<vmem>> -> memref<1x128xi32, #tpu.memory_space<vmem>>
    %dma_wait3A_586 = tpu.memref_squeeze %dma_wait3A_585 : memref<1x128xi32, #tpu.memory_space<vmem>> -> memref<128xi32, #tpu.memory_space<vmem>>
    %dma_wait3A_587 = arith.constant 0 : i32
    %dma_wait3A_588 = tpu.memref_slice %arg2[%dma_wait3A_581, %dma_wait3A_587] : memref<200x4096xi32, #tpu.memory_space<hbm>> -> memref<1x128xi32, #tpu.memory_space<hbm>>
    %dma_wait3A_589 = tpu.memref_squeeze %dma_wait3A_588 : memref<1x128xi32, #tpu.memory_space<hbm>> -> memref<128xi32, #tpu.memory_space<hbm>>
    %dma_wait3A_590 = tpu.memref_slice %arg7[%dma_wait3A_583] : memref<8x!tpu.dma_semaphore, #tpu.memory_space<semaphore_mem>> -> memref<1x!tpu.dma_semaphore, #tpu.memory_space<semaphore_mem>>
    %dma_wait3A_591 = tpu.memref_squeeze %dma_wait3A_590 : memref<1x!tpu.dma_semaphore, #tpu.memory_space<semaphore_mem>> -> memref<!tpu.dma_semaphore, #tpu.memory_space<semaphore_mem>>
    %dma_wait3A_592 = arith.constant 0 : i32
    %dma_wait3A_593 = tpu.memref_slice %arg5[%dma_wait3A_582, %dma_wait3A_592] : memref<8x128xi32, #tpu.memory_space<vmem>> -> memref<1x128xi32, #tpu.memory_space<vmem>>
    %dma_wait3A_594 = tpu.memref_squeeze %dma_wait3A_593 : memref<1x128xi32, #tpu.memory_space<vmem>> -> memref<128xi32, #tpu.memory_space<vmem>>
    %dma_wait3A_595 = arith.constant 0 : i32
    %dma_wait3A_596 = tpu.memref_slice %arg2[%dma_wait3A_581, %dma_wait3A_595] : memref<200x4096xi32, #tpu.memory_space<hbm>> -> memref<1x128xi32, #tpu.memory_space<hbm>>
    %dma_wait3A_597 = tpu.memref_squeeze %dma_wait3A_596 : memref<1x128xi32, #tpu.memory_space<hbm>> -> memref<128xi32, #tpu.memory_space<hbm>>
    tpu.wait_dma2 semaphore(%dma_wait3A_591 : memref<!tpu.dma_semaphore, #tpu.memory_space<semaphore_mem>>) src(%dma_wait3A_597 : memref<128xi32, #tpu.memory_space<hbm>>) dst(%dma_wait3A_594 : memref<128xi32, #tpu.memory_space<vmem>>)
    %get3A_598 = arith.constant 1 : i32
    %get3A_599 = arith.index_cast %get3A_598 : i32 to index
    %get3A_600 = arith.constant 0 : index
    %get3A_601 = tpu.vector_load %arg5[%get3A_599, %get3A_600] {strides = array<i32>} : memref<8x128xi32, #tpu.memory_space<vmem>>, vector<16xi32>,
    %and3A_602 = arith.constant -2048 : i32
    %and3A_603 = vector.broadcast %and3A_602 : i32 to vector<16xi32>
    %and3A_604 = arith.andi %get3A_601, %and3A_603 : vector<16xi32>
    %and3A_605 = arith.constant 1023 : i32
    %and3A_606 = vector.broadcast %and3A_605 : i32 to vector<16xi32>
    %and3A_607 = arith.andi %get3A_601, %and3A_606 : vector<16xi32>
    %shift_left3A_608 = arith.constant 1 : i32
    %shift_left3A_609 = vector.broadcast %shift_left3A_608 : i32 to vector<16xi32>
    %shift_left3A_610 = arith.shli %and3A_607, %shift_left3A_609 : vector<16xi32>
    %add3A_611 = arith.addi %and3A_604, %shift_left3A_610 : vector<16xi32>
    %shift_right_arithmetic3A_612 = arith.constant 10 : i32
    %shift_right_arithmetic3A_613 = vector.broadcast %shift_right_arithmetic3A_612 : i32 to vector<16xi32>
    %shift_right_arithmetic3A_614 = arith.shrsi %get3A_601, %shift_right_arithmetic3A_613 : vector<16xi32>
    %and3A_615 = arith.constant 1 : i32
    %and3A_616 = vector.broadcast %and3A_615 : i32 to vector<16xi32>
    %and3A_617 = arith.andi %shift_right_arithmetic3A_614, %and3A_616 : vector<16xi32>
    %add3A_618 = arith.addi %add3A_611, %and3A_617 : vector<16xi32>
    %swap3A_619 = arith.constant 1 : i32
    %swap3A_620 = arith.index_cast %swap3A_619 : i32 to index
    %swap3A_621 = arith.constant 0 : index
    %swap3A_622 = tpu.vector_load %arg5[%swap3A_620, %swap3A_621] {strides = array<i32>} : memref<8x128xi32, #tpu.memory_space<vmem>>, vector<16xi32>,
    tpu.vector_store %arg5[%swap3A_620, %swap3A_621], %add3A_618 {strides = array<i32>} : memref<8x128xi32, #tpu.memory_space<vmem>>, vector<16xi32>,
    %get3A_623 = arith.constant 1 : i32
    %get3A_624 = arith.index_cast %get3A_623 : i32 to index
    %get3A_625 = arith.constant 16 : index
    %get3A_626 = tpu.vector_load %arg5[%get3A_624, %get3A_625] {strides = array<i32>} : memref<8x128xi32, #tpu.memory_space<vmem>>, vector<16xi32>,
    %and3A_627 = arith.constant -2048 : i32
    %and3A_628 = vector.broadcast %and3A_627 : i32 to vector<16xi32>
    %and3A_629 = arith.andi %get3A_626, %and3A_628 : vector<16xi32>
    %and3A_630 = arith.constant 1023 : i32
    %and3A_631 = vector.broadcast %and3A_630 : i32 to vector<16xi32>
    %and3A_632 = arith.andi %get3A_626, %and3A_631 : vector<16xi32>
    %shift_left3A_633 = arith.constant 1 : i32
    %shift_left3A_634 = vector.broadcast %shift_left3A_633 : i32 to vector<16xi32>
    %shift_left3A_635 = arith.shli %and3A_632, %shift_left3A_634 : vector<16xi32>
    %add3A_636 = arith.addi %and3A_629, %shift_left3A_635 : vector<16xi32>
    %shift_right_arithmetic3A_637 = arith.constant 10 : i32
    %shift_right_arithmetic3A_638 = vector.broadcast %shift_right_arithmetic3A_637 : i32 to vector<16xi32>
    %shift_right_arithmetic3A_639 = arith.shrsi %get3A_626, %shift_right_arithmetic3A_638 : vector<16xi32>
    %and3A_640 = arith.constant 1 : i32
    %and3A_641 = vector.broadcast %and3A_640 : i32 to vector<16xi32>
    %and3A_642 = arith.andi %shift_right_arithmetic3A_639, %and3A_641 : vector<16xi32>
    %add3A_643 = arith.addi %add3A_636, %and3A_642 : vector<16xi32>
    %swap3A_644 = arith.constant 1 : i32
    %swap3A_645 = arith.index_cast %swap3A_644 : i32 to index
    %swap3A_646 = arith.constant 16 : index
    %swap3A_647 = tpu.vector_load %arg5[%swap3A_645, %swap3A_646] {strides = array<i32>} : memref<8x128xi32, #tpu.memory_space<vmem>>, vector<16xi32>,
    tpu.vector_store %arg5[%swap3A_645, %swap3A_646], %add3A_643 {strides = array<i32>} : memref<8x128xi32, #tpu.memory_space<vmem>>, vector<16xi32>,
    %get3A_648 = arith.constant 1 : i32
    %get3A_649 = arith.index_cast %get3A_648 : i32 to index
    %get3A_650 = arith.constant 32 : index
    %get3A_651 = tpu.vector_load %arg5[%get3A_649, %get3A_650] {strides = array<i32>} : memref<8x128xi32, #tpu.memory_space<vmem>>, vector<16xi32>,
    %and3A_652 = arith.constant -2048 : i32
    %and3A_653 = vector.broadcast %and3A_652 : i32 to vector<16xi32>
    %and3A_654 = arith.andi %get3A_651, %and3A_653 : vector<16xi32>
    %and3A_655 = arith.constant 1023 : i32
    %and3A_656 = vector.broadcast %and3A_655 : i32 to vector<16xi32>
    %and3A_657 = arith.andi %get3A_651, %and3A_656 : vector<16xi32>
    %shift_left3A_658 = arith.constant 1 : i32
    %shift_left3A_659 = vector.broadcast %shift_left3A_658 : i32 to vector<16xi32>
    %shift_left3A_660 = arith.shli %and3A_657, %shift_left3A_659 : vector<16xi32>
    %add3A_661 = arith.addi %and3A_654, %shift_left3A_660 : vector<16xi32>
    %shift_right_arithmetic3A_662 = arith.constant 10 : i32
    %shift_right_arithmetic3A_663 = vector.broadcast %shift_right_arithmetic3A_662 : i32 to vector<16xi32>
    %shift_right_arithmetic3A_664 = arith.shrsi %get3A_651, %shift_right_arithmetic3A_663 : vector<16xi32>
    %and3A_665 = arith.constant 1 : i32
    %and3A_666 = vector.broadcast %and3A_665 : i32 to vector<16xi32>
    %and3A_667 = arith.andi %shift_right_arithmetic3A_664, %and3A_666 : vector<16xi32>
    %add3A_668 = arith.addi %add3A_661, %and3A_667 : vector<16xi32>
    %swap3A_669 = arith.constant 1 : i32
    %swap3A_670 = arith.index_cast %swap3A_669 : i32 to index
    %swap3A_671 = arith.constant 32 : index
    %swap3A_672 = tpu.vector_load %arg5[%swap3A_670, %swap3A_671] {strides = array<i32>} : memref<8x128xi32, #tpu.memory_space<vmem>>, vector<16xi32>,
    tpu.vector_store %arg5[%swap3A_670, %swap3A_671], %add3A_668 {strides = array<i32>} : memref<8x128xi32, #tpu.memory_space<vmem>>, vector<16xi32>,
    %get3A_673 = arith.constant 1 : i32
    %get3A_674 = arith.index_cast %get3A_673 : i32 to index
    %get3A_675 = arith.constant 48 : index
    %get3A_676 = tpu.vector_load %arg5[%get3A_674, %get3A_675] {strides = array<i32>} : memref<8x128xi32, #tpu.memory_space<vmem>>, vector<16xi32>,
    %and3A_677 = arith.constant -2048 : i32
    %and3A_678 = vector.broadcast %and3A_677 : i32 to vector<16xi32>
    %and3A_679 = arith.andi %get3A_676, %and3A_678 : vector<16xi32>
    %and3A_680 = arith.constant 1023 : i32
    %and3A_681 = vector.broadcast %and3A_680 : i32 to vector<16xi32>
    %and3A_682 = arith.andi %get3A_676, %and3A_681 : vector<16xi32>
    %shift_left3A_683 = arith.constant 1 : i32
    %shift_left3A_684 = vector.broadcast %shift_left3A_683 : i32 to vector<16xi32>
    %shift_left3A_685 = arith.shli %and3A_682, %shift_left3A_684 : vector<16xi32>
    %add3A_686 = arith.addi %and3A_679, %shift_left3A_685 : vector<16xi32>
    %shift_right_arithmetic3A_687 = arith.constant 10 : i32
    %shift_right_arithmetic3A_688 = vector.broadcast %shift_right_arithmetic3A_687 : i32 to vector<16xi32>
    %shift_right_arithmetic3A_689 = arith.shrsi %get3A_676, %shift_right_arithmetic3A_688 : vector<16xi32>
    %and3A_690 = arith.constant 1 : i32
    %and3A_691 = vector.broadcast %and3A_690 : i32 to vector<16xi32>
    %and3A_692 = arith.andi %shift_right_arithmetic3A_689, %and3A_691 : vector<16xi32>
    %add3A_693 = arith.addi %add3A_686, %and3A_692 : vector<16xi32>
    %swap3A_694 = arith.constant 1 : i32
    %swap3A_695 = arith.index_cast %swap3A_694 : i32 to index
    %swap3A_696 = arith.constant 48 : index
    %swap3A_697 = tpu.vector_load %arg5[%swap3A_695, %swap3A_696] {strides = array<i32>} : memref<8x128xi32, #tpu.memory_space<vmem>>, vector<16xi32>,
    tpu.vector_store %arg5[%swap3A_695, %swap3A_696], %add3A_693 {strides = array<i32>} : memref<8x128xi32, #tpu.memory_space<vmem>>, vector<16xi32>,
    %get3A_698 = arith.constant 1 : i32
    %get3A_699 = arith.index_cast %get3A_698 : i32 to index
    %get3A_700 = arith.constant 64 : index
    %get3A_701 = tpu.vector_load %arg5[%get3A_699, %get3A_700] {strides = array<i32>} : memref<8x128xi32, #tpu.memory_space<vmem>>, vector<16xi32>,
    %and3A_702 = arith.constant -2048 : i32
    %and3A_703 = vector.broadcast %and3A_702 : i32 to vector<16xi32>
    %and3A_704 = arith.andi %get3A_701, %and3A_703 : vector<16xi32>
    %and3A_705 = arith.constant 1023 : i32
    %and3A_706 = vector.broadcast %and3A_705 : i32 to vector<16xi32>
    %and3A_707 = arith.andi %get3A_701, %and3A_706 : vector<16xi32>
    %shift_left3A_708 = arith.constant 1 : i32
    %shift_left3A_709 = vector.broadcast %shift_left3A_708 : i32 to vector<16xi32>
    %shift_left3A_710 = arith.shli %and3A_707, %shift_left3A_709 : vector<16xi32>
    %add3A_711 = arith.addi %and3A_704, %shift_left3A_710 : vector<16xi32>
    %shift_right_arithmetic3A_712 = arith.constant 10 : i32
    %shift_right_arithmetic3A_713 = vector.broadcast %shift_right_arithmetic3A_712 : i32 to vector<16xi32>
    %shift_right_arithmetic3A_714 = arith.shrsi %get3A_701, %shift_right_arithmetic3A_713 : vector<16xi32>
    %and3A_715 = arith.constant 1 : i32
    %and3A_716 = vector.broadcast %and3A_715 : i32 to vector<16xi32>
    %and3A_717 = arith.andi %shift_right_arithmetic3A_714, %and3A_716 : vector<16xi32>
    %add3A_718 = arith.addi %add3A_711, %and3A_717 : vector<16xi32>
    %swap3A_719 = arith.constant 1 : i32
    %swap3A_720 = arith.index_cast %swap3A_719 : i32 to index
    %swap3A_721 = arith.constant 64 : index
    %swap3A_722 = tpu.vector_load %arg5[%swap3A_720, %swap3A_721] {strides = array<i32>} : memref<8x128xi32, #tpu.memory_space<vmem>>, vector<16xi32>,
    tpu.vector_store %arg5[%swap3A_720, %swap3A_721], %add3A_718 {strides = array<i32>} : memref<8x128xi32, #tpu.memory_space<vmem>>, vector<16xi32>,
    %get3A_723 = arith.constant 1 : i32
    %get3A_724 = arith.index_cast %get3A_723 : i32 to index
    %get3A_725 = arith.constant 80 : index
    %get3A_726 = tpu.vector_load %arg5[%get3A_724, %get3A_725] {strides = array<i32>} : memref<8x128xi32, #tpu.memory_space<vmem>>, vector<16xi32>,
    %and3A_727 = arith.constant -2048 : i32
    %and3A_728 = vector.broadcast %and3A_727 : i32 to vector<16xi32>
    %and3A_729 = arith.andi %get3A_726, %and3A_728 : vector<16xi32>
    %and3A_730 = arith.constant 1023 : i32
    %and3A_731 = vector.broadcast %and3A_730 : i32 to vector<16xi32>
    %and3A_732 = arith.andi %get3A_726, %and3A_731 : vector<16xi32>
    %shift_left3A_733 = arith.constant 1 : i32
    %shift_left3A_734 = vector.broadcast %shift_left3A_733 : i32 to vector<16xi32>
    %shift_left3A_735 = arith.shli %and3A_732, %shift_left3A_734 : vector<16xi32>
    %add3A_736 = arith.addi %and3A_729, %shift_left3A_735 : vector<16xi32>
    %shift_right_arithmetic3A_737 = arith.constant 10 : i32
    %shift_right_arithmetic3A_738 = vector.broadcast %shift_right_arithmetic3A_737 : i32 to vector<16xi32>
    %shift_right_arithmetic3A_739 = arith.shrsi %get3A_726, %shift_right_arithmetic3A_738 : vector<16xi32>
    %and3A_740 = arith.constant 1 : i32
    %and3A_741 = vector.broadcast %and3A_740 : i32 to vector<16xi32>
    %and3A_742 = arith.andi %shift_right_arithmetic3A_739, %and3A_741 : vector<16xi32>
    %add3A_743 = arith.addi %add3A_736, %and3A_742 : vector<16xi32>
    %swap3A_744 = arith.constant 1 : i32
    %swap3A_745 = arith.index_cast %swap3A_744 : i32 to index
    %swap3A_746 = arith.constant 80 : index
    %swap3A_747 = tpu.vector_load %arg5[%swap3A_745, %swap3A_746] {strides = array<i32>} : memref<8x128xi32, #tpu.memory_space<vmem>>, vector<16xi32>,
    tpu.vector_store %arg5[%swap3A_745, %swap3A_746], %add3A_743 {strides = array<i32>} : memref<8x128xi32, #tpu.memory_space<vmem>>, vector<16xi32>,
    %get3A_748 = arith.constant 1 : i32
    %get3A_749 = arith.index_cast %get3A_748 : i32 to index
    %get3A_750 = arith.constant 96 : index
    %get3A_751 = tpu.vector_load %arg5[%get3A_749, %get3A_750] {strides = array<i32>} : memref<8x128xi32, #tpu.memory_space<vmem>>, vector<16xi32>,
    %and3A_752 = arith.constant -2048 : i32
    %and3A_753 = vector.broadcast %and3A_752 : i32 to vector<16xi32>
    %and3A_754 = arith.andi %get3A_751, %and3A_753 : vector<16xi32>
    %and3A_755 = arith.constant 1023 : i32
    %and3A_756 = vector.broadcast %and3A_755 : i32 to vector<16xi32>
    %and3A_757 = arith.andi %get3A_751, %and3A_756 : vector<16xi32>
    %shift_left3A_758 = arith.constant 1 : i32
    %shift_left3A_759 = vector.broadcast %shift_left3A_758 : i32 to vector<16xi32>
    %shift_left3A_760 = arith.shli %and3A_757, %shift_left3A_759 : vector<16xi32>
    %add3A_761 = arith.addi %and3A_754, %shift_left3A_760 : vector<16xi32>
    %shift_right_arithmetic3A_762 = arith.constant 10 : i32
    %shift_right_arithmetic3A_763 = vector.broadcast %shift_right_arithmetic3A_762 : i32 to vector<16xi32>
    %shift_right_arithmetic3A_764 = arith.shrsi %get3A_751, %shift_right_arithmetic3A_763 : vector<16xi32>
    %and3A_765 = arith.constant 1 : i32
    %and3A_766 = vector.broadcast %and3A_765 : i32 to vector<16xi32>
    %and3A_767 = arith.andi %shift_right_arithmetic3A_764, %and3A_766 : vector<16xi32>
    %add3A_768 = arith.addi %add3A_761, %and3A_767 : vector<16xi32>
    %swap3A_769 = arith.constant 1 : i32
    %swap3A_770 = arith.index_cast %swap3A_769 : i32 to index
    %swap3A_771 = arith.constant 96 : index
    %swap3A_772 = tpu.vector_load %arg5[%swap3A_770, %swap3A_771] {strides = array<i32>} : memref<8x128xi32, #tpu.memory_space<vmem>>, vector<16xi32>,
    tpu.vector_store %arg5[%swap3A_770, %swap3A_771], %add3A_768 {strides = array<i32>} : memref<8x128xi32, #tpu.memory_space<vmem>>, vector<16xi32>,
    %get3A_773 = arith.constant 1 : i32
    %get3A_774 = arith.index_cast %get3A_773 : i32 to index
    %get3A_775 = arith.constant 112 : index
    %get3A_776 = tpu.vector_load %arg5[%get3A_774, %get3A_775] {strides = array<i32>} : memref<8x128xi32, #tpu.memory_space<vmem>>, vector<16xi32>,
    %and3A_777 = arith.constant -2048 : i32
    %and3A_778 = vector.broadcast %and3A_777 : i32 to vector<16xi32>
    %and3A_779 = arith.andi %get3A_776, %and3A_778 : vector<16xi32>
    %and3A_780 = arith.constant 1023 : i32
    %and3A_781 = vector.broadcast %and3A_780 : i32 to vector<16xi32>
    %and3A_782 = arith.andi %get3A_776, %and3A_781 : vector<16xi32>
    %shift_left3A_783 = arith.constant 1 : i32
    %shift_left3A_784 = vector.broadcast %shift_left3A_783 : i32 to vector<16xi32>
    %shift_left3A_785 = arith.shli %and3A_782, %shift_left3A_784 : vector<16xi32>
    %add3A_786 = arith.addi %and3A_779, %shift_left3A_785 : vector<16xi32>
    %shift_right_arithmetic3A_787 = arith.constant 10 : i32
    %shift_right_arithmetic3A_788 = vector.broadcast %shift_right_arithmetic3A_787 : i32 to vector<16xi32>
    %shift_right_arithmetic3A_789 = arith.shrsi %get3A_776, %shift_right_arithmetic3A_788 : vector<16xi32>
    %and3A_790 = arith.constant 1 : i32
    %and3A_791 = vector.broadcast %and3A_790 : i32 to vector<16xi32>
    %and3A_792 = arith.andi %shift_right_arithmetic3A_789, %and3A_791 : vector<16xi32>
    %add3A_793 = arith.addi %add3A_786, %and3A_792 : vector<16xi32>
    %swap3A_794 = arith.constant 1 : i32
    %swap3A_795 = arith.index_cast %swap3A_794 : i32 to index
    %swap3A_796 = arith.constant 112 : index
    %swap3A_797 = tpu.vector_load %arg5[%swap3A_795, %swap3A_796] {strides = array<i32>} : memref<8x128xi32, #tpu.memory_space<vmem>>, vector<16xi32>,
    tpu.vector_store %arg5[%swap3A_795, %swap3A_796], %add3A_793 {strides = array<i32>} : memref<8x128xi32, #tpu.memory_space<vmem>>, vector<16xi32>,
    %dma_start3A_798 = arith.constant 1 : i32
    %dma_start3A_799 = arith.constant 1 : i32
    %dma_start3A_800 = arith.constant 1 : i32
    %dma_start3A_801 = arith.constant 0 : i32
    %dma_start3A_802 = arith.constant 0 : i32
    %dma_start3A_803 = tpu.memref_slice %arg6[%dma_start3A_799, %dma_start3A_801, %dma_start3A_802] : memref<8x128x64xf32, #tpu.memory_space<vmem>> -> memref<1x128x64xf32, #tpu.memory_space<vmem>>
    %dma_start3A_804 = tpu.memref_squeeze %dma_start3A_803 : memref<1x128x64xf32, #tpu.memory_space<vmem>> -> memref<128x64xf32, #tpu.memory_space<vmem>>
    %dma_start3A_805 = arith.constant 0 : i32
    %dma_start3A_806 = tpu.memref_slice %arg5[%dma_start3A_798, %dma_start3A_805] : memref<8x128xi32, #tpu.memory_space<vmem>> -> memref<1x128xi32, #tpu.memory_space<vmem>>
    %dma_start3A_807 = tpu.memref_squeeze %dma_start3A_806 : memref<1x128xi32, #tpu.memory_space<vmem>> -> memref<128xi32, #tpu.memory_space<vmem>>
    %dma_start3A_808 = arith.constant 0 : i32
    %dma_start3A_809 = arith.constant 0 : i32
    %dma_start3A_810 = tpu.memref_slice %arg3[%dma_start3A_808, %dma_start3A_809] : memref<1001472x64xf32, #tpu.memory_space<hbm>> -> memref<1001472x64xf32, #tpu.memory_space<hbm>>
    %dma_start3A_811 = tpu.memref_slice %arg8[%dma_start3A_800] : memref<8x!tpu.dma_semaphore, #tpu.memory_space<semaphore_mem>> -> memref<1x!tpu.dma_semaphore, #tpu.memory_space<semaphore_mem>>
    %dma_start3A_812 = tpu.memref_squeeze %dma_start3A_811 : memref<1x!tpu.dma_semaphore, #tpu.memory_space<semaphore_mem>> -> memref<!tpu.dma_semaphore, #tpu.memory_space<semaphore_mem>>
    tpu.enqueue_indirect_dma source(%dma_start3A_810 : memref<1001472x64xf32, #tpu.memory_space<hbm>>) target(%dma_start3A_804 : memref<128x64xf32, #tpu.memory_space<vmem>>) offsets(%dma_start3A_807 : memref<128xi32, #tpu.memory_space<vmem>>) semaphore(%dma_start3A_812 : memref<!tpu.dma_semaphore, #tpu.memory_space<semaphore_mem>>)
    %dma_wait3A_813 = arith.constant 0 : i32
    %dma_wait3A_814 = arith.constant 2 : i32
    %dma_wait3A_815 = arith.constant 2 : i32
    %dma_wait3A_816 = arith.constant 0 : i32
    %dma_wait3A_817 = tpu.memref_slice %arg5[%dma_wait3A_814, %dma_wait3A_816] : memref<8x128xi32, #tpu.memory_space<vmem>> -> memref<1x128xi32, #tpu.memory_space<vmem>>
    %dma_wait3A_818 = tpu.memref_squeeze %dma_wait3A_817 : memref<1x128xi32, #tpu.memory_space<vmem>> -> memref<128xi32, #tpu.memory_space<vmem>>
    %dma_wait3A_819 = arith.constant 0 : i32
    %dma_wait3A_820 = tpu.memref_slice %arg2[%dma_wait3A_813, %dma_wait3A_819] : memref<200x4096xi32, #tpu.memory_space<hbm>> -> memref<1x128xi32, #tpu.memory_space<hbm>>
    %dma_wait3A_821 = tpu.memref_squeeze %dma_wait3A_820 : memref<1x128xi32, #tpu.memory_space<hbm>> -> memref<128xi32, #tpu.memory_space<hbm>>
    %dma_wait3A_822 = tpu.memref_slice %arg7[%dma_wait3A_815] : memref<8x!tpu.dma_semaphore, #tpu.memory_space<semaphore_mem>> -> memref<1x!tpu.dma_semaphore, #tpu.memory_space<semaphore_mem>>
    %dma_wait3A_823 = tpu.memref_squeeze %dma_wait3A_822 : memref<1x!tpu.dma_semaphore, #tpu.memory_space<semaphore_mem>> -> memref<!tpu.dma_semaphore, #tpu.memory_space<semaphore_mem>>
    %dma_wait3A_824 = arith.constant 0 : i32
    %dma_wait3A_825 = tpu.memref_slice %arg5[%dma_wait3A_814, %dma_wait3A_824] : memref<8x128xi32, #tpu.memory_space<vmem>> -> memref<1x128xi32, #tpu.memory_space<vmem>>
    %dma_wait3A_826 = tpu.memref_squeeze %dma_wait3A_825 : memref<1x128xi32, #tpu.memory_space<vmem>> -> memref<128xi32, #tpu.memory_space<vmem>>
    %dma_wait3A_827 = arith.constant 0 : i32
    %dma_wait3A_828 = tpu.memref_slice %arg2[%dma_wait3A_813, %dma_wait3A_827] : memref<200x4096xi32, #tpu.memory_space<hbm>> -> memref<1x128xi32, #tpu.memory_space<hbm>>
    %dma_wait3A_829 = tpu.memref_squeeze %dma_wait3A_828 : memref<1x128xi32, #tpu.memory_space<hbm>> -> memref<128xi32, #tpu.memory_space<hbm>>
    tpu.wait_dma2 semaphore(%dma_wait3A_823 : memref<!tpu.dma_semaphore, #tpu.memory_space<semaphore_mem>>) src(%dma_wait3A_829 : memref<128xi32, #tpu.memory_space<hbm>>) dst(%dma_wait3A_826 : memref<128xi32, #tpu.memory_space<vmem>>)
    %get3A_830 = arith.constant 2 : i32
    %get3A_831 = arith.index_cast %get3A_830 : i32 to index
    %get3A_832 = arith.constant 0 : index
    %get3A_833 = tpu.vector_load %arg5[%get3A_831, %get3A_832] {strides = array<i32>} : memref<8x128xi32, #tpu.memory_space<vmem>>, vector<16xi32>,
    %and3A_834 = arith.constant -2048 : i32
    %and3A_835 = vector.broadcast %and3A_834 : i32 to vector<16xi32>
    %and3A_836 = arith.andi %get3A_833, %and3A_835 : vector<16xi32>
    %and3A_837 = arith.constant 1023 : i32
    %and3A_838 = vector.broadcast %and3A_837 : i32 to vector<16xi32>
    %and3A_839 = arith.andi %get3A_833, %and3A_838 : vector<16xi32>
    %shift_left3A_840 = arith.constant 1 : i32
    %shift_left3A_841 = vector.broadcast %shift_left3A_840 : i32 to vector<16xi32>
    %shift_left3A_842 = arith.shli %and3A_839, %shift_left3A_841 : vector<16xi32>
    %add3A_843 = arith.addi %and3A_836, %shift_left3A_842 : vector<16xi32>
    %shift_right_arithmetic3A_844 = arith.constant 10 : i32
    %shift_right_arithmetic3A_845 = vector.broadcast %shift_right_arithmetic3A_844 : i32 to vector<16xi32>
    %shift_right_arithmetic3A_846 = arith.shrsi %get3A_833, %shift_right_arithmetic3A_845 : vector<16xi32>
    %and3A_847 = arith.constant 1 : i32
    %and3A_848 = vector.broadcast %and3A_847 : i32 to vector<16xi32>
    %and3A_849 = arith.andi %shift_right_arithmetic3A_846, %and3A_848 : vector<16xi32>
    %add3A_850 = arith.addi %add3A_843, %and3A_849 : vector<16xi32>
    %swap3A_851 = arith.constant 2 : i32
    %swap3A_852 = arith.index_cast %swap3A_851 : i32 to index
    %swap3A_853 = arith.constant 0 : index
    %swap3A_854 = tpu.vector_load %arg5[%swap3A_852, %swap3A_853] {strides = array<i32>} : memref<8x128xi32, #tpu.memory_space<vmem>>, vector<16xi32>,
    tpu.vector_store %arg5[%swap3A_852, %swap3A_853], %add3A_850 {strides = array<i32>} : memref<8x128xi32, #tpu.memory_space<vmem>>, vector<16xi32>,
    %get3A_855 = arith.constant 2 : i32
    %get3A_856 = arith.index_cast %get3A_855 : i32 to index
    %get3A_857 = arith.constant 16 : index
    %get3A_858 = tpu.vector_load %arg5[%get3A_856, %get3A_857] {strides = array<i32>} : memref<8x128xi32, #tpu.memory_space<vmem>>, vector<16xi32>,
    %and3A_859 = arith.constant -2048 : i32
    %and3A_860 = vector.broadcast %and3A_859 : i32 to vector<16xi32>
    %and3A_861 = arith.andi %get3A_858, %and3A_860 : vector<16xi32>
    %and3A_862 = arith.constant 1023 : i32
    %and3A_863 = vector.broadcast %and3A_862 : i32 to vector<16xi32>
    %and3A_864 = arith.andi %get3A_858, %and3A_863 : vector<16xi32>
    %shift_left3A_865 = arith.constant 1 : i32
    %shift_left3A_866 = vector.broadcast %shift_left3A_865 : i32 to vector<16xi32>
    %shift_left3A_867 = arith.shli %and3A_864, %shift_left3A_866 : vector<16xi32>
    %add3A_868 = arith.addi %and3A_861, %shift_left3A_867 : vector<16xi32>
    %shift_right_arithmetic3A_869 = arith.constant 10 : i32
    %shift_right_arithmetic3A_870 = vector.broadcast %shift_right_arithmetic3A_869 : i32 to vector<16xi32>
    %shift_right_arithmetic3A_871 = arith.shrsi %get3A_858, %shift_right_arithmetic3A_870 : vector<16xi32>
    %and3A_872 = arith.constant 1 : i32
    %and3A_873 = vector.broadcast %and3A_872 : i32 to vector<16xi32>
    %and3A_874 = arith.andi %shift_right_arithmetic3A_871, %and3A_873 : vector<16xi32>
    %add3A_875 = arith.addi %add3A_868, %and3A_874 : vector<16xi32>
    %swap3A_876 = arith.constant 2 : i32
    %swap3A_877 = arith.index_cast %swap3A_876 : i32 to index
    %swap3A_878 = arith.constant 16 : index
    %swap3A_879 = tpu.vector_load %arg5[%swap3A_877, %swap3A_878] {strides = array<i32>} : memref<8x128xi32, #tpu.memory_space<vmem>>, vector<16xi32>,
    tpu.vector_store %arg5[%swap3A_877, %swap3A_878], %add3A_875 {strides = array<i32>} : memref<8x128xi32, #tpu.memory_space<vmem>>, vector<16xi32>,
    %get3A_880 = arith.constant 2 : i32
    %get3A_881 = arith.index_cast %get3A_880 : i32 to index
    %get3A_882 = arith.constant 32 : index
    %get3A_883 = tpu.vector_load %arg5[%get3A_881, %get3A_882] {strides = array<i32>} : memref<8x128xi32, #tpu.memory_space<vmem>>, vector<16xi32>,
    %and3A_884 = arith.constant -2048 : i32
    %and3A_885 = vector.broadcast %and3A_884 : i32 to vector<16xi32>
    %and3A_886 = arith.andi %get3A_883, %and3A_885 : vector<16xi32>
    %and3A_887 = arith.constant 1023 : i32
    %and3A_888 = vector.broadcast %and3A_887 : i32 to vector<16xi32>
    %and3A_889 = arith.andi %get3A_883, %and3A_888 : vector<16xi32>
    %shift_left3A_890 = arith.constant 1 : i32
    %shift_left3A_891 = vector.broadcast %shift_left3A_890 : i32 to vector<16xi32>
    %shift_left3A_892 = arith.shli %and3A_889, %shift_left3A_891 : vector<16xi32>
    %add3A_893 = arith.addi %and3A_886, %shift_left3A_892 : vector<16xi32>
    %shift_right_arithmetic3A_894 = arith.constant 10 : i32
    %shift_right_arithmetic3A_895 = vector.broadcast %shift_right_arithmetic3A_894 : i32 to vector<16xi32>
    %shift_right_arithmetic3A_896 = arith.shrsi %get3A_883, %shift_right_arithmetic3A_895 : vector<16xi32>
    %and3A_897 = arith.constant 1 : i32
    %and3A_898 = vector.broadcast %and3A_897 : i32 to vector<16xi32>
    %and3A_899 = arith.andi %shift_right_arithmetic3A_896, %and3A_898 : vector<16xi32>
    %add3A_900 = arith.addi %add3A_893, %and3A_899 : vector<16xi32>
    %swap3A_901 = arith.constant 2 : i32
    %swap3A_902 = arith.index_cast %swap3A_901 : i32 to index
    %swap3A_903 = arith.constant 32 : index
    %swap3A_904 = tpu.vector_load %arg5[%swap3A_902, %swap3A_903] {strides = array<i32>} : memref<8x128xi32, #tpu.memory_space<vmem>>, vector<16xi32>,
    tpu.vector_store %arg5[%swap3A_902, %swap3A_903], %add3A_900 {strides = array<i32>} : memref<8x128xi32, #tpu.memory_space<vmem>>, vector<16xi32>,
    %get3A_905 = arith.constant 2 : i32
    %get3A_906 = arith.index_cast %get3A_905 : i32 to index
    %get3A_907 = arith.constant 48 : index
    %get3A_908 = tpu.vector_load %arg5[%get3A_906, %get3A_907] {strides = array<i32>} : memref<8x128xi32, #tpu.memory_space<vmem>>, vector<16xi32>,
    %and3A_909 = arith.constant -2048 : i32
    %and3A_910 = vector.broadcast %and3A_909 : i32 to vector<16xi32>
    %and3A_911 = arith.andi %get3A_908, %and3A_910 : vector<16xi32>
    %and3A_912 = arith.constant 1023 : i32
    %and3A_913 = vector.broadcast %and3A_912 : i32 to vector<16xi32>
    %and3A_914 = arith.andi %get3A_908, %and3A_913 : vector<16xi32>
    %shift_left3A_915 = arith.constant 1 : i32
    %shift_left3A_916 = vector.broadcast %shift_left3A_915 : i32 to vector<16xi32>
    %shift_left3A_917 = arith.shli %and3A_914, %shift_left3A_916 : vector<16xi32>
    %add3A_918 = arith.addi %and3A_911, %shift_left3A_917 : vector<16xi32>
    %shift_right_arithmetic3A_919 = arith.constant 10 : i32
    %shift_right_arithmetic3A_920 = vector.broadcast %shift_right_arithmetic3A_919 : i32 to vector<16xi32>
    %shift_right_arithmetic3A_921 = arith.shrsi %get3A_908, %shift_right_arithmetic3A_920 : vector<16xi32>
    %and3A_922 = arith.constant 1 : i32
    %and3A_923 = vector.broadcast %and3A_922 : i32 to vector<16xi32>
    %and3A_924 = arith.andi %shift_right_arithmetic3A_921, %and3A_923 : vector<16xi32>
    %add3A_925 = arith.addi %add3A_918, %and3A_924 : vector<16xi32>
    %swap3A_926 = arith.constant 2 : i32
    %swap3A_927 = arith.index_cast %swap3A_926 : i32 to index
    %swap3A_928 = arith.constant 48 : index
    %swap3A_929 = tpu.vector_load %arg5[%swap3A_927, %swap3A_928] {strides = array<i32>} : memref<8x128xi32, #tpu.memory_space<vmem>>, vector<16xi32>,
    tpu.vector_store %arg5[%swap3A_927, %swap3A_928], %add3A_925 {strides = array<i32>} : memref<8x128xi32, #tpu.memory_space<vmem>>, vector<16xi32>,
    %get3A_930 = arith.constant 2 : i32
    %get3A_931 = arith.index_cast %get3A_930 : i32 to index
    %get3A_932 = arith.constant 64 : index
    %get3A_933 = tpu.vector_load %arg5[%get3A_931, %get3A_932] {strides = array<i32>} : memref<8x128xi32, #tpu.memory_space<vmem>>, vector<16xi32>,
    %and3A_934 = arith.constant -2048 : i32
    %and3A_935 = vector.broadcast %and3A_934 : i32 to vector<16xi32>
    %and3A_936 = arith.andi %get3A_933, %and3A_935 : vector<16xi32>
    %and3A_937 = arith.constant 1023 : i32
    %and3A_938 = vector.broadcast %and3A_937 : i32 to vector<16xi32>
    %and3A_939 = arith.andi %get3A_933, %and3A_938 : vector<16xi32>
    %shift_left3A_940 = arith.constant 1 : i32
    %shift_left3A_941 = vector.broadcast %shift_left3A_940 : i32 to vector<16xi32>
    %shift_left3A_942 = arith.shli %and3A_939, %shift_left3A_941 : vector<16xi32>
    %add3A_943 = arith.addi %and3A_936, %shift_left3A_942 : vector<16xi32>
    %shift_right_arithmetic3A_944 = arith.constant 10 : i32
    %shift_right_arithmetic3A_945 = vector.broadcast %shift_right_arithmetic3A_944 : i32 to vector<16xi32>
    %shift_right_arithmetic3A_946 = arith.shrsi %get3A_933, %shift_right_arithmetic3A_945 : vector<16xi32>
    %and3A_947 = arith.constant 1 : i32
    %and3A_948 = vector.broadcast %and3A_947 : i32 to vector<16xi32>
    %and3A_949 = arith.andi %shift_right_arithmetic3A_946, %and3A_948 : vector<16xi32>
    %add3A_950 = arith.addi %add3A_943, %and3A_949 : vector<16xi32>
    %swap3A_951 = arith.constant 2 : i32
    %swap3A_952 = arith.index_cast %swap3A_951 : i32 to index
    %swap3A_953 = arith.constant 64 : index
    %swap3A_954 = tpu.vector_load %arg5[%swap3A_952, %swap3A_953] {strides = array<i32>} : memref<8x128xi32, #tpu.memory_space<vmem>>, vector<16xi32>,
    tpu.vector_store %arg5[%swap3A_952, %swap3A_953], %add3A_950 {strides = array<i32>} : memref<8x128xi32, #tpu.memory_space<vmem>>, vector<16xi32>,
    %get3A_955 = arith.constant 2 : i32
    %get3A_956 = arith.index_cast %get3A_955 : i32 to index
    %get3A_957 = arith.constant 80 : index
    %get3A_958 = tpu.vector_load %arg5[%get3A_956, %get3A_957] {strides = array<i32>} : memref<8x128xi32, #tpu.memory_space<vmem>>, vector<16xi32>,
    %and3A_959 = arith.constant -2048 : i32
    %and3A_960 = vector.broadcast %and3A_959 : i32 to vector<16xi32>
    %and3A_961 = arith.andi %get3A_958, %and3A_960 : vector<16xi32>
    %and3A_962 = arith.constant 1023 : i32
    %and3A_963 = vector.broadcast %and3A_962 : i32 to vector<16xi32>
    %and3A_964 = arith.andi %get3A_958, %and3A_963 : vector<16xi32>
    %shift_left3A_965 = arith.constant 1 : i32
    %shift_left3A_966 = vector.broadcast %shift_left3A_965 : i32 to vector<16xi32>
    %shift_left3A_967 = arith.shli %and3A_964, %shift_left3A_966 : vector<16xi32>
    %add3A_968 = arith.addi %and3A_961, %shift_left3A_967 : vector<16xi32>
    %shift_right_arithmetic3A_969 = arith.constant 10 : i32
    %shift_right_arithmetic3A_970 = vector.broadcast %shift_right_arithmetic3A_969 : i32 to vector<16xi32>
    %shift_right_arithmetic3A_971 = arith.shrsi %get3A_958, %shift_right_arithmetic3A_970 : vector<16xi32>
    %and3A_972 = arith.constant 1 : i32
    %and3A_973 = vector.broadcast %and3A_972 : i32 to vector<16xi32>
    %and3A_974 = arith.andi %shift_right_arithmetic3A_971, %and3A_973 : vector<16xi32>
    %add3A_975 = arith.addi %add3A_968, %and3A_974 : vector<16xi32>
    %swap3A_976 = arith.constant 2 : i32
    %swap3A_977 = arith.index_cast %swap3A_976 : i32 to index
    %swap3A_978 = arith.constant 80 : index
    %swap3A_979 = tpu.vector_load %arg5[%swap3A_977, %swap3A_978] {strides = array<i32>} : memref<8x128xi32, #tpu.memory_space<vmem>>, vector<16xi32>,
    tpu.vector_store %arg5[%swap3A_977, %swap3A_978], %add3A_975 {strides = array<i32>} : memref<8x128xi32, #tpu.memory_space<vmem>>, vector<16xi32>,
    %get3A_980 = arith.constant 2 : i32
    %get3A_981 = arith.index_cast %get3A_980 : i32 to index
    %get3A_982 = arith.constant 96 : index
    %get3A_983 = tpu.vector_load %arg5[%get3A_981, %get3A_982] {strides = array<i32>} : memref<8x128xi32, #tpu.memory_space<vmem>>, vector<16xi32>,
    %and3A_984 = arith.constant -2048 : i32
    %and3A_985 = vector.broadcast %and3A_984 : i32 to vector<16xi32>
    %and3A_986 = arith.andi %get3A_983, %and3A_985 : vector<16xi32>
    %and3A_987 = arith.constant 1023 : i32
    %and3A_988 = vector.broadcast %and3A_987 : i32 to vector<16xi32>
    %and3A_989 = arith.andi %get3A_983, %and3A_988 : vector<16xi32>
    %shift_left3A_990 = arith.constant 1 : i32
    %shift_left3A_991 = vector.broadcast %shift_left3A_990 : i32 to vector<16xi32>
    %shift_left3A_992 = arith.shli %and3A_989, %shift_left3A_991 : vector<16xi32>
    %add3A_993 = arith.addi %and3A_986, %shift_left3A_992 : vector<16xi32>
    %shift_right_arithmetic3A_994 = arith.constant 10 : i32
    %shift_right_arithmetic3A_995 = vector.broadcast %shift_right_arithmetic3A_994 : i32 to vector<16xi32>
    %shift_right_arithmetic3A_996 = arith.shrsi %get3A_983, %shift_right_arithmetic3A_995 : vector<16xi32>
    %and3A_997 = arith.constant 1 : i32
    %and3A_998 = vector.broadcast %and3A_997 : i32 to vector<16xi32>
    %and3A_999 = arith.andi %shift_right_arithmetic3A_996, %and3A_998 : vector<16xi32>
    %add3A_1000 = arith.addi %add3A_993, %and3A_999 : vector<16xi32>
    %swap3A_1001 = arith.constant 2 : i32
    %swap3A_1002 = arith.index_cast %swap3A_1001 : i32 to index
    %swap3A_1003 = arith.constant 96 : index
    %swap3A_1004 = tpu.vector_load %arg5[%swap3A_1002, %swap3A_1003] {strides = array<i32>} : memref<8x128xi32, #tpu.memory_space<vmem>>, vector<16xi32>,
    tpu.vector_store %arg5[%swap3A_1002, %swap3A_1003], %add3A_1000 {strides = array<i32>} : memref<8x128xi32, #tpu.memory_space<vmem>>, vector<16xi32>,
    %get3A_1005 = arith.constant 2 : i32
    %get3A_1006 = arith.index_cast %get3A_1005 : i32 to index
    %get3A_1007 = arith.constant 112 : index
    %get3A_1008 = tpu.vector_load %arg5[%get3A_1006, %get3A_1007] {strides = array<i32>} : memref<8x128xi32, #tpu.memory_space<vmem>>, vector<16xi32>,
    %and3A_1009 = arith.constant -2048 : i32
    %and3A_1010 = vector.broadcast %and3A_1009 : i32 to vector<16xi32>
    %and3A_1011 = arith.andi %get3A_1008, %and3A_1010 : vector<16xi32>
    %and3A_1012 = arith.constant 1023 : i32
    %and3A_1013 = vector.broadcast %and3A_1012 : i32 to vector<16xi32>
    %and3A_1014 = arith.andi %get3A_1008, %and3A_1013 : vector<16xi32>
    %shift_left3A_1015 = arith.constant 1 : i32
    %shift_left3A_1016 = vector.broadcast %shift_left3A_1015 : i32 to vector<16xi32>
    %shift_left3A_1017 = arith.shli %and3A_1014, %shift_left3A_1016 : vector<16xi32>
    %add3A_1018 = arith.addi %and3A_1011, %shift_left3A_1017 : vector<16xi32>
    %shift_right_arithmetic3A_1019 = arith.constant 10 : i32
    %shift_right_arithmetic3A_1020 = vector.broadcast %shift_right_arithmetic3A_1019 : i32 to vector<16xi32>
    %shift_right_arithmetic3A_1021 = arith.shrsi %get3A_1008, %shift_right_arithmetic3A_1020 : vector<16xi32>
    %and3A_1022 = arith.constant 1 : i32
    %and3A_1023 = vector.broadcast %and3A_1022 : i32 to vector<16xi32>
    %and3A_1024 = arith.andi %shift_right_arithmetic3A_1021, %and3A_1023 : vector<16xi32>
    %add3A_1025 = arith.addi %add3A_1018, %and3A_1024 : vector<16xi32>
    %swap3A_1026 = arith.constant 2 : i32
    %swap3A_1027 = arith.index_cast %swap3A_1026 : i32 to index
    %swap3A_1028 = arith.constant 112 : index
    %swap3A_1029 = tpu.vector_load %arg5[%swap3A_1027, %swap3A_1028] {strides = array<i32>} : memref<8x128xi32, #tpu.memory_space<vmem>>, vector<16xi32>,
    tpu.vector_store %arg5[%swap3A_1027, %swap3A_1028], %add3A_1025 {strides = array<i32>} : memref<8x128xi32, #tpu.memory_space<vmem>>, vector<16xi32>,
    %dma_start3A_1030 = arith.constant 2 : i32
    %dma_start3A_1031 = arith.constant 2 : i32
    %dma_start3A_1032 = arith.constant 2 : i32
    %dma_start3A_1033 = arith.constant 0 : i32
    %dma_start3A_1034 = arith.constant 0 : i32
    %dma_start3A_1035 = tpu.memref_slice %arg6[%dma_start3A_1031, %dma_start3A_1033, %dma_start3A_1034] : memref<8x128x64xf32, #tpu.memory_space<vmem>> -> memref<1x128x64xf32, #tpu.memory_space<vmem>>
    %dma_start3A_1036 = tpu.memref_squeeze %dma_start3A_1035 : memref<1x128x64xf32, #tpu.memory_space<vmem>> -> memref<128x64xf32, #tpu.memory_space<vmem>>
    %dma_start3A_1037 = arith.constant 0 : i32
    %dma_start3A_1038 = tpu.memref_slice %arg5[%dma_start3A_1030, %dma_start3A_1037] : memref<8x128xi32, #tpu.memory_space<vmem>> -> memref<1x128xi32, #tpu.memory_space<vmem>>
    %dma_start3A_1039 = tpu.memref_squeeze %dma_start3A_1038 : memref<1x128xi32, #tpu.memory_space<vmem>> -> memref<128xi32, #tpu.memory_space<vmem>>
    %dma_start3A_1040 = arith.constant 0 : i32
    %dma_start3A_1041 = arith.constant 0 : i32
    %dma_start3A_1042 = tpu.memref_slice %arg3[%dma_start3A_1040, %dma_start3A_1041] : memref<1001472x64xf32, #tpu.memory_space<hbm>> -> memref<1001472x64xf32, #tpu.memory_space<hbm>>
    %dma_start3A_1043 = tpu.memref_slice %arg8[%dma_start3A_1032] : memref<8x!tpu.dma_semaphore, #tpu.memory_space<semaphore_mem>> -> memref<1x!tpu.dma_semaphore, #tpu.memory_space<semaphore_mem>>
    %dma_start3A_1044 = tpu.memref_squeeze %dma_start3A_1043 : memref<1x!tpu.dma_semaphore, #tpu.memory_space<semaphore_mem>> -> memref<!tpu.dma_semaphore, #tpu.memory_space<semaphore_mem>>
    tpu.enqueue_indirect_dma source(%dma_start3A_1042 : memref<1001472x64xf32, #tpu.memory_space<hbm>>) target(%dma_start3A_1036 : memref<128x64xf32, #tpu.memory_space<vmem>>) offsets(%dma_start3A_1039 : memref<128xi32, #tpu.memory_space<vmem>>) semaphore(%dma_start3A_1044 : memref<!tpu.dma_semaphore, #tpu.memory_space<semaphore_mem>>)
    %dma_wait3A_1045 = arith.constant 0 : i32
    %dma_wait3A_1046 = arith.constant 3 : i32
    %dma_wait3A_1047 = arith.constant 3 : i32
    %dma_wait3A_1048 = arith.constant 0 : i32
    %dma_wait3A_1049 = tpu.memref_slice %arg5[%dma_wait3A_1046, %dma_wait3A_1048] : memref<8x128xi32, #tpu.memory_space<vmem>> -> memref<1x128xi32, #tpu.memory_space<vmem>>
    %dma_wait3A_1050 = tpu.memref_squeeze %dma_wait3A_1049 : memref<1x128xi32, #tpu.memory_space<vmem>> -> memref<128xi32, #tpu.memory_space<vmem>>
    %dma_wait3A_1051 = arith.constant 0 : i32
    %dma_wait3A_1052 = tpu.memref_slice %arg2[%dma_wait3A_1045, %dma_wait3A_1051] : memref<200x4096xi32, #tpu.memory_space<hbm>> -> memref<1x128xi32, #tpu.memory_space<hbm>>
    %dma_wait3A_1053 = tpu.memref_squeeze %dma_wait3A_1052 : memref<1x128xi32, #tpu.memory_space<hbm>> -> memref<128xi32, #tpu.memory_space<hbm>>
    %dma_wait3A_1054 = tpu.memref_slice %arg7[%dma_wait3A_1047] : memref<8x!tpu.dma_semaphore, #tpu.memory_space<semaphore_mem>> -> memref<1x!tpu.dma_semaphore, #tpu.memory_space<semaphore_mem>>
    %dma_wait3A_1055 = tpu.memref_squeeze %dma_wait3A_1054 : memref<1x!tpu.dma_semaphore, #tpu.memory_space<semaphore_mem>> -> memref<!tpu.dma_semaphore, #tpu.memory_space<semaphore_mem>>
    %dma_wait3A_1056 = arith.constant 0 : i32
    %dma_wait3A_1057 = tpu.memref_slice %arg5[%dma_wait3A_1046, %dma_wait3A_1056] : memref<8x128xi32, #tpu.memory_space<vmem>> -> memref<1x128xi32, #tpu.memory_space<vmem>>
    %dma_wait3A_1058 = tpu.memref_squeeze %dma_wait3A_1057 : memref<1x128xi32, #tpu.memory_space<vmem>> -> memref<128xi32, #tpu.memory_space<vmem>>
    %dma_wait3A_1059 = arith.constant 0 : i32
    %dma_wait3A_1060 = tpu.memref_slice %arg2[%dma_wait3A_1045, %dma_wait3A_1059] : memref<200x4096xi32, #tpu.memory_space<hbm>> -> memref<1x128xi32, #tpu.memory_space<hbm>>
    %dma_wait3A_1061 = tpu.memref_squeeze %dma_wait3A_1060 : memref<1x128xi32, #tpu.memory_space<hbm>> -> memref<128xi32, #tpu.memory_space<hbm>>
    tpu.wait_dma2 semaphore(%dma_wait3A_1055 : memref<!tpu.dma_semaphore, #tpu.memory_space<semaphore_mem>>) src(%dma_wait3A_1061 : memref<128xi32, #tpu.memory_space<hbm>>) dst(%dma_wait3A_1058 : memref<128xi32, #tpu.memory_space<vmem>>)
    %get3A_1062 = arith.constant 3 : i32
    %get3A_1063 = arith.index_cast %get3A_1062 : i32 to index
    %get3A_1064 = arith.constant 0 : index
    %get3A_1065 = tpu.vector_load %arg5[%get3A_1063, %get3A_1064] {strides = array<i32>} : memref<8x128xi32, #tpu.memory_space<vmem>>, vector<16xi32>,
    %and3A_1066 = arith.constant -2048 : i32
    %and3A_1067 = vector.broadcast %and3A_1066 : i32 to vector<16xi32>
    %and3A_1068 = arith.andi %get3A_1065, %and3A_1067 : vector<16xi32>
    %and3A_1069 = arith.constant 1023 : i32
    %and3A_1070 = vector.broadcast %and3A_1069 : i32 to vector<16xi32>
    %and3A_1071 = arith.andi %get3A_1065, %and3A_1070 : vector<16xi32>
    %shift_left3A_1072 = arith.constant 1 : i32
    %shift_left3A_1073 = vector.broadcast %shift_left3A_1072 : i32 to vector<16xi32>
    %shift_left3A_1074 = arith.shli %and3A_1071, %shift_left3A_1073 : vector<16xi32>
    %add3A_1075 = arith.addi %and3A_1068, %shift_left3A_1074 : vector<16xi32>
    %shift_right_arithmetic3A_1076 = arith.constant 10 : i32
    %shift_right_arithmetic3A_1077 = vector.broadcast %shift_right_arithmetic3A_1076 : i32 to vector<16xi32>
    %shift_right_arithmetic3A_1078 = arith.shrsi %get3A_1065, %shift_right_arithmetic3A_1077 : vector<16xi32>
    %and3A_1079 = arith.constant 1 : i32
    %and3A_1080 = vector.broadcast %and3A_1079 : i32 to vector<16xi32>
    %and3A_1081 = arith.andi %shift_right_arithmetic3A_1078, %and3A_1080 : vector<16xi32>
    %add3A_1082 = arith.addi %add3A_1075, %and3A_1081 : vector<16xi32>
    %swap3A_1083 = arith.constant 3 : i32
    %swap3A_1084 = arith.index_cast %swap3A_1083 : i32 to index
    %swap3A_1085 = arith.constant 0 : index
    %swap3A_1086 = tpu.vector_load %arg5[%swap3A_1084, %swap3A_1085] {strides = array<i32>} : memref<8x128xi32, #tpu.memory_space<vmem>>, vector<16xi32>,
    tpu.vector_store %arg5[%swap3A_1084, %swap3A_1085], %add3A_1082 {strides = array<i32>} : memref<8x128xi32, #tpu.memory_space<vmem>>, vector<16xi32>,
    %get3A_1087 = arith.constant 3 : i32
    %get3A_1088 = arith.index_cast %get3A_1087 : i32 to index
    %get3A_1089 = arith.constant 16 : index
    %get3A_1090 = tpu.vector_load %arg5[%get3A_1088, %get3A_1089] {strides = array<i32>} : memref<8x128xi32, #tpu.memory_space<vmem>>, vector<16xi32>,
    %and3A_1091 = arith.constant -2048 : i32
    %and3A_1092 = vector.broadcast %and3A_1091 : i32 to vector<16xi32>
    %and3A_1093 = arith.andi %get3A_1090, %and3A_1092 : vector<16xi32>
    %and3A_1094 = arith.constant 1023 : i32
    %and3A_1095 = vector.broadcast %and3A_1094 : i32 to vector<16xi32>
    %and3A_1096 = arith.andi %get3A_1090, %and3A_1095 : vector<16xi32>
    %shift_left3A_1097 = arith.constant 1 : i32
    %shift_left3A_1098 = vector.broadcast %shift_left3A_1097 : i32 to vector<16xi32>
    %shift_left3A_1099 = arith.shli %and3A_1096, %shift_left3A_1098 : vector<16xi32>
    %add3A_1100 = arith.addi %and3A_1093, %shift_left3A_1099 : vector<16xi32>
    %shift_right_arithmetic3A_1101 = arith.constant 10 : i32
    %shift_right_arithmetic3A_1102 = vector.broadcast %shift_right_arithmetic3A_1101 : i32 to vector<16xi32>
    %shift_right_arithmetic3A_1103 = arith.shrsi %get3A_1090, %shift_right_arithmetic3A_1102 : vector<16xi32>
    %and3A_1104 = arith.constant 1 : i32
    %and3A_1105 = vector.broadcast %and3A_1104 : i32 to vector<16xi32>
    %and3A_1106 = arith.andi %shift_right_arithmetic3A_1103, %and3A_1105 : vector<16xi32>
    %add3A_1107 = arith.addi %add3A_1100, %and3A_1106 : vector<16xi32>
    %swap3A_1108 = arith.constant 3 : i32
    %swap3A_1109 = arith.index_cast %swap3A_1108 : i32 to index
    %swap3A_1110 = arith.constant 16 : index
    %swap3A_1111 = tpu.vector_load %arg5[%swap3A_1109, %swap3A_1110] {strides = array<i32>} : memref<8x128xi32, #tpu.memory_space<vmem>>, vector<16xi32>,
    tpu.vector_store %arg5[%swap3A_1109, %swap3A_1110], %add3A_1107 {strides = array<i32>} : memref<8x128xi32, #tpu.memory_space<vmem>>, vector<16xi32>,
    %get3A_1112 = arith.constant 3 : i32
    %get3A_1113 = arith.index_cast %get3A_1112 : i32 to index
    %get3A_1114 = arith.constant 32 : index
    %get3A_1115 = tpu.vector_load %arg5[%get3A_1113, %get3A_1114] {strides = array<i32>} : memref<8x128xi32, #tpu.memory_space<vmem>>, vector<16xi32>,
    %and3A_1116 = arith.constant -2048 : i32
    %and3A_1117 = vector.broadcast %and3A_1116 : i32 to vector<16xi32>
    %and3A_1118 = arith.andi %get3A_1115, %and3A_1117 : vector<16xi32>
    %and3A_1119 = arith.constant 1023 : i32
    %and3A_1120 = vector.broadcast %and3A_1119 : i32 to vector<16xi32>
    %and3A_1121 = arith.andi %get3A_1115, %and3A_1120 : vector<16xi32>
    %shift_left3A_1122 = arith.constant 1 : i32
    %shift_left3A_1123 = vector.broadcast %shift_left3A_1122 : i32 to vector<16xi32>
    %shift_left3A_1124 = arith.shli %and3A_1121, %shift_left3A_1123 : vector<16xi32>
    %add3A_1125 = arith.addi %and3A_1118, %shift_left3A_1124 : vector<16xi32>
    %shift_right_arithmetic3A_1126 = arith.constant 10 : i32
    %shift_right_arithmetic3A_1127 = vector.broadcast %shift_right_arithmetic3A_1126 : i32 to vector<16xi32>
    %shift_right_arithmetic3A_1128 = arith.shrsi %get3A_1115, %shift_right_arithmetic3A_1127 : vector<16xi32>
    %and3A_1129 = arith.constant 1 : i32
    %and3A_1130 = vector.broadcast %and3A_1129 : i32 to vector<16xi32>
    %and3A_1131 = arith.andi %shift_right_arithmetic3A_1128, %and3A_1130 : vector<16xi32>
    %add3A_1132 = arith.addi %add3A_1125, %and3A_1131 : vector<16xi32>
    %swap3A_1133 = arith.constant 3 : i32
    %swap3A_1134 = arith.index_cast %swap3A_1133 : i32 to index
    %swap3A_1135 = arith.constant 32 : index
    %swap3A_1136 = tpu.vector_load %arg5[%swap3A_1134, %swap3A_1135] {strides = array<i32>} : memref<8x128xi32, #tpu.memory_space<vmem>>, vector<16xi32>,
    tpu.vector_store %arg5[%swap3A_1134, %swap3A_1135], %add3A_1132 {strides = array<i32>} : memref<8x128xi32, #tpu.memory_space<vmem>>, vector<16xi32>,
    %get3A_1137 = arith.constant 3 : i32
    %get3A_1138 = arith.index_cast %get3A_1137 : i32 to index
    %get3A_1139 = arith.constant 48 : index
    %get3A_1140 = tpu.vector_load %arg5[%get3A_1138, %get3A_1139] {strides = array<i32>} : memref<8x128xi32, #tpu.memory_space<vmem>>, vector<16xi32>,
    %and3A_1141 = arith.constant -2048 : i32
    %and3A_1142 = vector.broadcast %and3A_1141 : i32 to vector<16xi32>
    %and3A_1143 = arith.andi %get3A_1140, %and3A_1142 : vector<16xi32>
    %and3A_1144 = arith.constant 1023 : i32
    %and3A_1145 = vector.broadcast %and3A_1144 : i32 to vector<16xi32>
    %and3A_1146 = arith.andi %get3A_1140, %and3A_1145 : vector<16xi32>
    %shift_left3A_1147 = arith.constant 1 : i32
    %shift_left3A_1148 = vector.broadcast %shift_left3A_1147 : i32 to vector<16xi32>
    %shift_left3A_1149 = arith.shli %and3A_1146, %shift_left3A_1148 : vector<16xi32>
    %add3A_1150 = arith.addi %and3A_1143, %shift_left3A_1149 : vector<16xi32>
    %shift_right_arithmetic3A_1151 = arith.constant 10 : i32
    %shift_right_arithmetic3A_1152 = vector.broadcast %shift_right_arithmetic3A_1151 : i32 to vector<16xi32>
    %shift_right_arithmetic3A_1153 = arith.shrsi %get3A_1140, %shift_right_arithmetic3A_1152 : vector<16xi32>
    %and3A_1154 = arith.constant 1 : i32
    %and3A_1155 = vector.broadcast %and3A_1154 : i32 to vector<16xi32>
    %and3A_1156 = arith.andi %shift_right_arithmetic3A_1153, %and3A_1155 : vector<16xi32>
    %add3A_1157 = arith.addi %add3A_1150, %and3A_1156 : vector<16xi32>
    %swap3A_1158 = arith.constant 3 : i32
    %swap3A_1159 = arith.index_cast %swap3A_1158 : i32 to index
    %swap3A_1160 = arith.constant 48 : index
    %swap3A_1161 = tpu.vector_load %arg5[%swap3A_1159, %swap3A_1160] {strides = array<i32>} : memref<8x128xi32, #tpu.memory_space<vmem>>, vector<16xi32>,
    tpu.vector_store %arg5[%swap3A_1159, %swap3A_1160], %add3A_1157 {strides = array<i32>} : memref<8x128xi32, #tpu.memory_space<vmem>>, vector<16xi32>,
    %get3A_1162 = arith.constant 3 : i32
    %get3A_1163 = arith.index_cast %get3A_1162 : i32 to index
    %get3A_1164 = arith.constant 64 : index
    %get3A_1165 = tpu.vector_load %arg5[%get3A_1163, %get3A_1164] {strides = array<i32>} : memref<8x128xi32, #tpu.memory_space<vmem>>, vector<16xi32>,
    %and3A_1166 = arith.constant -2048 : i32
    %and3A_1167 = vector.broadcast %and3A_1166 : i32 to vector<16xi32>
    %and3A_1168 = arith.andi %get3A_1165, %and3A_1167 : vector<16xi32>
    %and3A_1169 = arith.constant 1023 : i32
    %and3A_1170 = vector.broadcast %and3A_1169 : i32 to vector<16xi32>
    %and3A_1171 = arith.andi %get3A_1165, %and3A_1170 : vector<16xi32>
    %shift_left3A_1172 = arith.constant 1 : i32
    %shift_left3A_1173 = vector.broadcast %shift_left3A_1172 : i32 to vector<16xi32>
    %shift_left3A_1174 = arith.shli %and3A_1171, %shift_left3A_1173 : vector<16xi32>
    %add3A_1175 = arith.addi %and3A_1168, %shift_left3A_1174 : vector<16xi32>
    %shift_right_arithmetic3A_1176 = arith.constant 10 : i32
    %shift_right_arithmetic3A_1177 = vector.broadcast %shift_right_arithmetic3A_1176 : i32 to vector<16xi32>
    %shift_right_arithmetic3A_1178 = arith.shrsi %get3A_1165, %shift_right_arithmetic3A_1177 : vector<16xi32>
    %and3A_1179 = arith.constant 1 : i32
    %and3A_1180 = vector.broadcast %and3A_1179 : i32 to vector<16xi32>
    %and3A_1181 = arith.andi %shift_right_arithmetic3A_1178, %and3A_1180 : vector<16xi32>
    %add3A_1182 = arith.addi %add3A_1175, %and3A_1181 : vector<16xi32>
    %swap3A_1183 = arith.constant 3 : i32
    %swap3A_1184 = arith.index_cast %swap3A_1183 : i32 to index
    %swap3A_1185 = arith.constant 64 : index
    %swap3A_1186 = tpu.vector_load %arg5[%swap3A_1184, %swap3A_1185] {strides = array<i32>} : memref<8x128xi32, #tpu.memory_space<vmem>>, vector<16xi32>,
    tpu.vector_store %arg5[%swap3A_1184, %swap3A_1185], %add3A_1182 {strides = array<i32>} : memref<8x128xi32, #tpu.memory_space<vmem>>, vector<16xi32>,
    %get3A_1187 = arith.constant 3 : i32
    %get3A_1188 = arith.index_cast %get3A_1187 : i32 to index
    %get3A_1189 = arith.constant 80 : index
    %get3A_1190 = tpu.vector_load %arg5[%get3A_1188, %get3A_1189] {strides = array<i32>} : memref<8x128xi32, #tpu.memory_space<vmem>>, vector<16xi32>,
    %and3A_1191 = arith.constant -2048 : i32
    %and3A_1192 = vector.broadcast %and3A_1191 : i32 to vector<16xi32>
    %and3A_1193 = arith.andi %get3A_1190, %and3A_1192 : vector<16xi32>
    %and3A_1194 = arith.constant 1023 : i32
    %and3A_1195 = vector.broadcast %and3A_1194 : i32 to vector<16xi32>
    %and3A_1196 = arith.andi %get3A_1190, %and3A_1195 : vector<16xi32>
    %shift_left3A_1197 = arith.constant 1 : i32
    %shift_left3A_1198 = vector.broadcast %shift_left3A_1197 : i32 to vector<16xi32>
    %shift_left3A_1199 = arith.shli %and3A_1196, %shift_left3A_1198 : vector<16xi32>
    %add3A_1200 = arith.addi %and3A_1193, %shift_left3A_1199 : vector<16xi32>
    %shift_right_arithmetic3A_1201 = arith.constant 10 : i32
    %shift_right_arithmetic3A_1202 = vector.broadcast %shift_right_arithmetic3A_1201 : i32 to vector<16xi32>
    %shift_right_arithmetic3A_1203 = arith.shrsi %get3A_1190, %shift_right_arithmetic3A_1202 : vector<16xi32>
    %and3A_1204 = arith.constant 1 : i32
    %and3A_1205 = vector.broadcast %and3A_1204 : i32 to vector<16xi32>
    %and3A_1206 = arith.andi %shift_right_arithmetic3A_1203, %and3A_1205 : vector<16xi32>
    %add3A_1207 = arith.addi %add3A_1200, %and3A_1206 : vector<16xi32>
    %swap3A_1208 = arith.constant 3 : i32
    %swap3A_1209 = arith.index_cast %swap3A_1208 : i32 to index
    %swap3A_1210 = arith.constant 80 : index
    %swap3A_1211 = tpu.vector_load %arg5[%swap3A_1209, %swap3A_1210] {strides = array<i32>} : memref<8x128xi32, #tpu.memory_space<vmem>>, vector<16xi32>,
    tpu.vector_store %arg5[%swap3A_1209, %swap3A_1210], %add3A_1207 {strides = array<i32>} : memref<8x128xi32, #tpu.memory_space<vmem>>, vector<16xi32>,
    %get3A_1212 = arith.constant 3 : i32
    %get3A_1213 = arith.index_cast %get3A_1212 : i32 to index
    %get3A_1214 = arith.constant 96 : index
    %get3A_1215 = tpu.vector_load %arg5[%get3A_1213, %get3A_1214] {strides = array<i32>} : memref<8x128xi32, #tpu.memory_space<vmem>>, vector<16xi32>,
    %and3A_1216 = arith.constant -2048 : i32
    %and3A_1217 = vector.broadcast %and3A_1216 : i32 to vector<16xi32>
    %and3A_1218 = arith.andi %get3A_1215, %and3A_1217 : vector<16xi32>
    %and3A_1219 = arith.constant 1023 : i32
    %and3A_1220 = vector.broadcast %and3A_1219 : i32 to vector<16xi32>
    %and3A_1221 = arith.andi %get3A_1215, %and3A_1220 : vector<16xi32>
    %shift_left3A_1222 = arith.constant 1 : i32
    %shift_left3A_1223 = vector.broadcast %shift_left3A_1222 : i32 to vector<16xi32>
    %shift_left3A_1224 = arith.shli %and3A_1221, %shift_left3A_1223 : vector<16xi32>
    %add3A_1225 = arith.addi %and3A_1218, %shift_left3A_1224 : vector<16xi32>
    %shift_right_arithmetic3A_1226 = arith.constant 10 : i32
    %shift_right_arithmetic3A_1227 = vector.broadcast %shift_right_arithmetic3A_1226 : i32 to vector<16xi32>
    %shift_right_arithmetic3A_1228 = arith.shrsi %get3A_1215, %shift_right_arithmetic3A_1227 : vector<16xi32>
    %and3A_1229 = arith.constant 1 : i32
    %and3A_1230 = vector.broadcast %and3A_1229 : i32 to vector<16xi32>
    %and3A_1231 = arith.andi %shift_right_arithmetic3A_1228, %and3A_1230 : vector<16xi32>
    %add3A_1232 = arith.addi %add3A_1225, %and3A_1231 : vector<16xi32>
    %swap3A_1233 = arith.constant 3 : i32
    %swap3A_1234 = arith.index_cast %swap3A_1233 : i32 to index
    %swap3A_1235 = arith.constant 96 : index
    %swap3A_1236 = tpu.vector_load %arg5[%swap3A_1234, %swap3A_1235] {strides = array<i32>} : memref<8x128xi32, #tpu.memory_space<vmem>>, vector<16xi32>,
    tpu.vector_store %arg5[%swap3A_1234, %swap3A_1235], %add3A_1232 {strides = array<i32>} : memref<8x128xi32, #tpu.memory_space<vmem>>, vector<16xi32>,
    %get3A_1237 = arith.constant 3 : i32
    %get3A_1238 = arith.index_cast %get3A_1237 : i32 to index
    %get3A_1239 = arith.constant 112 : index
    %get3A_1240 = tpu.vector_load %arg5[%get3A_1238, %get3A_1239] {strides = array<i32>} : memref<8x128xi32, #tpu.memory_space<vmem>>, vector<16xi32>,
    %and3A_1241 = arith.constant -2048 : i32
    %and3A_1242 = vector.broadcast %and3A_1241 : i32 to vector<16xi32>
    %and3A_1243 = arith.andi %get3A_1240, %and3A_1242 : vector<16xi32>
    %and3A_1244 = arith.constant 1023 : i32
    %and3A_1245 = vector.broadcast %and3A_1244 : i32 to vector<16xi32>
    %and3A_1246 = arith.andi %get3A_1240, %and3A_1245 : vector<16xi32>
    %shift_left3A_1247 = arith.constant 1 : i32
    %shift_left3A_1248 = vector.broadcast %shift_left3A_1247 : i32 to vector<16xi32>
    %shift_left3A_1249 = arith.shli %and3A_1246, %shift_left3A_1248 : vector<16xi32>
    %add3A_1250 = arith.addi %and3A_1243, %shift_left3A_1249 : vector<16xi32>
    %shift_right_arithmetic3A_1251 = arith.constant 10 : i32
    %shift_right_arithmetic3A_1252 = vector.broadcast %shift_right_arithmetic3A_1251 : i32 to vector<16xi32>
    %shift_right_arithmetic3A_1253 = arith.shrsi %get3A_1240, %shift_right_arithmetic3A_1252 : vector<16xi32>
    %and3A_1254 = arith.constant 1 : i32
    %and3A_1255 = vector.broadcast %and3A_1254 : i32 to vector<16xi32>
    %and3A_1256 = arith.andi %shift_right_arithmetic3A_1253, %and3A_1255 : vector<16xi32>
    %add3A_1257 = arith.addi %add3A_1250, %and3A_1256 : vector<16xi32>
    %swap3A_1258 = arith.constant 3 : i32
    %swap3A_1259 = arith.index_cast %swap3A_1258 : i32 to index
    %swap3A_1260 = arith.constant 112 : index
    %swap3A_1261 = tpu.vector_load %arg5[%swap3A_1259, %swap3A_1260] {strides = array<i32>} : memref<8x128xi32, #tpu.memory_space<vmem>>, vector<16xi32>,
    tpu.vector_store %arg5[%swap3A_1259, %swap3A_1260], %add3A_1257 {strides = array<i32>} : memref<8x128xi32, #tpu.memory_space<vmem>>, vector<16xi32>,
    %dma_start3A_1262 = arith.constant 3 : i32
    %dma_start3A_1263 = arith.constant 3 : i32
    %dma_start3A_1264 = arith.constant 3 : i32
    %dma_start3A_1265 = arith.constant 0 : i32
    %dma_start3A_1266 = arith.constant 0 : i32
    %dma_start3A_1267 = tpu.memref_slice %arg6[%dma_start3A_1263, %dma_start3A_1265, %dma_start3A_1266] : memref<8x128x64xf32, #tpu.memory_space<vmem>> -> memref<1x128x64xf32, #tpu.memory_space<vmem>>
    %dma_start3A_1268 = tpu.memref_squeeze %dma_start3A_1267 : memref<1x128x64xf32, #tpu.memory_space<vmem>> -> memref<128x64xf32, #tpu.memory_space<vmem>>
    %dma_start3A_1269 = arith.constant 0 : i32
    %dma_start3A_1270 = tpu.memref_slice %arg5[%dma_start3A_1262, %dma_start3A_1269] : memref<8x128xi32, #tpu.memory_space<vmem>> -> memref<1x128xi32, #tpu.memory_space<vmem>>
    %dma_start3A_1271 = tpu.memref_squeeze %dma_start3A_1270 : memref<1x128xi32, #tpu.memory_space<vmem>> -> memref<128xi32, #tpu.memory_space<vmem>>
    %dma_start3A_1272 = arith.constant 0 : i32
    %dma_start3A_1273 = arith.constant 0 : i32
    %dma_start3A_1274 = tpu.memref_slice %arg3[%dma_start3A_1272, %dma_start3A_1273] : memref<1001472x64xf32, #tpu.memory_space<hbm>> -> memref<1001472x64xf32, #tpu.memory_space<hbm>>
    %dma_start3A_1275 = tpu.memref_slice %arg8[%dma_start3A_1264] : memref<8x!tpu.dma_semaphore, #tpu.memory_space<semaphore_mem>> -> memref<1x!tpu.dma_semaphore, #tpu.memory_space<semaphore_mem>>
    %dma_start3A_1276 = tpu.memref_squeeze %dma_start3A_1275 : memref<1x!tpu.dma_semaphore, #tpu.memory_space<semaphore_mem>> -> memref<!tpu.dma_semaphore, #tpu.memory_space<semaphore_mem>>
    tpu.enqueue_indirect_dma source(%dma_start3A_1274 : memref<1001472x64xf32, #tpu.memory_space<hbm>>) target(%dma_start3A_1268 : memref<128x64xf32, #tpu.memory_space<vmem>>) offsets(%dma_start3A_1271 : memref<128xi32, #tpu.memory_space<vmem>>) semaphore(%dma_start3A_1276 : memref<!tpu.dma_semaphore, #tpu.memory_space<semaphore_mem>>)
    %scan3A = arith.constant 0 : i32
    %scan3A_1277 = arith.constant 0 : i32
    %scan3A_1278 = arith.constant 25 : i32
    %scan3A_1279 = arith.addi %scan3A_1277, %scan3A_1278 : i32
    %scan3A_1280 = arith.constant 1 : i32
    scf.for %scan3A_1426 = %scan3A_1277 to %scan3A_1279 step %scan3A_1280  : i32 {
      %mul3A_1427 = arith.constant 8 : i32
      %mul3A_1428 = arith.muli %scan3A_1426, %mul3A_1427 : i32
      %add3A_1429 = arith.constant 0 : i32
      %add3A_1430 = arith.addi %mul3A_1428, %add3A_1429 : i32
      %dma_wait3A_1431 = arith.constant 0 : i32
      %dma_wait3A_1432 = arith.constant 0 : i32
      %dma_wait3A_1433 = arith.constant 0 : i32
      %dma_wait3A_1434 = arith.constant 0 : i32
      %dma_wait3A_1435 = tpu.memref_slice %arg6[%dma_wait3A_1431, %dma_wait3A_1433, %dma_wait3A_1434] : memref<8x128x64xf32, #tpu.memory_space<vmem>> -> memref<1x128x64xf32, #tpu.memory_space<vmem>>
      %dma_wait3A_1436 = tpu.memref_squeeze %dma_wait3A_1435 : memref<1x128x64xf32, #tpu.memory_space<vmem>> -> memref<128x64xf32, #tpu.memory_space<vmem>>
      %dma_wait3A_1437 = arith.constant 0 : i32
      %dma_wait3A_1438 = arith.constant 0 : i32
      %dma_wait3A_1439 = tpu.memref_slice %arg3[%dma_wait3A_1437, %dma_wait3A_1438] : memref<1001472x64xf32, #tpu.memory_space<hbm>> -> memref<128x64xf32, #tpu.memory_space<hbm>>
      %dma_wait3A_1440 = tpu.memref_slice %arg8[%dma_wait3A_1432] : memref<8x!tpu.dma_semaphore, #tpu.memory_space<semaphore_mem>> -> memref<1x!tpu.dma_semaphore, #tpu.memory_space<semaphore_mem>>
      %dma_wait3A_1441 = tpu.memref_squeeze %dma_wait3A_1440 : memref<1x!tpu.dma_semaphore, #tpu.memory_space<semaphore_mem>> -> memref<!tpu.dma_semaphore, #tpu.memory_space<semaphore_mem>>
      %dma_wait3A_1442 = arith.constant 0 : i32
      %dma_wait3A_1443 = arith.constant 0 : i32
      %dma_wait3A_1444 = tpu.memref_slice %arg6[%dma_wait3A_1431, %dma_wait3A_1442, %dma_wait3A_1443] : memref<8x128x64xf32, #tpu.memory_space<vmem>> -> memref<1x128x64xf32, #tpu.memory_space<vmem>>
      %dma_wait3A_1445 = tpu.memref_squeeze %dma_wait3A_1444 : memref<1x128x64xf32, #tpu.memory_space<vmem>> -> memref<128x64xf32, #tpu.memory_space<vmem>>
      %dma_wait3A_1446 = arith.constant 0 : i32
      %dma_wait3A_1447 = arith.constant 0 : i32
      %dma_wait3A_1448 = tpu.memref_slice %arg3[%dma_wait3A_1446, %dma_wait3A_1447] : memref<1001472x64xf32, #tpu.memory_space<hbm>> -> memref<128x64xf32, #tpu.memory_space<hbm>>
      tpu.wait_dma2 semaphore(%dma_wait3A_1441 : memref<!tpu.dma_semaphore, #tpu.memory_space<semaphore_mem>>) src(%dma_wait3A_1448 : memref<128x64xf32, #tpu.memory_space<hbm>>) dst(%dma_wait3A_1445 : memref<128x64xf32, #tpu.memory_space<vmem>>)
      %add3A_1449 = arith.addi %mul3A_2, %add3A_1430 : i32
      %mul3A_1450 = arith.constant 128 : i32
      %mul3A_1451 = arith.muli %add3A_1449, %mul3A_1450 : i32
      %dma_start3A_1452 = arith.constant 0 : i32
      %dma_start3A_1453 = arith.constant 0 : i32
      %dma_start3A_1454 = arith.constant 0 : i32
      %dma_start3A_1455 = arith.constant 0 : i32
      %dma_start3A_1456 = tpu.memref_slice %arg6[%dma_start3A_1452, %dma_start3A_1454, %dma_start3A_1455] : memref<8x128x64xf32, #tpu.memory_space<vmem>> -> memref<1x128x64xf32, #tpu.memory_space<vmem>>
      %dma_start3A_1457 = tpu.memref_squeeze %dma_start3A_1456 : memref<1x128x64xf32, #tpu.memory_space<vmem>> -> memref<128x64xf32, #tpu.memory_space<vmem>>
      %dma_start3A_1458 = arith.constant 0 : i32
      %dma_start3A_1459 = tpu.memref_slice %arg4[%mul3A_1451, %dma_start3A_1458] : memref<819200x64xf32, #tpu.memory_space<hbm>> -> memref<128x64xf32, #tpu.memory_space<hbm>>
      %dma_start3A_1460 = tpu.memref_slice %arg9[%dma_start3A_1453] : memref<8x!tpu.dma_semaphore, #tpu.memory_space<semaphore_mem>> -> memref<1x!tpu.dma_semaphore, #tpu.memory_space<semaphore_mem>>
      %dma_start3A_1461 = tpu.memref_squeeze %dma_start3A_1460 : memref<1x!tpu.dma_semaphore, #tpu.memory_space<semaphore_mem>> -> memref<!tpu.dma_semaphore, #tpu.memory_space<semaphore_mem>>
      %dma_start3A_1462 = arith.constant 0 : i32
      %dma_start3A_1463 = tpu.memref_slice %arg4[%mul3A_1451, %dma_start3A_1462] : memref<819200x64xf32, #tpu.memory_space<hbm>> -> memref<128x64xf32, #tpu.memory_space<hbm>>
      %dma_start3A_1464 = arith.constant 0 : i32
      %dma_start3A_1465 = arith.constant 0 : i32
      %dma_start3A_1466 = tpu.memref_slice %arg6[%dma_start3A_1452, %dma_start3A_1464, %dma_start3A_1465] : memref<8x128x64xf32, #tpu.memory_space<vmem>> -> memref<1x128x64xf32, #tpu.memory_space<vmem>>
      %dma_start3A_1467 = tpu.memref_squeeze %dma_start3A_1466 : memref<1x128x64xf32, #tpu.memory_space<vmem>> -> memref<128x64xf32, #tpu.memory_space<vmem>>
      tpu.enqueue_dma source(%dma_start3A_1467 : memref<128x64xf32, #tpu.memory_space<vmem>>) target(%dma_start3A_1463 : memref<128x64xf32, #tpu.memory_space<hbm>>) target_semaphore(%dma_start3A_1461 : memref<!tpu.dma_semaphore, #tpu.memory_space<semaphore_mem>>)
      %add3A_1468 = arith.constant 4 : i32
      %add3A_1469 = arith.addi %add3A_1430, %add3A_1468 : i32
      %lt3A = arith.constant 200 : i32
      %lt3A_1470 = arith.cmpi slt, %add3A_1469, %lt3A : i32
      %convert_element_type3A = arith.extui %lt3A_1470 : i1 to i32
      %cond3A = arith.constant 0 : i32
      %cond3A_1471 = arith.cmpi ne, %convert_element_type3A, %cond3A : i32
      scf.if %cond3A_1471 {
        %dma_wait3A_1808 = arith.constant 0 : i32
        %dma_wait3A_1809 = arith.constant 4 : i32
        %dma_wait3A_1810 = arith.constant 4 : i32
        %dma_wait3A_1811 = arith.constant 0 : i32
        %dma_wait3A_1812 = tpu.memref_slice %arg5[%dma_wait3A_1809, %dma_wait3A_1811] : memref<8x128xi32, #tpu.memory_space<vmem>> -> memref<1x128xi32, #tpu.memory_space<vmem>>
        %dma_wait3A_1813 = tpu.memref_squeeze %dma_wait3A_1812 : memref<1x128xi32, #tpu.memory_space<vmem>> -> memref<128xi32, #tpu.memory_space<vmem>>
        %dma_wait3A_1814 = arith.constant 0 : i32
        %dma_wait3A_1815 = tpu.memref_slice %arg2[%dma_wait3A_1808, %dma_wait3A_1814] : memref<200x4096xi32, #tpu.memory_space<hbm>> -> memref<1x128xi32, #tpu.memory_space<hbm>>
        %dma_wait3A_1816 = tpu.memref_squeeze %dma_wait3A_1815 : memref<1x128xi32, #tpu.memory_space<hbm>> -> memref<128xi32, #tpu.memory_space<hbm>>
        %dma_wait3A_1817 = tpu.memref_slice %arg7[%dma_wait3A_1810] : memref<8x!tpu.dma_semaphore, #tpu.memory_space<semaphore_mem>> -> memref<1x!tpu.dma_semaphore, #tpu.memory_space<semaphore_mem>>
        %dma_wait3A_1818 = tpu.memref_squeeze %dma_wait3A_1817 : memref<1x!tpu.dma_semaphore, #tpu.memory_space<semaphore_mem>> -> memref<!tpu.dma_semaphore, #tpu.memory_space<semaphore_mem>>
        %dma_wait3A_1819 = arith.constant 0 : i32
        %dma_wait3A_1820 = tpu.memref_slice %arg5[%dma_wait3A_1809, %dma_wait3A_1819] : memref<8x128xi32, #tpu.memory_space<vmem>> -> memref<1x128xi32, #tpu.memory_space<vmem>>
        %dma_wait3A_1821 = tpu.memref_squeeze %dma_wait3A_1820 : memref<1x128xi32, #tpu.memory_space<vmem>> -> memref<128xi32, #tpu.memory_space<vmem>>
        %dma_wait3A_1822 = arith.constant 0 : i32
        %dma_wait3A_1823 = tpu.memref_slice %arg2[%dma_wait3A_1808, %dma_wait3A_1822] : memref<200x4096xi32, #tpu.memory_space<hbm>> -> memref<1x128xi32, #tpu.memory_space<hbm>>
        %dma_wait3A_1824 = tpu.memref_squeeze %dma_wait3A_1823 : memref<1x128xi32, #tpu.memory_space<hbm>> -> memref<128xi32, #tpu.memory_space<hbm>>
        tpu.wait_dma2 semaphore(%dma_wait3A_1818 : memref<!tpu.dma_semaphore, #tpu.memory_space<semaphore_mem>>) src(%dma_wait3A_1824 : memref<128xi32, #tpu.memory_space<hbm>>) dst(%dma_wait3A_1821 : memref<128xi32, #tpu.memory_space<vmem>>)
        %get3A_1825 = arith.constant 4 : i32
        %get3A_1826 = arith.index_cast %get3A_1825 : i32 to index
        %get3A_1827 = arith.constant 0 : index
        %get3A_1828 = tpu.vector_load %arg5[%get3A_1826, %get3A_1827] {strides = array<i32>} : memref<8x128xi32, #tpu.memory_space<vmem>>, vector<16xi32>,
        %and3A_1829 = arith.constant -2048 : i32
        %and3A_1830 = vector.broadcast %and3A_1829 : i32 to vector<16xi32>
        %and3A_1831 = arith.andi %get3A_1828, %and3A_1830 : vector<16xi32>
        %and3A_1832 = arith.constant 1023 : i32
        %and3A_1833 = vector.broadcast %and3A_1832 : i32 to vector<16xi32>
        %and3A_1834 = arith.andi %get3A_1828, %and3A_1833 : vector<16xi32>
        %shift_left3A_1835 = arith.constant 1 : i32
        %shift_left3A_1836 = vector.broadcast %shift_left3A_1835 : i32 to vector<16xi32>
        %shift_left3A_1837 = arith.shli %and3A_1834, %shift_left3A_1836 : vector<16xi32>
        %add3A_1838 = arith.addi %and3A_1831, %shift_left3A_1837 : vector<16xi32>
        %shift_right_arithmetic3A_1839 = arith.constant 10 : i32
        %shift_right_arithmetic3A_1840 = vector.broadcast %shift_right_arithmetic3A_1839 : i32 to vector<16xi32>
        %shift_right_arithmetic3A_1841 = arith.shrsi %get3A_1828, %shift_right_arithmetic3A_1840 : vector<16xi32>
        %and3A_1842 = arith.constant 1 : i32
        %and3A_1843 = vector.broadcast %and3A_1842 : i32 to vector<16xi32>
        %and3A_1844 = arith.andi %shift_right_arithmetic3A_1841, %and3A_1843 : vector<16xi32>
        %add3A_1845 = arith.addi %add3A_1838, %and3A_1844 : vector<16xi32>
        %swap3A_1846 = arith.constant 4 : i32
        %swap3A_1847 = arith.index_cast %swap3A_1846 : i32 to index
        %swap3A_1848 = arith.constant 0 : index
        %swap3A_1849 = tpu.vector_load %arg5[%swap3A_1847, %swap3A_1848] {strides = array<i32>} : memref<8x128xi32, #tpu.memory_space<vmem>>, vector<16xi32>,
        tpu.vector_store %arg5[%swap3A_1847, %swap3A_1848], %add3A_1845 {strides = array<i32>} : memref<8x128xi32, #tpu.memory_space<vmem>>, vector<16xi32>,
        %get3A_1850 = arith.constant 4 : i32
        %get3A_1851 = arith.index_cast %get3A_1850 : i32 to index
        %get3A_1852 = arith.constant 16 : index
        %get3A_1853 = tpu.vector_load %arg5[%get3A_1851, %get3A_1852] {strides = array<i32>} : memref<8x128xi32, #tpu.memory_space<vmem>>, vector<16xi32>,
        %and3A_1854 = arith.constant -2048 : i32
        %and3A_1855 = vector.broadcast %and3A_1854 : i32 to vector<16xi32>
        %and3A_1856 = arith.andi %get3A_1853, %and3A_1855 : vector<16xi32>
        %and3A_1857 = arith.constant 1023 : i32
        %and3A_1858 = vector.broadcast %and3A_1857 : i32 to vector<16xi32>
        %and3A_1859 = arith.andi %get3A_1853, %and3A_1858 : vector<16xi32>
        %shift_left3A_1860 = arith.constant 1 : i32
        %shift_left3A_1861 = vector.broadcast %shift_left3A_1860 : i32 to vector<16xi32>
        %shift_left3A_1862 = arith.shli %and3A_1859, %shift_left3A_1861 : vector<16xi32>
        %add3A_1863 = arith.addi %and3A_1856, %shift_left3A_1862 : vector<16xi32>
        %shift_right_arithmetic3A_1864 = arith.constant 10 : i32
        %shift_right_arithmetic3A_1865 = vector.broadcast %shift_right_arithmetic3A_1864 : i32 to vector<16xi32>
        %shift_right_arithmetic3A_1866 = arith.shrsi %get3A_1853, %shift_right_arithmetic3A_1865 : vector<16xi32>
        %and3A_1867 = arith.constant 1 : i32
        %and3A_1868 = vector.broadcast %and3A_1867 : i32 to vector<16xi32>
        %and3A_1869 = arith.andi %shift_right_arithmetic3A_1866, %and3A_1868 : vector<16xi32>
        %add3A_1870 = arith.addi %add3A_1863, %and3A_1869 : vector<16xi32>
        %swap3A_1871 = arith.constant 4 : i32
        %swap3A_1872 = arith.index_cast %swap3A_1871 : i32 to index
        %swap3A_1873 = arith.constant 16 : index
        %swap3A_1874 = tpu.vector_load %arg5[%swap3A_1872, %swap3A_1873] {strides = array<i32>} : memref<8x128xi32, #tpu.memory_space<vmem>>, vector<16xi32>,
        tpu.vector_store %arg5[%swap3A_1872, %swap3A_1873], %add3A_1870 {strides = array<i32>} : memref<8x128xi32, #tpu.memory_space<vmem>>, vector<16xi32>,
        %get3A_1875 = arith.constant 4 : i32
        %get3A_1876 = arith.index_cast %get3A_1875 : i32 to index
        %get3A_1877 = arith.constant 32 : index
        %get3A_1878 = tpu.vector_load %arg5[%get3A_1876, %get3A_1877] {strides = array<i32>} : memref<8x128xi32, #tpu.memory_space<vmem>>, vector<16xi32>,
        %and3A_1879 = arith.constant -2048 : i32
        %and3A_1880 = vector.broadcast %and3A_1879 : i32 to vector<16xi32>
        %and3A_1881 = arith.andi %get3A_1878, %and3A_1880 : vector<16xi32>
        %and3A_1882 = arith.constant 1023 : i32
        %and3A_1883 = vector.broadcast %and3A_1882 : i32 to vector<16xi32>
        %and3A_1884 = arith.andi %get3A_1878, %and3A_1883 : vector<16xi32>
        %shift_left3A_1885 = arith.constant 1 : i32
        %shift_left3A_1886 = vector.broadcast %shift_left3A_1885 : i32 to vector<16xi32>
        %shift_left3A_1887 = arith.shli %and3A_1884, %shift_left3A_1886 : vector<16xi32>
        %add3A_1888 = arith.addi %and3A_1881, %shift_left3A_1887 : vector<16xi32>
        %shift_right_arithmetic3A_1889 = arith.constant 10 : i32
        %shift_right_arithmetic3A_1890 = vector.broadcast %shift_right_arithmetic3A_1889 : i32 to vector<16xi32>
        %shift_right_arithmetic3A_1891 = arith.shrsi %get3A_1878, %shift_right_arithmetic3A_1890 : vector<16xi32>
        %and3A_1892 = arith.constant 1 : i32
        %and3A_1893 = vector.broadcast %and3A_1892 : i32 to vector<16xi32>
        %and3A_1894 = arith.andi %shift_right_arithmetic3A_1891, %and3A_1893 : vector<16xi32>
        %add3A_1895 = arith.addi %add3A_1888, %and3A_1894 : vector<16xi32>
        %swap3A_1896 = arith.constant 4 : i32
        %swap3A_1897 = arith.index_cast %swap3A_1896 : i32 to index
        %swap3A_1898 = arith.constant 32 : index
        %swap3A_1899 = tpu.vector_load %arg5[%swap3A_1897, %swap3A_1898] {strides = array<i32>} : memref<8x128xi32, #tpu.memory_space<vmem>>, vector<16xi32>,
        tpu.vector_store %arg5[%swap3A_1897, %swap3A_1898], %add3A_1895 {strides = array<i32>} : memref<8x128xi32, #tpu.memory_space<vmem>>, vector<16xi32>,
        %get3A_1900 = arith.constant 4 : i32
        %get3A_1901 = arith.index_cast %get3A_1900 : i32 to index
        %get3A_1902 = arith.constant 48 : index
        %get3A_1903 = tpu.vector_load %arg5[%get3A_1901, %get3A_1902] {strides = array<i32>} : memref<8x128xi32, #tpu.memory_space<vmem>>, vector<16xi32>,
        %and3A_1904 = arith.constant -2048 : i32
        %and3A_1905 = vector.broadcast %and3A_1904 : i32 to vector<16xi32>
        %and3A_1906 = arith.andi %get3A_1903, %and3A_1905 : vector<16xi32>
        %and3A_1907 = arith.constant 1023 : i32
        %and3A_1908 = vector.broadcast %and3A_1907 : i32 to vector<16xi32>
        %and3A_1909 = arith.andi %get3A_1903, %and3A_1908 : vector<16xi32>
        %shift_left3A_1910 = arith.constant 1 : i32
        %shift_left3A_1911 = vector.broadcast %shift_left3A_1910 : i32 to vector<16xi32>
        %shift_left3A_1912 = arith.shli %and3A_1909, %shift_left3A_1911 : vector<16xi32>
        %add3A_1913 = arith.addi %and3A_1906, %shift_left3A_1912 : vector<16xi32>
        %shift_right_arithmetic3A_1914 = arith.constant 10 : i32
        %shift_right_arithmetic3A_1915 = vector.broadcast %shift_right_arithmetic3A_1914 : i32 to vector<16xi32>
        %shift_right_arithmetic3A_1916 = arith.shrsi %get3A_1903, %shift_right_arithmetic3A_1915 : vector<16xi32>
        %and3A_1917 = arith.constant 1 : i32
        %and3A_1918 = vector.broadcast %and3A_1917 : i32 to vector<16xi32>
        %and3A_1919 = arith.andi %shift_right_arithmetic3A_1916, %and3A_1918 : vector<16xi32>
        %add3A_1920 = arith.addi %add3A_1913, %and3A_1919 : vector<16xi32>
        %swap3A_1921 = arith.constant 4 : i32
        %swap3A_1922 = arith.index_cast %swap3A_1921 : i32 to index
        %swap3A_1923 = arith.constant 48 : index
        %swap3A_1924 = tpu.vector_load %arg5[%swap3A_1922, %swap3A_1923] {strides = array<i32>} : memref<8x128xi32, #tpu.memory_space<vmem>>, vector<16xi32>,
        tpu.vector_store %arg5[%swap3A_1922, %swap3A_1923], %add3A_1920 {strides = array<i32>} : memref<8x128xi32, #tpu.memory_space<vmem>>, vector<16xi32>,
        %get3A_1925 = arith.constant 4 : i32
        %get3A_1926 = arith.index_cast %get3A_1925 : i32 to index
        %get3A_1927 = arith.constant 64 : index
        %get3A_1928 = tpu.vector_load %arg5[%get3A_1926, %get3A_1927] {strides = array<i32>} : memref<8x128xi32, #tpu.memory_space<vmem>>, vector<16xi32>,
        %and3A_1929 = arith.constant -2048 : i32
        %and3A_1930 = vector.broadcast %and3A_1929 : i32 to vector<16xi32>
        %and3A_1931 = arith.andi %get3A_1928, %and3A_1930 : vector<16xi32>
        %and3A_1932 = arith.constant 1023 : i32
        %and3A_1933 = vector.broadcast %and3A_1932 : i32 to vector<16xi32>
        %and3A_1934 = arith.andi %get3A_1928, %and3A_1933 : vector<16xi32>
        %shift_left3A_1935 = arith.constant 1 : i32
        %shift_left3A_1936 = vector.broadcast %shift_left3A_1935 : i32 to vector<16xi32>
        %shift_left3A_1937 = arith.shli %and3A_1934, %shift_left3A_1936 : vector<16xi32>
        %add3A_1938 = arith.addi %and3A_1931, %shift_left3A_1937 : vector<16xi32>
        %shift_right_arithmetic3A_1939 = arith.constant 10 : i32
        %shift_right_arithmetic3A_1940 = vector.broadcast %shift_right_arithmetic3A_1939 : i32 to vector<16xi32>
        %shift_right_arithmetic3A_1941 = arith.shrsi %get3A_1928, %shift_right_arithmetic3A_1940 : vector<16xi32>
        %and3A_1942 = arith.constant 1 : i32
        %and3A_1943 = vector.broadcast %and3A_1942 : i32 to vector<16xi32>
        %and3A_1944 = arith.andi %shift_right_arithmetic3A_1941, %and3A_1943 : vector<16xi32>
        %add3A_1945 = arith.addi %add3A_1938, %and3A_1944 : vector<16xi32>
        %swap3A_1946 = arith.constant 4 : i32
        %swap3A_1947 = arith.index_cast %swap3A_1946 : i32 to index
        %swap3A_1948 = arith.constant 64 : index
        %swap3A_1949 = tpu.vector_load %arg5[%swap3A_1947, %swap3A_1948] {strides = array<i32>} : memref<8x128xi32, #tpu.memory_space<vmem>>, vector<16xi32>,
        tpu.vector_store %arg5[%swap3A_1947, %swap3A_1948], %add3A_1945 {strides = array<i32>} : memref<8x128xi32, #tpu.memory_space<vmem>>, vector<16xi32>,
        %get3A_1950 = arith.constant 4 : i32
        %get3A_1951 = arith.index_cast %get3A_1950 : i32 to index
        %get3A_1952 = arith.constant 80 : index
        %get3A_1953 = tpu.vector_load %arg5[%get3A_1951, %get3A_1952] {strides = array<i32>} : memref<8x128xi32, #tpu.memory_space<vmem>>, vector<16xi32>,
        %and3A_1954 = arith.constant -2048 : i32
        %and3A_1955 = vector.broadcast %and3A_1954 : i32 to vector<16xi32>
        %and3A_1956 = arith.andi %get3A_1953, %and3A_1955 : vector<16xi32>
        %and3A_1957 = arith.constant 1023 : i32
        %and3A_1958 = vector.broadcast %and3A_1957 : i32 to vector<16xi32>
        %and3A_1959 = arith.andi %get3A_1953, %and3A_1958 : vector<16xi32>
        %shift_left3A_1960 = arith.constant 1 : i32
        %shift_left3A_1961 = vector.broadcast %shift_left3A_1960 : i32 to vector<16xi32>
        %shift_left3A_1962 = arith.shli %and3A_1959, %shift_left3A_1961 : vector<16xi32>
        %add3A_1963 = arith.addi %and3A_1956, %shift_left3A_1962 : vector<16xi32>
        %shift_right_arithmetic3A_1964 = arith.constant 10 : i32
        %shift_right_arithmetic3A_1965 = vector.broadcast %shift_right_arithmetic3A_1964 : i32 to vector<16xi32>
        %shift_right_arithmetic3A_1966 = arith.shrsi %get3A_1953, %shift_right_arithmetic3A_1965 : vector<16xi32>
        %and3A_1967 = arith.constant 1 : i32
        %and3A_1968 = vector.broadcast %and3A_1967 : i32 to vector<16xi32>
        %and3A_1969 = arith.andi %shift_right_arithmetic3A_1966, %and3A_1968 : vector<16xi32>
        %add3A_1970 = arith.addi %add3A_1963, %and3A_1969 : vector<16xi32>
        %swap3A_1971 = arith.constant 4 : i32
        %swap3A_1972 = arith.index_cast %swap3A_1971 : i32 to index
        %swap3A_1973 = arith.constant 80 : index
        %swap3A_1974 = tpu.vector_load %arg5[%swap3A_1972, %swap3A_1973] {strides = array<i32>} : memref<8x128xi32, #tpu.memory_space<vmem>>, vector<16xi32>,
        tpu.vector_store %arg5[%swap3A_1972, %swap3A_1973], %add3A_1970 {strides = array<i32>} : memref<8x128xi32, #tpu.memory_space<vmem>>, vector<16xi32>,
        %get3A_1975 = arith.constant 4 : i32
        %get3A_1976 = arith.index_cast %get3A_1975 : i32 to index
        %get3A_1977 = arith.constant 96 : index
        %get3A_1978 = tpu.vector_load %arg5[%get3A_1976, %get3A_1977] {strides = array<i32>} : memref<8x128xi32, #tpu.memory_space<vmem>>, vector<16xi32>,
        %and3A_1979 = arith.constant -2048 : i32
        %and3A_1980 = vector.broadcast %and3A_1979 : i32 to vector<16xi32>
        %and3A_1981 = arith.andi %get3A_1978, %and3A_1980 : vector<16xi32>
        %and3A_1982 = arith.constant 1023 : i32
        %and3A_1983 = vector.broadcast %and3A_1982 : i32 to vector<16xi32>
        %and3A_1984 = arith.andi %get3A_1978, %and3A_1983 : vector<16xi32>
        %shift_left3A_1985 = arith.constant 1 : i32
        %shift_left3A_1986 = vector.broadcast %shift_left3A_1985 : i32 to vector<16xi32>
        %shift_left3A_1987 = arith.shli %and3A_1984, %shift_left3A_1986 : vector<16xi32>
        %add3A_1988 = arith.addi %and3A_1981, %shift_left3A_1987 : vector<16xi32>
        %shift_right_arithmetic3A_1989 = arith.constant 10 : i32
        %shift_right_arithmetic3A_1990 = vector.broadcast %shift_right_arithmetic3A_1989 : i32 to vector<16xi32>
        %shift_right_arithmetic3A_1991 = arith.shrsi %get3A_1978, %shift_right_arithmetic3A_1990 : vector<16xi32>
        %and3A_1992 = arith.constant 1 : i32
        %and3A_1993 = vector.broadcast %and3A_1992 : i32 to vector<16xi32>
        %and3A_1994 = arith.andi %shift_right_arithmetic3A_1991, %and3A_1993 : vector<16xi32>
        %add3A_1995 = arith.addi %add3A_1988, %and3A_1994 : vector<16xi32>
        %swap3A_1996 = arith.constant 4 : i32
        %swap3A_1997 = arith.index_cast %swap3A_1996 : i32 to index
        %swap3A_1998 = arith.constant 96 : index
        %swap3A_1999 = tpu.vector_load %arg5[%swap3A_1997, %swap3A_1998] {strides = array<i32>} : memref<8x128xi32, #tpu.memory_space<vmem>>, vector<16xi32>,
        tpu.vector_store %arg5[%swap3A_1997, %swap3A_1998], %add3A_1995 {strides = array<i32>} : memref<8x128xi32, #tpu.memory_space<vmem>>, vector<16xi32>,
        %get3A_2000 = arith.constant 4 : i32
        %get3A_2001 = arith.index_cast %get3A_2000 : i32 to index
        %get3A_2002 = arith.constant 112 : index
        %get3A_2003 = tpu.vector_load %arg5[%get3A_2001, %get3A_2002] {strides = array<i32>} : memref<8x128xi32, #tpu.memory_space<vmem>>, vector<16xi32>,
        %and3A_2004 = arith.constant -2048 : i32
        %and3A_2005 = vector.broadcast %and3A_2004 : i32 to vector<16xi32>
        %and3A_2006 = arith.andi %get3A_2003, %and3A_2005 : vector<16xi32>
        %and3A_2007 = arith.constant 1023 : i32
        %and3A_2008 = vector.broadcast %and3A_2007 : i32 to vector<16xi32>
        %and3A_2009 = arith.andi %get3A_2003, %and3A_2008 : vector<16xi32>
        %shift_left3A_2010 = arith.constant 1 : i32
        %shift_left3A_2011 = vector.broadcast %shift_left3A_2010 : i32 to vector<16xi32>
        %shift_left3A_2012 = arith.shli %and3A_2009, %shift_left3A_2011 : vector<16xi32>
        %add3A_2013 = arith.addi %and3A_2006, %shift_left3A_2012 : vector<16xi32>
        %shift_right_arithmetic3A_2014 = arith.constant 10 : i32
        %shift_right_arithmetic3A_2015 = vector.broadcast %shift_right_arithmetic3A_2014 : i32 to vector<16xi32>
        %shift_right_arithmetic3A_2016 = arith.shrsi %get3A_2003, %shift_right_arithmetic3A_2015 : vector<16xi32>
        %and3A_2017 = arith.constant 1 : i32
        %and3A_2018 = vector.broadcast %and3A_2017 : i32 to vector<16xi32>
        %and3A_2019 = arith.andi %shift_right_arithmetic3A_2016, %and3A_2018 : vector<16xi32>
        %add3A_2020 = arith.addi %add3A_2013, %and3A_2019 : vector<16xi32>
        %swap3A_2021 = arith.constant 4 : i32
        %swap3A_2022 = arith.index_cast %swap3A_2021 : i32 to index
        %swap3A_2023 = arith.constant 112 : index
        %swap3A_2024 = tpu.vector_load %arg5[%swap3A_2022, %swap3A_2023] {strides = array<i32>} : memref<8x128xi32, #tpu.memory_space<vmem>>, vector<16xi32>,
        tpu.vector_store %arg5[%swap3A_2022, %swap3A_2023], %add3A_2020 {strides = array<i32>} : memref<8x128xi32, #tpu.memory_space<vmem>>, vector<16xi32>,
        %ge3A = arith.constant 8 : i32
        %ge3A_2025 = arith.cmpi sge, %add3A_1469, %ge3A : i32
        %convert_element_type3A_2026 = arith.extui %ge3A_2025 : i1 to i32
        %cond3A_2027 = arith.constant 0 : i32
        %cond3A_2028 = arith.cmpi ne, %convert_element_type3A_2026, %cond3A_2027 : i32
        scf.if %cond3A_2028 {
          %dma_wait3A_2051 = arith.constant 4 : i32
          %dma_wait3A_2052 = arith.constant 4 : i32
          %dma_wait3A_2053 = arith.constant 0 : i32
          %dma_wait3A_2054 = arith.constant 0 : i32
          %dma_wait3A_2055 = tpu.memref_slice %arg6[%dma_wait3A_2051, %dma_wait3A_2053, %dma_wait3A_2054] : memref<8x128x64xf32, #tpu.memory_space<vmem>> -> memref<1x128x64xf32, #tpu.memory_space<vmem>>
          %dma_wait3A_2056 = tpu.memref_squeeze %dma_wait3A_2055 : memref<1x128x64xf32, #tpu.memory_space<vmem>> -> memref<128x64xf32, #tpu.memory_space<vmem>>
          %dma_wait3A_2057 = arith.constant 0 : i32
          %dma_wait3A_2058 = arith.constant 0 : i32
          %dma_wait3A_2059 = tpu.memref_slice %arg4[%dma_wait3A_2057, %dma_wait3A_2058] : memref<819200x64xf32, #tpu.memory_space<hbm>> -> memref<128x64xf32, #tpu.memory_space<hbm>>
          %dma_wait3A_2060 = tpu.memref_slice %arg9[%dma_wait3A_2052] : memref<8x!tpu.dma_semaphore, #tpu.memory_space<semaphore_mem>> -> memref<1x!tpu.dma_semaphore, #tpu.memory_space<semaphore_mem>>
          %dma_wait3A_2061 = tpu.memref_squeeze %dma_wait3A_2060 : memref<1x!tpu.dma_semaphore, #tpu.memory_space<semaphore_mem>> -> memref<!tpu.dma_semaphore, #tpu.memory_space<semaphore_mem>>
          %dma_wait3A_2062 = arith.constant 0 : i32
          %dma_wait3A_2063 = arith.constant 0 : i32
          %dma_wait3A_2064 = tpu.memref_slice %arg4[%dma_wait3A_2062, %dma_wait3A_2063] : memref<819200x64xf32, #tpu.memory_space<hbm>> -> memref<128x64xf32, #tpu.memory_space<hbm>>
          %dma_wait3A_2065 = arith.constant 0 : i32
          %dma_wait3A_2066 = arith.constant 0 : i32
          %dma_wait3A_2067 = tpu.memref_slice %arg6[%dma_wait3A_2051, %dma_wait3A_2065, %dma_wait3A_2066] : memref<8x128x64xf32, #tpu.memory_space<vmem>> -> memref<1x128x64xf32, #tpu.memory_space<vmem>>
          %dma_wait3A_2068 = tpu.memref_squeeze %dma_wait3A_2067 : memref<1x128x64xf32, #tpu.memory_space<vmem>> -> memref<128x64xf32, #tpu.memory_space<vmem>>
          tpu.wait_dma2 semaphore(%dma_wait3A_2061 : memref<!tpu.dma_semaphore, #tpu.memory_space<semaphore_mem>>) src(%dma_wait3A_2068 : memref<128x64xf32, #tpu.memory_space<vmem>>) dst(%dma_wait3A_2064 : memref<128x64xf32, #tpu.memory_space<hbm>>)
        } else {
        }
        %dma_start3A_2029 = arith.constant 4 : i32
        %dma_start3A_2030 = arith.constant 4 : i32
        %dma_start3A_2031 = arith.constant 4 : i32
        %dma_start3A_2032 = arith.constant 0 : i32
        %dma_start3A_2033 = arith.constant 0 : i32
        %dma_start3A_2034 = tpu.memref_slice %arg6[%dma_start3A_2030, %dma_start3A_2032, %dma_start3A_2033] : memref<8x128x64xf32, #tpu.memory_space<vmem>> -> memref<1x128x64xf32, #tpu.memory_space<vmem>>
        %dma_start3A_2035 = tpu.memref_squeeze %dma_start3A_2034 : memref<1x128x64xf32, #tpu.memory_space<vmem>> -> memref<128x64xf32, #tpu.memory_space<vmem>>
        %dma_start3A_2036 = arith.constant 0 : i32
        %dma_start3A_2037 = tpu.memref_slice %arg5[%dma_start3A_2029, %dma_start3A_2036] : memref<8x128xi32, #tpu.memory_space<vmem>> -> memref<1x128xi32, #tpu.memory_space<vmem>>
        %dma_start3A_2038 = tpu.memref_squeeze %dma_start3A_2037 : memref<1x128xi32, #tpu.memory_space<vmem>> -> memref<128xi32, #tpu.memory_space<vmem>>
        %dma_start3A_2039 = arith.constant 0 : i32
        %dma_start3A_2040 = arith.constant 0 : i32
        %dma_start3A_2041 = tpu.memref_slice %arg3[%dma_start3A_2039, %dma_start3A_2040] : memref<1001472x64xf32, #tpu.memory_space<hbm>> -> memref<1001472x64xf32, #tpu.memory_space<hbm>>
        %dma_start3A_2042 = tpu.memref_slice %arg8[%dma_start3A_2031] : memref<8x!tpu.dma_semaphore, #tpu.memory_space<semaphore_mem>> -> memref<1x!tpu.dma_semaphore, #tpu.memory_space<semaphore_mem>>
        %dma_start3A_2043 = tpu.memref_squeeze %dma_start3A_2042 : memref<1x!tpu.dma_semaphore, #tpu.memory_space<semaphore_mem>> -> memref<!tpu.dma_semaphore, #tpu.memory_space<semaphore_mem>>
        tpu.enqueue_indirect_dma source(%dma_start3A_2041 : memref<1001472x64xf32, #tpu.memory_space<hbm>>) target(%dma_start3A_2035 : memref<128x64xf32, #tpu.memory_space<vmem>>) offsets(%dma_start3A_2038 : memref<128xi32, #tpu.memory_space<vmem>>) semaphore(%dma_start3A_2043 : memref<!tpu.dma_semaphore, #tpu.memory_space<semaphore_mem>>)
        %add3A_2044 = arith.constant 4 : i32
        %add3A_2045 = arith.addi %add3A_1469, %add3A_2044 : i32
        %lt3A_2046 = arith.constant 200 : i32
        %lt3A_2047 = arith.cmpi slt, %add3A_2045, %lt3A_2046 : i32
        %convert_element_type3A_2048 = arith.extui %lt3A_2047 : i1 to i32
        %cond3A_2049 = arith.constant 0 : i32
        %cond3A_2050 = arith.cmpi ne, %convert_element_type3A_2048, %cond3A_2049 : i32
        scf.if %cond3A_2050 {
          %add3A_2051 = arith.addi %mul3A_2, %add3A_1469 : i32
          %add3A_2052 = arith.constant 4 : i32
          %add3A_2053 = arith.addi %add3A_2051, %add3A_2052 : i32
          %jit3A_2054 = arith.constant 32 : i32
          %div3A_2055 = arith.divsi %add3A_2053, %jit3A_2054 : i32
          %sign3A_2056 = arith.constant 0 : i32
          %sign3A_2057 = arith.cmpi sgt, %add3A_2053, %sign3A_2056 : i32
          %sign3A_2058 = arith.extui %sign3A_2057 : i1 to i32
          %sign3A_2059 = arith.constant 0 : i32
          %sign3A_2060 = arith.cmpi slt, %add3A_2053, %sign3A_2059 : i32
          %sign3A_2061 = arith.extui %sign3A_2060 : i1 to i32
          %sign3A_2062 = arith.subi %sign3A_2058, %sign3A_2061 : i32
          %sign3A_2063 = arith.constant 0 : i32
          %sign3A_2064 = arith.cmpi sgt, %jit3A_2054, %sign3A_2063 : i32
          %sign3A_2065 = arith.extui %sign3A_2064 : i1 to i32
          %sign3A_2066 = arith.constant 0 : i32
          %sign3A_2067 = arith.cmpi slt, %jit3A_2054, %sign3A_2066 : i32
          %sign3A_2068 = arith.extui %sign3A_2067 : i1 to i32
          %sign3A_2069 = arith.subi %sign3A_2065, %sign3A_2068 : i32
          %ne3A_2070 = arith.cmpi ne, %sign3A_2062, %sign3A_2069 : i32
          %rem3A_2071 = arith.remsi %add3A_2053, %jit3A_2054 : i32
          %ne3A_2072 = arith.constant 0 : i32
          %ne3A_2073 = arith.cmpi ne, %rem3A_2071, %ne3A_2072 : i32
          %and3A_2074 = arith.andi %ne3A_2070, %ne3A_2073 : i1
          %sub3A_2075 = arith.constant 1 : i32
          %sub3A_2076 = arith.subi %div3A_2055, %sub3A_2075 : i32
          %select_n3A_2077 = arith.select %and3A_2074, %sub3A_2076, %div3A_2055 : i32
          %mul3A_2078 = arith.constant 32 : i32
          %mul3A_2079 = arith.muli %select_n3A_2077, %mul3A_2078 : i32
          %sub3A_2080 = arith.subi %add3A_2053, %mul3A_2079 : i32
          %mul3A_2081 = arith.constant 128 : i32
          %mul3A_2082 = arith.muli %sub3A_2080, %mul3A_2081 : i32
          %dma_start3A_2083 = arith.constant 0 : i32
          %dma_start3A_2084 = arith.constant 0 : i32
          %dma_start3A_2085 = arith.constant 0 : i32
          %dma_start3A_2086 = tpu.memref_slice %arg5[%dma_start3A_2083, %dma_start3A_2085] : memref<8x128xi32, #tpu.memory_space<vmem>> -> memref<1x128xi32, #tpu.memory_space<vmem>>
          %dma_start3A_2087 = tpu.memref_squeeze %dma_start3A_2086 : memref<1x128xi32, #tpu.memory_space<vmem>> -> memref<128xi32, #tpu.memory_space<vmem>>
          %dma_start3A_2088 = tpu.memref_slice %arg2[%select_n3A_2077, %mul3A_2082] : memref<200x4096xi32, #tpu.memory_space<hbm>> -> memref<1x128xi32, #tpu.memory_space<hbm>>
          %dma_start3A_2089 = tpu.memref_squeeze %dma_start3A_2088 : memref<1x128xi32, #tpu.memory_space<hbm>> -> memref<128xi32, #tpu.memory_space<hbm>>
          %dma_start3A_2090 = tpu.memref_slice %arg7[%dma_start3A_2084] : memref<8x!tpu.dma_semaphore, #tpu.memory_space<semaphore_mem>> -> memref<1x!tpu.dma_semaphore, #tpu.memory_space<semaphore_mem>>
          %dma_start3A_2091 = tpu.memref_squeeze %dma_start3A_2090 : memref<1x!tpu.dma_semaphore, #tpu.memory_space<semaphore_mem>> -> memref<!tpu.dma_semaphore, #tpu.memory_space<semaphore_mem>>
          %dma_start3A_2092 = arith.constant 0 : i32
          %dma_start3A_2093 = tpu.memref_slice %arg5[%dma_start3A_2083, %dma_start3A_2092] : memref<8x128xi32, #tpu.memory_space<vmem>> -> memref<1x128xi32, #tpu.memory_space<vmem>>
          %dma_start3A_2094 = tpu.memref_squeeze %dma_start3A_2093 : memref<1x128xi32, #tpu.memory_space<vmem>> -> memref<128xi32, #tpu.memory_space<vmem>>
          %dma_start3A_2095 = tpu.memref_slice %arg2[%select_n3A_2077, %mul3A_2082] : memref<200x4096xi32, #tpu.memory_space<hbm>> -> memref<1x128xi32, #tpu.memory_space<hbm>>
          %dma_start3A_2096 = tpu.memref_squeeze %dma_start3A_2095 : memref<1x128xi32, #tpu.memory_space<hbm>> -> memref<128xi32, #tpu.memory_space<hbm>>
          tpu.enqueue_dma source(%dma_start3A_2096 : memref<128xi32, #tpu.memory_space<hbm>>) target(%dma_start3A_2094 : memref<128xi32, #tpu.memory_space<vmem>>) target_semaphore(%dma_start3A_2091 : memref<!tpu.dma_semaphore, #tpu.memory_space<semaphore_mem>>)
        } else {
        }
      } else {
      }
      %mul3A_1472 = arith.constant 8 : i32
      %mul3A_1473 = arith.muli %scan3A_1426, %mul3A_1472 : i32
      %add3A_1474 = arith.constant 1 : i32
      %add3A_1475 = arith.addi %mul3A_1473, %add3A_1474 : i32
      %dma_wait3A_1476 = arith.constant 1 : i32
      %dma_wait3A_1477 = arith.constant 1 : i32
      %dma_wait3A_1478 = arith.constant 0 : i32
      %dma_wait3A_1479 = arith.constant 0 : i32
      %dma_wait3A_1480 = tpu.memref_slice %arg6[%dma_wait3A_1476, %dma_wait3A_1478, %dma_wait3A_1479] : memref<8x128x64xf32, #tpu.memory_space<vmem>> -> memref<1x128x64xf32, #tpu.memory_space<vmem>>
      %dma_wait3A_1481 = tpu.memref_squeeze %dma_wait3A_1480 : memref<1x128x64xf32, #tpu.memory_space<vmem>> -> memref<128x64xf32, #tpu.memory_space<vmem>>
      %dma_wait3A_1482 = arith.constant 0 : i32
      %dma_wait3A_1483 = arith.constant 0 : i32
      %dma_wait3A_1484 = tpu.memref_slice %arg3[%dma_wait3A_1482, %dma_wait3A_1483] : memref<1001472x64xf32, #tpu.memory_space<hbm>> -> memref<128x64xf32, #tpu.memory_space<hbm>>
      %dma_wait3A_1485 = tpu.memref_slice %arg8[%dma_wait3A_1477] : memref<8x!tpu.dma_semaphore, #tpu.memory_space<semaphore_mem>> -> memref<1x!tpu.dma_semaphore, #tpu.memory_space<semaphore_mem>>
      %dma_wait3A_1486 = tpu.memref_squeeze %dma_wait3A_1485 : memref<1x!tpu.dma_semaphore, #tpu.memory_space<semaphore_mem>> -> memref<!tpu.dma_semaphore, #tpu.memory_space<semaphore_mem>>
      %dma_wait3A_1487 = arith.constant 0 : i32
      %dma_wait3A_1488 = arith.constant 0 : i32
      %dma_wait3A_1489 = tpu.memref_slice %arg6[%dma_wait3A_1476, %dma_wait3A_1487, %dma_wait3A_1488] : memref<8x128x64xf32, #tpu.memory_space<vmem>> -> memref<1x128x64xf32, #tpu.memory_space<vmem>>
      %dma_wait3A_1490 = tpu.memref_squeeze %dma_wait3A_1489 : memref<1x128x64xf32, #tpu.memory_space<vmem>> -> memref<128x64xf32, #tpu.memory_space<vmem>>
      %dma_wait3A_1491 = arith.constant 0 : i32
      %dma_wait3A_1492 = arith.constant 0 : i32
      %dma_wait3A_1493 = tpu.memref_slice %arg3[%dma_wait3A_1491, %dma_wait3A_1492] : memref<1001472x64xf32, #tpu.memory_space<hbm>> -> memref<128x64xf32, #tpu.memory_space<hbm>>
      tpu.wait_dma2 semaphore(%dma_wait3A_1486 : memref<!tpu.dma_semaphore, #tpu.memory_space<semaphore_mem>>) src(%dma_wait3A_1493 : memref<128x64xf32, #tpu.memory_space<hbm>>) dst(%dma_wait3A_1490 : memref<128x64xf32, #tpu.memory_space<vmem>>)
      %add3A_1494 = arith.addi %mul3A_2, %add3A_1475 : i32
      %mul3A_1495 = arith.constant 128 : i32
      %mul3A_1496 = arith.muli %add3A_1494, %mul3A_1495 : i32
      %dma_start3A_1497 = arith.constant 1 : i32
      %dma_start3A_1498 = arith.constant 1 : i32
      %dma_start3A_1499 = arith.constant 0 : i32
      %dma_start3A_1500 = arith.constant 0 : i32
      %dma_start3A_1501 = tpu.memref_slice %arg6[%dma_start3A_1497, %dma_start3A_1499, %dma_start3A_1500] : memref<8x128x64xf32, #tpu.memory_space<vmem>> -> memref<1x128x64xf32, #tpu.memory_space<vmem>>
      %dma_start3A_1502 = tpu.memref_squeeze %dma_start3A_1501 : memref<1x128x64xf32, #tpu.memory_space<vmem>> -> memref<128x64xf32, #tpu.memory_space<vmem>>
      %dma_start3A_1503 = arith.constant 0 : i32
      %dma_start3A_1504 = tpu.memref_slice %arg4[%mul3A_1496, %dma_start3A_1503] : memref<819200x64xf32, #tpu.memory_space<hbm>> -> memref<128x64xf32, #tpu.memory_space<hbm>>
      %dma_start3A_1505 = tpu.memref_slice %arg9[%dma_start3A_1498] : memref<8x!tpu.dma_semaphore, #tpu.memory_space<semaphore_mem>> -> memref<1x!tpu.dma_semaphore, #tpu.memory_space<semaphore_mem>>
      %dma_start3A_1506 = tpu.memref_squeeze %dma_start3A_1505 : memref<1x!tpu.dma_semaphore, #tpu.memory_space<semaphore_mem>> -> memref<!tpu.dma_semaphore, #tpu.memory_space<semaphore_mem>>
      %dma_start3A_1507 = arith.constant 0 : i32
      %dma_start3A_1508 = tpu.memref_slice %arg4[%mul3A_1496, %dma_start3A_1507] : memref<819200x64xf32, #tpu.memory_space<hbm>> -> memref<128x64xf32, #tpu.memory_space<hbm>>
      %dma_start3A_1509 = arith.constant 0 : i32
      %dma_start3A_1510 = arith.constant 0 : i32
      %dma_start3A_1511 = tpu.memref_slice %arg6[%dma_start3A_1497, %dma_start3A_1509, %dma_start3A_1510] : memref<8x128x64xf32, #tpu.memory_space<vmem>> -> memref<1x128x64xf32, #tpu.memory_space<vmem>>
      %dma_start3A_1512 = tpu.memref_squeeze %dma_start3A_1511 : memref<1x128x64xf32, #tpu.memory_space<vmem>> -> memref<128x64xf32, #tpu.memory_space<vmem>>
      tpu.enqueue_dma source(%dma_start3A_1512 : memref<128x64xf32, #tpu.memory_space<vmem>>) target(%dma_start3A_1508 : memref<128x64xf32, #tpu.memory_space<hbm>>) target_semaphore(%dma_start3A_1506 : memref<!tpu.dma_semaphore, #tpu.memory_space<semaphore_mem>>)
      %add3A_1513 = arith.constant 4 : i32
      %add3A_1514 = arith.addi %add3A_1475, %add3A_1513 : i32
      %lt3A_1515 = arith.constant 200 : i32
      %lt3A_1516 = arith.cmpi slt, %add3A_1514, %lt3A_1515 : i32
      %convert_element_type3A_1517 = arith.extui %lt3A_1516 : i1 to i32
      %cond3A_1518 = arith.constant 0 : i32
      %cond3A_1519 = arith.cmpi ne, %convert_element_type3A_1517, %cond3A_1518 : i32
      scf.if %cond3A_1519 {
        %dma_wait3A_1808 = arith.constant 0 : i32
        %dma_wait3A_1809 = arith.constant 5 : i32
        %dma_wait3A_1810 = arith.constant 5 : i32
        %dma_wait3A_1811 = arith.constant 0 : i32
        %dma_wait3A_1812 = tpu.memref_slice %arg5[%dma_wait3A_1809, %dma_wait3A_1811] : memref<8x128xi32, #tpu.memory_space<vmem>> -> memref<1x128xi32, #tpu.memory_space<vmem>>
        %dma_wait3A_1813 = tpu.memref_squeeze %dma_wait3A_1812 : memref<1x128xi32, #tpu.memory_space<vmem>> -> memref<128xi32, #tpu.memory_space<vmem>>
        %dma_wait3A_1814 = arith.constant 0 : i32
        %dma_wait3A_1815 = tpu.memref_slice %arg2[%dma_wait3A_1808, %dma_wait3A_1814] : memref<200x4096xi32, #tpu.memory_space<hbm>> -> memref<1x128xi32, #tpu.memory_space<hbm>>
        %dma_wait3A_1816 = tpu.memref_squeeze %dma_wait3A_1815 : memref<1x128xi32, #tpu.memory_space<hbm>> -> memref<128xi32, #tpu.memory_space<hbm>>
        %dma_wait3A_1817 = tpu.memref_slice %arg7[%dma_wait3A_1810] : memref<8x!tpu.dma_semaphore, #tpu.memory_space<semaphore_mem>> -> memref<1x!tpu.dma_semaphore, #tpu.memory_space<semaphore_mem>>
        %dma_wait3A_1818 = tpu.memref_squeeze %dma_wait3A_1817 : memref<1x!tpu.dma_semaphore, #tpu.memory_space<semaphore_mem>> -> memref<!tpu.dma_semaphore, #tpu.memory_space<semaphore_mem>>
        %dma_wait3A_1819 = arith.constant 0 : i32
        %dma_wait3A_1820 = tpu.memref_slice %arg5[%dma_wait3A_1809, %dma_wait3A_1819] : memref<8x128xi32, #tpu.memory_space<vmem>> -> memref<1x128xi32, #tpu.memory_space<vmem>>
        %dma_wait3A_1821 = tpu.memref_squeeze %dma_wait3A_1820 : memref<1x128xi32, #tpu.memory_space<vmem>> -> memref<128xi32, #tpu.memory_space<vmem>>
        %dma_wait3A_1822 = arith.constant 0 : i32
        %dma_wait3A_1823 = tpu.memref_slice %arg2[%dma_wait3A_1808, %dma_wait3A_1822] : memref<200x4096xi32, #tpu.memory_space<hbm>> -> memref<1x128xi32, #tpu.memory_space<hbm>>
        %dma_wait3A_1824 = tpu.memref_squeeze %dma_wait3A_1823 : memref<1x128xi32, #tpu.memory_space<hbm>> -> memref<128xi32, #tpu.memory_space<hbm>>
        tpu.wait_dma2 semaphore(%dma_wait3A_1818 : memref<!tpu.dma_semaphore, #tpu.memory_space<semaphore_mem>>) src(%dma_wait3A_1824 : memref<128xi32, #tpu.memory_space<hbm>>) dst(%dma_wait3A_1821 : memref<128xi32, #tpu.memory_space<vmem>>)
        %get3A_1825 = arith.constant 5 : i32
        %get3A_1826 = arith.index_cast %get3A_1825 : i32 to index
        %get3A_1827 = arith.constant 0 : index
        %get3A_1828 = tpu.vector_load %arg5[%get3A_1826, %get3A_1827] {strides = array<i32>} : memref<8x128xi32, #tpu.memory_space<vmem>>, vector<16xi32>,
        %and3A_1829 = arith.constant -2048 : i32
        %and3A_1830 = vector.broadcast %and3A_1829 : i32 to vector<16xi32>
        %and3A_1831 = arith.andi %get3A_1828, %and3A_1830 : vector<16xi32>
        %and3A_1832 = arith.constant 1023 : i32
        %and3A_1833 = vector.broadcast %and3A_1832 : i32 to vector<16xi32>
        %and3A_1834 = arith.andi %get3A_1828, %and3A_1833 : vector<16xi32>
        %shift_left3A_1835 = arith.constant 1 : i32
        %shift_left3A_1836 = vector.broadcast %shift_left3A_1835 : i32 to vector<16xi32>
        %shift_left3A_1837 = arith.shli %and3A_1834, %shift_left3A_1836 : vector<16xi32>
        %add3A_1838 = arith.addi %and3A_1831, %shift_left3A_1837 : vector<16xi32>
        %shift_right_arithmetic3A_1839 = arith.constant 10 : i32
        %shift_right_arithmetic3A_1840 = vector.broadcast %shift_right_arithmetic3A_1839 : i32 to vector<16xi32>
        %shift_right_arithmetic3A_1841 = arith.shrsi %get3A_1828, %shift_right_arithmetic3A_1840 : vector<16xi32>
        %and3A_1842 = arith.constant 1 : i32
        %and3A_1843 = vector.broadcast %and3A_1842 : i32 to vector<16xi32>
        %and3A_1844 = arith.andi %shift_right_arithmetic3A_1841, %and3A_1843 : vector<16xi32>
        %add3A_1845 = arith.addi %add3A_1838, %and3A_1844 : vector<16xi32>
        %swap3A_1846 = arith.constant 5 : i32
        %swap3A_1847 = arith.index_cast %swap3A_1846 : i32 to index
        %swap3A_1848 = arith.constant 0 : index
        %swap3A_1849 = tpu.vector_load %arg5[%swap3A_1847, %swap3A_1848] {strides = array<i32>} : memref<8x128xi32, #tpu.memory_space<vmem>>, vector<16xi32>,
        tpu.vector_store %arg5[%swap3A_1847, %swap3A_1848], %add3A_1845 {strides = array<i32>} : memref<8x128xi32, #tpu.memory_space<vmem>>, vector<16xi32>,
        %get3A_1850 = arith.constant 5 : i32
        %get3A_1851 = arith.index_cast %get3A_1850 : i32 to index
        %get3A_1852 = arith.constant 16 : index
        %get3A_1853 = tpu.vector_load %arg5[%get3A_1851, %get3A_1852] {strides = array<i32>} : memref<8x128xi32, #tpu.memory_space<vmem>>, vector<16xi32>,
        %and3A_1854 = arith.constant -2048 : i32
        %and3A_1855 = vector.broadcast %and3A_1854 : i32 to vector<16xi32>
        %and3A_1856 = arith.andi %get3A_1853, %and3A_1855 : vector<16xi32>
        %and3A_1857 = arith.constant 1023 : i32
        %and3A_1858 = vector.broadcast %and3A_1857 : i32 to vector<16xi32>
        %and3A_1859 = arith.andi %get3A_1853, %and3A_1858 : vector<16xi32>
        %shift_left3A_1860 = arith.constant 1 : i32
        %shift_left3A_1861 = vector.broadcast %shift_left3A_1860 : i32 to vector<16xi32>
        %shift_left3A_1862 = arith.shli %and3A_1859, %shift_left3A_1861 : vector<16xi32>
        %add3A_1863 = arith.addi %and3A_1856, %shift_left3A_1862 : vector<16xi32>
        %shift_right_arithmetic3A_1864 = arith.constant 10 : i32
        %shift_right_arithmetic3A_1865 = vector.broadcast %shift_right_arithmetic3A_1864 : i32 to vector<16xi32>
        %shift_right_arithmetic3A_1866 = arith.shrsi %get3A_1853, %shift_right_arithmetic3A_1865 : vector<16xi32>
        %and3A_1867 = arith.constant 1 : i32
        %and3A_1868 = vector.broadcast %and3A_1867 : i32 to vector<16xi32>
        %and3A_1869 = arith.andi %shift_right_arithmetic3A_1866, %and3A_1868 : vector<16xi32>
        %add3A_1870 = arith.addi %add3A_1863, %and3A_1869 : vector<16xi32>
        %swap3A_1871 = arith.constant 5 : i32
        %swap3A_1872 = arith.index_cast %swap3A_1871 : i32 to index
        %swap3A_1873 = arith.constant 16 : index
        %swap3A_1874 = tpu.vector_load %arg5[%swap3A_1872, %swap3A_1873] {strides = array<i32>} : memref<8x128xi32, #tpu.memory_space<vmem>>, vector<16xi32>,
        tpu.vector_store %arg5[%swap3A_1872, %swap3A_1873], %add3A_1870 {strides = array<i32>} : memref<8x128xi32, #tpu.memory_space<vmem>>, vector<16xi32>,
        %get3A_1875 = arith.constant 5 : i32
        %get3A_1876 = arith.index_cast %get3A_1875 : i32 to index
        %get3A_1877 = arith.constant 32 : index
        %get3A_1878 = tpu.vector_load %arg5[%get3A_1876, %get3A_1877] {strides = array<i32>} : memref<8x128xi32, #tpu.memory_space<vmem>>, vector<16xi32>,
        %and3A_1879 = arith.constant -2048 : i32
        %and3A_1880 = vector.broadcast %and3A_1879 : i32 to vector<16xi32>
        %and3A_1881 = arith.andi %get3A_1878, %and3A_1880 : vector<16xi32>
        %and3A_1882 = arith.constant 1023 : i32
        %and3A_1883 = vector.broadcast %and3A_1882 : i32 to vector<16xi32>
        %and3A_1884 = arith.andi %get3A_1878, %and3A_1883 : vector<16xi32>
        %shift_left3A_1885 = arith.constant 1 : i32
        %shift_left3A_1886 = vector.broadcast %shift_left3A_1885 : i32 to vector<16xi32>
        %shift_left3A_1887 = arith.shli %and3A_1884, %shift_left3A_1886 : vector<16xi32>
        %add3A_1888 = arith.addi %and3A_1881, %shift_left3A_1887 : vector<16xi32>
        %shift_right_arithmetic3A_1889 = arith.constant 10 : i32
        %shift_right_arithmetic3A_1890 = vector.broadcast %shift_right_arithmetic3A_1889 : i32 to vector<16xi32>
        %shift_right_arithmetic3A_1891 = arith.shrsi %get3A_1878, %shift_right_arithmetic3A_1890 : vector<16xi32>
        %and3A_1892 = arith.constant 1 : i32
        %and3A_1893 = vector.broadcast %and3A_1892 : i32 to vector<16xi32>
        %and3A_1894 = arith.andi %shift_right_arithmetic3A_1891, %and3A_1893 : vector<16xi32>
        %add3A_1895 = arith.addi %add3A_1888, %and3A_1894 : vector<16xi32>
        %swap3A_1896 = arith.constant 5 : i32
        %swap3A_1897 = arith.index_cast %swap3A_1896 : i32 to index
        %swap3A_1898 = arith.constant 32 : index
        %swap3A_1899 = tpu.vector_load %arg5[%swap3A_1897, %swap3A_1898] {strides = array<i32>} : memref<8x128xi32, #tpu.memory_space<vmem>>, vector<16xi32>,
        tpu.vector_store %arg5[%swap3A_1897, %swap3A_1898], %add3A_1895 {strides = array<i32>} : memref<8x128xi32, #tpu.memory_space<vmem>>, vector<16xi32>,
        %get3A_1900 = arith.constant 5 : i32
        %get3A_1901 = arith.index_cast %get3A_1900 : i32 to index
        %get3A_1902 = arith.constant 48 : index
        %get3A_1903 = tpu.vector_load %arg5[%get3A_1901, %get3A_1902] {strides = array<i32>} : memref<8x128xi32, #tpu.memory_space<vmem>>, vector<16xi32>,
        %and3A_1904 = arith.constant -2048 : i32
        %and3A_1905 = vector.broadcast %and3A_1904 : i32 to vector<16xi32>
        %and3A_1906 = arith.andi %get3A_1903, %and3A_1905 : vector<16xi32>
        %and3A_1907 = arith.constant 1023 : i32
        %and3A_1908 = vector.broadcast %and3A_1907 : i32 to vector<16xi32>
        %and3A_1909 = arith.andi %get3A_1903, %and3A_1908 : vector<16xi32>
        %shift_left3A_1910 = arith.constant 1 : i32
        %shift_left3A_1911 = vector.broadcast %shift_left3A_1910 : i32 to vector<16xi32>
        %shift_left3A_1912 = arith.shli %and3A_1909, %shift_left3A_1911 : vector<16xi32>
        %add3A_1913 = arith.addi %and3A_1906, %shift_left3A_1912 : vector<16xi32>
        %shift_right_arithmetic3A_1914 = arith.constant 10 : i32
        %shift_right_arithmetic3A_1915 = vector.broadcast %shift_right_arithmetic3A_1914 : i32 to vector<16xi32>
        %shift_right_arithmetic3A_1916 = arith.shrsi %get3A_1903, %shift_right_arithmetic3A_1915 : vector<16xi32>
        %and3A_1917 = arith.constant 1 : i32
        %and3A_1918 = vector.broadcast %and3A_1917 : i32 to vector<16xi32>
        %and3A_1919 = arith.andi %shift_right_arithmetic3A_1916, %and3A_1918 : vector<16xi32>
        %add3A_1920 = arith.addi %add3A_1913, %and3A_1919 : vector<16xi32>
        %swap3A_1921 = arith.constant 5 : i32
        %swap3A_1922 = arith.index_cast %swap3A_1921 : i32 to index
        %swap3A_1923 = arith.constant 48 : index
        %swap3A_1924 = tpu.vector_load %arg5[%swap3A_1922, %swap3A_1923] {strides = array<i32>} : memref<8x128xi32, #tpu.memory_space<vmem>>, vector<16xi32>,
        tpu.vector_store %arg5[%swap3A_1922, %swap3A_1923], %add3A_1920 {strides = array<i32>} : memref<8x128xi32, #tpu.memory_space<vmem>>, vector<16xi32>,
        %get3A_1925 = arith.constant 5 : i32
        %get3A_1926 = arith.index_cast %get3A_1925 : i32 to index
        %get3A_1927 = arith.constant 64 : index
        %get3A_1928 = tpu.vector_load %arg5[%get3A_1926, %get3A_1927] {strides = array<i32>} : memref<8x128xi32, #tpu.memory_space<vmem>>, vector<16xi32>,
        %and3A_1929 = arith.constant -2048 : i32
        %and3A_1930 = vector.broadcast %and3A_1929 : i32 to vector<16xi32>
        %and3A_1931 = arith.andi %get3A_1928, %and3A_1930 : vector<16xi32>
        %and3A_1932 = arith.constant 1023 : i32
        %and3A_1933 = vector.broadcast %and3A_1932 : i32 to vector<16xi32>
        %and3A_1934 = arith.andi %get3A_1928, %and3A_1933 : vector<16xi32>
        %shift_left3A_1935 = arith.constant 1 : i32
        %shift_left3A_1936 = vector.broadcast %shift_left3A_1935 : i32 to vector<16xi32>
        %shift_left3A_1937 = arith.shli %and3A_1934, %shift_left3A_1936 : vector<16xi32>
        %add3A_1938 = arith.addi %and3A_1931, %shift_left3A_1937 : vector<16xi32>
        %shift_right_arithmetic3A_1939 = arith.constant 10 : i32
        %shift_right_arithmetic3A_1940 = vector.broadcast %shift_right_arithmetic3A_1939 : i32 to vector<16xi32>
        %shift_right_arithmetic3A_1941 = arith.shrsi %get3A_1928, %shift_right_arithmetic3A_1940 : vector<16xi32>
        %and3A_1942 = arith.constant 1 : i32
        %and3A_1943 = vector.broadcast %and3A_1942 : i32 to vector<16xi32>
        %and3A_1944 = arith.andi %shift_right_arithmetic3A_1941, %and3A_1943 : vector<16xi32>
        %add3A_1945 = arith.addi %add3A_1938, %and3A_1944 : vector<16xi32>
        %swap3A_1946 = arith.constant 5 : i32
        %swap3A_1947 = arith.index_cast %swap3A_1946 : i32 to index
        %swap3A_1948 = arith.constant 64 : index
        %swap3A_1949 = tpu.vector_load %arg5[%swap3A_1947, %swap3A_1948] {strides = array<i32>} : memref<8x128xi32, #tpu.memory_space<vmem>>, vector<16xi32>,
        tpu.vector_store %arg5[%swap3A_1947, %swap3A_1948], %add3A_1945 {strides = array<i32>} : memref<8x128xi32, #tpu.memory_space<vmem>>, vector<16xi32>,
        %get3A_1950 = arith.constant 5 : i32
        %get3A_1951 = arith.index_cast %get3A_1950 : i32 to index
        %get3A_1952 = arith.constant 80 : index
        %get3A_1953 = tpu.vector_load %arg5[%get3A_1951, %get3A_1952] {strides = array<i32>} : memref<8x128xi32, #tpu.memory_space<vmem>>, vector<16xi32>,
        %and3A_1954 = arith.constant -2048 : i32
        %and3A_1955 = vector.broadcast %and3A_1954 : i32 to vector<16xi32>
        %and3A_1956 = arith.andi %get3A_1953, %and3A_1955 : vector<16xi32>
        %and3A_1957 = arith.constant 1023 : i32
        %and3A_1958 = vector.broadcast %and3A_1957 : i32 to vector<16xi32>
        %and3A_1959 = arith.andi %get3A_1953, %and3A_1958 : vector<16xi32>
        %shift_left3A_1960 = arith.constant 1 : i32
        %shift_left3A_1961 = vector.broadcast %shift_left3A_1960 : i32 to vector<16xi32>
        %shift_left3A_1962 = arith.shli %and3A_1959, %shift_left3A_1961 : vector<16xi32>
        %add3A_1963 = arith.addi %and3A_1956, %shift_left3A_1962 : vector<16xi32>
        %shift_right_arithmetic3A_1964 = arith.constant 10 : i32
        %shift_right_arithmetic3A_1965 = vector.broadcast %shift_right_arithmetic3A_1964 : i32 to vector<16xi32>
        %shift_right_arithmetic3A_1966 = arith.shrsi %get3A_1953, %shift_right_arithmetic3A_1965 : vector<16xi32>
        %and3A_1967 = arith.constant 1 : i32
        %and3A_1968 = vector.broadcast %and3A_1967 : i32 to vector<16xi32>
        %and3A_1969 = arith.andi %shift_right_arithmetic3A_1966, %and3A_1968 : vector<16xi32>
        %add3A_1970 = arith.addi %add3A_1963, %and3A_1969 : vector<16xi32>
        %swap3A_1971 = arith.constant 5 : i32
        %swap3A_1972 = arith.index_cast %swap3A_1971 : i32 to index
        %swap3A_1973 = arith.constant 80 : index
        %swap3A_1974 = tpu.vector_load %arg5[%swap3A_1972, %swap3A_1973] {strides = array<i32>} : memref<8x128xi32, #tpu.memory_space<vmem>>, vector<16xi32>,
        tpu.vector_store %arg5[%swap3A_1972, %swap3A_1973], %add3A_1970 {strides = array<i32>} : memref<8x128xi32, #tpu.memory_space<vmem>>, vector<16xi32>,
        %get3A_1975 = arith.constant 5 : i32
        %get3A_1976 = arith.index_cast %get3A_1975 : i32 to index
        %get3A_1977 = arith.constant 96 : index
        %get3A_1978 = tpu.vector_load %arg5[%get3A_1976, %get3A_1977] {strides = array<i32>} : memref<8x128xi32, #tpu.memory_space<vmem>>, vector<16xi32>,
        %and3A_1979 = arith.constant -2048 : i32
        %and3A_1980 = vector.broadcast %and3A_1979 : i32 to vector<16xi32>
        %and3A_1981 = arith.andi %get3A_1978, %and3A_1980 : vector<16xi32>
        %and3A_1982 = arith.constant 1023 : i32
        %and3A_1983 = vector.broadcast %and3A_1982 : i32 to vector<16xi32>
        %and3A_1984 = arith.andi %get3A_1978, %and3A_1983 : vector<16xi32>
        %shift_left3A_1985 = arith.constant 1 : i32
        %shift_left3A_1986 = vector.broadcast %shift_left3A_1985 : i32 to vector<16xi32>
        %shift_left3A_1987 = arith.shli %and3A_1984, %shift_left3A_1986 : vector<16xi32>
        %add3A_1988 = arith.addi %and3A_1981, %shift_left3A_1987 : vector<16xi32>
        %shift_right_arithmetic3A_1989 = arith.constant 10 : i32
        %shift_right_arithmetic3A_1990 = vector.broadcast %shift_right_arithmetic3A_1989 : i32 to vector<16xi32>
        %shift_right_arithmetic3A_1991 = arith.shrsi %get3A_1978, %shift_right_arithmetic3A_1990 : vector<16xi32>
        %and3A_1992 = arith.constant 1 : i32
        %and3A_1993 = vector.broadcast %and3A_1992 : i32 to vector<16xi32>
        %and3A_1994 = arith.andi %shift_right_arithmetic3A_1991, %and3A_1993 : vector<16xi32>
        %add3A_1995 = arith.addi %add3A_1988, %and3A_1994 : vector<16xi32>
        %swap3A_1996 = arith.constant 5 : i32
        %swap3A_1997 = arith.index_cast %swap3A_1996 : i32 to index
        %swap3A_1998 = arith.constant 96 : index
        %swap3A_1999 = tpu.vector_load %arg5[%swap3A_1997, %swap3A_1998] {strides = array<i32>} : memref<8x128xi32, #tpu.memory_space<vmem>>, vector<16xi32>,
        tpu.vector_store %arg5[%swap3A_1997, %swap3A_1998], %add3A_1995 {strides = array<i32>} : memref<8x128xi32, #tpu.memory_space<vmem>>, vector<16xi32>,
        %get3A_2000 = arith.constant 5 : i32
        %get3A_2001 = arith.index_cast %get3A_2000 : i32 to index
        %get3A_2002 = arith.constant 112 : index
        %get3A_2003 = tpu.vector_load %arg5[%get3A_2001, %get3A_2002] {strides = array<i32>} : memref<8x128xi32, #tpu.memory_space<vmem>>, vector<16xi32>,
        %and3A_2004 = arith.constant -2048 : i32
        %and3A_2005 = vector.broadcast %and3A_2004 : i32 to vector<16xi32>
        %and3A_2006 = arith.andi %get3A_2003, %and3A_2005 : vector<16xi32>
        %and3A_2007 = arith.constant 1023 : i32
        %and3A_2008 = vector.broadcast %and3A_2007 : i32 to vector<16xi32>
        %and3A_2009 = arith.andi %get3A_2003, %and3A_2008 : vector<16xi32>
        %shift_left3A_2010 = arith.constant 1 : i32
        %shift_left3A_2011 = vector.broadcast %shift_left3A_2010 : i32 to vector<16xi32>
        %shift_left3A_2012 = arith.shli %and3A_2009, %shift_left3A_2011 : vector<16xi32>
        %add3A_2013 = arith.addi %and3A_2006, %shift_left3A_2012 : vector<16xi32>
        %shift_right_arithmetic3A_2014 = arith.constant 10 : i32
        %shift_right_arithmetic3A_2015 = vector.broadcast %shift_right_arithmetic3A_2014 : i32 to vector<16xi32>
        %shift_right_arithmetic3A_2016 = arith.shrsi %get3A_2003, %shift_right_arithmetic3A_2015 : vector<16xi32>
        %and3A_2017 = arith.constant 1 : i32
        %and3A_2018 = vector.broadcast %and3A_2017 : i32 to vector<16xi32>
        %and3A_2019 = arith.andi %shift_right_arithmetic3A_2016, %and3A_2018 : vector<16xi32>
        %add3A_2020 = arith.addi %add3A_2013, %and3A_2019 : vector<16xi32>
        %swap3A_2021 = arith.constant 5 : i32
        %swap3A_2022 = arith.index_cast %swap3A_2021 : i32 to index
        %swap3A_2023 = arith.constant 112 : index
        %swap3A_2024 = tpu.vector_load %arg5[%swap3A_2022, %swap3A_2023] {strides = array<i32>} : memref<8x128xi32, #tpu.memory_space<vmem>>, vector<16xi32>,
        tpu.vector_store %arg5[%swap3A_2022, %swap3A_2023], %add3A_2020 {strides = array<i32>} : memref<8x128xi32, #tpu.memory_space<vmem>>, vector<16xi32>,
        %ge3A = arith.constant 8 : i32
        %ge3A_2025 = arith.cmpi sge, %add3A_1514, %ge3A : i32
        %convert_element_type3A_2026 = arith.extui %ge3A_2025 : i1 to i32
        %cond3A_2027 = arith.constant 0 : i32
        %cond3A_2028 = arith.cmpi ne, %convert_element_type3A_2026, %cond3A_2027 : i32
        scf.if %cond3A_2028 {
          %dma_wait3A_2051 = arith.constant 5 : i32
          %dma_wait3A_2052 = arith.constant 5 : i32
          %dma_wait3A_2053 = arith.constant 0 : i32
          %dma_wait3A_2054 = arith.constant 0 : i32
          %dma_wait3A_2055 = tpu.memref_slice %arg6[%dma_wait3A_2051, %dma_wait3A_2053, %dma_wait3A_2054] : memref<8x128x64xf32, #tpu.memory_space<vmem>> -> memref<1x128x64xf32, #tpu.memory_space<vmem>>
          %dma_wait3A_2056 = tpu.memref_squeeze %dma_wait3A_2055 : memref<1x128x64xf32, #tpu.memory_space<vmem>> -> memref<128x64xf32, #tpu.memory_space<vmem>>
          %dma_wait3A_2057 = arith.constant 0 : i32
          %dma_wait3A_2058 = arith.constant 0 : i32
          %dma_wait3A_2059 = tpu.memref_slice %arg4[%dma_wait3A_2057, %dma_wait3A_2058] : memref<819200x64xf32, #tpu.memory_space<hbm>> -> memref<128x64xf32, #tpu.memory_space<hbm>>
          %dma_wait3A_2060 = tpu.memref_slice %arg9[%dma_wait3A_2052] : memref<8x!tpu.dma_semaphore, #tpu.memory_space<semaphore_mem>> -> memref<1x!tpu.dma_semaphore, #tpu.memory_space<semaphore_mem>>
          %dma_wait3A_2061 = tpu.memref_squeeze %dma_wait3A_2060 : memref<1x!tpu.dma_semaphore, #tpu.memory_space<semaphore_mem>> -> memref<!tpu.dma_semaphore, #tpu.memory_space<semaphore_mem>>
          %dma_wait3A_2062 = arith.constant 0 : i32
          %dma_wait3A_2063 = arith.constant 0 : i32
          %dma_wait3A_2064 = tpu.memref_slice %arg4[%dma_wait3A_2062, %dma_wait3A_2063] : memref<819200x64xf32, #tpu.memory_space<hbm>> -> memref<128x64xf32, #tpu.memory_space<hbm>>
          %dma_wait3A_2065 = arith.constant 0 : i32
          %dma_wait3A_2066 = arith.constant 0 : i32
          %dma_wait3A_2067 = tpu.memref_slice %arg6[%dma_wait3A_2051, %dma_wait3A_2065, %dma_wait3A_2066] : memref<8x128x64xf32, #tpu.memory_space<vmem>> -> memref<1x128x64xf32, #tpu.memory_space<vmem>>
          %dma_wait3A_2068 = tpu.memref_squeeze %dma_wait3A_2067 : memref<1x128x64xf32, #tpu.memory_space<vmem>> -> memref<128x64xf32, #tpu.memory_space<vmem>>
          tpu.wait_dma2 semaphore(%dma_wait3A_2061 : memref<!tpu.dma_semaphore, #tpu.memory_space<semaphore_mem>>) src(%dma_wait3A_2068 : memref<128x64xf32, #tpu.memory_space<vmem>>) dst(%dma_wait3A_2064 : memref<128x64xf32, #tpu.memory_space<hbm>>)
        } else {
        }
        %dma_start3A_2029 = arith.constant 5 : i32
        %dma_start3A_2030 = arith.constant 5 : i32
        %dma_start3A_2031 = arith.constant 5 : i32
        %dma_start3A_2032 = arith.constant 0 : i32
        %dma_start3A_2033 = arith.constant 0 : i32
        %dma_start3A_2034 = tpu.memref_slice %arg6[%dma_start3A_2030, %dma_start3A_2032, %dma_start3A_2033] : memref<8x128x64xf32, #tpu.memory_space<vmem>> -> memref<1x128x64xf32, #tpu.memory_space<vmem>>
        %dma_start3A_2035 = tpu.memref_squeeze %dma_start3A_2034 : memref<1x128x64xf32, #tpu.memory_space<vmem>> -> memref<128x64xf32, #tpu.memory_space<vmem>>
        %dma_start3A_2036 = arith.constant 0 : i32
        %dma_start3A_2037 = tpu.memref_slice %arg5[%dma_start3A_2029, %dma_start3A_2036] : memref<8x128xi32, #tpu.memory_space<vmem>> -> memref<1x128xi32, #tpu.memory_space<vmem>>
        %dma_start3A_2038 = tpu.memref_squeeze %dma_start3A_2037 : memref<1x128xi32, #tpu.memory_space<vmem>> -> memref<128xi32, #tpu.memory_space<vmem>>
        %dma_start3A_2039 = arith.constant 0 : i32
        %dma_start3A_2040 = arith.constant 0 : i32
        %dma_start3A_2041 = tpu.memref_slice %arg3[%dma_start3A_2039, %dma_start3A_2040] : memref<1001472x64xf32, #tpu.memory_space<hbm>> -> memref<1001472x64xf32, #tpu.memory_space<hbm>>
        %dma_start3A_2042 = tpu.memref_slice %arg8[%dma_start3A_2031] : memref<8x!tpu.dma_semaphore, #tpu.memory_space<semaphore_mem>> -> memref<1x!tpu.dma_semaphore, #tpu.memory_space<semaphore_mem>>
        %dma_start3A_2043 = tpu.memref_squeeze %dma_start3A_2042 : memref<1x!tpu.dma_semaphore, #tpu.memory_space<semaphore_mem>> -> memref<!tpu.dma_semaphore, #tpu.memory_space<semaphore_mem>>
        tpu.enqueue_indirect_dma source(%dma_start3A_2041 : memref<1001472x64xf32, #tpu.memory_space<hbm>>) target(%dma_start3A_2035 : memref<128x64xf32, #tpu.memory_space<vmem>>) offsets(%dma_start3A_2038 : memref<128xi32, #tpu.memory_space<vmem>>) semaphore(%dma_start3A_2043 : memref<!tpu.dma_semaphore, #tpu.memory_space<semaphore_mem>>)
        %add3A_2044 = arith.constant 4 : i32
        %add3A_2045 = arith.addi %add3A_1514, %add3A_2044 : i32
        %lt3A_2046 = arith.constant 200 : i32
        %lt3A_2047 = arith.cmpi slt, %add3A_2045, %lt3A_2046 : i32
        %convert_element_type3A_2048 = arith.extui %lt3A_2047 : i1 to i32
        %cond3A_2049 = arith.constant 0 : i32
        %cond3A_2050 = arith.cmpi ne, %convert_element_type3A_2048, %cond3A_2049 : i32
        scf.if %cond3A_2050 {
          %add3A_2051 = arith.addi %mul3A_2, %add3A_1514 : i32
          %add3A_2052 = arith.constant 4 : i32
          %add3A_2053 = arith.addi %add3A_2051, %add3A_2052 : i32
          %jit3A_2054 = arith.constant 32 : i32
          %div3A_2055 = arith.divsi %add3A_2053, %jit3A_2054 : i32
          %sign3A_2056 = arith.constant 0 : i32
          %sign3A_2057 = arith.cmpi sgt, %add3A_2053, %sign3A_2056 : i32
          %sign3A_2058 = arith.extui %sign3A_2057 : i1 to i32
          %sign3A_2059 = arith.constant 0 : i32
          %sign3A_2060 = arith.cmpi slt, %add3A_2053, %sign3A_2059 : i32
          %sign3A_2061 = arith.extui %sign3A_2060 : i1 to i32
          %sign3A_2062 = arith.subi %sign3A_2058, %sign3A_2061 : i32
          %sign3A_2063 = arith.constant 0 : i32
          %sign3A_2064 = arith.cmpi sgt, %jit3A_2054, %sign3A_2063 : i32
          %sign3A_2065 = arith.extui %sign3A_2064 : i1 to i32
          %sign3A_2066 = arith.constant 0 : i32
          %sign3A_2067 = arith.cmpi slt, %jit3A_2054, %sign3A_2066 : i32
          %sign3A_2068 = arith.extui %sign3A_2067 : i1 to i32
          %sign3A_2069 = arith.subi %sign3A_2065, %sign3A_2068 : i32
          %ne3A_2070 = arith.cmpi ne, %sign3A_2062, %sign3A_2069 : i32
          %rem3A_2071 = arith.remsi %add3A_2053, %jit3A_2054 : i32
          %ne3A_2072 = arith.constant 0 : i32
          %ne3A_2073 = arith.cmpi ne, %rem3A_2071, %ne3A_2072 : i32
          %and3A_2074 = arith.andi %ne3A_2070, %ne3A_2073 : i1
          %sub3A_2075 = arith.constant 1 : i32
          %sub3A_2076 = arith.subi %div3A_2055, %sub3A_2075 : i32
          %select_n3A_2077 = arith.select %and3A_2074, %sub3A_2076, %div3A_2055 : i32
          %mul3A_2078 = arith.constant 32 : i32
          %mul3A_2079 = arith.muli %select_n3A_2077, %mul3A_2078 : i32
          %sub3A_2080 = arith.subi %add3A_2053, %mul3A_2079 : i32
          %mul3A_2081 = arith.constant 128 : i32
          %mul3A_2082 = arith.muli %sub3A_2080, %mul3A_2081 : i32
          %dma_start3A_2083 = arith.constant 1 : i32
          %dma_start3A_2084 = arith.constant 1 : i32
          %dma_start3A_2085 = arith.constant 0 : i32
          %dma_start3A_2086 = tpu.memref_slice %arg5[%dma_start3A_2083, %dma_start3A_2085] : memref<8x128xi32, #tpu.memory_space<vmem>> -> memref<1x128xi32, #tpu.memory_space<vmem>>
          %dma_start3A_2087 = tpu.memref_squeeze %dma_start3A_2086 : memref<1x128xi32, #tpu.memory_space<vmem>> -> memref<128xi32, #tpu.memory_space<vmem>>
          %dma_start3A_2088 = tpu.memref_slice %arg2[%select_n3A_2077, %mul3A_2082] : memref<200x4096xi32, #tpu.memory_space<hbm>> -> memref<1x128xi32, #tpu.memory_space<hbm>>
          %dma_start3A_2089 = tpu.memref_squeeze %dma_start3A_2088 : memref<1x128xi32, #tpu.memory_space<hbm>> -> memref<128xi32, #tpu.memory_space<hbm>>
          %dma_start3A_2090 = tpu.memref_slice %arg7[%dma_start3A_2084] : memref<8x!tpu.dma_semaphore, #tpu.memory_space<semaphore_mem>> -> memref<1x!tpu.dma_semaphore, #tpu.memory_space<semaphore_mem>>
          %dma_start3A_2091 = tpu.memref_squeeze %dma_start3A_2090 : memref<1x!tpu.dma_semaphore, #tpu.memory_space<semaphore_mem>> -> memref<!tpu.dma_semaphore, #tpu.memory_space<semaphore_mem>>
          %dma_start3A_2092 = arith.constant 0 : i32
          %dma_start3A_2093 = tpu.memref_slice %arg5[%dma_start3A_2083, %dma_start3A_2092] : memref<8x128xi32, #tpu.memory_space<vmem>> -> memref<1x128xi32, #tpu.memory_space<vmem>>
          %dma_start3A_2094 = tpu.memref_squeeze %dma_start3A_2093 : memref<1x128xi32, #tpu.memory_space<vmem>> -> memref<128xi32, #tpu.memory_space<vmem>>
          %dma_start3A_2095 = tpu.memref_slice %arg2[%select_n3A_2077, %mul3A_2082] : memref<200x4096xi32, #tpu.memory_space<hbm>> -> memref<1x128xi32, #tpu.memory_space<hbm>>
          %dma_start3A_2096 = tpu.memref_squeeze %dma_start3A_2095 : memref<1x128xi32, #tpu.memory_space<hbm>> -> memref<128xi32, #tpu.memory_space<hbm>>
          tpu.enqueue_dma source(%dma_start3A_2096 : memref<128xi32, #tpu.memory_space<hbm>>) target(%dma_start3A_2094 : memref<128xi32, #tpu.memory_space<vmem>>) target_semaphore(%dma_start3A_2091 : memref<!tpu.dma_semaphore, #tpu.memory_space<semaphore_mem>>)
        } else {
        }
      } else {
      }
      %mul3A_1520 = arith.constant 8 : i32
      %mul3A_1521 = arith.muli %scan3A_1426, %mul3A_1520 : i32
      %add3A_1522 = arith.constant 2 : i32
      %add3A_1523 = arith.addi %mul3A_1521, %add3A_1522 : i32
      %dma_wait3A_1524 = arith.constant 2 : i32
      %dma_wait3A_1525 = arith.constant 2 : i32
      %dma_wait3A_1526 = arith.constant 0 : i32
      %dma_wait3A_1527 = arith.constant 0 : i32
      %dma_wait3A_1528 = tpu.memref_slice %arg6[%dma_wait3A_1524, %dma_wait3A_1526, %dma_wait3A_1527] : memref<8x128x64xf32, #tpu.memory_space<vmem>> -> memref<1x128x64xf32, #tpu.memory_space<vmem>>
      %dma_wait3A_1529 = tpu.memref_squeeze %dma_wait3A_1528 : memref<1x128x64xf32, #tpu.memory_space<vmem>> -> memref<128x64xf32, #tpu.memory_space<vmem>>
      %dma_wait3A_1530 = arith.constant 0 : i32
      %dma_wait3A_1531 = arith.constant 0 : i32
      %dma_wait3A_1532 = tpu.memref_slice %arg3[%dma_wait3A_1530, %dma_wait3A_1531] : memref<1001472x64xf32, #tpu.memory_space<hbm>> -> memref<128x64xf32, #tpu.memory_space<hbm>>
      %dma_wait3A_1533 = tpu.memref_slice %arg8[%dma_wait3A_1525] : memref<8x!tpu.dma_semaphore, #tpu.memory_space<semaphore_mem>> -> memref<1x!tpu.dma_semaphore, #tpu.memory_space<semaphore_mem>>
      %dma_wait3A_1534 = tpu.memref_squeeze %dma_wait3A_1533 : memref<1x!tpu.dma_semaphore, #tpu.memory_space<semaphore_mem>> -> memref<!tpu.dma_semaphore, #tpu.memory_space<semaphore_mem>>
      %dma_wait3A_1535 = arith.constant 0 : i32
      %dma_wait3A_1536 = arith.constant 0 : i32
      %dma_wait3A_1537 = tpu.memref_slice %arg6[%dma_wait3A_1524, %dma_wait3A_1535, %dma_wait3A_1536] : memref<8x128x64xf32, #tpu.memory_space<vmem>> -> memref<1x128x64xf32, #tpu.memory_space<vmem>>
      %dma_wait3A_1538 = tpu.memref_squeeze %dma_wait3A_1537 : memref<1x128x64xf32, #tpu.memory_space<vmem>> -> memref<128x64xf32, #tpu.memory_space<vmem>>
      %dma_wait3A_1539 = arith.constant 0 : i32
      %dma_wait3A_1540 = arith.constant 0 : i32
      %dma_wait3A_1541 = tpu.memref_slice %arg3[%dma_wait3A_1539, %dma_wait3A_1540] : memref<1001472x64xf32, #tpu.memory_space<hbm>> -> memref<128x64xf32, #tpu.memory_space<hbm>>
      tpu.wait_dma2 semaphore(%dma_wait3A_1534 : memref<!tpu.dma_semaphore, #tpu.memory_space<semaphore_mem>>) src(%dma_wait3A_1541 : memref<128x64xf32, #tpu.memory_space<hbm>>) dst(%dma_wait3A_1538 : memref<128x64xf32, #tpu.memory_space<vmem>>)
      %add3A_1542 = arith.addi %mul3A_2, %add3A_1523 : i32
      %mul3A_1543 = arith.constant 128 : i32
      %mul3A_1544 = arith.muli %add3A_1542, %mul3A_1543 : i32
      %dma_start3A_1545 = arith.constant 2 : i32
      %dma_start3A_1546 = arith.constant 2 : i32
      %dma_start3A_1547 = arith.constant 0 : i32
      %dma_start3A_1548 = arith.constant 0 : i32
      %dma_start3A_1549 = tpu.memref_slice %arg6[%dma_start3A_1545, %dma_start3A_1547, %dma_start3A_1548] : memref<8x128x64xf32, #tpu.memory_space<vmem>> -> memref<1x128x64xf32, #tpu.memory_space<vmem>>
      %dma_start3A_1550 = tpu.memref_squeeze %dma_start3A_1549 : memref<1x128x64xf32, #tpu.memory_space<vmem>> -> memref<128x64xf32, #tpu.memory_space<vmem>>
      %dma_start3A_1551 = arith.constant 0 : i32
      %dma_start3A_1552 = tpu.memref_slice %arg4[%mul3A_1544, %dma_start3A_1551] : memref<819200x64xf32, #tpu.memory_space<hbm>> -> memref<128x64xf32, #tpu.memory_space<hbm>>
      %dma_start3A_1553 = tpu.memref_slice %arg9[%dma_start3A_1546] : memref<8x!tpu.dma_semaphore, #tpu.memory_space<semaphore_mem>> -> memref<1x!tpu.dma_semaphore, #tpu.memory_space<semaphore_mem>>
      %dma_start3A_1554 = tpu.memref_squeeze %dma_start3A_1553 : memref<1x!tpu.dma_semaphore, #tpu.memory_space<semaphore_mem>> -> memref<!tpu.dma_semaphore, #tpu.memory_space<semaphore_mem>>
      %dma_start3A_1555 = arith.constant 0 : i32
      %dma_start3A_1556 = tpu.memref_slice %arg4[%mul3A_1544, %dma_start3A_1555] : memref<819200x64xf32, #tpu.memory_space<hbm>> -> memref<128x64xf32, #tpu.memory_space<hbm>>
      %dma_start3A_1557 = arith.constant 0 : i32
      %dma_start3A_1558 = arith.constant 0 : i32
      %dma_start3A_1559 = tpu.memref_slice %arg6[%dma_start3A_1545, %dma_start3A_1557, %dma_start3A_1558] : memref<8x128x64xf32, #tpu.memory_space<vmem>> -> memref<1x128x64xf32, #tpu.memory_space<vmem>>
      %dma_start3A_1560 = tpu.memref_squeeze %dma_start3A_1559 : memref<1x128x64xf32, #tpu.memory_space<vmem>> -> memref<128x64xf32, #tpu.memory_space<vmem>>
      tpu.enqueue_dma source(%dma_start3A_1560 : memref<128x64xf32, #tpu.memory_space<vmem>>) target(%dma_start3A_1556 : memref<128x64xf32, #tpu.memory_space<hbm>>) target_semaphore(%dma_start3A_1554 : memref<!tpu.dma_semaphore, #tpu.memory_space<semaphore_mem>>)
      %add3A_1561 = arith.constant 4 : i32
      %add3A_1562 = arith.addi %add3A_1523, %add3A_1561 : i32
      %lt3A_1563 = arith.constant 200 : i32
      %lt3A_1564 = arith.cmpi slt, %add3A_1562, %lt3A_1563 : i32
      %convert_element_type3A_1565 = arith.extui %lt3A_1564 : i1 to i32
      %cond3A_1566 = arith.constant 0 : i32
      %cond3A_1567 = arith.cmpi ne, %convert_element_type3A_1565, %cond3A_1566 : i32
      scf.if %cond3A_1567 {
        %dma_wait3A_1808 = arith.constant 0 : i32
        %dma_wait3A_1809 = arith.constant 6 : i32
        %dma_wait3A_1810 = arith.constant 6 : i32
        %dma_wait3A_1811 = arith.constant 0 : i32
        %dma_wait3A_1812 = tpu.memref_slice %arg5[%dma_wait3A_1809, %dma_wait3A_1811] : memref<8x128xi32, #tpu.memory_space<vmem>> -> memref<1x128xi32, #tpu.memory_space<vmem>>
        %dma_wait3A_1813 = tpu.memref_squeeze %dma_wait3A_1812 : memref<1x128xi32, #tpu.memory_space<vmem>> -> memref<128xi32, #tpu.memory_space<vmem>>
        %dma_wait3A_1814 = arith.constant 0 : i32
        %dma_wait3A_1815 = tpu.memref_slice %arg2[%dma_wait3A_1808, %dma_wait3A_1814] : memref<200x4096xi32, #tpu.memory_space<hbm>> -> memref<1x128xi32, #tpu.memory_space<hbm>>
        %dma_wait3A_1816 = tpu.memref_squeeze %dma_wait3A_1815 : memref<1x128xi32, #tpu.memory_space<hbm>> -> memref<128xi32, #tpu.memory_space<hbm>>
        %dma_wait3A_1817 = tpu.memref_slice %arg7[%dma_wait3A_1810] : memref<8x!tpu.dma_semaphore, #tpu.memory_space<semaphore_mem>> -> memref<1x!tpu.dma_semaphore, #tpu.memory_space<semaphore_mem>>
        %dma_wait3A_1818 = tpu.memref_squeeze %dma_wait3A_1817 : memref<1x!tpu.dma_semaphore, #tpu.memory_space<semaphore_mem>> -> memref<!tpu.dma_semaphore, #tpu.memory_space<semaphore_mem>>
        %dma_wait3A_1819 = arith.constant 0 : i32
        %dma_wait3A_1820 = tpu.memref_slice %arg5[%dma_wait3A_1809, %dma_wait3A_1819] : memref<8x128xi32, #tpu.memory_space<vmem>> -> memref<1x128xi32, #tpu.memory_space<vmem>>
        %dma_wait3A_1821 = tpu.memref_squeeze %dma_wait3A_1820 : memref<1x128xi32, #tpu.memory_space<vmem>> -> memref<128xi32, #tpu.memory_space<vmem>>
        %dma_wait3A_1822 = arith.constant 0 : i32
        %dma_wait3A_1823 = tpu.memref_slice %arg2[%dma_wait3A_1808, %dma_wait3A_1822] : memref<200x4096xi32, #tpu.memory_space<hbm>> -> memref<1x128xi32, #tpu.memory_space<hbm>>
        %dma_wait3A_1824 = tpu.memref_squeeze %dma_wait3A_1823 : memref<1x128xi32, #tpu.memory_space<hbm>> -> memref<128xi32, #tpu.memory_space<hbm>>
        tpu.wait_dma2 semaphore(%dma_wait3A_1818 : memref<!tpu.dma_semaphore, #tpu.memory_space<semaphore_mem>>) src(%dma_wait3A_1824 : memref<128xi32, #tpu.memory_space<hbm>>) dst(%dma_wait3A_1821 : memref<128xi32, #tpu.memory_space<vmem>>)
        %get3A_1825 = arith.constant 6 : i32
        %get3A_1826 = arith.index_cast %get3A_1825 : i32 to index
        %get3A_1827 = arith.constant 0 : index
        %get3A_1828 = tpu.vector_load %arg5[%get3A_1826, %get3A_1827] {strides = array<i32>} : memref<8x128xi32, #tpu.memory_space<vmem>>, vector<16xi32>,
        %and3A_1829 = arith.constant -2048 : i32
        %and3A_1830 = vector.broadcast %and3A_1829 : i32 to vector<16xi32>
        %and3A_1831 = arith.andi %get3A_1828, %and3A_1830 : vector<16xi32>
        %and3A_1832 = arith.constant 1023 : i32
        %and3A_1833 = vector.broadcast %and3A_1832 : i32 to vector<16xi32>
        %and3A_1834 = arith.andi %get3A_1828, %and3A_1833 : vector<16xi32>
        %shift_left3A_1835 = arith.constant 1 : i32
        %shift_left3A_1836 = vector.broadcast %shift_left3A_1835 : i32 to vector<16xi32>
        %shift_left3A_1837 = arith.shli %and3A_1834, %shift_left3A_1836 : vector<16xi32>
        %add3A_1838 = arith.addi %and3A_1831, %shift_left3A_1837 : vector<16xi32>
        %shift_right_arithmetic3A_1839 = arith.constant 10 : i32
        %shift_right_arithmetic3A_1840 = vector.broadcast %shift_right_arithmetic3A_1839 : i32 to vector<16xi32>
        %shift_right_arithmetic3A_1841 = arith.shrsi %get3A_1828, %shift_right_arithmetic3A_1840 : vector<16xi32>
        %and3A_1842 = arith.constant 1 : i32
        %and3A_1843 = vector.broadcast %and3A_1842 : i32 to vector<16xi32>
        %and3A_1844 = arith.andi %shift_right_arithmetic3A_1841, %and3A_1843 : vector<16xi32>
        %add3A_1845 = arith.addi %add3A_1838, %and3A_1844 : vector<16xi32>
        %swap3A_1846 = arith.constant 6 : i32
        %swap3A_1847 = arith.index_cast %swap3A_1846 : i32 to index
        %swap3A_1848 = arith.constant 0 : index
        %swap3A_1849 = tpu.vector_load %arg5[%swap3A_1847, %swap3A_1848] {strides = array<i32>} : memref<8x128xi32, #tpu.memory_space<vmem>>, vector<16xi32>,
        tpu.vector_store %arg5[%swap3A_1847, %swap3A_1848], %add3A_1845 {strides = array<i32>} : memref<8x128xi32, #tpu.memory_space<vmem>>, vector<16xi32>,
        %get3A_1850 = arith.constant 6 : i32
        %get3A_1851 = arith.index_cast %get3A_1850 : i32 to index
        %get3A_1852 = arith.constant 16 : index
        %get3A_1853 = tpu.vector_load %arg5[%get3A_1851, %get3A_1852] {strides = array<i32>} : memref<8x128xi32, #tpu.memory_space<vmem>>, vector<16xi32>,
        %and3A_1854 = arith.constant -2048 : i32
        %and3A_1855 = vector.broadcast %and3A_1854 : i32 to vector<16xi32>
        %and3A_1856 = arith.andi %get3A_1853, %and3A_1855 : vector<16xi32>
        %and3A_1857 = arith.constant 1023 : i32
        %and3A_1858 = vector.broadcast %and3A_1857 : i32 to vector<16xi32>
        %and3A_1859 = arith.andi %get3A_1853, %and3A_1858 : vector<16xi32>
        %shift_left3A_1860 = arith.constant 1 : i32
        %shift_left3A_1861 = vector.broadcast %shift_left3A_1860 : i32 to vector<16xi32>
        %shift_left3A_1862 = arith.shli %and3A_1859, %shift_left3A_1861 : vector<16xi32>
        %add3A_1863 = arith.addi %and3A_1856, %shift_left3A_1862 : vector<16xi32>
        %shift_right_arithmetic3A_1864 = arith.constant 10 : i32
        %shift_right_arithmetic3A_1865 = vector.broadcast %shift_right_arithmetic3A_1864 : i32 to vector<16xi32>
        %shift_right_arithmetic3A_1866 = arith.shrsi %get3A_1853, %shift_right_arithmetic3A_1865 : vector<16xi32>
        %and3A_1867 = arith.constant 1 : i32
        %and3A_1868 = vector.broadcast %and3A_1867 : i32 to vector<16xi32>
        %and3A_1869 = arith.andi %shift_right_arithmetic3A_1866, %and3A_1868 : vector<16xi32>
        %add3A_1870 = arith.addi %add3A_1863, %and3A_1869 : vector<16xi32>
        %swap3A_1871 = arith.constant 6 : i32
        %swap3A_1872 = arith.index_cast %swap3A_1871 : i32 to index
        %swap3A_1873 = arith.constant 16 : index
        %swap3A_1874 = tpu.vector_load %arg5[%swap3A_1872, %swap3A_1873] {strides = array<i32>} : memref<8x128xi32, #tpu.memory_space<vmem>>, vector<16xi32>,
        tpu.vector_store %arg5[%swap3A_1872, %swap3A_1873], %add3A_1870 {strides = array<i32>} : memref<8x128xi32, #tpu.memory_space<vmem>>, vector<16xi32>,
        %get3A_1875 = arith.constant 6 : i32
        %get3A_1876 = arith.index_cast %get3A_1875 : i32 to index
        %get3A_1877 = arith.constant 32 : index
        %get3A_1878 = tpu.vector_load %arg5[%get3A_1876, %get3A_1877] {strides = array<i32>} : memref<8x128xi32, #tpu.memory_space<vmem>>, vector<16xi32>,
        %and3A_1879 = arith.constant -2048 : i32
        %and3A_1880 = vector.broadcast %and3A_1879 : i32 to vector<16xi32>
        %and3A_1881 = arith.andi %get3A_1878, %and3A_1880 : vector<16xi32>
        %and3A_1882 = arith.constant 1023 : i32
        %and3A_1883 = vector.broadcast %and3A_1882 : i32 to vector<16xi32>
        %and3A_1884 = arith.andi %get3A_1878, %and3A_1883 : vector<16xi32>
        %shift_left3A_1885 = arith.constant 1 : i32
        %shift_left3A_1886 = vector.broadcast %shift_left3A_1885 : i32 to vector<16xi32>
        %shift_left3A_1887 = arith.shli %and3A_1884, %shift_left3A_1886 : vector<16xi32>
        %add3A_1888 = arith.addi %and3A_1881, %shift_left3A_1887 : vector<16xi32>
        %shift_right_arithmetic3A_1889 = arith.constant 10 : i32
        %shift_right_arithmetic3A_1890 = vector.broadcast %shift_right_arithmetic3A_1889 : i32 to vector<16xi32>
        %shift_right_arithmetic3A_1891 = arith.shrsi %get3A_1878, %shift_right_arithmetic3A_1890 : vector<16xi32>
        %and3A_1892 = arith.constant 1 : i32
        %and3A_1893 = vector.broadcast %and3A_1892 : i32 to vector<16xi32>
        %and3A_1894 = arith.andi %shift_right_arithmetic3A_1891, %and3A_1893 : vector<16xi32>
        %add3A_1895 = arith.addi %add3A_1888, %and3A_1894 : vector<16xi32>
        %swap3A_1896 = arith.constant 6 : i32
        %swap3A_1897 = arith.index_cast %swap3A_1896 : i32 to index
        %swap3A_1898 = arith.constant 32 : index
        %swap3A_1899 = tpu.vector_load %arg5[%swap3A_1897, %swap3A_1898] {strides = array<i32>} : memref<8x128xi32, #tpu.memory_space<vmem>>, vector<16xi32>,
        tpu.vector_store %arg5[%swap3A_1897, %swap3A_1898], %add3A_1895 {strides = array<i32>} : memref<8x128xi32, #tpu.memory_space<vmem>>, vector<16xi32>,
        %get3A_1900 = arith.constant 6 : i32
        %get3A_1901 = arith.index_cast %get3A_1900 : i32 to index
        %get3A_1902 = arith.constant 48 : index
        %get3A_1903 = tpu.vector_load %arg5[%get3A_1901, %get3A_1902] {strides = array<i32>} : memref<8x128xi32, #tpu.memory_space<vmem>>, vector<16xi32>,
        %and3A_1904 = arith.constant -2048 : i32
        %and3A_1905 = vector.broadcast %and3A_1904 : i32 to vector<16xi32>
        %and3A_1906 = arith.andi %get3A_1903, %and3A_1905 : vector<16xi32>
        %and3A_1907 = arith.constant 1023 : i32
        %and3A_1908 = vector.broadcast %and3A_1907 : i32 to vector<16xi32>
        %and3A_1909 = arith.andi %get3A_1903, %and3A_1908 : vector<16xi32>
        %shift_left3A_1910 = arith.constant 1 : i32
        %shift_left3A_1911 = vector.broadcast %shift_left3A_1910 : i32 to vector<16xi32>
        %shift_left3A_1912 = arith.shli %and3A_1909, %shift_left3A_1911 : vector<16xi32>
        %add3A_1913 = arith.addi %and3A_1906, %shift_left3A_1912 : vector<16xi32>
        %shift_right_arithmetic3A_1914 = arith.constant 10 : i32
        %shift_right_arithmetic3A_1915 = vector.broadcast %shift_right_arithmetic3A_1914 : i32 to vector<16xi32>
        %shift_right_arithmetic3A_1916 = arith.shrsi %get3A_1903, %shift_right_arithmetic3A_1915 : vector<16xi32>
        %and3A_1917 = arith.constant 1 : i32
        %and3A_1918 = vector.broadcast %and3A_1917 : i32 to vector<16xi32>
        %and3A_1919 = arith.andi %shift_right_arithmetic3A_1916, %and3A_1918 : vector<16xi32>
        %add3A_1920 = arith.addi %add3A_1913, %and3A_1919 : vector<16xi32>
        %swap3A_1921 = arith.constant 6 : i32
        %swap3A_1922 = arith.index_cast %swap3A_1921 : i32 to index
        %swap3A_1923 = arith.constant 48 : index
        %swap3A_1924 = tpu.vector_load %arg5[%swap3A_1922, %swap3A_1923] {strides = array<i32>} : memref<8x128xi32, #tpu.memory_space<vmem>>, vector<16xi32>,
        tpu.vector_store %arg5[%swap3A_1922, %swap3A_1923], %add3A_1920 {strides = array<i32>} : memref<8x128xi32, #tpu.memory_space<vmem>>, vector<16xi32>,
        %get3A_1925 = arith.constant 6 : i32
        %get3A_1926 = arith.index_cast %get3A_1925 : i32 to index
        %get3A_1927 = arith.constant 64 : index
        %get3A_1928 = tpu.vector_load %arg5[%get3A_1926, %get3A_1927] {strides = array<i32>} : memref<8x128xi32, #tpu.memory_space<vmem>>, vector<16xi32>,
        %and3A_1929 = arith.constant -2048 : i32
        %and3A_1930 = vector.broadcast %and3A_1929 : i32 to vector<16xi32>
        %and3A_1931 = arith.andi %get3A_1928, %and3A_1930 : vector<16xi32>
        %and3A_1932 = arith.constant 1023 : i32
        %and3A_1933 = vector.broadcast %and3A_1932 : i32 to vector<16xi32>
        %and3A_1934 = arith.andi %get3A_1928, %and3A_1933 : vector<16xi32>
        %shift_left3A_1935 = arith.constant 1 : i32
        %shift_left3A_1936 = vector.broadcast %shift_left3A_1935 : i32 to vector<16xi32>
        %shift_left3A_1937 = arith.shli %and3A_1934, %shift_left3A_1936 : vector<16xi32>
        %add3A_1938 = arith.addi %and3A_1931, %shift_left3A_1937 : vector<16xi32>
        %shift_right_arithmetic3A_1939 = arith.constant 10 : i32
        %shift_right_arithmetic3A_1940 = vector.broadcast %shift_right_arithmetic3A_1939 : i32 to vector<16xi32>
        %shift_right_arithmetic3A_1941 = arith.shrsi %get3A_1928, %shift_right_arithmetic3A_1940 : vector<16xi32>
        %and3A_1942 = arith.constant 1 : i32
        %and3A_1943 = vector.broadcast %and3A_1942 : i32 to vector<16xi32>
        %and3A_1944 = arith.andi %shift_right_arithmetic3A_1941, %and3A_1943 : vector<16xi32>
        %add3A_1945 = arith.addi %add3A_1938, %and3A_1944 : vector<16xi32>
        %swap3A_1946 = arith.constant 6 : i32
        %swap3A_1947 = arith.index_cast %swap3A_1946 : i32 to index
        %swap3A_1948 = arith.constant 64 : index
        %swap3A_1949 = tpu.vector_load %arg5[%swap3A_1947, %swap3A_1948] {strides = array<i32>} : memref<8x128xi32, #tpu.memory_space<vmem>>, vector<16xi32>,
        tpu.vector_store %arg5[%swap3A_1947, %swap3A_1948], %add3A_1945 {strides = array<i32>} : memref<8x128xi32, #tpu.memory_space<vmem>>, vector<16xi32>,
        %get3A_1950 = arith.constant 6 : i32
        %get3A_1951 = arith.index_cast %get3A_1950 : i32 to index
        %get3A_1952 = arith.constant 80 : index
        %get3A_1953 = tpu.vector_load %arg5[%get3A_1951, %get3A_1952] {strides = array<i32>} : memref<8x128xi32, #tpu.memory_space<vmem>>, vector<16xi32>,
        %and3A_1954 = arith.constant -2048 : i32
        %and3A_1955 = vector.broadcast %and3A_1954 : i32 to vector<16xi32>
        %and3A_1956 = arith.andi %get3A_1953, %and3A_1955 : vector<16xi32>
        %and3A_1957 = arith.constant 1023 : i32
        %and3A_1958 = vector.broadcast %and3A_1957 : i32 to vector<16xi32>
        %and3A_1959 = arith.andi %get3A_1953, %and3A_1958 : vector<16xi32>
        %shift_left3A_1960 = arith.constant 1 : i32
        %shift_left3A_1961 = vector.broadcast %shift_left3A_1960 : i32 to vector<16xi32>
        %shift_left3A_1962 = arith.shli %and3A_1959, %shift_left3A_1961 : vector<16xi32>
        %add3A_1963 = arith.addi %and3A_1956, %shift_left3A_1962 : vector<16xi32>
        %shift_right_arithmetic3A_1964 = arith.constant 10 : i32
        %shift_right_arithmetic3A_1965 = vector.broadcast %shift_right_arithmetic3A_1964 : i32 to vector<16xi32>
        %shift_right_arithmetic3A_1966 = arith.shrsi %get3A_1953, %shift_right_arithmetic3A_1965 : vector<16xi32>
        %and3A_1967 = arith.constant 1 : i32
        %and3A_1968 = vector.broadcast %and3A_1967 : i32 to vector<16xi32>
        %and3A_1969 = arith.andi %shift_right_arithmetic3A_1966, %and3A_1968 : vector<16xi32>
        %add3A_1970 = arith.addi %add3A_1963, %and3A_1969 : vector<16xi32>
        %swap3A_1971 = arith.constant 6 : i32
        %swap3A_1972 = arith.index_cast %swap3A_1971 : i32 to index
        %swap3A_1973 = arith.constant 80 : index
        %swap3A_1974 = tpu.vector_load %arg5[%swap3A_1972, %swap3A_1973] {strides = array<i32>} : memref<8x128xi32, #tpu.memory_space<vmem>>, vector<16xi32>,
        tpu.vector_store %arg5[%swap3A_1972, %swap3A_1973], %add3A_1970 {strides = array<i32>} : memref<8x128xi32, #tpu.memory_space<vmem>>, vector<16xi32>,
        %get3A_1975 = arith.constant 6 : i32
        %get3A_1976 = arith.index_cast %get3A_1975 : i32 to index
        %get3A_1977 = arith.constant 96 : index
        %get3A_1978 = tpu.vector_load %arg5[%get3A_1976, %get3A_1977] {strides = array<i32>} : memref<8x128xi32, #tpu.memory_space<vmem>>, vector<16xi32>,
        %and3A_1979 = arith.constant -2048 : i32
        %and3A_1980 = vector.broadcast %and3A_1979 : i32 to vector<16xi32>
        %and3A_1981 = arith.andi %get3A_1978, %and3A_1980 : vector<16xi32>
        %and3A_1982 = arith.constant 1023 : i32
        %and3A_1983 = vector.broadcast %and3A_1982 : i32 to vector<16xi32>
        %and3A_1984 = arith.andi %get3A_1978, %and3A_1983 : vector<16xi32>
        %shift_left3A_1985 = arith.constant 1 : i32
        %shift_left3A_1986 = vector.broadcast %shift_left3A_1985 : i32 to vector<16xi32>
        %shift_left3A_1987 = arith.shli %and3A_1984, %shift_left3A_1986 : vector<16xi32>
        %add3A_1988 = arith.addi %and3A_1981, %shift_left3A_1987 : vector<16xi32>
        %shift_right_arithmetic3A_1989 = arith.constant 10 : i32
        %shift_right_arithmetic3A_1990 = vector.broadcast %shift_right_arithmetic3A_1989 : i32 to vector<16xi32>
        %shift_right_arithmetic3A_1991 = arith.shrsi %get3A_1978, %shift_right_arithmetic3A_1990 : vector<16xi32>
        %and3A_1992 = arith.constant 1 : i32
        %and3A_1993 = vector.broadcast %and3A_1992 : i32 to vector<16xi32>
        %and3A_1994 = arith.andi %shift_right_arithmetic3A_1991, %and3A_1993 : vector<16xi32>
        %add3A_1995 = arith.addi %add3A_1988, %and3A_1994 : vector<16xi32>
        %swap3A_1996 = arith.constant 6 : i32
        %swap3A_1997 = arith.index_cast %swap3A_1996 : i32 to index
        %swap3A_1998 = arith.constant 96 : index
        %swap3A_1999 = tpu.vector_load %arg5[%swap3A_1997, %swap3A_1998] {strides = array<i32>} : memref<8x128xi32, #tpu.memory_space<vmem>>, vector<16xi32>,
        tpu.vector_store %arg5[%swap3A_1997, %swap3A_1998], %add3A_1995 {strides = array<i32>} : memref<8x128xi32, #tpu.memory_space<vmem>>, vector<16xi32>,
        %get3A_2000 = arith.constant 6 : i32
        %get3A_2001 = arith.index_cast %get3A_2000 : i32 to index
        %get3A_2002 = arith.constant 112 : index
        %get3A_2003 = tpu.vector_load %arg5[%get3A_2001, %get3A_2002] {strides = array<i32>} : memref<8x128xi32, #tpu.memory_space<vmem>>, vector<16xi32>,
        %and3A_2004 = arith.constant -2048 : i32
        %and3A_2005 = vector.broadcast %and3A_2004 : i32 to vector<16xi32>
        %and3A_2006 = arith.andi %get3A_2003, %and3A_2005 : vector<16xi32>
        %and3A_2007 = arith.constant 1023 : i32
        %and3A_2008 = vector.broadcast %and3A_2007 : i32 to vector<16xi32>
        %and3A_2009 = arith.andi %get3A_2003, %and3A_2008 : vector<16xi32>
        %shift_left3A_2010 = arith.constant 1 : i32
        %shift_left3A_2011 = vector.broadcast %shift_left3A_2010 : i32 to vector<16xi32>
        %shift_left3A_2012 = arith.shli %and3A_2009, %shift_left3A_2011 : vector<16xi32>
        %add3A_2013 = arith.addi %and3A_2006, %shift_left3A_2012 : vector<16xi32>
        %shift_right_arithmetic3A_2014 = arith.constant 10 : i32
        %shift_right_arithmetic3A_2015 = vector.broadcast %shift_right_arithmetic3A_2014 : i32 to vector<16xi32>
        %shift_right_arithmetic3A_2016 = arith.shrsi %get3A_2003, %shift_right_arithmetic3A_2015 : vector<16xi32>
        %and3A_2017 = arith.constant 1 : i32
        %and3A_2018 = vector.broadcast %and3A_2017 : i32 to vector<16xi32>
        %and3A_2019 = arith.andi %shift_right_arithmetic3A_2016, %and3A_2018 : vector<16xi32>
        %add3A_2020 = arith.addi %add3A_2013, %and3A_2019 : vector<16xi32>
        %swap3A_2021 = arith.constant 6 : i32
        %swap3A_2022 = arith.index_cast %swap3A_2021 : i32 to index
        %swap3A_2023 = arith.constant 112 : index
        %swap3A_2024 = tpu.vector_load %arg5[%swap3A_2022, %swap3A_2023] {strides = array<i32>} : memref<8x128xi32, #tpu.memory_space<vmem>>, vector<16xi32>,
        tpu.vector_store %arg5[%swap3A_2022, %swap3A_2023], %add3A_2020 {strides = array<i32>} : memref<8x128xi32, #tpu.memory_space<vmem>>, vector<16xi32>,
        %ge3A = arith.constant 8 : i32
        %ge3A_2025 = arith.cmpi sge, %add3A_1562, %ge3A : i32
        %convert_element_type3A_2026 = arith.extui %ge3A_2025 : i1 to i32
        %cond3A_2027 = arith.constant 0 : i32
        %cond3A_2028 = arith.cmpi ne, %convert_element_type3A_2026, %cond3A_2027 : i32
        scf.if %cond3A_2028 {
          %dma_wait3A_2051 = arith.constant 6 : i32
          %dma_wait3A_2052 = arith.constant 6 : i32
          %dma_wait3A_2053 = arith.constant 0 : i32
          %dma_wait3A_2054 = arith.constant 0 : i32
          %dma_wait3A_2055 = tpu.memref_slice %arg6[%dma_wait3A_2051, %dma_wait3A_2053, %dma_wait3A_2054] : memref<8x128x64xf32, #tpu.memory_space<vmem>> -> memref<1x128x64xf32, #tpu.memory_space<vmem>>
          %dma_wait3A_2056 = tpu.memref_squeeze %dma_wait3A_2055 : memref<1x128x64xf32, #tpu.memory_space<vmem>> -> memref<128x64xf32, #tpu.memory_space<vmem>>
          %dma_wait3A_2057 = arith.constant 0 : i32
          %dma_wait3A_2058 = arith.constant 0 : i32
          %dma_wait3A_2059 = tpu.memref_slice %arg4[%dma_wait3A_2057, %dma_wait3A_2058] : memref<819200x64xf32, #tpu.memory_space<hbm>> -> memref<128x64xf32, #tpu.memory_space<hbm>>
          %dma_wait3A_2060 = tpu.memref_slice %arg9[%dma_wait3A_2052] : memref<8x!tpu.dma_semaphore, #tpu.memory_space<semaphore_mem>> -> memref<1x!tpu.dma_semaphore, #tpu.memory_space<semaphore_mem>>
          %dma_wait3A_2061 = tpu.memref_squeeze %dma_wait3A_2060 : memref<1x!tpu.dma_semaphore, #tpu.memory_space<semaphore_mem>> -> memref<!tpu.dma_semaphore, #tpu.memory_space<semaphore_mem>>
          %dma_wait3A_2062 = arith.constant 0 : i32
          %dma_wait3A_2063 = arith.constant 0 : i32
          %dma_wait3A_2064 = tpu.memref_slice %arg4[%dma_wait3A_2062, %dma_wait3A_2063] : memref<819200x64xf32, #tpu.memory_space<hbm>> -> memref<128x64xf32, #tpu.memory_space<hbm>>
          %dma_wait3A_2065 = arith.constant 0 : i32
          %dma_wait3A_2066 = arith.constant 0 : i32
          %dma_wait3A_2067 = tpu.memref_slice %arg6[%dma_wait3A_2051, %dma_wait3A_2065, %dma_wait3A_2066] : memref<8x128x64xf32, #tpu.memory_space<vmem>> -> memref<1x128x64xf32, #tpu.memory_space<vmem>>
          %dma_wait3A_2068 = tpu.memref_squeeze %dma_wait3A_2067 : memref<1x128x64xf32, #tpu.memory_space<vmem>> -> memref<128x64xf32, #tpu.memory_space<vmem>>
          tpu.wait_dma2 semaphore(%dma_wait3A_2061 : memref<!tpu.dma_semaphore, #tpu.memory_space<semaphore_mem>>) src(%dma_wait3A_2068 : memref<128x64xf32, #tpu.memory_space<vmem>>) dst(%dma_wait3A_2064 : memref<128x64xf32, #tpu.memory_space<hbm>>)
        } else {
        }
        %dma_start3A_2029 = arith.constant 6 : i32
        %dma_start3A_2030 = arith.constant 6 : i32
        %dma_start3A_2031 = arith.constant 6 : i32
        %dma_start3A_2032 = arith.constant 0 : i32
        %dma_start3A_2033 = arith.constant 0 : i32
        %dma_start3A_2034 = tpu.memref_slice %arg6[%dma_start3A_2030, %dma_start3A_2032, %dma_start3A_2033] : memref<8x128x64xf32, #tpu.memory_space<vmem>> -> memref<1x128x64xf32, #tpu.memory_space<vmem>>
        %dma_start3A_2035 = tpu.memref_squeeze %dma_start3A_2034 : memref<1x128x64xf32, #tpu.memory_space<vmem>> -> memref<128x64xf32, #tpu.memory_space<vmem>>
        %dma_start3A_2036 = arith.constant 0 : i32
        %dma_start3A_2037 = tpu.memref_slice %arg5[%dma_start3A_2029, %dma_start3A_2036] : memref<8x128xi32, #tpu.memory_space<vmem>> -> memref<1x128xi32, #tpu.memory_space<vmem>>
        %dma_start3A_2038 = tpu.memref_squeeze %dma_start3A_2037 : memref<1x128xi32, #tpu.memory_space<vmem>> -> memref<128xi32, #tpu.memory_space<vmem>>
        %dma_start3A_2039 = arith.constant 0 : i32
        %dma_start3A_2040 = arith.constant 0 : i32
        %dma_start3A_2041 = tpu.memref_slice %arg3[%dma_start3A_2039, %dma_start3A_2040] : memref<1001472x64xf32, #tpu.memory_space<hbm>> -> memref<1001472x64xf32, #tpu.memory_space<hbm>>
        %dma_start3A_2042 = tpu.memref_slice %arg8[%dma_start3A_2031] : memref<8x!tpu.dma_semaphore, #tpu.memory_space<semaphore_mem>> -> memref<1x!tpu.dma_semaphore, #tpu.memory_space<semaphore_mem>>
        %dma_start3A_2043 = tpu.memref_squeeze %dma_start3A_2042 : memref<1x!tpu.dma_semaphore, #tpu.memory_space<semaphore_mem>> -> memref<!tpu.dma_semaphore, #tpu.memory_space<semaphore_mem>>
        tpu.enqueue_indirect_dma source(%dma_start3A_2041 : memref<1001472x64xf32, #tpu.memory_space<hbm>>) target(%dma_start3A_2035 : memref<128x64xf32, #tpu.memory_space<vmem>>) offsets(%dma_start3A_2038 : memref<128xi32, #tpu.memory_space<vmem>>) semaphore(%dma_start3A_2043 : memref<!tpu.dma_semaphore, #tpu.memory_space<semaphore_mem>>)
        %add3A_2044 = arith.constant 4 : i32
        %add3A_2045 = arith.addi %add3A_1562, %add3A_2044 : i32
        %lt3A_2046 = arith.constant 200 : i32
        %lt3A_2047 = arith.cmpi slt, %add3A_2045, %lt3A_2046 : i32
        %convert_element_type3A_2048 = arith.extui %lt3A_2047 : i1 to i32
        %cond3A_2049 = arith.constant 0 : i32
        %cond3A_2050 = arith.cmpi ne, %convert_element_type3A_2048, %cond3A_2049 : i32
        scf.if %cond3A_2050 {
          %add3A_2051 = arith.addi %mul3A_2, %add3A_1562 : i32
          %add3A_2052 = arith.constant 4 : i32
          %add3A_2053 = arith.addi %add3A_2051, %add3A_2052 : i32
          %jit3A_2054 = arith.constant 32 : i32
          %div3A_2055 = arith.divsi %add3A_2053, %jit3A_2054 : i32
          %sign3A_2056 = arith.constant 0 : i32
          %sign3A_2057 = arith.cmpi sgt, %add3A_2053, %sign3A_2056 : i32
          %sign3A_2058 = arith.extui %sign3A_2057 : i1 to i32
          %sign3A_2059 = arith.constant 0 : i32
          %sign3A_2060 = arith.cmpi slt, %add3A_2053, %sign3A_2059 : i32
          %sign3A_2061 = arith.extui %sign3A_2060 : i1 to i32
          %sign3A_2062 = arith.subi %sign3A_2058, %sign3A_2061 : i32
          %sign3A_2063 = arith.constant 0 : i32
          %sign3A_2064 = arith.cmpi sgt, %jit3A_2054, %sign3A_2063 : i32
          %sign3A_2065 = arith.extui %sign3A_2064 : i1 to i32
          %sign3A_2066 = arith.constant 0 : i32
          %sign3A_2067 = arith.cmpi slt, %jit3A_2054, %sign3A_2066 : i32
          %sign3A_2068 = arith.extui %sign3A_2067 : i1 to i32
          %sign3A_2069 = arith.subi %sign3A_2065, %sign3A_2068 : i32
          %ne3A_2070 = arith.cmpi ne, %sign3A_2062, %sign3A_2069 : i32
          %rem3A_2071 = arith.remsi %add3A_2053, %jit3A_2054 : i32
          %ne3A_2072 = arith.constant 0 : i32
          %ne3A_2073 = arith.cmpi ne, %rem3A_2071, %ne3A_2072 : i32
          %and3A_2074 = arith.andi %ne3A_2070, %ne3A_2073 : i1
          %sub3A_2075 = arith.constant 1 : i32
          %sub3A_2076 = arith.subi %div3A_2055, %sub3A_2075 : i32
          %select_n3A_2077 = arith.select %and3A_2074, %sub3A_2076, %div3A_2055 : i32
          %mul3A_2078 = arith.constant 32 : i32
          %mul3A_2079 = arith.muli %select_n3A_2077, %mul3A_2078 : i32
          %sub3A_2080 = arith.subi %add3A_2053, %mul3A_2079 : i32
          %mul3A_2081 = arith.constant 128 : i32
          %mul3A_2082 = arith.muli %sub3A_2080, %mul3A_2081 : i32
          %dma_start3A_2083 = arith.constant 2 : i32
          %dma_start3A_2084 = arith.constant 2 : i32
          %dma_start3A_2085 = arith.constant 0 : i32
          %dma_start3A_2086 = tpu.memref_slice %arg5[%dma_start3A_2083, %dma_start3A_2085] : memref<8x128xi32, #tpu.memory_space<vmem>> -> memref<1x128xi32, #tpu.memory_space<vmem>>
          %dma_start3A_2087 = tpu.memref_squeeze %dma_start3A_2086 : memref<1x128xi32, #tpu.memory_space<vmem>> -> memref<128xi32, #tpu.memory_space<vmem>>
          %dma_start3A_2088 = tpu.memref_slice %arg2[%select_n3A_2077, %mul3A_2082] : memref<200x4096xi32, #tpu.memory_space<hbm>> -> memref<1x128xi32, #tpu.memory_space<hbm>>
          %dma_start3A_2089 = tpu.memref_squeeze %dma_start3A_2088 : memref<1x128xi32, #tpu.memory_space<hbm>> -> memref<128xi32, #tpu.memory_space<hbm>>
          %dma_start3A_2090 = tpu.memref_slice %arg7[%dma_start3A_2084] : memref<8x!tpu.dma_semaphore, #tpu.memory_space<semaphore_mem>> -> memref<1x!tpu.dma_semaphore, #tpu.memory_space<semaphore_mem>>
          %dma_start3A_2091 = tpu.memref_squeeze %dma_start3A_2090 : memref<1x!tpu.dma_semaphore, #tpu.memory_space<semaphore_mem>> -> memref<!tpu.dma_semaphore, #tpu.memory_space<semaphore_mem>>
          %dma_start3A_2092 = arith.constant 0 : i32
          %dma_start3A_2093 = tpu.memref_slice %arg5[%dma_start3A_2083, %dma_start3A_2092] : memref<8x128xi32, #tpu.memory_space<vmem>> -> memref<1x128xi32, #tpu.memory_space<vmem>>
          %dma_start3A_2094 = tpu.memref_squeeze %dma_start3A_2093 : memref<1x128xi32, #tpu.memory_space<vmem>> -> memref<128xi32, #tpu.memory_space<vmem>>
          %dma_start3A_2095 = tpu.memref_slice %arg2[%select_n3A_2077, %mul3A_2082] : memref<200x4096xi32, #tpu.memory_space<hbm>> -> memref<1x128xi32, #tpu.memory_space<hbm>>
          %dma_start3A_2096 = tpu.memref_squeeze %dma_start3A_2095 : memref<1x128xi32, #tpu.memory_space<hbm>> -> memref<128xi32, #tpu.memory_space<hbm>>
          tpu.enqueue_dma source(%dma_start3A_2096 : memref<128xi32, #tpu.memory_space<hbm>>) target(%dma_start3A_2094 : memref<128xi32, #tpu.memory_space<vmem>>) target_semaphore(%dma_start3A_2091 : memref<!tpu.dma_semaphore, #tpu.memory_space<semaphore_mem>>)
        } else {
        }
      } else {
      }
      %mul3A_1568 = arith.constant 8 : i32
      %mul3A_1569 = arith.muli %scan3A_1426, %mul3A_1568 : i32
      %add3A_1570 = arith.constant 3 : i32
      %add3A_1571 = arith.addi %mul3A_1569, %add3A_1570 : i32
      %dma_wait3A_1572 = arith.constant 3 : i32
      %dma_wait3A_1573 = arith.constant 3 : i32
      %dma_wait3A_1574 = arith.constant 0 : i32
      %dma_wait3A_1575 = arith.constant 0 : i32
      %dma_wait3A_1576 = tpu.memref_slice %arg6[%dma_wait3A_1572, %dma_wait3A_1574, %dma_wait3A_1575] : memref<8x128x64xf32, #tpu.memory_space<vmem>> -> memref<1x128x64xf32, #tpu.memory_space<vmem>>
      %dma_wait3A_1577 = tpu.memref_squeeze %dma_wait3A_1576 : memref<1x128x64xf32, #tpu.memory_space<vmem>> -> memref<128x64xf32, #tpu.memory_space<vmem>>
      %dma_wait3A_1578 = arith.constant 0 : i32
      %dma_wait3A_1579 = arith.constant 0 : i32
      %dma_wait3A_1580 = tpu.memref_slice %arg3[%dma_wait3A_1578, %dma_wait3A_1579] : memref<1001472x64xf32, #tpu.memory_space<hbm>> -> memref<128x64xf32, #tpu.memory_space<hbm>>
      %dma_wait3A_1581 = tpu.memref_slice %arg8[%dma_wait3A_1573] : memref<8x!tpu.dma_semaphore, #tpu.memory_space<semaphore_mem>> -> memref<1x!tpu.dma_semaphore, #tpu.memory_space<semaphore_mem>>
      %dma_wait3A_1582 = tpu.memref_squeeze %dma_wait3A_1581 : memref<1x!tpu.dma_semaphore, #tpu.memory_space<semaphore_mem>> -> memref<!tpu.dma_semaphore, #tpu.memory_space<semaphore_mem>>
      %dma_wait3A_1583 = arith.constant 0 : i32
      %dma_wait3A_1584 = arith.constant 0 : i32
      %dma_wait3A_1585 = tpu.memref_slice %arg6[%dma_wait3A_1572, %dma_wait3A_1583, %dma_wait3A_1584] : memref<8x128x64xf32, #tpu.memory_space<vmem>> -> memref<1x128x64xf32, #tpu.memory_space<vmem>>
      %dma_wait3A_1586 = tpu.memref_squeeze %dma_wait3A_1585 : memref<1x128x64xf32, #tpu.memory_space<vmem>> -> memref<128x64xf32, #tpu.memory_space<vmem>>
      %dma_wait3A_1587 = arith.constant 0 : i32
      %dma_wait3A_1588 = arith.constant 0 : i32
      %dma_wait3A_1589 = tpu.memref_slice %arg3[%dma_wait3A_1587, %dma_wait3A_1588] : memref<1001472x64xf32, #tpu.memory_space<hbm>> -> memref<128x64xf32, #tpu.memory_space<hbm>>
      tpu.wait_dma2 semaphore(%dma_wait3A_1582 : memref<!tpu.dma_semaphore, #tpu.memory_space<semaphore_mem>>) src(%dma_wait3A_1589 : memref<128x64xf32, #tpu.memory_space<hbm>>) dst(%dma_wait3A_1586 : memref<128x64xf32, #tpu.memory_space<vmem>>)
      %add3A_1590 = arith.addi %mul3A_2, %add3A_1571 : i32
      %mul3A_1591 = arith.constant 128 : i32
      %mul3A_1592 = arith.muli %add3A_1590, %mul3A_1591 : i32
      %dma_start3A_1593 = arith.constant 3 : i32
      %dma_start3A_1594 = arith.constant 3 : i32
      %dma_start3A_1595 = arith.constant 0 : i32
      %dma_start3A_1596 = arith.constant 0 : i32
      %dma_start3A_1597 = tpu.memref_slice %arg6[%dma_start3A_1593, %dma_start3A_1595, %dma_start3A_1596] : memref<8x128x64xf32, #tpu.memory_space<vmem>> -> memref<1x128x64xf32, #tpu.memory_space<vmem>>
      %dma_start3A_1598 = tpu.memref_squeeze %dma_start3A_1597 : memref<1x128x64xf32, #tpu.memory_space<vmem>> -> memref<128x64xf32, #tpu.memory_space<vmem>>
      %dma_start3A_1599 = arith.constant 0 : i32
      %dma_start3A_1600 = tpu.memref_slice %arg4[%mul3A_1592, %dma_start3A_1599] : memref<819200x64xf32, #tpu.memory_space<hbm>> -> memref<128x64xf32, #tpu.memory_space<hbm>>
      %dma_start3A_1601 = tpu.memref_slice %arg9[%dma_start3A_1594] : memref<8x!tpu.dma_semaphore, #tpu.memory_space<semaphore_mem>> -> memref<1x!tpu.dma_semaphore, #tpu.memory_space<semaphore_mem>>
      %dma_start3A_1602 = tpu.memref_squeeze %dma_start3A_1601 : memref<1x!tpu.dma_semaphore, #tpu.memory_space<semaphore_mem>> -> memref<!tpu.dma_semaphore, #tpu.memory_space<semaphore_mem>>
      %dma_start3A_1603 = arith.constant 0 : i32
      %dma_start3A_1604 = tpu.memref_slice %arg4[%mul3A_1592, %dma_start3A_1603] : memref<819200x64xf32, #tpu.memory_space<hbm>> -> memref<128x64xf32, #tpu.memory_space<hbm>>
      %dma_start3A_1605 = arith.constant 0 : i32
      %dma_start3A_1606 = arith.constant 0 : i32
      %dma_start3A_1607 = tpu.memref_slice %arg6[%dma_start3A_1593, %dma_start3A_1605, %dma_start3A_1606] : memref<8x128x64xf32, #tpu.memory_space<vmem>> -> memref<1x128x64xf32, #tpu.memory_space<vmem>>
      %dma_start3A_1608 = tpu.memref_squeeze %dma_start3A_1607 : memref<1x128x64xf32, #tpu.memory_space<vmem>> -> memref<128x64xf32, #tpu.memory_space<vmem>>
      tpu.enqueue_dma source(%dma_start3A_1608 : memref<128x64xf32, #tpu.memory_space<vmem>>) target(%dma_start3A_1604 : memref<128x64xf32, #tpu.memory_space<hbm>>) target_semaphore(%dma_start3A_1602 : memref<!tpu.dma_semaphore, #tpu.memory_space<semaphore_mem>>)
      %add3A_1609 = arith.constant 4 : i32
      %add3A_1610 = arith.addi %add3A_1571, %add3A_1609 : i32
      %lt3A_1611 = arith.constant 200 : i32
      %lt3A_1612 = arith.cmpi slt, %add3A_1610, %lt3A_1611 : i32
      %convert_element_type3A_1613 = arith.extui %lt3A_1612 : i1 to i32
      %cond3A_1614 = arith.constant 0 : i32
      %cond3A_1615 = arith.cmpi ne, %convert_element_type3A_1613, %cond3A_1614 : i32
      scf.if %cond3A_1615 {
        %dma_wait3A_1808 = arith.constant 0 : i32
        %dma_wait3A_1809 = arith.constant 7 : i32
        %dma_wait3A_1810 = arith.constant 7 : i32
        %dma_wait3A_1811 = arith.constant 0 : i32
        %dma_wait3A_1812 = tpu.memref_slice %arg5[%dma_wait3A_1809, %dma_wait3A_1811] : memref<8x128xi32, #tpu.memory_space<vmem>> -> memref<1x128xi32, #tpu.memory_space<vmem>>
        %dma_wait3A_1813 = tpu.memref_squeeze %dma_wait3A_1812 : memref<1x128xi32, #tpu.memory_space<vmem>> -> memref<128xi32, #tpu.memory_space<vmem>>
        %dma_wait3A_1814 = arith.constant 0 : i32
        %dma_wait3A_1815 = tpu.memref_slice %arg2[%dma_wait3A_1808, %dma_wait3A_1814] : memref<200x4096xi32, #tpu.memory_space<hbm>> -> memref<1x128xi32, #tpu.memory_space<hbm>>
        %dma_wait3A_1816 = tpu.memref_squeeze %dma_wait3A_1815 : memref<1x128xi32, #tpu.memory_space<hbm>> -> memref<128xi32, #tpu.memory_space<hbm>>
        %dma_wait3A_1817 = tpu.memref_slice %arg7[%dma_wait3A_1810] : memref<8x!tpu.dma_semaphore, #tpu.memory_space<semaphore_mem>> -> memref<1x!tpu.dma_semaphore, #tpu.memory_space<semaphore_mem>>
        %dma_wait3A_1818 = tpu.memref_squeeze %dma_wait3A_1817 : memref<1x!tpu.dma_semaphore, #tpu.memory_space<semaphore_mem>> -> memref<!tpu.dma_semaphore, #tpu.memory_space<semaphore_mem>>
        %dma_wait3A_1819 = arith.constant 0 : i32
        %dma_wait3A_1820 = tpu.memref_slice %arg5[%dma_wait3A_1809, %dma_wait3A_1819] : memref<8x128xi32, #tpu.memory_space<vmem>> -> memref<1x128xi32, #tpu.memory_space<vmem>>
        %dma_wait3A_1821 = tpu.memref_squeeze %dma_wait3A_1820 : memref<1x128xi32, #tpu.memory_space<vmem>> -> memref<128xi32, #tpu.memory_space<vmem>>
        %dma_wait3A_1822 = arith.constant 0 : i32
        %dma_wait3A_1823 = tpu.memref_slice %arg2[%dma_wait3A_1808, %dma_wait3A_1822] : memref<200x4096xi32, #tpu.memory_space<hbm>> -> memref<1x128xi32, #tpu.memory_space<hbm>>
        %dma_wait3A_1824 = tpu.memref_squeeze %dma_wait3A_1823 : memref<1x128xi32, #tpu.memory_space<hbm>> -> memref<128xi32, #tpu.memory_space<hbm>>
        tpu.wait_dma2 semaphore(%dma_wait3A_1818 : memref<!tpu.dma_semaphore, #tpu.memory_space<semaphore_mem>>) src(%dma_wait3A_1824 : memref<128xi32, #tpu.memory_space<hbm>>) dst(%dma_wait3A_1821 : memref<128xi32, #tpu.memory_space<vmem>>)
        %get3A_1825 = arith.constant 7 : i32
        %get3A_1826 = arith.index_cast %get3A_1825 : i32 to index
        %get3A_1827 = arith.constant 0 : index
        %get3A_1828 = tpu.vector_load %arg5[%get3A_1826, %get3A_1827] {strides = array<i32>} : memref<8x128xi32, #tpu.memory_space<vmem>>, vector<16xi32>,
        %and3A_1829 = arith.constant -2048 : i32
        %and3A_1830 = vector.broadcast %and3A_1829 : i32 to vector<16xi32>
        %and3A_1831 = arith.andi %get3A_1828, %and3A_1830 : vector<16xi32>
        %and3A_1832 = arith.constant 1023 : i32
        %and3A_1833 = vector.broadcast %and3A_1832 : i32 to vector<16xi32>
        %and3A_1834 = arith.andi %get3A_1828, %and3A_1833 : vector<16xi32>
        %shift_left3A_1835 = arith.constant 1 : i32
        %shift_left3A_1836 = vector.broadcast %shift_left3A_1835 : i32 to vector<16xi32>
        %shift_left3A_1837 = arith.shli %and3A_1834, %shift_left3A_1836 : vector<16xi32>
        %add3A_1838 = arith.addi %and3A_1831, %shift_left3A_1837 : vector<16xi32>
        %shift_right_arithmetic3A_1839 = arith.constant 10 : i32
        %shift_right_arithmetic3A_1840 = vector.broadcast %shift_right_arithmetic3A_1839 : i32 to vector<16xi32>
        %shift_right_arithmetic3A_1841 = arith.shrsi %get3A_1828, %shift_right_arithmetic3A_1840 : vector<16xi32>
        %and3A_1842 = arith.constant 1 : i32
        %and3A_1843 = vector.broadcast %and3A_1842 : i32 to vector<16xi32>
        %and3A_1844 = arith.andi %shift_right_arithmetic3A_1841, %and3A_1843 : vector<16xi32>
        %add3A_1845 = arith.addi %add3A_1838, %and3A_1844 : vector<16xi32>
        %swap3A_1846 = arith.constant 7 : i32
        %swap3A_1847 = arith.index_cast %swap3A_1846 : i32 to index
        %swap3A_1848 = arith.constant 0 : index
        %swap3A_1849 = tpu.vector_load %arg5[%swap3A_1847, %swap3A_1848] {strides = array<i32>} : memref<8x128xi32, #tpu.memory_space<vmem>>, vector<16xi32>,
        tpu.vector_store %arg5[%swap3A_1847, %swap3A_1848], %add3A_1845 {strides = array<i32>} : memref<8x128xi32, #tpu.memory_space<vmem>>, vector<16xi32>,
        %get3A_1850 = arith.constant 7 : i32
        %get3A_1851 = arith.index_cast %get3A_1850 : i32 to index
        %get3A_1852 = arith.constant 16 : index
        %get3A_1853 = tpu.vector_load %arg5[%get3A_1851, %get3A_1852] {strides = array<i32>} : memref<8x128xi32, #tpu.memory_space<vmem>>, vector<16xi32>,
        %and3A_1854 = arith.constant -2048 : i32
        %and3A_1855 = vector.broadcast %and3A_1854 : i32 to vector<16xi32>
        %and3A_1856 = arith.andi %get3A_1853, %and3A_1855 : vector<16xi32>
        %and3A_1857 = arith.constant 1023 : i32
        %and3A_1858 = vector.broadcast %and3A_1857 : i32 to vector<16xi32>
        %and3A_1859 = arith.andi %get3A_1853, %and3A_1858 : vector<16xi32>
        %shift_left3A_1860 = arith.constant 1 : i32
        %shift_left3A_1861 = vector.broadcast %shift_left3A_1860 : i32 to vector<16xi32>
        %shift_left3A_1862 = arith.shli %and3A_1859, %shift_left3A_1861 : vector<16xi32>
        %add3A_1863 = arith.addi %and3A_1856, %shift_left3A_1862 : vector<16xi32>
        %shift_right_arithmetic3A_1864 = arith.constant 10 : i32
        %shift_right_arithmetic3A_1865 = vector.broadcast %shift_right_arithmetic3A_1864 : i32 to vector<16xi32>
        %shift_right_arithmetic3A_1866 = arith.shrsi %get3A_1853, %shift_right_arithmetic3A_1865 : vector<16xi32>
        %and3A_1867 = arith.constant 1 : i32
        %and3A_1868 = vector.broadcast %and3A_1867 : i32 to vector<16xi32>
        %and3A_1869 = arith.andi %shift_right_arithmetic3A_1866, %and3A_1868 : vector<16xi32>
        %add3A_1870 = arith.addi %add3A_1863, %and3A_1869 : vector<16xi32>
        %swap3A_1871 = arith.constant 7 : i32
        %swap3A_1872 = arith.index_cast %swap3A_1871 : i32 to index
        %swap3A_1873 = arith.constant 16 : index
        %swap3A_1874 = tpu.vector_load %arg5[%swap3A_1872, %swap3A_1873] {strides = array<i32>} : memref<8x128xi32, #tpu.memory_space<vmem>>, vector<16xi32>,
        tpu.vector_store %arg5[%swap3A_1872, %swap3A_1873], %add3A_1870 {strides = array<i32>} : memref<8x128xi32, #tpu.memory_space<vmem>>, vector<16xi32>,
        %get3A_1875 = arith.constant 7 : i32
        %get3A_1876 = arith.index_cast %get3A_1875 : i32 to index
        %get3A_1877 = arith.constant 32 : index
        %get3A_1878 = tpu.vector_load %arg5[%get3A_1876, %get3A_1877] {strides = array<i32>} : memref<8x128xi32, #tpu.memory_space<vmem>>, vector<16xi32>,
        %and3A_1879 = arith.constant -2048 : i32
        %and3A_1880 = vector.broadcast %and3A_1879 : i32 to vector<16xi32>
        %and3A_1881 = arith.andi %get3A_1878, %and3A_1880 : vector<16xi32>
        %and3A_1882 = arith.constant 1023 : i32
        %and3A_1883 = vector.broadcast %and3A_1882 : i32 to vector<16xi32>
        %and3A_1884 = arith.andi %get3A_1878, %and3A_1883 : vector<16xi32>
        %shift_left3A_1885 = arith.constant 1 : i32
        %shift_left3A_1886 = vector.broadcast %shift_left3A_1885 : i32 to vector<16xi32>
        %shift_left3A_1887 = arith.shli %and3A_1884, %shift_left3A_1886 : vector<16xi32>
        %add3A_1888 = arith.addi %and3A_1881, %shift_left3A_1887 : vector<16xi32>
        %shift_right_arithmetic3A_1889 = arith.constant 10 : i32
        %shift_right_arithmetic3A_1890 = vector.broadcast %shift_right_arithmetic3A_1889 : i32 to vector<16xi32>
        %shift_right_arithmetic3A_1891 = arith.shrsi %get3A_1878, %shift_right_arithmetic3A_1890 : vector<16xi32>
        %and3A_1892 = arith.constant 1 : i32
        %and3A_1893 = vector.broadcast %and3A_1892 : i32 to vector<16xi32>
        %and3A_1894 = arith.andi %shift_right_arithmetic3A_1891, %and3A_1893 : vector<16xi32>
        %add3A_1895 = arith.addi %add3A_1888, %and3A_1894 : vector<16xi32>
        %swap3A_1896 = arith.constant 7 : i32
        %swap3A_1897 = arith.index_cast %swap3A_1896 : i32 to index
        %swap3A_1898 = arith.constant 32 : index
        %swap3A_1899 = tpu.vector_load %arg5[%swap3A_1897, %swap3A_1898] {strides = array<i32>} : memref<8x128xi32, #tpu.memory_space<vmem>>, vector<16xi32>,
        tpu.vector_store %arg5[%swap3A_1897, %swap3A_1898], %add3A_1895 {strides = array<i32>} : memref<8x128xi32, #tpu.memory_space<vmem>>, vector<16xi32>,
        %get3A_1900 = arith.constant 7 : i32
        %get3A_1901 = arith.index_cast %get3A_1900 : i32 to index
        %get3A_1902 = arith.constant 48 : index
        %get3A_1903 = tpu.vector_load %arg5[%get3A_1901, %get3A_1902] {strides = array<i32>} : memref<8x128xi32, #tpu.memory_space<vmem>>, vector<16xi32>,
        %and3A_1904 = arith.constant -2048 : i32
        %and3A_1905 = vector.broadcast %and3A_1904 : i32 to vector<16xi32>
        %and3A_1906 = arith.andi %get3A_1903, %and3A_1905 : vector<16xi32>
        %and3A_1907 = arith.constant 1023 : i32
        %and3A_1908 = vector.broadcast %and3A_1907 : i32 to vector<16xi32>
        %and3A_1909 = arith.andi %get3A_1903, %and3A_1908 : vector<16xi32>
        %shift_left3A_1910 = arith.constant 1 : i32
        %shift_left3A_1911 = vector.broadcast %shift_left3A_1910 : i32 to vector<16xi32>
        %shift_left3A_1912 = arith.shli %and3A_1909, %shift_left3A_1911 : vector<16xi32>
        %add3A_1913 = arith.addi %and3A_1906, %shift_left3A_1912 : vector<16xi32>
        %shift_right_arithmetic3A_1914 = arith.constant 10 : i32
        %shift_right_arithmetic3A_1915 = vector.broadcast %shift_right_arithmetic3A_1914 : i32 to vector<16xi32>
        %shift_right_arithmetic3A_1916 = arith.shrsi %get3A_1903, %shift_right_arithmetic3A_1915 : vector<16xi32>
        %and3A_1917 = arith.constant 1 : i32
        %and3A_1918 = vector.broadcast %and3A_1917 : i32 to vector<16xi32>
        %and3A_1919 = arith.andi %shift_right_arithmetic3A_1916, %and3A_1918 : vector<16xi32>
        %add3A_1920 = arith.addi %add3A_1913, %and3A_1919 : vector<16xi32>
        %swap3A_1921 = arith.constant 7 : i32
        %swap3A_1922 = arith.index_cast %swap3A_1921 : i32 to index
        %swap3A_1923 = arith.constant 48 : index
        %swap3A_1924 = tpu.vector_load %arg5[%swap3A_1922, %swap3A_1923] {strides = array<i32>} : memref<8x128xi32, #tpu.memory_space<vmem>>, vector<16xi32>,
        tpu.vector_store %arg5[%swap3A_1922, %swap3A_1923], %add3A_1920 {strides = array<i32>} : memref<8x128xi32, #tpu.memory_space<vmem>>, vector<16xi32>,
        %get3A_1925 = arith.constant 7 : i32
        %get3A_1926 = arith.index_cast %get3A_1925 : i32 to index
        %get3A_1927 = arith.constant 64 : index
        %get3A_1928 = tpu.vector_load %arg5[%get3A_1926, %get3A_1927] {strides = array<i32>} : memref<8x128xi32, #tpu.memory_space<vmem>>, vector<16xi32>,
        %and3A_1929 = arith.constant -2048 : i32
        %and3A_1930 = vector.broadcast %and3A_1929 : i32 to vector<16xi32>
        %and3A_1931 = arith.andi %get3A_1928, %and3A_1930 : vector<16xi32>
        %and3A_1932 = arith.constant 1023 : i32
        %and3A_1933 = vector.broadcast %and3A_1932 : i32 to vector<16xi32>
        %and3A_1934 = arith.andi %get3A_1928, %and3A_1933 : vector<16xi32>
        %shift_left3A_1935 = arith.constant 1 : i32
        %shift_left3A_1936 = vector.broadcast %shift_left3A_1935 : i32 to vector<16xi32>
        %shift_left3A_1937 = arith.shli %and3A_1934, %shift_left3A_1936 : vector<16xi32>
        %add3A_1938 = arith.addi %and3A_1931, %shift_left3A_1937 : vector<16xi32>
        %shift_right_arithmetic3A_1939 = arith.constant 10 : i32
        %shift_right_arithmetic3A_1940 = vector.broadcast %shift_right_arithmetic3A_1939 : i32 to vector<16xi32>
        %shift_right_arithmetic3A_1941 = arith.shrsi %get3A_1928, %shift_right_arithmetic3A_1940 : vector<16xi32>
        %and3A_1942 = arith.constant 1 : i32
        %and3A_1943 = vector.broadcast %and3A_1942 : i32 to vector<16xi32>
        %and3A_1944 = arith.andi %shift_right_arithmetic3A_1941, %and3A_1943 : vector<16xi32>
        %add3A_1945 = arith.addi %add3A_1938, %and3A_1944 : vector<16xi32>
        %swap3A_1946 = arith.constant 7 : i32
        %swap3A_1947 = arith.index_cast %swap3A_1946 : i32 to index
        %swap3A_1948 = arith.constant 64 : index
        %swap3A_1949 = tpu.vector_load %arg5[%swap3A_1947, %swap3A_1948] {strides = array<i32>} : memref<8x128xi32, #tpu.memory_space<vmem>>, vector<16xi32>,
        tpu.vector_store %arg5[%swap3A_1947, %swap3A_1948], %add3A_1945 {strides = array<i32>} : memref<8x128xi32, #tpu.memory_space<vmem>>, vector<16xi32>,
        %get3A_1950 = arith.constant 7 : i32
        %get3A_1951 = arith.index_cast %get3A_1950 : i32 to index
        %get3A_1952 = arith.constant 80 : index
        %get3A_1953 = tpu.vector_load %arg5[%get3A_1951, %get3A_1952] {strides = array<i32>} : memref<8x128xi32, #tpu.memory_space<vmem>>, vector<16xi32>,
        %and3A_1954 = arith.constant -2048 : i32
        %and3A_1955 = vector.broadcast %and3A_1954 : i32 to vector<16xi32>
        %and3A_1956 = arith.andi %get3A_1953, %and3A_1955 : vector<16xi32>
        %and3A_1957 = arith.constant 1023 : i32
        %and3A_1958 = vector.broadcast %and3A_1957 : i32 to vector<16xi32>
        %and3A_1959 = arith.andi %get3A_1953, %and3A_1958 : vector<16xi32>
        %shift_left3A_1960 = arith.constant 1 : i32
        %shift_left3A_1961 = vector.broadcast %shift_left3A_1960 : i32 to vector<16xi32>
        %shift_left3A_1962 = arith.shli %and3A_1959, %shift_left3A_1961 : vector<16xi32>
        %add3A_1963 = arith.addi %and3A_1956, %shift_left3A_1962 : vector<16xi32>
        %shift_right_arithmetic3A_1964 = arith.constant 10 : i32
        %shift_right_arithmetic3A_1965 = vector.broadcast %shift_right_arithmetic3A_1964 : i32 to vector<16xi32>
        %shift_right_arithmetic3A_1966 = arith.shrsi %get3A_1953, %shift_right_arithmetic3A_1965 : vector<16xi32>
        %and3A_1967 = arith.constant 1 : i32
        %and3A_1968 = vector.broadcast %and3A_1967 : i32 to vector<16xi32>
        %and3A_1969 = arith.andi %shift_right_arithmetic3A_1966, %and3A_1968 : vector<16xi32>
        %add3A_1970 = arith.addi %add3A_1963, %and3A_1969 : vector<16xi32>
        %swap3A_1971 = arith.constant 7 : i32
        %swap3A_1972 = arith.index_cast %swap3A_1971 : i32 to index
        %swap3A_1973 = arith.constant 80 : index
        %swap3A_1974 = tpu.vector_load %arg5[%swap3A_1972, %swap3A_1973] {strides = array<i32>} : memref<8x128xi32, #tpu.memory_space<vmem>>, vector<16xi32>,
        tpu.vector_store %arg5[%swap3A_1972, %swap3A_1973], %add3A_1970 {strides = array<i32>} : memref<8x128xi32, #tpu.memory_space<vmem>>, vector<16xi32>,
        %get3A_1975 = arith.constant 7 : i32
        %get3A_1976 = arith.index_cast %get3A_1975 : i32 to index
        %get3A_1977 = arith.constant 96 : index
        %get3A_1978 = tpu.vector_load %arg5[%get3A_1976, %get3A_1977] {strides = array<i32>} : memref<8x128xi32, #tpu.memory_space<vmem>>, vector<16xi32>,
        %and3A_1979 = arith.constant -2048 : i32
        %and3A_1980 = vector.broadcast %and3A_1979 : i32 to vector<16xi32>
        %and3A_1981 = arith.andi %get3A_1978, %and3A_1980 : vector<16xi32>
        %and3A_1982 = arith.constant 1023 : i32
        %and3A_1983 = vector.broadcast %and3A_1982 : i32 to vector<16xi32>
        %and3A_1984 = arith.andi %get3A_1978, %and3A_1983 : vector<16xi32>
        %shift_left3A_1985 = arith.constant 1 : i32
        %shift_left3A_1986 = vector.broadcast %shift_left3A_1985 : i32 to vector<16xi32>
        %shift_left3A_1987 = arith.shli %and3A_1984, %shift_left3A_1986 : vector<16xi32>
        %add3A_1988 = arith.addi %and3A_1981, %shift_left3A_1987 : vector<16xi32>
        %shift_right_arithmetic3A_1989 = arith.constant 10 : i32
        %shift_right_arithmetic3A_1990 = vector.broadcast %shift_right_arithmetic3A_1989 : i32 to vector<16xi32>
        %shift_right_arithmetic3A_1991 = arith.shrsi %get3A_1978, %shift_right_arithmetic3A_1990 : vector<16xi32>
        %and3A_1992 = arith.constant 1 : i32
        %and3A_1993 = vector.broadcast %and3A_1992 : i32 to vector<16xi32>
        %and3A_1994 = arith.andi %shift_right_arithmetic3A_1991, %and3A_1993 : vector<16xi32>
        %add3A_1995 = arith.addi %add3A_1988, %and3A_1994 : vector<16xi32>
        %swap3A_1996 = arith.constant 7 : i32
        %swap3A_1997 = arith.index_cast %swap3A_1996 : i32 to index
        %swap3A_1998 = arith.constant 96 : index
        %swap3A_1999 = tpu.vector_load %arg5[%swap3A_1997, %swap3A_1998] {strides = array<i32>} : memref<8x128xi32, #tpu.memory_space<vmem>>, vector<16xi32>,
        tpu.vector_store %arg5[%swap3A_1997, %swap3A_1998], %add3A_1995 {strides = array<i32>} : memref<8x128xi32, #tpu.memory_space<vmem>>, vector<16xi32>,
        %get3A_2000 = arith.constant 7 : i32
        %get3A_2001 = arith.index_cast %get3A_2000 : i32 to index
        %get3A_2002 = arith.constant 112 : index
        %get3A_2003 = tpu.vector_load %arg5[%get3A_2001, %get3A_2002] {strides = array<i32>} : memref<8x128xi32, #tpu.memory_space<vmem>>, vector<16xi32>,
        %and3A_2004 = arith.constant -2048 : i32
        %and3A_2005 = vector.broadcast %and3A_2004 : i32 to vector<16xi32>
        %and3A_2006 = arith.andi %get3A_2003, %and3A_2005 : vector<16xi32>
        %and3A_2007 = arith.constant 1023 : i32
        %and3A_2008 = vector.broadcast %and3A_2007 : i32 to vector<16xi32>
        %and3A_2009 = arith.andi %get3A_2003, %and3A_2008 : vector<16xi32>
        %shift_left3A_2010 = arith.constant 1 : i32
        %shift_left3A_2011 = vector.broadcast %shift_left3A_2010 : i32 to vector<16xi32>
        %shift_left3A_2012 = arith.shli %and3A_2009, %shift_left3A_2011 : vector<16xi32>
        %add3A_2013 = arith.addi %and3A_2006, %shift_left3A_2012 : vector<16xi32>
        %shift_right_arithmetic3A_2014 = arith.constant 10 : i32
        %shift_right_arithmetic3A_2015 = vector.broadcast %shift_right_arithmetic3A_2014 : i32 to vector<16xi32>
        %shift_right_arithmetic3A_2016 = arith.shrsi %get3A_2003, %shift_right_arithmetic3A_2015 : vector<16xi32>
        %and3A_2017 = arith.constant 1 : i32
        %and3A_2018 = vector.broadcast %and3A_2017 : i32 to vector<16xi32>
        %and3A_2019 = arith.andi %shift_right_arithmetic3A_2016, %and3A_2018 : vector<16xi32>
        %add3A_2020 = arith.addi %add3A_2013, %and3A_2019 : vector<16xi32>
        %swap3A_2021 = arith.constant 7 : i32
        %swap3A_2022 = arith.index_cast %swap3A_2021 : i32 to index
        %swap3A_2023 = arith.constant 112 : index
        %swap3A_2024 = tpu.vector_load %arg5[%swap3A_2022, %swap3A_2023] {strides = array<i32>} : memref<8x128xi32, #tpu.memory_space<vmem>>, vector<16xi32>,
        tpu.vector_store %arg5[%swap3A_2022, %swap3A_2023], %add3A_2020 {strides = array<i32>} : memref<8x128xi32, #tpu.memory_space<vmem>>, vector<16xi32>,
        %ge3A = arith.constant 8 : i32
        %ge3A_2025 = arith.cmpi sge, %add3A_1610, %ge3A : i32
        %convert_element_type3A_2026 = arith.extui %ge3A_2025 : i1 to i32
        %cond3A_2027 = arith.constant 0 : i32
        %cond3A_2028 = arith.cmpi ne, %convert_element_type3A_2026, %cond3A_2027 : i32
        scf.if %cond3A_2028 {
          %dma_wait3A_2051 = arith.constant 7 : i32
          %dma_wait3A_2052 = arith.constant 7 : i32
          %dma_wait3A_2053 = arith.constant 0 : i32
          %dma_wait3A_2054 = arith.constant 0 : i32
          %dma_wait3A_2055 = tpu.memref_slice %arg6[%dma_wait3A_2051, %dma_wait3A_2053, %dma_wait3A_2054] : memref<8x128x64xf32, #tpu.memory_space<vmem>> -> memref<1x128x64xf32, #tpu.memory_space<vmem>>
          %dma_wait3A_2056 = tpu.memref_squeeze %dma_wait3A_2055 : memref<1x128x64xf32, #tpu.memory_space<vmem>> -> memref<128x64xf32, #tpu.memory_space<vmem>>
          %dma_wait3A_2057 = arith.constant 0 : i32
          %dma_wait3A_2058 = arith.constant 0 : i32
          %dma_wait3A_2059 = tpu.memref_slice %arg4[%dma_wait3A_2057, %dma_wait3A_2058] : memref<819200x64xf32, #tpu.memory_space<hbm>> -> memref<128x64xf32, #tpu.memory_space<hbm>>
          %dma_wait3A_2060 = tpu.memref_slice %arg9[%dma_wait3A_2052] : memref<8x!tpu.dma_semaphore, #tpu.memory_space<semaphore_mem>> -> memref<1x!tpu.dma_semaphore, #tpu.memory_space<semaphore_mem>>
          %dma_wait3A_2061 = tpu.memref_squeeze %dma_wait3A_2060 : memref<1x!tpu.dma_semaphore, #tpu.memory_space<semaphore_mem>> -> memref<!tpu.dma_semaphore, #tpu.memory_space<semaphore_mem>>
          %dma_wait3A_2062 = arith.constant 0 : i32
          %dma_wait3A_2063 = arith.constant 0 : i32
          %dma_wait3A_2064 = tpu.memref_slice %arg4[%dma_wait3A_2062, %dma_wait3A_2063] : memref<819200x64xf32, #tpu.memory_space<hbm>> -> memref<128x64xf32, #tpu.memory_space<hbm>>
          %dma_wait3A_2065 = arith.constant 0 : i32
          %dma_wait3A_2066 = arith.constant 0 : i32
          %dma_wait3A_2067 = tpu.memref_slice %arg6[%dma_wait3A_2051, %dma_wait3A_2065, %dma_wait3A_2066] : memref<8x128x64xf32, #tpu.memory_space<vmem>> -> memref<1x128x64xf32, #tpu.memory_space<vmem>>
          %dma_wait3A_2068 = tpu.memref_squeeze %dma_wait3A_2067 : memref<1x128x64xf32, #tpu.memory_space<vmem>> -> memref<128x64xf32, #tpu.memory_space<vmem>>
          tpu.wait_dma2 semaphore(%dma_wait3A_2061 : memref<!tpu.dma_semaphore, #tpu.memory_space<semaphore_mem>>) src(%dma_wait3A_2068 : memref<128x64xf32, #tpu.memory_space<vmem>>) dst(%dma_wait3A_2064 : memref<128x64xf32, #tpu.memory_space<hbm>>)
        } else {
        }
        %dma_start3A_2029 = arith.constant 7 : i32
        %dma_start3A_2030 = arith.constant 7 : i32
        %dma_start3A_2031 = arith.constant 7 : i32
        %dma_start3A_2032 = arith.constant 0 : i32
        %dma_start3A_2033 = arith.constant 0 : i32
        %dma_start3A_2034 = tpu.memref_slice %arg6[%dma_start3A_2030, %dma_start3A_2032, %dma_start3A_2033] : memref<8x128x64xf32, #tpu.memory_space<vmem>> -> memref<1x128x64xf32, #tpu.memory_space<vmem>>
        %dma_start3A_2035 = tpu.memref_squeeze %dma_start3A_2034 : memref<1x128x64xf32, #tpu.memory_space<vmem>> -> memref<128x64xf32, #tpu.memory_space<vmem>>
        %dma_start3A_2036 = arith.constant 0 : i32
        %dma_start3A_2037 = tpu.memref_slice %arg5[%dma_start3A_2029, %dma_start3A_2036] : memref<8x128xi32, #tpu.memory_space<vmem>> -> memref<1x128xi32, #tpu.memory_space<vmem>>
        %dma_start3A_2038 = tpu.memref_squeeze %dma_start3A_2037 : memref<1x128xi32, #tpu.memory_space<vmem>> -> memref<128xi32, #tpu.memory_space<vmem>>
        %dma_start3A_2039 = arith.constant 0 : i32
        %dma_start3A_2040 = arith.constant 0 : i32
        %dma_start3A_2041 = tpu.memref_slice %arg3[%dma_start3A_2039, %dma_start3A_2040] : memref<1001472x64xf32, #tpu.memory_space<hbm>> -> memref<1001472x64xf32, #tpu.memory_space<hbm>>
        %dma_start3A_2042 = tpu.memref_slice %arg8[%dma_start3A_2031] : memref<8x!tpu.dma_semaphore, #tpu.memory_space<semaphore_mem>> -> memref<1x!tpu.dma_semaphore, #tpu.memory_space<semaphore_mem>>
        %dma_start3A_2043 = tpu.memref_squeeze %dma_start3A_2042 : memref<1x!tpu.dma_semaphore, #tpu.memory_space<semaphore_mem>> -> memref<!tpu.dma_semaphore, #tpu.memory_space<semaphore_mem>>
        tpu.enqueue_indirect_dma source(%dma_start3A_2041 : memref<1001472x64xf32, #tpu.memory_space<hbm>>) target(%dma_start3A_2035 : memref<128x64xf32, #tpu.memory_space<vmem>>) offsets(%dma_start3A_2038 : memref<128xi32, #tpu.memory_space<vmem>>) semaphore(%dma_start3A_2043 : memref<!tpu.dma_semaphore, #tpu.memory_space<semaphore_mem>>)
        %add3A_2044 = arith.constant 4 : i32
        %add3A_2045 = arith.addi %add3A_1610, %add3A_2044 : i32
        %lt3A_2046 = arith.constant 200 : i32
        %lt3A_2047 = arith.cmpi slt, %add3A_2045, %lt3A_2046 : i32
        %convert_element_type3A_2048 = arith.extui %lt3A_2047 : i1 to i32
        %cond3A_2049 = arith.constant 0 : i32
        %cond3A_2050 = arith.cmpi ne, %convert_element_type3A_2048, %cond3A_2049 : i32
        scf.if %cond3A_2050 {
          %add3A_2051 = arith.addi %mul3A_2, %add3A_1610 : i32
          %add3A_2052 = arith.constant 4 : i32
          %add3A_2053 = arith.addi %add3A_2051, %add3A_2052 : i32
          %jit3A_2054 = arith.constant 32 : i32
          %div3A_2055 = arith.divsi %add3A_2053, %jit3A_2054 : i32
          %sign3A_2056 = arith.constant 0 : i32
          %sign3A_2057 = arith.cmpi sgt, %add3A_2053, %sign3A_2056 : i32
          %sign3A_2058 = arith.extui %sign3A_2057 : i1 to i32
          %sign3A_2059 = arith.constant 0 : i32
          %sign3A_2060 = arith.cmpi slt, %add3A_2053, %sign3A_2059 : i32
          %sign3A_2061 = arith.extui %sign3A_2060 : i1 to i32
          %sign3A_2062 = arith.subi %sign3A_2058, %sign3A_2061 : i32
          %sign3A_2063 = arith.constant 0 : i32
          %sign3A_2064 = arith.cmpi sgt, %jit3A_2054, %sign3A_2063 : i32
          %sign3A_2065 = arith.extui %sign3A_2064 : i1 to i32
          %sign3A_2066 = arith.constant 0 : i32
          %sign3A_2067 = arith.cmpi slt, %jit3A_2054, %sign3A_2066 : i32
          %sign3A_2068 = arith.extui %sign3A_2067 : i1 to i32
          %sign3A_2069 = arith.subi %sign3A_2065, %sign3A_2068 : i32
          %ne3A_2070 = arith.cmpi ne, %sign3A_2062, %sign3A_2069 : i32
          %rem3A_2071 = arith.remsi %add3A_2053, %jit3A_2054 : i32
          %ne3A_2072 = arith.constant 0 : i32
          %ne3A_2073 = arith.cmpi ne, %rem3A_2071, %ne3A_2072 : i32
          %and3A_2074 = arith.andi %ne3A_2070, %ne3A_2073 : i1
          %sub3A_2075 = arith.constant 1 : i32
          %sub3A_2076 = arith.subi %div3A_2055, %sub3A_2075 : i32
          %select_n3A_2077 = arith.select %and3A_2074, %sub3A_2076, %div3A_2055 : i32
          %mul3A_2078 = arith.constant 32 : i32
          %mul3A_2079 = arith.muli %select_n3A_2077, %mul3A_2078 : i32
          %sub3A_2080 = arith.subi %add3A_2053, %mul3A_2079 : i32
          %mul3A_2081 = arith.constant 128 : i32
          %mul3A_2082 = arith.muli %sub3A_2080, %mul3A_2081 : i32
          %dma_start3A_2083 = arith.constant 3 : i32
          %dma_start3A_2084 = arith.constant 3 : i32
          %dma_start3A_2085 = arith.constant 0 : i32
          %dma_start3A_2086 = tpu.memref_slice %arg5[%dma_start3A_2083, %dma_start3A_2085] : memref<8x128xi32, #tpu.memory_space<vmem>> -> memref<1x128xi32, #tpu.memory_space<vmem>>
          %dma_start3A_2087 = tpu.memref_squeeze %dma_start3A_2086 : memref<1x128xi32, #tpu.memory_space<vmem>> -> memref<128xi32, #tpu.memory_space<vmem>>
          %dma_start3A_2088 = tpu.memref_slice %arg2[%select_n3A_2077, %mul3A_2082] : memref<200x4096xi32, #tpu.memory_space<hbm>> -> memref<1x128xi32, #tpu.memory_space<hbm>>
          %dma_start3A_2089 = tpu.memref_squeeze %dma_start3A_2088 : memref<1x128xi32, #tpu.memory_space<hbm>> -> memref<128xi32, #tpu.memory_space<hbm>>
          %dma_start3A_2090 = tpu.memref_slice %arg7[%dma_start3A_2084] : memref<8x!tpu.dma_semaphore, #tpu.memory_space<semaphore_mem>> -> memref<1x!tpu.dma_semaphore, #tpu.memory_space<semaphore_mem>>
          %dma_start3A_2091 = tpu.memref_squeeze %dma_start3A_2090 : memref<1x!tpu.dma_semaphore, #tpu.memory_space<semaphore_mem>> -> memref<!tpu.dma_semaphore, #tpu.memory_space<semaphore_mem>>
          %dma_start3A_2092 = arith.constant 0 : i32
          %dma_start3A_2093 = tpu.memref_slice %arg5[%dma_start3A_2083, %dma_start3A_2092] : memref<8x128xi32, #tpu.memory_space<vmem>> -> memref<1x128xi32, #tpu.memory_space<vmem>>
          %dma_start3A_2094 = tpu.memref_squeeze %dma_start3A_2093 : memref<1x128xi32, #tpu.memory_space<vmem>> -> memref<128xi32, #tpu.memory_space<vmem>>
          %dma_start3A_2095 = tpu.memref_slice %arg2[%select_n3A_2077, %mul3A_2082] : memref<200x4096xi32, #tpu.memory_space<hbm>> -> memref<1x128xi32, #tpu.memory_space<hbm>>
          %dma_start3A_2096 = tpu.memref_squeeze %dma_start3A_2095 : memref<1x128xi32, #tpu.memory_space<hbm>> -> memref<128xi32, #tpu.memory_space<hbm>>
          tpu.enqueue_dma source(%dma_start3A_2096 : memref<128xi32, #tpu.memory_space<hbm>>) target(%dma_start3A_2094 : memref<128xi32, #tpu.memory_space<vmem>>) target_semaphore(%dma_start3A_2091 : memref<!tpu.dma_semaphore, #tpu.memory_space<semaphore_mem>>)
        } else {
        }
      } else {
      }
      %mul3A_1616 = arith.constant 8 : i32
      %mul3A_1617 = arith.muli %scan3A_1426, %mul3A_1616 : i32
      %add3A_1618 = arith.constant 4 : i32
      %add3A_1619 = arith.addi %mul3A_1617, %add3A_1618 : i32
      %dma_wait3A_1620 = arith.constant 4 : i32
      %dma_wait3A_1621 = arith.constant 4 : i32
      %dma_wait3A_1622 = arith.constant 0 : i32
      %dma_wait3A_1623 = arith.constant 0 : i32
      %dma_wait3A_1624 = tpu.memref_slice %arg6[%dma_wait3A_1620, %dma_wait3A_1622, %dma_wait3A_1623] : memref<8x128x64xf32, #tpu.memory_space<vmem>> -> memref<1x128x64xf32, #tpu.memory_space<vmem>>
      %dma_wait3A_1625 = tpu.memref_squeeze %dma_wait3A_1624 : memref<1x128x64xf32, #tpu.memory_space<vmem>> -> memref<128x64xf32, #tpu.memory_space<vmem>>
      %dma_wait3A_1626 = arith.constant 0 : i32
      %dma_wait3A_1627 = arith.constant 0 : i32
      %dma_wait3A_1628 = tpu.memref_slice %arg3[%dma_wait3A_1626, %dma_wait3A_1627] : memref<1001472x64xf32, #tpu.memory_space<hbm>> -> memref<128x64xf32, #tpu.memory_space<hbm>>
      %dma_wait3A_1629 = tpu.memref_slice %arg8[%dma_wait3A_1621] : memref<8x!tpu.dma_semaphore, #tpu.memory_space<semaphore_mem>> -> memref<1x!tpu.dma_semaphore, #tpu.memory_space<semaphore_mem>>
      %dma_wait3A_1630 = tpu.memref_squeeze %dma_wait3A_1629 : memref<1x!tpu.dma_semaphore, #tpu.memory_space<semaphore_mem>> -> memref<!tpu.dma_semaphore, #tpu.memory_space<semaphore_mem>>
      %dma_wait3A_1631 = arith.constant 0 : i32
      %dma_wait3A_1632 = arith.constant 0 : i32
      %dma_wait3A_1633 = tpu.memref_slice %arg6[%dma_wait3A_1620, %dma_wait3A_1631, %dma_wait3A_1632] : memref<8x128x64xf32, #tpu.memory_space<vmem>> -> memref<1x128x64xf32, #tpu.memory_space<vmem>>
      %dma_wait3A_1634 = tpu.memref_squeeze %dma_wait3A_1633 : memref<1x128x64xf32, #tpu.memory_space<vmem>> -> memref<128x64xf32, #tpu.memory_space<vmem>>
      %dma_wait3A_1635 = arith.constant 0 : i32
      %dma_wait3A_1636 = arith.constant 0 : i32
      %dma_wait3A_1637 = tpu.memref_slice %arg3[%dma_wait3A_1635, %dma_wait3A_1636] : memref<1001472x64xf32, #tpu.memory_space<hbm>> -> memref<128x64xf32, #tpu.memory_space<hbm>>
      tpu.wait_dma2 semaphore(%dma_wait3A_1630 : memref<!tpu.dma_semaphore, #tpu.memory_space<semaphore_mem>>) src(%dma_wait3A_1637 : memref<128x64xf32, #tpu.memory_space<hbm>>) dst(%dma_wait3A_1634 : memref<128x64xf32, #tpu.memory_space<vmem>>)
      %add3A_1638 = arith.addi %mul3A_2, %add3A_1619 : i32
      %mul3A_1639 = arith.constant 128 : i32
      %mul3A_1640 = arith.muli %add3A_1638, %mul3A_1639 : i32
      %dma_start3A_1641 = arith.constant 4 : i32
      %dma_start3A_1642 = arith.constant 4 : i32
      %dma_start3A_1643 = arith.constant 0 : i32
      %dma_start3A_1644 = arith.constant 0 : i32
      %dma_start3A_1645 = tpu.memref_slice %arg6[%dma_start3A_1641, %dma_start3A_1643, %dma_start3A_1644] : memref<8x128x64xf32, #tpu.memory_space<vmem>> -> memref<1x128x64xf32, #tpu.memory_space<vmem>>
      %dma_start3A_1646 = tpu.memref_squeeze %dma_start3A_1645 : memref<1x128x64xf32, #tpu.memory_space<vmem>> -> memref<128x64xf32, #tpu.memory_space<vmem>>
      %dma_start3A_1647 = arith.constant 0 : i32
      %dma_start3A_1648 = tpu.memref_slice %arg4[%mul3A_1640, %dma_start3A_1647] : memref<819200x64xf32, #tpu.memory_space<hbm>> -> memref<128x64xf32, #tpu.memory_space<hbm>>
      %dma_start3A_1649 = tpu.memref_slice %arg9[%dma_start3A_1642] : memref<8x!tpu.dma_semaphore, #tpu.memory_space<semaphore_mem>> -> memref<1x!tpu.dma_semaphore, #tpu.memory_space<semaphore_mem>>
      %dma_start3A_1650 = tpu.memref_squeeze %dma_start3A_1649 : memref<1x!tpu.dma_semaphore, #tpu.memory_space<semaphore_mem>> -> memref<!tpu.dma_semaphore, #tpu.memory_space<semaphore_mem>>
      %dma_start3A_1651 = arith.constant 0 : i32
      %dma_start3A_1652 = tpu.memref_slice %arg4[%mul3A_1640, %dma_start3A_1651] : memref<819200x64xf32, #tpu.memory_space<hbm>> -> memref<128x64xf32, #tpu.memory_space<hbm>>
      %dma_start3A_1653 = arith.constant 0 : i32
      %dma_start3A_1654 = arith.constant 0 : i32
      %dma_start3A_1655 = tpu.memref_slice %arg6[%dma_start3A_1641, %dma_start3A_1653, %dma_start3A_1654] : memref<8x128x64xf32, #tpu.memory_space<vmem>> -> memref<1x128x64xf32, #tpu.memory_space<vmem>>
      %dma_start3A_1656 = tpu.memref_squeeze %dma_start3A_1655 : memref<1x128x64xf32, #tpu.memory_space<vmem>> -> memref<128x64xf32, #tpu.memory_space<vmem>>
      tpu.enqueue_dma source(%dma_start3A_1656 : memref<128x64xf32, #tpu.memory_space<vmem>>) target(%dma_start3A_1652 : memref<128x64xf32, #tpu.memory_space<hbm>>) target_semaphore(%dma_start3A_1650 : memref<!tpu.dma_semaphore, #tpu.memory_space<semaphore_mem>>)
      %add3A_1657 = arith.constant 4 : i32
      %add3A_1658 = arith.addi %add3A_1619, %add3A_1657 : i32
      %lt3A_1659 = arith.constant 200 : i32
      %lt3A_1660 = arith.cmpi slt, %add3A_1658, %lt3A_1659 : i32
      %convert_element_type3A_1661 = arith.extui %lt3A_1660 : i1 to i32
      %cond3A_1662 = arith.constant 0 : i32
      %cond3A_1663 = arith.cmpi ne, %convert_element_type3A_1661, %cond3A_1662 : i32
      scf.if %cond3A_1663 {
        %dma_wait3A_1808 = arith.constant 0 : i32
        %dma_wait3A_1809 = arith.constant 0 : i32
        %dma_wait3A_1810 = arith.constant 0 : i32
        %dma_wait3A_1811 = arith.constant 0 : i32
        %dma_wait3A_1812 = tpu.memref_slice %arg5[%dma_wait3A_1809, %dma_wait3A_1811] : memref<8x128xi32, #tpu.memory_space<vmem>> -> memref<1x128xi32, #tpu.memory_space<vmem>>
        %dma_wait3A_1813 = tpu.memref_squeeze %dma_wait3A_1812 : memref<1x128xi32, #tpu.memory_space<vmem>> -> memref<128xi32, #tpu.memory_space<vmem>>
        %dma_wait3A_1814 = arith.constant 0 : i32
        %dma_wait3A_1815 = tpu.memref_slice %arg2[%dma_wait3A_1808, %dma_wait3A_1814] : memref<200x4096xi32, #tpu.memory_space<hbm>> -> memref<1x128xi32, #tpu.memory_space<hbm>>
        %dma_wait3A_1816 = tpu.memref_squeeze %dma_wait3A_1815 : memref<1x128xi32, #tpu.memory_space<hbm>> -> memref<128xi32, #tpu.memory_space<hbm>>
        %dma_wait3A_1817 = tpu.memref_slice %arg7[%dma_wait3A_1810] : memref<8x!tpu.dma_semaphore, #tpu.memory_space<semaphore_mem>> -> memref<1x!tpu.dma_semaphore, #tpu.memory_space<semaphore_mem>>
        %dma_wait3A_1818 = tpu.memref_squeeze %dma_wait3A_1817 : memref<1x!tpu.dma_semaphore, #tpu.memory_space<semaphore_mem>> -> memref<!tpu.dma_semaphore, #tpu.memory_space<semaphore_mem>>
        %dma_wait3A_1819 = arith.constant 0 : i32
        %dma_wait3A_1820 = tpu.memref_slice %arg5[%dma_wait3A_1809, %dma_wait3A_1819] : memref<8x128xi32, #tpu.memory_space<vmem>> -> memref<1x128xi32, #tpu.memory_space<vmem>>
        %dma_wait3A_1821 = tpu.memref_squeeze %dma_wait3A_1820 : memref<1x128xi32, #tpu.memory_space<vmem>> -> memref<128xi32, #tpu.memory_space<vmem>>
        %dma_wait3A_1822 = arith.constant 0 : i32
        %dma_wait3A_1823 = tpu.memref_slice %arg2[%dma_wait3A_1808, %dma_wait3A_1822] : memref<200x4096xi32, #tpu.memory_space<hbm>> -> memref<1x128xi32, #tpu.memory_space<hbm>>
        %dma_wait3A_1824 = tpu.memref_squeeze %dma_wait3A_1823 : memref<1x128xi32, #tpu.memory_space<hbm>> -> memref<128xi32, #tpu.memory_space<hbm>>
        tpu.wait_dma2 semaphore(%dma_wait3A_1818 : memref<!tpu.dma_semaphore, #tpu.memory_space<semaphore_mem>>) src(%dma_wait3A_1824 : memref<128xi32, #tpu.memory_space<hbm>>) dst(%dma_wait3A_1821 : memref<128xi32, #tpu.memory_space<vmem>>)
        %get3A_1825 = arith.constant 0 : i32
        %get3A_1826 = arith.index_cast %get3A_1825 : i32 to index
        %get3A_1827 = arith.constant 0 : index
        %get3A_1828 = tpu.vector_load %arg5[%get3A_1826, %get3A_1827] {strides = array<i32>} : memref<8x128xi32, #tpu.memory_space<vmem>>, vector<16xi32>,
        %and3A_1829 = arith.constant -2048 : i32
        %and3A_1830 = vector.broadcast %and3A_1829 : i32 to vector<16xi32>
        %and3A_1831 = arith.andi %get3A_1828, %and3A_1830 : vector<16xi32>
        %and3A_1832 = arith.constant 1023 : i32
        %and3A_1833 = vector.broadcast %and3A_1832 : i32 to vector<16xi32>
        %and3A_1834 = arith.andi %get3A_1828, %and3A_1833 : vector<16xi32>
        %shift_left3A_1835 = arith.constant 1 : i32
        %shift_left3A_1836 = vector.broadcast %shift_left3A_1835 : i32 to vector<16xi32>
        %shift_left3A_1837 = arith.shli %and3A_1834, %shift_left3A_1836 : vector<16xi32>
        %add3A_1838 = arith.addi %and3A_1831, %shift_left3A_1837 : vector<16xi32>
        %shift_right_arithmetic3A_1839 = arith.constant 10 : i32
        %shift_right_arithmetic3A_1840 = vector.broadcast %shift_right_arithmetic3A_1839 : i32 to vector<16xi32>
        %shift_right_arithmetic3A_1841 = arith.shrsi %get3A_1828, %shift_right_arithmetic3A_1840 : vector<16xi32>
        %and3A_1842 = arith.constant 1 : i32
        %and3A_1843 = vector.broadcast %and3A_1842 : i32 to vector<16xi32>
        %and3A_1844 = arith.andi %shift_right_arithmetic3A_1841, %and3A_1843 : vector<16xi32>
        %add3A_1845 = arith.addi %add3A_1838, %and3A_1844 : vector<16xi32>
        %swap3A_1846 = arith.constant 0 : i32
        %swap3A_1847 = arith.index_cast %swap3A_1846 : i32 to index
        %swap3A_1848 = arith.constant 0 : index
        %swap3A_1849 = tpu.vector_load %arg5[%swap3A_1847, %swap3A_1848] {strides = array<i32>} : memref<8x128xi32, #tpu.memory_space<vmem>>, vector<16xi32>,
        tpu.vector_store %arg5[%swap3A_1847, %swap3A_1848], %add3A_1845 {strides = array<i32>} : memref<8x128xi32, #tpu.memory_space<vmem>>, vector<16xi32>,
        %get3A_1850 = arith.constant 0 : i32
        %get3A_1851 = arith.index_cast %get3A_1850 : i32 to index
        %get3A_1852 = arith.constant 16 : index
        %get3A_1853 = tpu.vector_load %arg5[%get3A_1851, %get3A_1852] {strides = array<i32>} : memref<8x128xi32, #tpu.memory_space<vmem>>, vector<16xi32>,
        %and3A_1854 = arith.constant -2048 : i32
        %and3A_1855 = vector.broadcast %and3A_1854 : i32 to vector<16xi32>
        %and3A_1856 = arith.andi %get3A_1853, %and3A_1855 : vector<16xi32>
        %and3A_1857 = arith.constant 1023 : i32
        %and3A_1858 = vector.broadcast %and3A_1857 : i32 to vector<16xi32>
        %and3A_1859 = arith.andi %get3A_1853, %and3A_1858 : vector<16xi32>
        %shift_left3A_1860 = arith.constant 1 : i32
        %shift_left3A_1861 = vector.broadcast %shift_left3A_1860 : i32 to vector<16xi32>
        %shift_left3A_1862 = arith.shli %and3A_1859, %shift_left3A_1861 : vector<16xi32>
        %add3A_1863 = arith.addi %and3A_1856, %shift_left3A_1862 : vector<16xi32>
        %shift_right_arithmetic3A_1864 = arith.constant 10 : i32
        %shift_right_arithmetic3A_1865 = vector.broadcast %shift_right_arithmetic3A_1864 : i32 to vector<16xi32>
        %shift_right_arithmetic3A_1866 = arith.shrsi %get3A_1853, %shift_right_arithmetic3A_1865 : vector<16xi32>
        %and3A_1867 = arith.constant 1 : i32
        %and3A_1868 = vector.broadcast %and3A_1867 : i32 to vector<16xi32>
        %and3A_1869 = arith.andi %shift_right_arithmetic3A_1866, %and3A_1868 : vector<16xi32>
        %add3A_1870 = arith.addi %add3A_1863, %and3A_1869 : vector<16xi32>
        %swap3A_1871 = arith.constant 0 : i32
        %swap3A_1872 = arith.index_cast %swap3A_1871 : i32 to index
        %swap3A_1873 = arith.constant 16 : index
        %swap3A_1874 = tpu.vector_load %arg5[%swap3A_1872, %swap3A_1873] {strides = array<i32>} : memref<8x128xi32, #tpu.memory_space<vmem>>, vector<16xi32>,
        tpu.vector_store %arg5[%swap3A_1872, %swap3A_1873], %add3A_1870 {strides = array<i32>} : memref<8x128xi32, #tpu.memory_space<vmem>>, vector<16xi32>,
        %get3A_1875 = arith.constant 0 : i32
        %get3A_1876 = arith.index_cast %get3A_1875 : i32 to index
        %get3A_1877 = arith.constant 32 : index
        %get3A_1878 = tpu.vector_load %arg5[%get3A_1876, %get3A_1877] {strides = array<i32>} : memref<8x128xi32, #tpu.memory_space<vmem>>, vector<16xi32>,
        %and3A_1879 = arith.constant -2048 : i32
        %and3A_1880 = vector.broadcast %and3A_1879 : i32 to vector<16xi32>
        %and3A_1881 = arith.andi %get3A_1878, %and3A_1880 : vector<16xi32>
        %and3A_1882 = arith.constant 1023 : i32
        %and3A_1883 = vector.broadcast %and3A_1882 : i32 to vector<16xi32>
        %and3A_1884 = arith.andi %get3A_1878, %and3A_1883 : vector<16xi32>
        %shift_left3A_1885 = arith.constant 1 : i32
        %shift_left3A_1886 = vector.broadcast %shift_left3A_1885 : i32 to vector<16xi32>
        %shift_left3A_1887 = arith.shli %and3A_1884, %shift_left3A_1886 : vector<16xi32>
        %add3A_1888 = arith.addi %and3A_1881, %shift_left3A_1887 : vector<16xi32>
        %shift_right_arithmetic3A_1889 = arith.constant 10 : i32
        %shift_right_arithmetic3A_1890 = vector.broadcast %shift_right_arithmetic3A_1889 : i32 to vector<16xi32>
        %shift_right_arithmetic3A_1891 = arith.shrsi %get3A_1878, %shift_right_arithmetic3A_1890 : vector<16xi32>
        %and3A_1892 = arith.constant 1 : i32
        %and3A_1893 = vector.broadcast %and3A_1892 : i32 to vector<16xi32>
        %and3A_1894 = arith.andi %shift_right_arithmetic3A_1891, %and3A_1893 : vector<16xi32>
        %add3A_1895 = arith.addi %add3A_1888, %and3A_1894 : vector<16xi32>
        %swap3A_1896 = arith.constant 0 : i32
        %swap3A_1897 = arith.index_cast %swap3A_1896 : i32 to index
        %swap3A_1898 = arith.constant 32 : index
        %swap3A_1899 = tpu.vector_load %arg5[%swap3A_1897, %swap3A_1898] {strides = array<i32>} : memref<8x128xi32, #tpu.memory_space<vmem>>, vector<16xi32>,
        tpu.vector_store %arg5[%swap3A_1897, %swap3A_1898], %add3A_1895 {strides = array<i32>} : memref<8x128xi32, #tpu.memory_space<vmem>>, vector<16xi32>,
        %get3A_1900 = arith.constant 0 : i32
        %get3A_1901 = arith.index_cast %get3A_1900 : i32 to index
        %get3A_1902 = arith.constant 48 : index
        %get3A_1903 = tpu.vector_load %arg5[%get3A_1901, %get3A_1902] {strides = array<i32>} : memref<8x128xi32, #tpu.memory_space<vmem>>, vector<16xi32>,
        %and3A_1904 = arith.constant -2048 : i32
        %and3A_1905 = vector.broadcast %and3A_1904 : i32 to vector<16xi32>
        %and3A_1906 = arith.andi %get3A_1903, %and3A_1905 : vector<16xi32>
        %and3A_1907 = arith.constant 1023 : i32
        %and3A_1908 = vector.broadcast %and3A_1907 : i32 to vector<16xi32>
        %and3A_1909 = arith.andi %get3A_1903, %and3A_1908 : vector<16xi32>
        %shift_left3A_1910 = arith.constant 1 : i32
        %shift_left3A_1911 = vector.broadcast %shift_left3A_1910 : i32 to vector<16xi32>
        %shift_left3A_1912 = arith.shli %and3A_1909, %shift_left3A_1911 : vector<16xi32>
        %add3A_1913 = arith.addi %and3A_1906, %shift_left3A_1912 : vector<16xi32>
        %shift_right_arithmetic3A_1914 = arith.constant 10 : i32
        %shift_right_arithmetic3A_1915 = vector.broadcast %shift_right_arithmetic3A_1914 : i32 to vector<16xi32>
        %shift_right_arithmetic3A_1916 = arith.shrsi %get3A_1903, %shift_right_arithmetic3A_1915 : vector<16xi32>
        %and3A_1917 = arith.constant 1 : i32
        %and3A_1918 = vector.broadcast %and3A_1917 : i32 to vector<16xi32>
        %and3A_1919 = arith.andi %shift_right_arithmetic3A_1916, %and3A_1918 : vector<16xi32>
        %add3A_1920 = arith.addi %add3A_1913, %and3A_1919 : vector<16xi32>
        %swap3A_1921 = arith.constant 0 : i32
        %swap3A_1922 = arith.index_cast %swap3A_1921 : i32 to index
        %swap3A_1923 = arith.constant 48 : index
        %swap3A_1924 = tpu.vector_load %arg5[%swap3A_1922, %swap3A_1923] {strides = array<i32>} : memref<8x128xi32, #tpu.memory_space<vmem>>, vector<16xi32>,
        tpu.vector_store %arg5[%swap3A_1922, %swap3A_1923], %add3A_1920 {strides = array<i32>} : memref<8x128xi32, #tpu.memory_space<vmem>>, vector<16xi32>,
        %get3A_1925 = arith.constant 0 : i32
        %get3A_1926 = arith.index_cast %get3A_1925 : i32 to index
        %get3A_1927 = arith.constant 64 : index
        %get3A_1928 = tpu.vector_load %arg5[%get3A_1926, %get3A_1927] {strides = array<i32>} : memref<8x128xi32, #tpu.memory_space<vmem>>, vector<16xi32>,
        %and3A_1929 = arith.constant -2048 : i32
        %and3A_1930 = vector.broadcast %and3A_1929 : i32 to vector<16xi32>
        %and3A_1931 = arith.andi %get3A_1928, %and3A_1930 : vector<16xi32>
        %and3A_1932 = arith.constant 1023 : i32
        %and3A_1933 = vector.broadcast %and3A_1932 : i32 to vector<16xi32>
        %and3A_1934 = arith.andi %get3A_1928, %and3A_1933 : vector<16xi32>
        %shift_left3A_1935 = arith.constant 1 : i32
        %shift_left3A_1936 = vector.broadcast %shift_left3A_1935 : i32 to vector<16xi32>
        %shift_left3A_1937 = arith.shli %and3A_1934, %shift_left3A_1936 : vector<16xi32>
        %add3A_1938 = arith.addi %and3A_1931, %shift_left3A_1937 : vector<16xi32>
        %shift_right_arithmetic3A_1939 = arith.constant 10 : i32
        %shift_right_arithmetic3A_1940 = vector.broadcast %shift_right_arithmetic3A_1939 : i32 to vector<16xi32>
        %shift_right_arithmetic3A_1941 = arith.shrsi %get3A_1928, %shift_right_arithmetic3A_1940 : vector<16xi32>
        %and3A_1942 = arith.constant 1 : i32
        %and3A_1943 = vector.broadcast %and3A_1942 : i32 to vector<16xi32>
        %and3A_1944 = arith.andi %shift_right_arithmetic3A_1941, %and3A_1943 : vector<16xi32>
        %add3A_1945 = arith.addi %add3A_1938, %and3A_1944 : vector<16xi32>
        %swap3A_1946 = arith.constant 0 : i32
        %swap3A_1947 = arith.index_cast %swap3A_1946 : i32 to index
        %swap3A_1948 = arith.constant 64 : index
        %swap3A_1949 = tpu.vector_load %arg5[%swap3A_1947, %swap3A_1948] {strides = array<i32>} : memref<8x128xi32, #tpu.memory_space<vmem>>, vector<16xi32>,
        tpu.vector_store %arg5[%swap3A_1947, %swap3A_1948], %add3A_1945 {strides = array<i32>} : memref<8x128xi32, #tpu.memory_space<vmem>>, vector<16xi32>,
        %get3A_1950 = arith.constant 0 : i32
        %get3A_1951 = arith.index_cast %get3A_1950 : i32 to index
        %get3A_1952 = arith.constant 80 : index
        %get3A_1953 = tpu.vector_load %arg5[%get3A_1951, %get3A_1952] {strides = array<i32>} : memref<8x128xi32, #tpu.memory_space<vmem>>, vector<16xi32>,
        %and3A_1954 = arith.constant -2048 : i32
        %and3A_1955 = vector.broadcast %and3A_1954 : i32 to vector<16xi32>
        %and3A_1956 = arith.andi %get3A_1953, %and3A_1955 : vector<16xi32>
        %and3A_1957 = arith.constant 1023 : i32
        %and3A_1958 = vector.broadcast %and3A_1957 : i32 to vector<16xi32>
        %and3A_1959 = arith.andi %get3A_1953, %and3A_1958 : vector<16xi32>
        %shift_left3A_1960 = arith.constant 1 : i32
        %shift_left3A_1961 = vector.broadcast %shift_left3A_1960 : i32 to vector<16xi32>
        %shift_left3A_1962 = arith.shli %and3A_1959, %shift_left3A_1961 : vector<16xi32>
        %add3A_1963 = arith.addi %and3A_1956, %shift_left3A_1962 : vector<16xi32>
        %shift_right_arithmetic3A_1964 = arith.constant 10 : i32
        %shift_right_arithmetic3A_1965 = vector.broadcast %shift_right_arithmetic3A_1964 : i32 to vector<16xi32>
        %shift_right_arithmetic3A_1966 = arith.shrsi %get3A_1953, %shift_right_arithmetic3A_1965 : vector<16xi32>
        %and3A_1967 = arith.constant 1 : i32
        %and3A_1968 = vector.broadcast %and3A_1967 : i32 to vector<16xi32>
        %and3A_1969 = arith.andi %shift_right_arithmetic3A_1966, %and3A_1968 : vector<16xi32>
        %add3A_1970 = arith.addi %add3A_1963, %and3A_1969 : vector<16xi32>
        %swap3A_1971 = arith.constant 0 : i32
        %swap3A_1972 = arith.index_cast %swap3A_1971 : i32 to index
        %swap3A_1973 = arith.constant 80 : index
        %swap3A_1974 = tpu.vector_load %arg5[%swap3A_1972, %swap3A_1973] {strides = array<i32>} : memref<8x128xi32, #tpu.memory_space<vmem>>, vector<16xi32>,
        tpu.vector_store %arg5[%swap3A_1972, %swap3A_1973], %add3A_1970 {strides = array<i32>} : memref<8x128xi32, #tpu.memory_space<vmem>>, vector<16xi32>,
        %get3A_1975 = arith.constant 0 : i32
        %get3A_1976 = arith.index_cast %get3A_1975 : i32 to index
        %get3A_1977 = arith.constant 96 : index
        %get3A_1978 = tpu.vector_load %arg5[%get3A_1976, %get3A_1977] {strides = array<i32>} : memref<8x128xi32, #tpu.memory_space<vmem>>, vector<16xi32>,
        %and3A_1979 = arith.constant -2048 : i32
        %and3A_1980 = vector.broadcast %and3A_1979 : i32 to vector<16xi32>
        %and3A_1981 = arith.andi %get3A_1978, %and3A_1980 : vector<16xi32>
        %and3A_1982 = arith.constant 1023 : i32
        %and3A_1983 = vector.broadcast %and3A_1982 : i32 to vector<16xi32>
        %and3A_1984 = arith.andi %get3A_1978, %and3A_1983 : vector<16xi32>
        %shift_left3A_1985 = arith.constant 1 : i32
        %shift_left3A_1986 = vector.broadcast %shift_left3A_1985 : i32 to vector<16xi32>
        %shift_left3A_1987 = arith.shli %and3A_1984, %shift_left3A_1986 : vector<16xi32>
        %add3A_1988 = arith.addi %and3A_1981, %shift_left3A_1987 : vector<16xi32>
        %shift_right_arithmetic3A_1989 = arith.constant 10 : i32
        %shift_right_arithmetic3A_1990 = vector.broadcast %shift_right_arithmetic3A_1989 : i32 to vector<16xi32>
        %shift_right_arithmetic3A_1991 = arith.shrsi %get3A_1978, %shift_right_arithmetic3A_1990 : vector<16xi32>
        %and3A_1992 = arith.constant 1 : i32
        %and3A_1993 = vector.broadcast %and3A_1992 : i32 to vector<16xi32>
        %and3A_1994 = arith.andi %shift_right_arithmetic3A_1991, %and3A_1993 : vector<16xi32>
        %add3A_1995 = arith.addi %add3A_1988, %and3A_1994 : vector<16xi32>
        %swap3A_1996 = arith.constant 0 : i32
        %swap3A_1997 = arith.index_cast %swap3A_1996 : i32 to index
        %swap3A_1998 = arith.constant 96 : index
        %swap3A_1999 = tpu.vector_load %arg5[%swap3A_1997, %swap3A_1998] {strides = array<i32>} : memref<8x128xi32, #tpu.memory_space<vmem>>, vector<16xi32>,
        tpu.vector_store %arg5[%swap3A_1997, %swap3A_1998], %add3A_1995 {strides = array<i32>} : memref<8x128xi32, #tpu.memory_space<vmem>>, vector<16xi32>,
        %get3A_2000 = arith.constant 0 : i32
        %get3A_2001 = arith.index_cast %get3A_2000 : i32 to index
        %get3A_2002 = arith.constant 112 : index
        %get3A_2003 = tpu.vector_load %arg5[%get3A_2001, %get3A_2002] {strides = array<i32>} : memref<8x128xi32, #tpu.memory_space<vmem>>, vector<16xi32>,
        %and3A_2004 = arith.constant -2048 : i32
        %and3A_2005 = vector.broadcast %and3A_2004 : i32 to vector<16xi32>
        %and3A_2006 = arith.andi %get3A_2003, %and3A_2005 : vector<16xi32>
        %and3A_2007 = arith.constant 1023 : i32
        %and3A_2008 = vector.broadcast %and3A_2007 : i32 to vector<16xi32>
        %and3A_2009 = arith.andi %get3A_2003, %and3A_2008 : vector<16xi32>
        %shift_left3A_2010 = arith.constant 1 : i32
        %shift_left3A_2011 = vector.broadcast %shift_left3A_2010 : i32 to vector<16xi32>
        %shift_left3A_2012 = arith.shli %and3A_2009, %shift_left3A_2011 : vector<16xi32>
        %add3A_2013 = arith.addi %and3A_2006, %shift_left3A_2012 : vector<16xi32>
        %shift_right_arithmetic3A_2014 = arith.constant 10 : i32
        %shift_right_arithmetic3A_2015 = vector.broadcast %shift_right_arithmetic3A_2014 : i32 to vector<16xi32>
        %shift_right_arithmetic3A_2016 = arith.shrsi %get3A_2003, %shift_right_arithmetic3A_2015 : vector<16xi32>
        %and3A_2017 = arith.constant 1 : i32
        %and3A_2018 = vector.broadcast %and3A_2017 : i32 to vector<16xi32>
        %and3A_2019 = arith.andi %shift_right_arithmetic3A_2016, %and3A_2018 : vector<16xi32>
        %add3A_2020 = arith.addi %add3A_2013, %and3A_2019 : vector<16xi32>
        %swap3A_2021 = arith.constant 0 : i32
        %swap3A_2022 = arith.index_cast %swap3A_2021 : i32 to index
        %swap3A_2023 = arith.constant 112 : index
        %swap3A_2024 = tpu.vector_load %arg5[%swap3A_2022, %swap3A_2023] {strides = array<i32>} : memref<8x128xi32, #tpu.memory_space<vmem>>, vector<16xi32>,
        tpu.vector_store %arg5[%swap3A_2022, %swap3A_2023], %add3A_2020 {strides = array<i32>} : memref<8x128xi32, #tpu.memory_space<vmem>>, vector<16xi32>,
        %ge3A = arith.constant 8 : i32
        %ge3A_2025 = arith.cmpi sge, %add3A_1658, %ge3A : i32
        %convert_element_type3A_2026 = arith.extui %ge3A_2025 : i1 to i32
        %cond3A_2027 = arith.constant 0 : i32
        %cond3A_2028 = arith.cmpi ne, %convert_element_type3A_2026, %cond3A_2027 : i32
        scf.if %cond3A_2028 {
          %dma_wait3A_2051 = arith.constant 0 : i32
          %dma_wait3A_2052 = arith.constant 0 : i32
          %dma_wait3A_2053 = arith.constant 0 : i32
          %dma_wait3A_2054 = arith.constant 0 : i32
          %dma_wait3A_2055 = tpu.memref_slice %arg6[%dma_wait3A_2051, %dma_wait3A_2053, %dma_wait3A_2054] : memref<8x128x64xf32, #tpu.memory_space<vmem>> -> memref<1x128x64xf32, #tpu.memory_space<vmem>>
          %dma_wait3A_2056 = tpu.memref_squeeze %dma_wait3A_2055 : memref<1x128x64xf32, #tpu.memory_space<vmem>> -> memref<128x64xf32, #tpu.memory_space<vmem>>
          %dma_wait3A_2057 = arith.constant 0 : i32
          %dma_wait3A_2058 = arith.constant 0 : i32
          %dma_wait3A_2059 = tpu.memref_slice %arg4[%dma_wait3A_2057, %dma_wait3A_2058] : memref<819200x64xf32, #tpu.memory_space<hbm>> -> memref<128x64xf32, #tpu.memory_space<hbm>>
          %dma_wait3A_2060 = tpu.memref_slice %arg9[%dma_wait3A_2052] : memref<8x!tpu.dma_semaphore, #tpu.memory_space<semaphore_mem>> -> memref<1x!tpu.dma_semaphore, #tpu.memory_space<semaphore_mem>>
          %dma_wait3A_2061 = tpu.memref_squeeze %dma_wait3A_2060 : memref<1x!tpu.dma_semaphore, #tpu.memory_space<semaphore_mem>> -> memref<!tpu.dma_semaphore, #tpu.memory_space<semaphore_mem>>
          %dma_wait3A_2062 = arith.constant 0 : i32
          %dma_wait3A_2063 = arith.constant 0 : i32
          %dma_wait3A_2064 = tpu.memref_slice %arg4[%dma_wait3A_2062, %dma_wait3A_2063] : memref<819200x64xf32, #tpu.memory_space<hbm>> -> memref<128x64xf32, #tpu.memory_space<hbm>>
          %dma_wait3A_2065 = arith.constant 0 : i32
          %dma_wait3A_2066 = arith.constant 0 : i32
          %dma_wait3A_2067 = tpu.memref_slice %arg6[%dma_wait3A_2051, %dma_wait3A_2065, %dma_wait3A_2066] : memref<8x128x64xf32, #tpu.memory_space<vmem>> -> memref<1x128x64xf32, #tpu.memory_space<vmem>>
          %dma_wait3A_2068 = tpu.memref_squeeze %dma_wait3A_2067 : memref<1x128x64xf32, #tpu.memory_space<vmem>> -> memref<128x64xf32, #tpu.memory_space<vmem>>
          tpu.wait_dma2 semaphore(%dma_wait3A_2061 : memref<!tpu.dma_semaphore, #tpu.memory_space<semaphore_mem>>) src(%dma_wait3A_2068 : memref<128x64xf32, #tpu.memory_space<vmem>>) dst(%dma_wait3A_2064 : memref<128x64xf32, #tpu.memory_space<hbm>>)
        } else {
        }
        %dma_start3A_2029 = arith.constant 0 : i32
        %dma_start3A_2030 = arith.constant 0 : i32
        %dma_start3A_2031 = arith.constant 0 : i32
        %dma_start3A_2032 = arith.constant 0 : i32
        %dma_start3A_2033 = arith.constant 0 : i32
        %dma_start3A_2034 = tpu.memref_slice %arg6[%dma_start3A_2030, %dma_start3A_2032, %dma_start3A_2033] : memref<8x128x64xf32, #tpu.memory_space<vmem>> -> memref<1x128x64xf32, #tpu.memory_space<vmem>>
        %dma_start3A_2035 = tpu.memref_squeeze %dma_start3A_2034 : memref<1x128x64xf32, #tpu.memory_space<vmem>> -> memref<128x64xf32, #tpu.memory_space<vmem>>
        %dma_start3A_2036 = arith.constant 0 : i32
        %dma_start3A_2037 = tpu.memref_slice %arg5[%dma_start3A_2029, %dma_start3A_2036] : memref<8x128xi32, #tpu.memory_space<vmem>> -> memref<1x128xi32, #tpu.memory_space<vmem>>
        %dma_start3A_2038 = tpu.memref_squeeze %dma_start3A_2037 : memref<1x128xi32, #tpu.memory_space<vmem>> -> memref<128xi32, #tpu.memory_space<vmem>>
        %dma_start3A_2039 = arith.constant 0 : i32
        %dma_start3A_2040 = arith.constant 0 : i32
        %dma_start3A_2041 = tpu.memref_slice %arg3[%dma_start3A_2039, %dma_start3A_2040] : memref<1001472x64xf32, #tpu.memory_space<hbm>> -> memref<1001472x64xf32, #tpu.memory_space<hbm>>
        %dma_start3A_2042 = tpu.memref_slice %arg8[%dma_start3A_2031] : memref<8x!tpu.dma_semaphore, #tpu.memory_space<semaphore_mem>> -> memref<1x!tpu.dma_semaphore, #tpu.memory_space<semaphore_mem>>
        %dma_start3A_2043 = tpu.memref_squeeze %dma_start3A_2042 : memref<1x!tpu.dma_semaphore, #tpu.memory_space<semaphore_mem>> -> memref<!tpu.dma_semaphore, #tpu.memory_space<semaphore_mem>>
        tpu.enqueue_indirect_dma source(%dma_start3A_2041 : memref<1001472x64xf32, #tpu.memory_space<hbm>>) target(%dma_start3A_2035 : memref<128x64xf32, #tpu.memory_space<vmem>>) offsets(%dma_start3A_2038 : memref<128xi32, #tpu.memory_space<vmem>>) semaphore(%dma_start3A_2043 : memref<!tpu.dma_semaphore, #tpu.memory_space<semaphore_mem>>)
        %add3A_2044 = arith.constant 4 : i32
        %add3A_2045 = arith.addi %add3A_1658, %add3A_2044 : i32
        %lt3A_2046 = arith.constant 200 : i32
        %lt3A_2047 = arith.cmpi slt, %add3A_2045, %lt3A_2046 : i32
        %convert_element_type3A_2048 = arith.extui %lt3A_2047 : i1 to i32
        %cond3A_2049 = arith.constant 0 : i32
        %cond3A_2050 = arith.cmpi ne, %convert_element_type3A_2048, %cond3A_2049 : i32
        scf.if %cond3A_2050 {
          %add3A_2051 = arith.addi %mul3A_2, %add3A_1658 : i32
          %add3A_2052 = arith.constant 4 : i32
          %add3A_2053 = arith.addi %add3A_2051, %add3A_2052 : i32
          %jit3A_2054 = arith.constant 32 : i32
          %div3A_2055 = arith.divsi %add3A_2053, %jit3A_2054 : i32
          %sign3A_2056 = arith.constant 0 : i32
          %sign3A_2057 = arith.cmpi sgt, %add3A_2053, %sign3A_2056 : i32
          %sign3A_2058 = arith.extui %sign3A_2057 : i1 to i32
          %sign3A_2059 = arith.constant 0 : i32
          %sign3A_2060 = arith.cmpi slt, %add3A_2053, %sign3A_2059 : i32
          %sign3A_2061 = arith.extui %sign3A_2060 : i1 to i32
          %sign3A_2062 = arith.subi %sign3A_2058, %sign3A_2061 : i32
          %sign3A_2063 = arith.constant 0 : i32
          %sign3A_2064 = arith.cmpi sgt, %jit3A_2054, %sign3A_2063 : i32
          %sign3A_2065 = arith.extui %sign3A_2064 : i1 to i32
          %sign3A_2066 = arith.constant 0 : i32
          %sign3A_2067 = arith.cmpi slt, %jit3A_2054, %sign3A_2066 : i32
          %sign3A_2068 = arith.extui %sign3A_2067 : i1 to i32
          %sign3A_2069 = arith.subi %sign3A_2065, %sign3A_2068 : i32
          %ne3A_2070 = arith.cmpi ne, %sign3A_2062, %sign3A_2069 : i32
          %rem3A_2071 = arith.remsi %add3A_2053, %jit3A_2054 : i32
          %ne3A_2072 = arith.constant 0 : i32
          %ne3A_2073 = arith.cmpi ne, %rem3A_2071, %ne3A_2072 : i32
          %and3A_2074 = arith.andi %ne3A_2070, %ne3A_2073 : i1
          %sub3A_2075 = arith.constant 1 : i32
          %sub3A_2076 = arith.subi %div3A_2055, %sub3A_2075 : i32
          %select_n3A_2077 = arith.select %and3A_2074, %sub3A_2076, %div3A_2055 : i32
          %mul3A_2078 = arith.constant 32 : i32
          %mul3A_2079 = arith.muli %select_n3A_2077, %mul3A_2078 : i32
          %sub3A_2080 = arith.subi %add3A_2053, %mul3A_2079 : i32
          %mul3A_2081 = arith.constant 128 : i32
          %mul3A_2082 = arith.muli %sub3A_2080, %mul3A_2081 : i32
          %dma_start3A_2083 = arith.constant 4 : i32
          %dma_start3A_2084 = arith.constant 4 : i32
          %dma_start3A_2085 = arith.constant 0 : i32
          %dma_start3A_2086 = tpu.memref_slice %arg5[%dma_start3A_2083, %dma_start3A_2085] : memref<8x128xi32, #tpu.memory_space<vmem>> -> memref<1x128xi32, #tpu.memory_space<vmem>>
          %dma_start3A_2087 = tpu.memref_squeeze %dma_start3A_2086 : memref<1x128xi32, #tpu.memory_space<vmem>> -> memref<128xi32, #tpu.memory_space<vmem>>
          %dma_start3A_2088 = tpu.memref_slice %arg2[%select_n3A_2077, %mul3A_2082] : memref<200x4096xi32, #tpu.memory_space<hbm>> -> memref<1x128xi32, #tpu.memory_space<hbm>>
          %dma_start3A_2089 = tpu.memref_squeeze %dma_start3A_2088 : memref<1x128xi32, #tpu.memory_space<hbm>> -> memref<128xi32, #tpu.memory_space<hbm>>
          %dma_start3A_2090 = tpu.memref_slice %arg7[%dma_start3A_2084] : memref<8x!tpu.dma_semaphore, #tpu.memory_space<semaphore_mem>> -> memref<1x!tpu.dma_semaphore, #tpu.memory_space<semaphore_mem>>
          %dma_start3A_2091 = tpu.memref_squeeze %dma_start3A_2090 : memref<1x!tpu.dma_semaphore, #tpu.memory_space<semaphore_mem>> -> memref<!tpu.dma_semaphore, #tpu.memory_space<semaphore_mem>>
          %dma_start3A_2092 = arith.constant 0 : i32
          %dma_start3A_2093 = tpu.memref_slice %arg5[%dma_start3A_2083, %dma_start3A_2092] : memref<8x128xi32, #tpu.memory_space<vmem>> -> memref<1x128xi32, #tpu.memory_space<vmem>>
          %dma_start3A_2094 = tpu.memref_squeeze %dma_start3A_2093 : memref<1x128xi32, #tpu.memory_space<vmem>> -> memref<128xi32, #tpu.memory_space<vmem>>
          %dma_start3A_2095 = tpu.memref_slice %arg2[%select_n3A_2077, %mul3A_2082] : memref<200x4096xi32, #tpu.memory_space<hbm>> -> memref<1x128xi32, #tpu.memory_space<hbm>>
          %dma_start3A_2096 = tpu.memref_squeeze %dma_start3A_2095 : memref<1x128xi32, #tpu.memory_space<hbm>> -> memref<128xi32, #tpu.memory_space<hbm>>
          tpu.enqueue_dma source(%dma_start3A_2096 : memref<128xi32, #tpu.memory_space<hbm>>) target(%dma_start3A_2094 : memref<128xi32, #tpu.memory_space<vmem>>) target_semaphore(%dma_start3A_2091 : memref<!tpu.dma_semaphore, #tpu.memory_space<semaphore_mem>>)
        } else {
        }
      } else {
      }
      %mul3A_1664 = arith.constant 8 : i32
      %mul3A_1665 = arith.muli %scan3A_1426, %mul3A_1664 : i32
      %add3A_1666 = arith.constant 5 : i32
      %add3A_1667 = arith.addi %mul3A_1665, %add3A_1666 : i32
      %dma_wait3A_1668 = arith.constant 5 : i32
      %dma_wait3A_1669 = arith.constant 5 : i32
      %dma_wait3A_1670 = arith.constant 0 : i32
      %dma_wait3A_1671 = arith.constant 0 : i32
      %dma_wait3A_1672 = tpu.memref_slice %arg6[%dma_wait3A_1668, %dma_wait3A_1670, %dma_wait3A_1671] : memref<8x128x64xf32, #tpu.memory_space<vmem>> -> memref<1x128x64xf32, #tpu.memory_space<vmem>>
      %dma_wait3A_1673 = tpu.memref_squeeze %dma_wait3A_1672 : memref<1x128x64xf32, #tpu.memory_space<vmem>> -> memref<128x64xf32, #tpu.memory_space<vmem>>
      %dma_wait3A_1674 = arith.constant 0 : i32
      %dma_wait3A_1675 = arith.constant 0 : i32
      %dma_wait3A_1676 = tpu.memref_slice %arg3[%dma_wait3A_1674, %dma_wait3A_1675] : memref<1001472x64xf32, #tpu.memory_space<hbm>> -> memref<128x64xf32, #tpu.memory_space<hbm>>
      %dma_wait3A_1677 = tpu.memref_slice %arg8[%dma_wait3A_1669] : memref<8x!tpu.dma_semaphore, #tpu.memory_space<semaphore_mem>> -> memref<1x!tpu.dma_semaphore, #tpu.memory_space<semaphore_mem>>
      %dma_wait3A_1678 = tpu.memref_squeeze %dma_wait3A_1677 : memref<1x!tpu.dma_semaphore, #tpu.memory_space<semaphore_mem>> -> memref<!tpu.dma_semaphore, #tpu.memory_space<semaphore_mem>>
      %dma_wait3A_1679 = arith.constant 0 : i32
      %dma_wait3A_1680 = arith.constant 0 : i32
      %dma_wait3A_1681 = tpu.memref_slice %arg6[%dma_wait3A_1668, %dma_wait3A_1679, %dma_wait3A_1680] : memref<8x128x64xf32, #tpu.memory_space<vmem>> -> memref<1x128x64xf32, #tpu.memory_space<vmem>>
      %dma_wait3A_1682 = tpu.memref_squeeze %dma_wait3A_1681 : memref<1x128x64xf32, #tpu.memory_space<vmem>> -> memref<128x64xf32, #tpu.memory_space<vmem>>
      %dma_wait3A_1683 = arith.constant 0 : i32
      %dma_wait3A_1684 = arith.constant 0 : i32
      %dma_wait3A_1685 = tpu.memref_slice %arg3[%dma_wait3A_1683, %dma_wait3A_1684] : memref<1001472x64xf32, #tpu.memory_space<hbm>> -> memref<128x64xf32, #tpu.memory_space<hbm>>
      tpu.wait_dma2 semaphore(%dma_wait3A_1678 : memref<!tpu.dma_semaphore, #tpu.memory_space<semaphore_mem>>) src(%dma_wait3A_1685 : memref<128x64xf32, #tpu.memory_space<hbm>>) dst(%dma_wait3A_1682 : memref<128x64xf32, #tpu.memory_space<vmem>>)
      %add3A_1686 = arith.addi %mul3A_2, %add3A_1667 : i32
      %mul3A_1687 = arith.constant 128 : i32
      %mul3A_1688 = arith.muli %add3A_1686, %mul3A_1687 : i32
      %dma_start3A_1689 = arith.constant 5 : i32
      %dma_start3A_1690 = arith.constant 5 : i32
      %dma_start3A_1691 = arith.constant 0 : i32
      %dma_start3A_1692 = arith.constant 0 : i32
      %dma_start3A_1693 = tpu.memref_slice %arg6[%dma_start3A_1689, %dma_start3A_1691, %dma_start3A_1692] : memref<8x128x64xf32, #tpu.memory_space<vmem>> -> memref<1x128x64xf32, #tpu.memory_space<vmem>>
      %dma_start3A_1694 = tpu.memref_squeeze %dma_start3A_1693 : memref<1x128x64xf32, #tpu.memory_space<vmem>> -> memref<128x64xf32, #tpu.memory_space<vmem>>
      %dma_start3A_1695 = arith.constant 0 : i32
      %dma_start3A_1696 = tpu.memref_slice %arg4[%mul3A_1688, %dma_start3A_1695] : memref<819200x64xf32, #tpu.memory_space<hbm>> -> memref<128x64xf32, #tpu.memory_space<hbm>>
      %dma_start3A_1697 = tpu.memref_slice %arg9[%dma_start3A_1690] : memref<8x!tpu.dma_semaphore, #tpu.memory_space<semaphore_mem>> -> memref<1x!tpu.dma_semaphore, #tpu.memory_space<semaphore_mem>>
      %dma_start3A_1698 = tpu.memref_squeeze %dma_start3A_1697 : memref<1x!tpu.dma_semaphore, #tpu.memory_space<semaphore_mem>> -> memref<!tpu.dma_semaphore, #tpu.memory_space<semaphore_mem>>
      %dma_start3A_1699 = arith.constant 0 : i32
      %dma_start3A_1700 = tpu.memref_slice %arg4[%mul3A_1688, %dma_start3A_1699] : memref<819200x64xf32, #tpu.memory_space<hbm>> -> memref<128x64xf32, #tpu.memory_space<hbm>>
      %dma_start3A_1701 = arith.constant 0 : i32
      %dma_start3A_1702 = arith.constant 0 : i32
      %dma_start3A_1703 = tpu.memref_slice %arg6[%dma_start3A_1689, %dma_start3A_1701, %dma_start3A_1702] : memref<8x128x64xf32, #tpu.memory_space<vmem>> -> memref<1x128x64xf32, #tpu.memory_space<vmem>>
      %dma_start3A_1704 = tpu.memref_squeeze %dma_start3A_1703 : memref<1x128x64xf32, #tpu.memory_space<vmem>> -> memref<128x64xf32, #tpu.memory_space<vmem>>
      tpu.enqueue_dma source(%dma_start3A_1704 : memref<128x64xf32, #tpu.memory_space<vmem>>) target(%dma_start3A_1700 : memref<128x64xf32, #tpu.memory_space<hbm>>) target_semaphore(%dma_start3A_1698 : memref<!tpu.dma_semaphore, #tpu.memory_space<semaphore_mem>>)
      %add3A_1705 = arith.constant 4 : i32
      %add3A_1706 = arith.addi %add3A_1667, %add3A_1705 : i32
      %lt3A_1707 = arith.constant 200 : i32
      %lt3A_1708 = arith.cmpi slt, %add3A_1706, %lt3A_1707 : i32
      %convert_element_type3A_1709 = arith.extui %lt3A_1708 : i1 to i32
      %cond3A_1710 = arith.constant 0 : i32
      %cond3A_1711 = arith.cmpi ne, %convert_element_type3A_1709, %cond3A_1710 : i32
      scf.if %cond3A_1711 {
        %dma_wait3A_1808 = arith.constant 0 : i32
        %dma_wait3A_1809 = arith.constant 1 : i32
        %dma_wait3A_1810 = arith.constant 1 : i32
        %dma_wait3A_1811 = arith.constant 0 : i32
        %dma_wait3A_1812 = tpu.memref_slice %arg5[%dma_wait3A_1809, %dma_wait3A_1811] : memref<8x128xi32, #tpu.memory_space<vmem>> -> memref<1x128xi32, #tpu.memory_space<vmem>>
        %dma_wait3A_1813 = tpu.memref_squeeze %dma_wait3A_1812 : memref<1x128xi32, #tpu.memory_space<vmem>> -> memref<128xi32, #tpu.memory_space<vmem>>
        %dma_wait3A_1814 = arith.constant 0 : i32
        %dma_wait3A_1815 = tpu.memref_slice %arg2[%dma_wait3A_1808, %dma_wait3A_1814] : memref<200x4096xi32, #tpu.memory_space<hbm>> -> memref<1x128xi32, #tpu.memory_space<hbm>>
        %dma_wait3A_1816 = tpu.memref_squeeze %dma_wait3A_1815 : memref<1x128xi32, #tpu.memory_space<hbm>> -> memref<128xi32, #tpu.memory_space<hbm>>
        %dma_wait3A_1817 = tpu.memref_slice %arg7[%dma_wait3A_1810] : memref<8x!tpu.dma_semaphore, #tpu.memory_space<semaphore_mem>> -> memref<1x!tpu.dma_semaphore, #tpu.memory_space<semaphore_mem>>
        %dma_wait3A_1818 = tpu.memref_squeeze %dma_wait3A_1817 : memref<1x!tpu.dma_semaphore, #tpu.memory_space<semaphore_mem>> -> memref<!tpu.dma_semaphore, #tpu.memory_space<semaphore_mem>>
        %dma_wait3A_1819 = arith.constant 0 : i32
        %dma_wait3A_1820 = tpu.memref_slice %arg5[%dma_wait3A_1809, %dma_wait3A_1819] : memref<8x128xi32, #tpu.memory_space<vmem>> -> memref<1x128xi32, #tpu.memory_space<vmem>>
        %dma_wait3A_1821 = tpu.memref_squeeze %dma_wait3A_1820 : memref<1x128xi32, #tpu.memory_space<vmem>> -> memref<128xi32, #tpu.memory_space<vmem>>
        %dma_wait3A_1822 = arith.constant 0 : i32
        %dma_wait3A_1823 = tpu.memref_slice %arg2[%dma_wait3A_1808, %dma_wait3A_1822] : memref<200x4096xi32, #tpu.memory_space<hbm>> -> memref<1x128xi32, #tpu.memory_space<hbm>>
        %dma_wait3A_1824 = tpu.memref_squeeze %dma_wait3A_1823 : memref<1x128xi32, #tpu.memory_space<hbm>> -> memref<128xi32, #tpu.memory_space<hbm>>
        tpu.wait_dma2 semaphore(%dma_wait3A_1818 : memref<!tpu.dma_semaphore, #tpu.memory_space<semaphore_mem>>) src(%dma_wait3A_1824 : memref<128xi32, #tpu.memory_space<hbm>>) dst(%dma_wait3A_1821 : memref<128xi32, #tpu.memory_space<vmem>>)
        %get3A_1825 = arith.constant 1 : i32
        %get3A_1826 = arith.index_cast %get3A_1825 : i32 to index
        %get3A_1827 = arith.constant 0 : index
        %get3A_1828 = tpu.vector_load %arg5[%get3A_1826, %get3A_1827] {strides = array<i32>} : memref<8x128xi32, #tpu.memory_space<vmem>>, vector<16xi32>,
        %and3A_1829 = arith.constant -2048 : i32
        %and3A_1830 = vector.broadcast %and3A_1829 : i32 to vector<16xi32>
        %and3A_1831 = arith.andi %get3A_1828, %and3A_1830 : vector<16xi32>
        %and3A_1832 = arith.constant 1023 : i32
        %and3A_1833 = vector.broadcast %and3A_1832 : i32 to vector<16xi32>
        %and3A_1834 = arith.andi %get3A_1828, %and3A_1833 : vector<16xi32>
        %shift_left3A_1835 = arith.constant 1 : i32
        %shift_left3A_1836 = vector.broadcast %shift_left3A_1835 : i32 to vector<16xi32>
        %shift_left3A_1837 = arith.shli %and3A_1834, %shift_left3A_1836 : vector<16xi32>
        %add3A_1838 = arith.addi %and3A_1831, %shift_left3A_1837 : vector<16xi32>
        %shift_right_arithmetic3A_1839 = arith.constant 10 : i32
        %shift_right_arithmetic3A_1840 = vector.broadcast %shift_right_arithmetic3A_1839 : i32 to vector<16xi32>
        %shift_right_arithmetic3A_1841 = arith.shrsi %get3A_1828, %shift_right_arithmetic3A_1840 : vector<16xi32>
        %and3A_1842 = arith.constant 1 : i32
        %and3A_1843 = vector.broadcast %and3A_1842 : i32 to vector<16xi32>
        %and3A_1844 = arith.andi %shift_right_arithmetic3A_1841, %and3A_1843 : vector<16xi32>
        %add3A_1845 = arith.addi %add3A_1838, %and3A_1844 : vector<16xi32>
        %swap3A_1846 = arith.constant 1 : i32
        %swap3A_1847 = arith.index_cast %swap3A_1846 : i32 to index
        %swap3A_1848 = arith.constant 0 : index
        %swap3A_1849 = tpu.vector_load %arg5[%swap3A_1847, %swap3A_1848] {strides = array<i32>} : memref<8x128xi32, #tpu.memory_space<vmem>>, vector<16xi32>,
        tpu.vector_store %arg5[%swap3A_1847, %swap3A_1848], %add3A_1845 {strides = array<i32>} : memref<8x128xi32, #tpu.memory_space<vmem>>, vector<16xi32>,
        %get3A_1850 = arith.constant 1 : i32
        %get3A_1851 = arith.index_cast %get3A_1850 : i32 to index
        %get3A_1852 = arith.constant 16 : index
        %get3A_1853 = tpu.vector_load %arg5[%get3A_1851, %get3A_1852] {strides = array<i32>} : memref<8x128xi32, #tpu.memory_space<vmem>>, vector<16xi32>,
        %and3A_1854 = arith.constant -2048 : i32
        %and3A_1855 = vector.broadcast %and3A_1854 : i32 to vector<16xi32>
        %and3A_1856 = arith.andi %get3A_1853, %and3A_1855 : vector<16xi32>
        %and3A_1857 = arith.constant 1023 : i32
        %and3A_1858 = vector.broadcast %and3A_1857 : i32 to vector<16xi32>
        %and3A_1859 = arith.andi %get3A_1853, %and3A_1858 : vector<16xi32>
        %shift_left3A_1860 = arith.constant 1 : i32
        %shift_left3A_1861 = vector.broadcast %shift_left3A_1860 : i32 to vector<16xi32>
        %shift_left3A_1862 = arith.shli %and3A_1859, %shift_left3A_1861 : vector<16xi32>
        %add3A_1863 = arith.addi %and3A_1856, %shift_left3A_1862 : vector<16xi32>
        %shift_right_arithmetic3A_1864 = arith.constant 10 : i32
        %shift_right_arithmetic3A_1865 = vector.broadcast %shift_right_arithmetic3A_1864 : i32 to vector<16xi32>
        %shift_right_arithmetic3A_1866 = arith.shrsi %get3A_1853, %shift_right_arithmetic3A_1865 : vector<16xi32>
        %and3A_1867 = arith.constant 1 : i32
        %and3A_1868 = vector.broadcast %and3A_1867 : i32 to vector<16xi32>
        %and3A_1869 = arith.andi %shift_right_arithmetic3A_1866, %and3A_1868 : vector<16xi32>
        %add3A_1870 = arith.addi %add3A_1863, %and3A_1869 : vector<16xi32>
        %swap3A_1871 = arith.constant 1 : i32
        %swap3A_1872 = arith.index_cast %swap3A_1871 : i32 to index
        %swap3A_1873 = arith.constant 16 : index
        %swap3A_1874 = tpu.vector_load %arg5[%swap3A_1872, %swap3A_1873] {strides = array<i32>} : memref<8x128xi32, #tpu.memory_space<vmem>>, vector<16xi32>,
        tpu.vector_store %arg5[%swap3A_1872, %swap3A_1873], %add3A_1870 {strides = array<i32>} : memref<8x128xi32, #tpu.memory_space<vmem>>, vector<16xi32>,
        %get3A_1875 = arith.constant 1 : i32
        %get3A_1876 = arith.index_cast %get3A_1875 : i32 to index
        %get3A_1877 = arith.constant 32 : index
        %get3A_1878 = tpu.vector_load %arg5[%get3A_1876, %get3A_1877] {strides = array<i32>} : memref<8x128xi32, #tpu.memory_space<vmem>>, vector<16xi32>,
        %and3A_1879 = arith.constant -2048 : i32
        %and3A_1880 = vector.broadcast %and3A_1879 : i32 to vector<16xi32>
        %and3A_1881 = arith.andi %get3A_1878, %and3A_1880 : vector<16xi32>
        %and3A_1882 = arith.constant 1023 : i32
        %and3A_1883 = vector.broadcast %and3A_1882 : i32 to vector<16xi32>
        %and3A_1884 = arith.andi %get3A_1878, %and3A_1883 : vector<16xi32>
        %shift_left3A_1885 = arith.constant 1 : i32
        %shift_left3A_1886 = vector.broadcast %shift_left3A_1885 : i32 to vector<16xi32>
        %shift_left3A_1887 = arith.shli %and3A_1884, %shift_left3A_1886 : vector<16xi32>
        %add3A_1888 = arith.addi %and3A_1881, %shift_left3A_1887 : vector<16xi32>
        %shift_right_arithmetic3A_1889 = arith.constant 10 : i32
        %shift_right_arithmetic3A_1890 = vector.broadcast %shift_right_arithmetic3A_1889 : i32 to vector<16xi32>
        %shift_right_arithmetic3A_1891 = arith.shrsi %get3A_1878, %shift_right_arithmetic3A_1890 : vector<16xi32>
        %and3A_1892 = arith.constant 1 : i32
        %and3A_1893 = vector.broadcast %and3A_1892 : i32 to vector<16xi32>
        %and3A_1894 = arith.andi %shift_right_arithmetic3A_1891, %and3A_1893 : vector<16xi32>
        %add3A_1895 = arith.addi %add3A_1888, %and3A_1894 : vector<16xi32>
        %swap3A_1896 = arith.constant 1 : i32
        %swap3A_1897 = arith.index_cast %swap3A_1896 : i32 to index
        %swap3A_1898 = arith.constant 32 : index
        %swap3A_1899 = tpu.vector_load %arg5[%swap3A_1897, %swap3A_1898] {strides = array<i32>} : memref<8x128xi32, #tpu.memory_space<vmem>>, vector<16xi32>,
        tpu.vector_store %arg5[%swap3A_1897, %swap3A_1898], %add3A_1895 {strides = array<i32>} : memref<8x128xi32, #tpu.memory_space<vmem>>, vector<16xi32>,
        %get3A_1900 = arith.constant 1 : i32
        %get3A_1901 = arith.index_cast %get3A_1900 : i32 to index
        %get3A_1902 = arith.constant 48 : index
        %get3A_1903 = tpu.vector_load %arg5[%get3A_1901, %get3A_1902] {strides = array<i32>} : memref<8x128xi32, #tpu.memory_space<vmem>>, vector<16xi32>,
        %and3A_1904 = arith.constant -2048 : i32
        %and3A_1905 = vector.broadcast %and3A_1904 : i32 to vector<16xi32>
        %and3A_1906 = arith.andi %get3A_1903, %and3A_1905 : vector<16xi32>
        %and3A_1907 = arith.constant 1023 : i32
        %and3A_1908 = vector.broadcast %and3A_1907 : i32 to vector<16xi32>
        %and3A_1909 = arith.andi %get3A_1903, %and3A_1908 : vector<16xi32>
        %shift_left3A_1910 = arith.constant 1 : i32
        %shift_left3A_1911 = vector.broadcast %shift_left3A_1910 : i32 to vector<16xi32>
        %shift_left3A_1912 = arith.shli %and3A_1909, %shift_left3A_1911 : vector<16xi32>
        %add3A_1913 = arith.addi %and3A_1906, %shift_left3A_1912 : vector<16xi32>
        %shift_right_arithmetic3A_1914 = arith.constant 10 : i32
        %shift_right_arithmetic3A_1915 = vector.broadcast %shift_right_arithmetic3A_1914 : i32 to vector<16xi32>
        %shift_right_arithmetic3A_1916 = arith.shrsi %get3A_1903, %shift_right_arithmetic3A_1915 : vector<16xi32>
        %and3A_1917 = arith.constant 1 : i32
        %and3A_1918 = vector.broadcast %and3A_1917 : i32 to vector<16xi32>
        %and3A_1919 = arith.andi %shift_right_arithmetic3A_1916, %and3A_1918 : vector<16xi32>
        %add3A_1920 = arith.addi %add3A_1913, %and3A_1919 : vector<16xi32>
        %swap3A_1921 = arith.constant 1 : i32
        %swap3A_1922 = arith.index_cast %swap3A_1921 : i32 to index
        %swap3A_1923 = arith.constant 48 : index
        %swap3A_1924 = tpu.vector_load %arg5[%swap3A_1922, %swap3A_1923] {strides = array<i32>} : memref<8x128xi32, #tpu.memory_space<vmem>>, vector<16xi32>,
        tpu.vector_store %arg5[%swap3A_1922, %swap3A_1923], %add3A_1920 {strides = array<i32>} : memref<8x128xi32, #tpu.memory_space<vmem>>, vector<16xi32>,
        %get3A_1925 = arith.constant 1 : i32
        %get3A_1926 = arith.index_cast %get3A_1925 : i32 to index
        %get3A_1927 = arith.constant 64 : index
        %get3A_1928 = tpu.vector_load %arg5[%get3A_1926, %get3A_1927] {strides = array<i32>} : memref<8x128xi32, #tpu.memory_space<vmem>>, vector<16xi32>,
        %and3A_1929 = arith.constant -2048 : i32
        %and3A_1930 = vector.broadcast %and3A_1929 : i32 to vector<16xi32>
        %and3A_1931 = arith.andi %get3A_1928, %and3A_1930 : vector<16xi32>
        %and3A_1932 = arith.constant 1023 : i32
        %and3A_1933 = vector.broadcast %and3A_1932 : i32 to vector<16xi32>
        %and3A_1934 = arith.andi %get3A_1928, %and3A_1933 : vector<16xi32>
        %shift_left3A_1935 = arith.constant 1 : i32
        %shift_left3A_1936 = vector.broadcast %shift_left3A_1935 : i32 to vector<16xi32>
        %shift_left3A_1937 = arith.shli %and3A_1934, %shift_left3A_1936 : vector<16xi32>
        %add3A_1938 = arith.addi %and3A_1931, %shift_left3A_1937 : vector<16xi32>
        %shift_right_arithmetic3A_1939 = arith.constant 10 : i32
        %shift_right_arithmetic3A_1940 = vector.broadcast %shift_right_arithmetic3A_1939 : i32 to vector<16xi32>
        %shift_right_arithmetic3A_1941 = arith.shrsi %get3A_1928, %shift_right_arithmetic3A_1940 : vector<16xi32>
        %and3A_1942 = arith.constant 1 : i32
        %and3A_1943 = vector.broadcast %and3A_1942 : i32 to vector<16xi32>
        %and3A_1944 = arith.andi %shift_right_arithmetic3A_1941, %and3A_1943 : vector<16xi32>
        %add3A_1945 = arith.addi %add3A_1938, %and3A_1944 : vector<16xi32>
        %swap3A_1946 = arith.constant 1 : i32
        %swap3A_1947 = arith.index_cast %swap3A_1946 : i32 to index
        %swap3A_1948 = arith.constant 64 : index
        %swap3A_1949 = tpu.vector_load %arg5[%swap3A_1947, %swap3A_1948] {strides = array<i32>} : memref<8x128xi32, #tpu.memory_space<vmem>>, vector<16xi32>,
        tpu.vector_store %arg5[%swap3A_1947, %swap3A_1948], %add3A_1945 {strides = array<i32>} : memref<8x128xi32, #tpu.memory_space<vmem>>, vector<16xi32>,
        %get3A_1950 = arith.constant 1 : i32
        %get3A_1951 = arith.index_cast %get3A_1950 : i32 to index
        %get3A_1952 = arith.constant 80 : index
        %get3A_1953 = tpu.vector_load %arg5[%get3A_1951, %get3A_1952] {strides = array<i32>} : memref<8x128xi32, #tpu.memory_space<vmem>>, vector<16xi32>,
        %and3A_1954 = arith.constant -2048 : i32
        %and3A_1955 = vector.broadcast %and3A_1954 : i32 to vector<16xi32>
        %and3A_1956 = arith.andi %get3A_1953, %and3A_1955 : vector<16xi32>
        %and3A_1957 = arith.constant 1023 : i32
        %and3A_1958 = vector.broadcast %and3A_1957 : i32 to vector<16xi32>
        %and3A_1959 = arith.andi %get3A_1953, %and3A_1958 : vector<16xi32>
        %shift_left3A_1960 = arith.constant 1 : i32
        %shift_left3A_1961 = vector.broadcast %shift_left3A_1960 : i32 to vector<16xi32>
        %shift_left3A_1962 = arith.shli %and3A_1959, %shift_left3A_1961 : vector<16xi32>
        %add3A_1963 = arith.addi %and3A_1956, %shift_left3A_1962 : vector<16xi32>
        %shift_right_arithmetic3A_1964 = arith.constant 10 : i32
        %shift_right_arithmetic3A_1965 = vector.broadcast %shift_right_arithmetic3A_1964 : i32 to vector<16xi32>
        %shift_right_arithmetic3A_1966 = arith.shrsi %get3A_1953, %shift_right_arithmetic3A_1965 : vector<16xi32>
        %and3A_1967 = arith.constant 1 : i32
        %and3A_1968 = vector.broadcast %and3A_1967 : i32 to vector<16xi32>
        %and3A_1969 = arith.andi %shift_right_arithmetic3A_1966, %and3A_1968 : vector<16xi32>
        %add3A_1970 = arith.addi %add3A_1963, %and3A_1969 : vector<16xi32>
        %swap3A_1971 = arith.constant 1 : i32
        %swap3A_1972 = arith.index_cast %swap3A_1971 : i32 to index
        %swap3A_1973 = arith.constant 80 : index
        %swap3A_1974 = tpu.vector_load %arg5[%swap3A_1972, %swap3A_1973] {strides = array<i32>} : memref<8x128xi32, #tpu.memory_space<vmem>>, vector<16xi32>,
        tpu.vector_store %arg5[%swap3A_1972, %swap3A_1973], %add3A_1970 {strides = array<i32>} : memref<8x128xi32, #tpu.memory_space<vmem>>, vector<16xi32>,
        %get3A_1975 = arith.constant 1 : i32
        %get3A_1976 = arith.index_cast %get3A_1975 : i32 to index
        %get3A_1977 = arith.constant 96 : index
        %get3A_1978 = tpu.vector_load %arg5[%get3A_1976, %get3A_1977] {strides = array<i32>} : memref<8x128xi32, #tpu.memory_space<vmem>>, vector<16xi32>,
        %and3A_1979 = arith.constant -2048 : i32
        %and3A_1980 = vector.broadcast %and3A_1979 : i32 to vector<16xi32>
        %and3A_1981 = arith.andi %get3A_1978, %and3A_1980 : vector<16xi32>
        %and3A_1982 = arith.constant 1023 : i32
        %and3A_1983 = vector.broadcast %and3A_1982 : i32 to vector<16xi32>
        %and3A_1984 = arith.andi %get3A_1978, %and3A_1983 : vector<16xi32>
        %shift_left3A_1985 = arith.constant 1 : i32
        %shift_left3A_1986 = vector.broadcast %shift_left3A_1985 : i32 to vector<16xi32>
        %shift_left3A_1987 = arith.shli %and3A_1984, %shift_left3A_1986 : vector<16xi32>
        %add3A_1988 = arith.addi %and3A_1981, %shift_left3A_1987 : vector<16xi32>
        %shift_right_arithmetic3A_1989 = arith.constant 10 : i32
        %shift_right_arithmetic3A_1990 = vector.broadcast %shift_right_arithmetic3A_1989 : i32 to vector<16xi32>
        %shift_right_arithmetic3A_1991 = arith.shrsi %get3A_1978, %shift_right_arithmetic3A_1990 : vector<16xi32>
        %and3A_1992 = arith.constant 1 : i32
        %and3A_1993 = vector.broadcast %and3A_1992 : i32 to vector<16xi32>
        %and3A_1994 = arith.andi %shift_right_arithmetic3A_1991, %and3A_1993 : vector<16xi32>
        %add3A_1995 = arith.addi %add3A_1988, %and3A_1994 : vector<16xi32>
        %swap3A_1996 = arith.constant 1 : i32
        %swap3A_1997 = arith.index_cast %swap3A_1996 : i32 to index
        %swap3A_1998 = arith.constant 96 : index
        %swap3A_1999 = tpu.vector_load %arg5[%swap3A_1997, %swap3A_1998] {strides = array<i32>} : memref<8x128xi32, #tpu.memory_space<vmem>>, vector<16xi32>,
        tpu.vector_store %arg5[%swap3A_1997, %swap3A_1998], %add3A_1995 {strides = array<i32>} : memref<8x128xi32, #tpu.memory_space<vmem>>, vector<16xi32>,
        %get3A_2000 = arith.constant 1 : i32
        %get3A_2001 = arith.index_cast %get3A_2000 : i32 to index
        %get3A_2002 = arith.constant 112 : index
        %get3A_2003 = tpu.vector_load %arg5[%get3A_2001, %get3A_2002] {strides = array<i32>} : memref<8x128xi32, #tpu.memory_space<vmem>>, vector<16xi32>,
        %and3A_2004 = arith.constant -2048 : i32
        %and3A_2005 = vector.broadcast %and3A_2004 : i32 to vector<16xi32>
        %and3A_2006 = arith.andi %get3A_2003, %and3A_2005 : vector<16xi32>
        %and3A_2007 = arith.constant 1023 : i32
        %and3A_2008 = vector.broadcast %and3A_2007 : i32 to vector<16xi32>
        %and3A_2009 = arith.andi %get3A_2003, %and3A_2008 : vector<16xi32>
        %shift_left3A_2010 = arith.constant 1 : i32
        %shift_left3A_2011 = vector.broadcast %shift_left3A_2010 : i32 to vector<16xi32>
        %shift_left3A_2012 = arith.shli %and3A_2009, %shift_left3A_2011 : vector<16xi32>
        %add3A_2013 = arith.addi %and3A_2006, %shift_left3A_2012 : vector<16xi32>
        %shift_right_arithmetic3A_2014 = arith.constant 10 : i32
        %shift_right_arithmetic3A_2015 = vector.broadcast %shift_right_arithmetic3A_2014 : i32 to vector<16xi32>
        %shift_right_arithmetic3A_2016 = arith.shrsi %get3A_2003, %shift_right_arithmetic3A_2015 : vector<16xi32>
        %and3A_2017 = arith.constant 1 : i32
        %and3A_2018 = vector.broadcast %and3A_2017 : i32 to vector<16xi32>
        %and3A_2019 = arith.andi %shift_right_arithmetic3A_2016, %and3A_2018 : vector<16xi32>
        %add3A_2020 = arith.addi %add3A_2013, %and3A_2019 : vector<16xi32>
        %swap3A_2021 = arith.constant 1 : i32
        %swap3A_2022 = arith.index_cast %swap3A_2021 : i32 to index
        %swap3A_2023 = arith.constant 112 : index
        %swap3A_2024 = tpu.vector_load %arg5[%swap3A_2022, %swap3A_2023] {strides = array<i32>} : memref<8x128xi32, #tpu.memory_space<vmem>>, vector<16xi32>,
        tpu.vector_store %arg5[%swap3A_2022, %swap3A_2023], %add3A_2020 {strides = array<i32>} : memref<8x128xi32, #tpu.memory_space<vmem>>, vector<16xi32>,
        %ge3A = arith.constant 8 : i32
        %ge3A_2025 = arith.cmpi sge, %add3A_1706, %ge3A : i32
        %convert_element_type3A_2026 = arith.extui %ge3A_2025 : i1 to i32
        %cond3A_2027 = arith.constant 0 : i32
        %cond3A_2028 = arith.cmpi ne, %convert_element_type3A_2026, %cond3A_2027 : i32
        scf.if %cond3A_2028 {
          %dma_wait3A_2051 = arith.constant 1 : i32
          %dma_wait3A_2052 = arith.constant 1 : i32
          %dma_wait3A_2053 = arith.constant 0 : i32
          %dma_wait3A_2054 = arith.constant 0 : i32
          %dma_wait3A_2055 = tpu.memref_slice %arg6[%dma_wait3A_2051, %dma_wait3A_2053, %dma_wait3A_2054] : memref<8x128x64xf32, #tpu.memory_space<vmem>> -> memref<1x128x64xf32, #tpu.memory_space<vmem>>
          %dma_wait3A_2056 = tpu.memref_squeeze %dma_wait3A_2055 : memref<1x128x64xf32, #tpu.memory_space<vmem>> -> memref<128x64xf32, #tpu.memory_space<vmem>>
          %dma_wait3A_2057 = arith.constant 0 : i32
          %dma_wait3A_2058 = arith.constant 0 : i32
          %dma_wait3A_2059 = tpu.memref_slice %arg4[%dma_wait3A_2057, %dma_wait3A_2058] : memref<819200x64xf32, #tpu.memory_space<hbm>> -> memref<128x64xf32, #tpu.memory_space<hbm>>
          %dma_wait3A_2060 = tpu.memref_slice %arg9[%dma_wait3A_2052] : memref<8x!tpu.dma_semaphore, #tpu.memory_space<semaphore_mem>> -> memref<1x!tpu.dma_semaphore, #tpu.memory_space<semaphore_mem>>
          %dma_wait3A_2061 = tpu.memref_squeeze %dma_wait3A_2060 : memref<1x!tpu.dma_semaphore, #tpu.memory_space<semaphore_mem>> -> memref<!tpu.dma_semaphore, #tpu.memory_space<semaphore_mem>>
          %dma_wait3A_2062 = arith.constant 0 : i32
          %dma_wait3A_2063 = arith.constant 0 : i32
          %dma_wait3A_2064 = tpu.memref_slice %arg4[%dma_wait3A_2062, %dma_wait3A_2063] : memref<819200x64xf32, #tpu.memory_space<hbm>> -> memref<128x64xf32, #tpu.memory_space<hbm>>
          %dma_wait3A_2065 = arith.constant 0 : i32
          %dma_wait3A_2066 = arith.constant 0 : i32
          %dma_wait3A_2067 = tpu.memref_slice %arg6[%dma_wait3A_2051, %dma_wait3A_2065, %dma_wait3A_2066] : memref<8x128x64xf32, #tpu.memory_space<vmem>> -> memref<1x128x64xf32, #tpu.memory_space<vmem>>
          %dma_wait3A_2068 = tpu.memref_squeeze %dma_wait3A_2067 : memref<1x128x64xf32, #tpu.memory_space<vmem>> -> memref<128x64xf32, #tpu.memory_space<vmem>>
          tpu.wait_dma2 semaphore(%dma_wait3A_2061 : memref<!tpu.dma_semaphore, #tpu.memory_space<semaphore_mem>>) src(%dma_wait3A_2068 : memref<128x64xf32, #tpu.memory_space<vmem>>) dst(%dma_wait3A_2064 : memref<128x64xf32, #tpu.memory_space<hbm>>)
        } else {
        }
        %dma_start3A_2029 = arith.constant 1 : i32
        %dma_start3A_2030 = arith.constant 1 : i32
        %dma_start3A_2031 = arith.constant 1 : i32
        %dma_start3A_2032 = arith.constant 0 : i32
        %dma_start3A_2033 = arith.constant 0 : i32
        %dma_start3A_2034 = tpu.memref_slice %arg6[%dma_start3A_2030, %dma_start3A_2032, %dma_start3A_2033] : memref<8x128x64xf32, #tpu.memory_space<vmem>> -> memref<1x128x64xf32, #tpu.memory_space<vmem>>
        %dma_start3A_2035 = tpu.memref_squeeze %dma_start3A_2034 : memref<1x128x64xf32, #tpu.memory_space<vmem>> -> memref<128x64xf32, #tpu.memory_space<vmem>>
        %dma_start3A_2036 = arith.constant 0 : i32
        %dma_start3A_2037 = tpu.memref_slice %arg5[%dma_start3A_2029, %dma_start3A_2036] : memref<8x128xi32, #tpu.memory_space<vmem>> -> memref<1x128xi32, #tpu.memory_space<vmem>>
        %dma_start3A_2038 = tpu.memref_squeeze %dma_start3A_2037 : memref<1x128xi32, #tpu.memory_space<vmem>> -> memref<128xi32, #tpu.memory_space<vmem>>
        %dma_start3A_2039 = arith.constant 0 : i32
        %dma_start3A_2040 = arith.constant 0 : i32
        %dma_start3A_2041 = tpu.memref_slice %arg3[%dma_start3A_2039, %dma_start3A_2040] : memref<1001472x64xf32, #tpu.memory_space<hbm>> -> memref<1001472x64xf32, #tpu.memory_space<hbm>>
        %dma_start3A_2042 = tpu.memref_slice %arg8[%dma_start3A_2031] : memref<8x!tpu.dma_semaphore, #tpu.memory_space<semaphore_mem>> -> memref<1x!tpu.dma_semaphore, #tpu.memory_space<semaphore_mem>>
        %dma_start3A_2043 = tpu.memref_squeeze %dma_start3A_2042 : memref<1x!tpu.dma_semaphore, #tpu.memory_space<semaphore_mem>> -> memref<!tpu.dma_semaphore, #tpu.memory_space<semaphore_mem>>
        tpu.enqueue_indirect_dma source(%dma_start3A_2041 : memref<1001472x64xf32, #tpu.memory_space<hbm>>) target(%dma_start3A_2035 : memref<128x64xf32, #tpu.memory_space<vmem>>) offsets(%dma_start3A_2038 : memref<128xi32, #tpu.memory_space<vmem>>) semaphore(%dma_start3A_2043 : memref<!tpu.dma_semaphore, #tpu.memory_space<semaphore_mem>>)
        %add3A_2044 = arith.constant 4 : i32
        %add3A_2045 = arith.addi %add3A_1706, %add3A_2044 : i32
        %lt3A_2046 = arith.constant 200 : i32
        %lt3A_2047 = arith.cmpi slt, %add3A_2045, %lt3A_2046 : i32
        %convert_element_type3A_2048 = arith.extui %lt3A_2047 : i1 to i32
        %cond3A_2049 = arith.constant 0 : i32
        %cond3A_2050 = arith.cmpi ne, %convert_element_type3A_2048, %cond3A_2049 : i32
        scf.if %cond3A_2050 {
          %add3A_2051 = arith.addi %mul3A_2, %add3A_1706 : i32
          %add3A_2052 = arith.constant 4 : i32
          %add3A_2053 = arith.addi %add3A_2051, %add3A_2052 : i32
          %jit3A_2054 = arith.constant 32 : i32
          %div3A_2055 = arith.divsi %add3A_2053, %jit3A_2054 : i32
          %sign3A_2056 = arith.constant 0 : i32
          %sign3A_2057 = arith.cmpi sgt, %add3A_2053, %sign3A_2056 : i32
          %sign3A_2058 = arith.extui %sign3A_2057 : i1 to i32
          %sign3A_2059 = arith.constant 0 : i32
          %sign3A_2060 = arith.cmpi slt, %add3A_2053, %sign3A_2059 : i32
          %sign3A_2061 = arith.extui %sign3A_2060 : i1 to i32
          %sign3A_2062 = arith.subi %sign3A_2058, %sign3A_2061 : i32
          %sign3A_2063 = arith.constant 0 : i32
          %sign3A_2064 = arith.cmpi sgt, %jit3A_2054, %sign3A_2063 : i32
          %sign3A_2065 = arith.extui %sign3A_2064 : i1 to i32
          %sign3A_2066 = arith.constant 0 : i32
          %sign3A_2067 = arith.cmpi slt, %jit3A_2054, %sign3A_2066 : i32
          %sign3A_2068 = arith.extui %sign3A_2067 : i1 to i32
          %sign3A_2069 = arith.subi %sign3A_2065, %sign3A_2068 : i32
          %ne3A_2070 = arith.cmpi ne, %sign3A_2062, %sign3A_2069 : i32
          %rem3A_2071 = arith.remsi %add3A_2053, %jit3A_2054 : i32
          %ne3A_2072 = arith.constant 0 : i32
          %ne3A_2073 = arith.cmpi ne, %rem3A_2071, %ne3A_2072 : i32
          %and3A_2074 = arith.andi %ne3A_2070, %ne3A_2073 : i1
          %sub3A_2075 = arith.constant 1 : i32
          %sub3A_2076 = arith.subi %div3A_2055, %sub3A_2075 : i32
          %select_n3A_2077 = arith.select %and3A_2074, %sub3A_2076, %div3A_2055 : i32
          %mul3A_2078 = arith.constant 32 : i32
          %mul3A_2079 = arith.muli %select_n3A_2077, %mul3A_2078 : i32
          %sub3A_2080 = arith.subi %add3A_2053, %mul3A_2079 : i32
          %mul3A_2081 = arith.constant 128 : i32
          %mul3A_2082 = arith.muli %sub3A_2080, %mul3A_2081 : i32
          %dma_start3A_2083 = arith.constant 5 : i32
          %dma_start3A_2084 = arith.constant 5 : i32
          %dma_start3A_2085 = arith.constant 0 : i32
          %dma_start3A_2086 = tpu.memref_slice %arg5[%dma_start3A_2083, %dma_start3A_2085] : memref<8x128xi32, #tpu.memory_space<vmem>> -> memref<1x128xi32, #tpu.memory_space<vmem>>
          %dma_start3A_2087 = tpu.memref_squeeze %dma_start3A_2086 : memref<1x128xi32, #tpu.memory_space<vmem>> -> memref<128xi32, #tpu.memory_space<vmem>>
          %dma_start3A_2088 = tpu.memref_slice %arg2[%select_n3A_2077, %mul3A_2082] : memref<200x4096xi32, #tpu.memory_space<hbm>> -> memref<1x128xi32, #tpu.memory_space<hbm>>
          %dma_start3A_2089 = tpu.memref_squeeze %dma_start3A_2088 : memref<1x128xi32, #tpu.memory_space<hbm>> -> memref<128xi32, #tpu.memory_space<hbm>>
          %dma_start3A_2090 = tpu.memref_slice %arg7[%dma_start3A_2084] : memref<8x!tpu.dma_semaphore, #tpu.memory_space<semaphore_mem>> -> memref<1x!tpu.dma_semaphore, #tpu.memory_space<semaphore_mem>>
          %dma_start3A_2091 = tpu.memref_squeeze %dma_start3A_2090 : memref<1x!tpu.dma_semaphore, #tpu.memory_space<semaphore_mem>> -> memref<!tpu.dma_semaphore, #tpu.memory_space<semaphore_mem>>
          %dma_start3A_2092 = arith.constant 0 : i32
          %dma_start3A_2093 = tpu.memref_slice %arg5[%dma_start3A_2083, %dma_start3A_2092] : memref<8x128xi32, #tpu.memory_space<vmem>> -> memref<1x128xi32, #tpu.memory_space<vmem>>
          %dma_start3A_2094 = tpu.memref_squeeze %dma_start3A_2093 : memref<1x128xi32, #tpu.memory_space<vmem>> -> memref<128xi32, #tpu.memory_space<vmem>>
          %dma_start3A_2095 = tpu.memref_slice %arg2[%select_n3A_2077, %mul3A_2082] : memref<200x4096xi32, #tpu.memory_space<hbm>> -> memref<1x128xi32, #tpu.memory_space<hbm>>
          %dma_start3A_2096 = tpu.memref_squeeze %dma_start3A_2095 : memref<1x128xi32, #tpu.memory_space<hbm>> -> memref<128xi32, #tpu.memory_space<hbm>>
          tpu.enqueue_dma source(%dma_start3A_2096 : memref<128xi32, #tpu.memory_space<hbm>>) target(%dma_start3A_2094 : memref<128xi32, #tpu.memory_space<vmem>>) target_semaphore(%dma_start3A_2091 : memref<!tpu.dma_semaphore, #tpu.memory_space<semaphore_mem>>)
        } else {
        }
      } else {
      }
      %mul3A_1712 = arith.constant 8 : i32
      %mul3A_1713 = arith.muli %scan3A_1426, %mul3A_1712 : i32
      %add3A_1714 = arith.constant 6 : i32
      %add3A_1715 = arith.addi %mul3A_1713, %add3A_1714 : i32
      %dma_wait3A_1716 = arith.constant 6 : i32
      %dma_wait3A_1717 = arith.constant 6 : i32
      %dma_wait3A_1718 = arith.constant 0 : i32
      %dma_wait3A_1719 = arith.constant 0 : i32
      %dma_wait3A_1720 = tpu.memref_slice %arg6[%dma_wait3A_1716, %dma_wait3A_1718, %dma_wait3A_1719] : memref<8x128x64xf32, #tpu.memory_space<vmem>> -> memref<1x128x64xf32, #tpu.memory_space<vmem>>
      %dma_wait3A_1721 = tpu.memref_squeeze %dma_wait3A_1720 : memref<1x128x64xf32, #tpu.memory_space<vmem>> -> memref<128x64xf32, #tpu.memory_space<vmem>>
      %dma_wait3A_1722 = arith.constant 0 : i32
      %dma_wait3A_1723 = arith.constant 0 : i32
      %dma_wait3A_1724 = tpu.memref_slice %arg3[%dma_wait3A_1722, %dma_wait3A_1723] : memref<1001472x64xf32, #tpu.memory_space<hbm>> -> memref<128x64xf32, #tpu.memory_space<hbm>>
      %dma_wait3A_1725 = tpu.memref_slice %arg8[%dma_wait3A_1717] : memref<8x!tpu.dma_semaphore, #tpu.memory_space<semaphore_mem>> -> memref<1x!tpu.dma_semaphore, #tpu.memory_space<semaphore_mem>>
      %dma_wait3A_1726 = tpu.memref_squeeze %dma_wait3A_1725 : memref<1x!tpu.dma_semaphore, #tpu.memory_space<semaphore_mem>> -> memref<!tpu.dma_semaphore, #tpu.memory_space<semaphore_mem>>
      %dma_wait3A_1727 = arith.constant 0 : i32
      %dma_wait3A_1728 = arith.constant 0 : i32
      %dma_wait3A_1729 = tpu.memref_slice %arg6[%dma_wait3A_1716, %dma_wait3A_1727, %dma_wait3A_1728] : memref<8x128x64xf32, #tpu.memory_space<vmem>> -> memref<1x128x64xf32, #tpu.memory_space<vmem>>
      %dma_wait3A_1730 = tpu.memref_squeeze %dma_wait3A_1729 : memref<1x128x64xf32, #tpu.memory_space<vmem>> -> memref<128x64xf32, #tpu.memory_space<vmem>>
      %dma_wait3A_1731 = arith.constant 0 : i32
      %dma_wait3A_1732 = arith.constant 0 : i32
      %dma_wait3A_1733 = tpu.memref_slice %arg3[%dma_wait3A_1731, %dma_wait3A_1732] : memref<1001472x64xf32, #tpu.memory_space<hbm>> -> memref<128x64xf32, #tpu.memory_space<hbm>>
      tpu.wait_dma2 semaphore(%dma_wait3A_1726 : memref<!tpu.dma_semaphore, #tpu.memory_space<semaphore_mem>>) src(%dma_wait3A_1733 : memref<128x64xf32, #tpu.memory_space<hbm>>) dst(%dma_wait3A_1730 : memref<128x64xf32, #tpu.memory_space<vmem>>)
      %add3A_1734 = arith.addi %mul3A_2, %add3A_1715 : i32
      %mul3A_1735 = arith.constant 128 : i32
      %mul3A_1736 = arith.muli %add3A_1734, %mul3A_1735 : i32
      %dma_start3A_1737 = arith.constant 6 : i32
      %dma_start3A_1738 = arith.constant 6 : i32
      %dma_start3A_1739 = arith.constant 0 : i32
      %dma_start3A_1740 = arith.constant 0 : i32
      %dma_start3A_1741 = tpu.memref_slice %arg6[%dma_start3A_1737, %dma_start3A_1739, %dma_start3A_1740] : memref<8x128x64xf32, #tpu.memory_space<vmem>> -> memref<1x128x64xf32, #tpu.memory_space<vmem>>
      %dma_start3A_1742 = tpu.memref_squeeze %dma_start3A_1741 : memref<1x128x64xf32, #tpu.memory_space<vmem>> -> memref<128x64xf32, #tpu.memory_space<vmem>>
      %dma_start3A_1743 = arith.constant 0 : i32
      %dma_start3A_1744 = tpu.memref_slice %arg4[%mul3A_1736, %dma_start3A_1743] : memref<819200x64xf32, #tpu.memory_space<hbm>> -> memref<128x64xf32, #tpu.memory_space<hbm>>
      %dma_start3A_1745 = tpu.memref_slice %arg9[%dma_start3A_1738] : memref<8x!tpu.dma_semaphore, #tpu.memory_space<semaphore_mem>> -> memref<1x!tpu.dma_semaphore, #tpu.memory_space<semaphore_mem>>
      %dma_start3A_1746 = tpu.memref_squeeze %dma_start3A_1745 : memref<1x!tpu.dma_semaphore, #tpu.memory_space<semaphore_mem>> -> memref<!tpu.dma_semaphore, #tpu.memory_space<semaphore_mem>>
      %dma_start3A_1747 = arith.constant 0 : i32
      %dma_start3A_1748 = tpu.memref_slice %arg4[%mul3A_1736, %dma_start3A_1747] : memref<819200x64xf32, #tpu.memory_space<hbm>> -> memref<128x64xf32, #tpu.memory_space<hbm>>
      %dma_start3A_1749 = arith.constant 0 : i32
      %dma_start3A_1750 = arith.constant 0 : i32
      %dma_start3A_1751 = tpu.memref_slice %arg6[%dma_start3A_1737, %dma_start3A_1749, %dma_start3A_1750] : memref<8x128x64xf32, #tpu.memory_space<vmem>> -> memref<1x128x64xf32, #tpu.memory_space<vmem>>
      %dma_start3A_1752 = tpu.memref_squeeze %dma_start3A_1751 : memref<1x128x64xf32, #tpu.memory_space<vmem>> -> memref<128x64xf32, #tpu.memory_space<vmem>>
      tpu.enqueue_dma source(%dma_start3A_1752 : memref<128x64xf32, #tpu.memory_space<vmem>>) target(%dma_start3A_1748 : memref<128x64xf32, #tpu.memory_space<hbm>>) target_semaphore(%dma_start3A_1746 : memref<!tpu.dma_semaphore, #tpu.memory_space<semaphore_mem>>)
      %add3A_1753 = arith.constant 4 : i32
      %add3A_1754 = arith.addi %add3A_1715, %add3A_1753 : i32
      %lt3A_1755 = arith.constant 200 : i32
      %lt3A_1756 = arith.cmpi slt, %add3A_1754, %lt3A_1755 : i32
      %convert_element_type3A_1757 = arith.extui %lt3A_1756 : i1 to i32
      %cond3A_1758 = arith.constant 0 : i32
      %cond3A_1759 = arith.cmpi ne, %convert_element_type3A_1757, %cond3A_1758 : i32
      scf.if %cond3A_1759 {
        %dma_wait3A_1808 = arith.constant 0 : i32
        %dma_wait3A_1809 = arith.constant 2 : i32
        %dma_wait3A_1810 = arith.constant 2 : i32
        %dma_wait3A_1811 = arith.constant 0 : i32
        %dma_wait3A_1812 = tpu.memref_slice %arg5[%dma_wait3A_1809, %dma_wait3A_1811] : memref<8x128xi32, #tpu.memory_space<vmem>> -> memref<1x128xi32, #tpu.memory_space<vmem>>
        %dma_wait3A_1813 = tpu.memref_squeeze %dma_wait3A_1812 : memref<1x128xi32, #tpu.memory_space<vmem>> -> memref<128xi32, #tpu.memory_space<vmem>>
        %dma_wait3A_1814 = arith.constant 0 : i32
        %dma_wait3A_1815 = tpu.memref_slice %arg2[%dma_wait3A_1808, %dma_wait3A_1814] : memref<200x4096xi32, #tpu.memory_space<hbm>> -> memref<1x128xi32, #tpu.memory_space<hbm>>
        %dma_wait3A_1816 = tpu.memref_squeeze %dma_wait3A_1815 : memref<1x128xi32, #tpu.memory_space<hbm>> -> memref<128xi32, #tpu.memory_space<hbm>>
        %dma_wait3A_1817 = tpu.memref_slice %arg7[%dma_wait3A_1810] : memref<8x!tpu.dma_semaphore, #tpu.memory_space<semaphore_mem>> -> memref<1x!tpu.dma_semaphore, #tpu.memory_space<semaphore_mem>>
        %dma_wait3A_1818 = tpu.memref_squeeze %dma_wait3A_1817 : memref<1x!tpu.dma_semaphore, #tpu.memory_space<semaphore_mem>> -> memref<!tpu.dma_semaphore, #tpu.memory_space<semaphore_mem>>
        %dma_wait3A_1819 = arith.constant 0 : i32
        %dma_wait3A_1820 = tpu.memref_slice %arg5[%dma_wait3A_1809, %dma_wait3A_1819] : memref<8x128xi32, #tpu.memory_space<vmem>> -> memref<1x128xi32, #tpu.memory_space<vmem>>
        %dma_wait3A_1821 = tpu.memref_squeeze %dma_wait3A_1820 : memref<1x128xi32, #tpu.memory_space<vmem>> -> memref<128xi32, #tpu.memory_space<vmem>>
        %dma_wait3A_1822 = arith.constant 0 : i32
        %dma_wait3A_1823 = tpu.memref_slice %arg2[%dma_wait3A_1808, %dma_wait3A_1822] : memref<200x4096xi32, #tpu.memory_space<hbm>> -> memref<1x128xi32, #tpu.memory_space<hbm>>
        %dma_wait3A_1824 = tpu.memref_squeeze %dma_wait3A_1823 : memref<1x128xi32, #tpu.memory_space<hbm>> -> memref<128xi32, #tpu.memory_space<hbm>>
        tpu.wait_dma2 semaphore(%dma_wait3A_1818 : memref<!tpu.dma_semaphore, #tpu.memory_space<semaphore_mem>>) src(%dma_wait3A_1824 : memref<128xi32, #tpu.memory_space<hbm>>) dst(%dma_wait3A_1821 : memref<128xi32, #tpu.memory_space<vmem>>)
        %get3A_1825 = arith.constant 2 : i32
        %get3A_1826 = arith.index_cast %get3A_1825 : i32 to index
        %get3A_1827 = arith.constant 0 : index
        %get3A_1828 = tpu.vector_load %arg5[%get3A_1826, %get3A_1827] {strides = array<i32>} : memref<8x128xi32, #tpu.memory_space<vmem>>, vector<16xi32>,
        %and3A_1829 = arith.constant -2048 : i32
        %and3A_1830 = vector.broadcast %and3A_1829 : i32 to vector<16xi32>
        %and3A_1831 = arith.andi %get3A_1828, %and3A_1830 : vector<16xi32>
        %and3A_1832 = arith.constant 1023 : i32
        %and3A_1833 = vector.broadcast %and3A_1832 : i32 to vector<16xi32>
        %and3A_1834 = arith.andi %get3A_1828, %and3A_1833 : vector<16xi32>
        %shift_left3A_1835 = arith.constant 1 : i32
        %shift_left3A_1836 = vector.broadcast %shift_left3A_1835 : i32 to vector<16xi32>
        %shift_left3A_1837 = arith.shli %and3A_1834, %shift_left3A_1836 : vector<16xi32>
        %add3A_1838 = arith.addi %and3A_1831, %shift_left3A_1837 : vector<16xi32>
        %shift_right_arithmetic3A_1839 = arith.constant 10 : i32
        %shift_right_arithmetic3A_1840 = vector.broadcast %shift_right_arithmetic3A_1839 : i32 to vector<16xi32>
        %shift_right_arithmetic3A_1841 = arith.shrsi %get3A_1828, %shift_right_arithmetic3A_1840 : vector<16xi32>
        %and3A_1842 = arith.constant 1 : i32
        %and3A_1843 = vector.broadcast %and3A_1842 : i32 to vector<16xi32>
        %and3A_1844 = arith.andi %shift_right_arithmetic3A_1841, %and3A_1843 : vector<16xi32>
        %add3A_1845 = arith.addi %add3A_1838, %and3A_1844 : vector<16xi32>
        %swap3A_1846 = arith.constant 2 : i32
        %swap3A_1847 = arith.index_cast %swap3A_1846 : i32 to index
        %swap3A_1848 = arith.constant 0 : index
        %swap3A_1849 = tpu.vector_load %arg5[%swap3A_1847, %swap3A_1848] {strides = array<i32>} : memref<8x128xi32, #tpu.memory_space<vmem>>, vector<16xi32>,
        tpu.vector_store %arg5[%swap3A_1847, %swap3A_1848], %add3A_1845 {strides = array<i32>} : memref<8x128xi32, #tpu.memory_space<vmem>>, vector<16xi32>,
        %get3A_1850 = arith.constant 2 : i32
        %get3A_1851 = arith.index_cast %get3A_1850 : i32 to index
        %get3A_1852 = arith.constant 16 : index
        %get3A_1853 = tpu.vector_load %arg5[%get3A_1851, %get3A_1852] {strides = array<i32>} : memref<8x128xi32, #tpu.memory_space<vmem>>, vector<16xi32>,
        %and3A_1854 = arith.constant -2048 : i32
        %and3A_1855 = vector.broadcast %and3A_1854 : i32 to vector<16xi32>
        %and3A_1856 = arith.andi %get3A_1853, %and3A_1855 : vector<16xi32>
        %and3A_1857 = arith.constant 1023 : i32
        %and3A_1858 = vector.broadcast %and3A_1857 : i32 to vector<16xi32>
        %and3A_1859 = arith.andi %get3A_1853, %and3A_1858 : vector<16xi32>
        %shift_left3A_1860 = arith.constant 1 : i32
        %shift_left3A_1861 = vector.broadcast %shift_left3A_1860 : i32 to vector<16xi32>
        %shift_left3A_1862 = arith.shli %and3A_1859, %shift_left3A_1861 : vector<16xi32>
        %add3A_1863 = arith.addi %and3A_1856, %shift_left3A_1862 : vector<16xi32>
        %shift_right_arithmetic3A_1864 = arith.constant 10 : i32
        %shift_right_arithmetic3A_1865 = vector.broadcast %shift_right_arithmetic3A_1864 : i32 to vector<16xi32>
        %shift_right_arithmetic3A_1866 = arith.shrsi %get3A_1853, %shift_right_arithmetic3A_1865 : vector<16xi32>
        %and3A_1867 = arith.constant 1 : i32
        %and3A_1868 = vector.broadcast %and3A_1867 : i32 to vector<16xi32>
        %and3A_1869 = arith.andi %shift_right_arithmetic3A_1866, %and3A_1868 : vector<16xi32>
        %add3A_1870 = arith.addi %add3A_1863, %and3A_1869 : vector<16xi32>
        %swap3A_1871 = arith.constant 2 : i32
        %swap3A_1872 = arith.index_cast %swap3A_1871 : i32 to index
        %swap3A_1873 = arith.constant 16 : index
        %swap3A_1874 = tpu.vector_load %arg5[%swap3A_1872, %swap3A_1873] {strides = array<i32>} : memref<8x128xi32, #tpu.memory_space<vmem>>, vector<16xi32>,
        tpu.vector_store %arg5[%swap3A_1872, %swap3A_1873], %add3A_1870 {strides = array<i32>} : memref<8x128xi32, #tpu.memory_space<vmem>>, vector<16xi32>,
        %get3A_1875 = arith.constant 2 : i32
        %get3A_1876 = arith.index_cast %get3A_1875 : i32 to index
        %get3A_1877 = arith.constant 32 : index
        %get3A_1878 = tpu.vector_load %arg5[%get3A_1876, %get3A_1877] {strides = array<i32>} : memref<8x128xi32, #tpu.memory_space<vmem>>, vector<16xi32>,
        %and3A_1879 = arith.constant -2048 : i32
        %and3A_1880 = vector.broadcast %and3A_1879 : i32 to vector<16xi32>
        %and3A_1881 = arith.andi %get3A_1878, %and3A_1880 : vector<16xi32>
        %and3A_1882 = arith.constant 1023 : i32
        %and3A_1883 = vector.broadcast %and3A_1882 : i32 to vector<16xi32>
        %and3A_1884 = arith.andi %get3A_1878, %and3A_1883 : vector<16xi32>
        %shift_left3A_1885 = arith.constant 1 : i32
        %shift_left3A_1886 = vector.broadcast %shift_left3A_1885 : i32 to vector<16xi32>
        %shift_left3A_1887 = arith.shli %and3A_1884, %shift_left3A_1886 : vector<16xi32>
        %add3A_1888 = arith.addi %and3A_1881, %shift_left3A_1887 : vector<16xi32>
        %shift_right_arithmetic3A_1889 = arith.constant 10 : i32
        %shift_right_arithmetic3A_1890 = vector.broadcast %shift_right_arithmetic3A_1889 : i32 to vector<16xi32>
        %shift_right_arithmetic3A_1891 = arith.shrsi %get3A_1878, %shift_right_arithmetic3A_1890 : vector<16xi32>
        %and3A_1892 = arith.constant 1 : i32
        %and3A_1893 = vector.broadcast %and3A_1892 : i32 to vector<16xi32>
        %and3A_1894 = arith.andi %shift_right_arithmetic3A_1891, %and3A_1893 : vector<16xi32>
        %add3A_1895 = arith.addi %add3A_1888, %and3A_1894 : vector<16xi32>
        %swap3A_1896 = arith.constant 2 : i32
        %swap3A_1897 = arith.index_cast %swap3A_1896 : i32 to index
        %swap3A_1898 = arith.constant 32 : index
        %swap3A_1899 = tpu.vector_load %arg5[%swap3A_1897, %swap3A_1898] {strides = array<i32>} : memref<8x128xi32, #tpu.memory_space<vmem>>, vector<16xi32>,
        tpu.vector_store %arg5[%swap3A_1897, %swap3A_1898], %add3A_1895 {strides = array<i32>} : memref<8x128xi32, #tpu.memory_space<vmem>>, vector<16xi32>,
        %get3A_1900 = arith.constant 2 : i32
        %get3A_1901 = arith.index_cast %get3A_1900 : i32 to index
        %get3A_1902 = arith.constant 48 : index
        %get3A_1903 = tpu.vector_load %arg5[%get3A_1901, %get3A_1902] {strides = array<i32>} : memref<8x128xi32, #tpu.memory_space<vmem>>, vector<16xi32>,
        %and3A_1904 = arith.constant -2048 : i32
        %and3A_1905 = vector.broadcast %and3A_1904 : i32 to vector<16xi32>
        %and3A_1906 = arith.andi %get3A_1903, %and3A_1905 : vector<16xi32>
        %and3A_1907 = arith.constant 1023 : i32
        %and3A_1908 = vector.broadcast %and3A_1907 : i32 to vector<16xi32>
        %and3A_1909 = arith.andi %get3A_1903, %and3A_1908 : vector<16xi32>
        %shift_left3A_1910 = arith.constant 1 : i32
        %shift_left3A_1911 = vector.broadcast %shift_left3A_1910 : i32 to vector<16xi32>
        %shift_left3A_1912 = arith.shli %and3A_1909, %shift_left3A_1911 : vector<16xi32>
        %add3A_1913 = arith.addi %and3A_1906, %shift_left3A_1912 : vector<16xi32>
        %shift_right_arithmetic3A_1914 = arith.constant 10 : i32
        %shift_right_arithmetic3A_1915 = vector.broadcast %shift_right_arithmetic3A_1914 : i32 to vector<16xi32>
        %shift_right_arithmetic3A_1916 = arith.shrsi %get3A_1903, %shift_right_arithmetic3A_1915 : vector<16xi32>
        %and3A_1917 = arith.constant 1 : i32
        %and3A_1918 = vector.broadcast %and3A_1917 : i32 to vector<16xi32>
        %and3A_1919 = arith.andi %shift_right_arithmetic3A_1916, %and3A_1918 : vector<16xi32>
        %add3A_1920 = arith.addi %add3A_1913, %and3A_1919 : vector<16xi32>
        %swap3A_1921 = arith.constant 2 : i32
        %swap3A_1922 = arith.index_cast %swap3A_1921 : i32 to index
        %swap3A_1923 = arith.constant 48 : index
        %swap3A_1924 = tpu.vector_load %arg5[%swap3A_1922, %swap3A_1923] {strides = array<i32>} : memref<8x128xi32, #tpu.memory_space<vmem>>, vector<16xi32>,
        tpu.vector_store %arg5[%swap3A_1922, %swap3A_1923], %add3A_1920 {strides = array<i32>} : memref<8x128xi32, #tpu.memory_space<vmem>>, vector<16xi32>,
        %get3A_1925 = arith.constant 2 : i32
        %get3A_1926 = arith.index_cast %get3A_1925 : i32 to index
        %get3A_1927 = arith.constant 64 : index
        %get3A_1928 = tpu.vector_load %arg5[%get3A_1926, %get3A_1927] {strides = array<i32>} : memref<8x128xi32, #tpu.memory_space<vmem>>, vector<16xi32>,
        %and3A_1929 = arith.constant -2048 : i32
        %and3A_1930 = vector.broadcast %and3A_1929 : i32 to vector<16xi32>
        %and3A_1931 = arith.andi %get3A_1928, %and3A_1930 : vector<16xi32>
        %and3A_1932 = arith.constant 1023 : i32
        %and3A_1933 = vector.broadcast %and3A_1932 : i32 to vector<16xi32>
        %and3A_1934 = arith.andi %get3A_1928, %and3A_1933 : vector<16xi32>
        %shift_left3A_1935 = arith.constant 1 : i32
        %shift_left3A_1936 = vector.broadcast %shift_left3A_1935 : i32 to vector<16xi32>
        %shift_left3A_1937 = arith.shli %and3A_1934, %shift_left3A_1936 : vector<16xi32>
        %add3A_1938 = arith.addi %and3A_1931, %shift_left3A_1937 : vector<16xi32>
        %shift_right_arithmetic3A_1939 = arith.constant 10 : i32
        %shift_right_arithmetic3A_1940 = vector.broadcast %shift_right_arithmetic3A_1939 : i32 to vector<16xi32>
        %shift_right_arithmetic3A_1941 = arith.shrsi %get3A_1928, %shift_right_arithmetic3A_1940 : vector<16xi32>
        %and3A_1942 = arith.constant 1 : i32
        %and3A_1943 = vector.broadcast %and3A_1942 : i32 to vector<16xi32>
        %and3A_1944 = arith.andi %shift_right_arithmetic3A_1941, %and3A_1943 : vector<16xi32>
        %add3A_1945 = arith.addi %add3A_1938, %and3A_1944 : vector<16xi32>
        %swap3A_1946 = arith.constant 2 : i32
        %swap3A_1947 = arith.index_cast %swap3A_1946 : i32 to index
        %swap3A_1948 = arith.constant 64 : index
        %swap3A_1949 = tpu.vector_load %arg5[%swap3A_1947, %swap3A_1948] {strides = array<i32>} : memref<8x128xi32, #tpu.memory_space<vmem>>, vector<16xi32>,
        tpu.vector_store %arg5[%swap3A_1947, %swap3A_1948], %add3A_1945 {strides = array<i32>} : memref<8x128xi32, #tpu.memory_space<vmem>>, vector<16xi32>,
        %get3A_1950 = arith.constant 2 : i32
        %get3A_1951 = arith.index_cast %get3A_1950 : i32 to index
        %get3A_1952 = arith.constant 80 : index
        %get3A_1953 = tpu.vector_load %arg5[%get3A_1951, %get3A_1952] {strides = array<i32>} : memref<8x128xi32, #tpu.memory_space<vmem>>, vector<16xi32>,
        %and3A_1954 = arith.constant -2048 : i32
        %and3A_1955 = vector.broadcast %and3A_1954 : i32 to vector<16xi32>
        %and3A_1956 = arith.andi %get3A_1953, %and3A_1955 : vector<16xi32>
        %and3A_1957 = arith.constant 1023 : i32
        %and3A_1958 = vector.broadcast %and3A_1957 : i32 to vector<16xi32>
        %and3A_1959 = arith.andi %get3A_1953, %and3A_1958 : vector<16xi32>
        %shift_left3A_1960 = arith.constant 1 : i32
        %shift_left3A_1961 = vector.broadcast %shift_left3A_1960 : i32 to vector<16xi32>
        %shift_left3A_1962 = arith.shli %and3A_1959, %shift_left3A_1961 : vector<16xi32>
        %add3A_1963 = arith.addi %and3A_1956, %shift_left3A_1962 : vector<16xi32>
        %shift_right_arithmetic3A_1964 = arith.constant 10 : i32
        %shift_right_arithmetic3A_1965 = vector.broadcast %shift_right_arithmetic3A_1964 : i32 to vector<16xi32>
        %shift_right_arithmetic3A_1966 = arith.shrsi %get3A_1953, %shift_right_arithmetic3A_1965 : vector<16xi32>
        %and3A_1967 = arith.constant 1 : i32
        %and3A_1968 = vector.broadcast %and3A_1967 : i32 to vector<16xi32>
        %and3A_1969 = arith.andi %shift_right_arithmetic3A_1966, %and3A_1968 : vector<16xi32>
        %add3A_1970 = arith.addi %add3A_1963, %and3A_1969 : vector<16xi32>
        %swap3A_1971 = arith.constant 2 : i32
        %swap3A_1972 = arith.index_cast %swap3A_1971 : i32 to index
        %swap3A_1973 = arith.constant 80 : index
        %swap3A_1974 = tpu.vector_load %arg5[%swap3A_1972, %swap3A_1973] {strides = array<i32>} : memref<8x128xi32, #tpu.memory_space<vmem>>, vector<16xi32>,
        tpu.vector_store %arg5[%swap3A_1972, %swap3A_1973], %add3A_1970 {strides = array<i32>} : memref<8x128xi32, #tpu.memory_space<vmem>>, vector<16xi32>,
        %get3A_1975 = arith.constant 2 : i32
        %get3A_1976 = arith.index_cast %get3A_1975 : i32 to index
        %get3A_1977 = arith.constant 96 : index
        %get3A_1978 = tpu.vector_load %arg5[%get3A_1976, %get3A_1977] {strides = array<i32>} : memref<8x128xi32, #tpu.memory_space<vmem>>, vector<16xi32>,
        %and3A_1979 = arith.constant -2048 : i32
        %and3A_1980 = vector.broadcast %and3A_1979 : i32 to vector<16xi32>
        %and3A_1981 = arith.andi %get3A_1978, %and3A_1980 : vector<16xi32>
        %and3A_1982 = arith.constant 1023 : i32
        %and3A_1983 = vector.broadcast %and3A_1982 : i32 to vector<16xi32>
        %and3A_1984 = arith.andi %get3A_1978, %and3A_1983 : vector<16xi32>
        %shift_left3A_1985 = arith.constant 1 : i32
        %shift_left3A_1986 = vector.broadcast %shift_left3A_1985 : i32 to vector<16xi32>
        %shift_left3A_1987 = arith.shli %and3A_1984, %shift_left3A_1986 : vector<16xi32>
        %add3A_1988 = arith.addi %and3A_1981, %shift_left3A_1987 : vector<16xi32>
        %shift_right_arithmetic3A_1989 = arith.constant 10 : i32
        %shift_right_arithmetic3A_1990 = vector.broadcast %shift_right_arithmetic3A_1989 : i32 to vector<16xi32>
        %shift_right_arithmetic3A_1991 = arith.shrsi %get3A_1978, %shift_right_arithmetic3A_1990 : vector<16xi32>
        %and3A_1992 = arith.constant 1 : i32
        %and3A_1993 = vector.broadcast %and3A_1992 : i32 to vector<16xi32>
        %and3A_1994 = arith.andi %shift_right_arithmetic3A_1991, %and3A_1993 : vector<16xi32>
        %add3A_1995 = arith.addi %add3A_1988, %and3A_1994 : vector<16xi32>
        %swap3A_1996 = arith.constant 2 : i32
        %swap3A_1997 = arith.index_cast %swap3A_1996 : i32 to index
        %swap3A_1998 = arith.constant 96 : index
        %swap3A_1999 = tpu.vector_load %arg5[%swap3A_1997, %swap3A_1998] {strides = array<i32>} : memref<8x128xi32, #tpu.memory_space<vmem>>, vector<16xi32>,
        tpu.vector_store %arg5[%swap3A_1997, %swap3A_1998], %add3A_1995 {strides = array<i32>} : memref<8x128xi32, #tpu.memory_space<vmem>>, vector<16xi32>,
        %get3A_2000 = arith.constant 2 : i32
        %get3A_2001 = arith.index_cast %get3A_2000 : i32 to index
        %get3A_2002 = arith.constant 112 : index
        %get3A_2003 = tpu.vector_load %arg5[%get3A_2001, %get3A_2002] {strides = array<i32>} : memref<8x128xi32, #tpu.memory_space<vmem>>, vector<16xi32>,
        %and3A_2004 = arith.constant -2048 : i32
        %and3A_2005 = vector.broadcast %and3A_2004 : i32 to vector<16xi32>
        %and3A_2006 = arith.andi %get3A_2003, %and3A_2005 : vector<16xi32>
        %and3A_2007 = arith.constant 1023 : i32
        %and3A_2008 = vector.broadcast %and3A_2007 : i32 to vector<16xi32>
        %and3A_2009 = arith.andi %get3A_2003, %and3A_2008 : vector<16xi32>
        %shift_left3A_2010 = arith.constant 1 : i32
        %shift_left3A_2011 = vector.broadcast %shift_left3A_2010 : i32 to vector<16xi32>
        %shift_left3A_2012 = arith.shli %and3A_2009, %shift_left3A_2011 : vector<16xi32>
        %add3A_2013 = arith.addi %and3A_2006, %shift_left3A_2012 : vector<16xi32>
        %shift_right_arithmetic3A_2014 = arith.constant 10 : i32
        %shift_right_arithmetic3A_2015 = vector.broadcast %shift_right_arithmetic3A_2014 : i32 to vector<16xi32>
        %shift_right_arithmetic3A_2016 = arith.shrsi %get3A_2003, %shift_right_arithmetic3A_2015 : vector<16xi32>
        %and3A_2017 = arith.constant 1 : i32
        %and3A_2018 = vector.broadcast %and3A_2017 : i32 to vector<16xi32>
        %and3A_2019 = arith.andi %shift_right_arithmetic3A_2016, %and3A_2018 : vector<16xi32>
        %add3A_2020 = arith.addi %add3A_2013, %and3A_2019 : vector<16xi32>
        %swap3A_2021 = arith.constant 2 : i32
        %swap3A_2022 = arith.index_cast %swap3A_2021 : i32 to index
        %swap3A_2023 = arith.constant 112 : index
        %swap3A_2024 = tpu.vector_load %arg5[%swap3A_2022, %swap3A_2023] {strides = array<i32>} : memref<8x128xi32, #tpu.memory_space<vmem>>, vector<16xi32>,
        tpu.vector_store %arg5[%swap3A_2022, %swap3A_2023], %add3A_2020 {strides = array<i32>} : memref<8x128xi32, #tpu.memory_space<vmem>>, vector<16xi32>,
        %ge3A = arith.constant 8 : i32
        %ge3A_2025 = arith.cmpi sge, %add3A_1754, %ge3A : i32
        %convert_element_type3A_2026 = arith.extui %ge3A_2025 : i1 to i32
        %cond3A_2027 = arith.constant 0 : i32
        %cond3A_2028 = arith.cmpi ne, %convert_element_type3A_2026, %cond3A_2027 : i32
        scf.if %cond3A_2028 {
          %dma_wait3A_2051 = arith.constant 2 : i32
          %dma_wait3A_2052 = arith.constant 2 : i32
          %dma_wait3A_2053 = arith.constant 0 : i32
          %dma_wait3A_2054 = arith.constant 0 : i32
          %dma_wait3A_2055 = tpu.memref_slice %arg6[%dma_wait3A_2051, %dma_wait3A_2053, %dma_wait3A_2054] : memref<8x128x64xf32, #tpu.memory_space<vmem>> -> memref<1x128x64xf32, #tpu.memory_space<vmem>>
          %dma_wait3A_2056 = tpu.memref_squeeze %dma_wait3A_2055 : memref<1x128x64xf32, #tpu.memory_space<vmem>> -> memref<128x64xf32, #tpu.memory_space<vmem>>
          %dma_wait3A_2057 = arith.constant 0 : i32
          %dma_wait3A_2058 = arith.constant 0 : i32
          %dma_wait3A_2059 = tpu.memref_slice %arg4[%dma_wait3A_2057, %dma_wait3A_2058] : memref<819200x64xf32, #tpu.memory_space<hbm>> -> memref<128x64xf32, #tpu.memory_space<hbm>>
          %dma_wait3A_2060 = tpu.memref_slice %arg9[%dma_wait3A_2052] : memref<8x!tpu.dma_semaphore, #tpu.memory_space<semaphore_mem>> -> memref<1x!tpu.dma_semaphore, #tpu.memory_space<semaphore_mem>>
          %dma_wait3A_2061 = tpu.memref_squeeze %dma_wait3A_2060 : memref<1x!tpu.dma_semaphore, #tpu.memory_space<semaphore_mem>> -> memref<!tpu.dma_semaphore, #tpu.memory_space<semaphore_mem>>
          %dma_wait3A_2062 = arith.constant 0 : i32
          %dma_wait3A_2063 = arith.constant 0 : i32
          %dma_wait3A_2064 = tpu.memref_slice %arg4[%dma_wait3A_2062, %dma_wait3A_2063] : memref<819200x64xf32, #tpu.memory_space<hbm>> -> memref<128x64xf32, #tpu.memory_space<hbm>>
          %dma_wait3A_2065 = arith.constant 0 : i32
          %dma_wait3A_2066 = arith.constant 0 : i32
          %dma_wait3A_2067 = tpu.memref_slice %arg6[%dma_wait3A_2051, %dma_wait3A_2065, %dma_wait3A_2066] : memref<8x128x64xf32, #tpu.memory_space<vmem>> -> memref<1x128x64xf32, #tpu.memory_space<vmem>>
          %dma_wait3A_2068 = tpu.memref_squeeze %dma_wait3A_2067 : memref<1x128x64xf32, #tpu.memory_space<vmem>> -> memref<128x64xf32, #tpu.memory_space<vmem>>
          tpu.wait_dma2 semaphore(%dma_wait3A_2061 : memref<!tpu.dma_semaphore, #tpu.memory_space<semaphore_mem>>) src(%dma_wait3A_2068 : memref<128x64xf32, #tpu.memory_space<vmem>>) dst(%dma_wait3A_2064 : memref<128x64xf32, #tpu.memory_space<hbm>>)
        } else {
        }
        %dma_start3A_2029 = arith.constant 2 : i32
        %dma_start3A_2030 = arith.constant 2 : i32
        %dma_start3A_2031 = arith.constant 2 : i32
        %dma_start3A_2032 = arith.constant 0 : i32
        %dma_start3A_2033 = arith.constant 0 : i32
        %dma_start3A_2034 = tpu.memref_slice %arg6[%dma_start3A_2030, %dma_start3A_2032, %dma_start3A_2033] : memref<8x128x64xf32, #tpu.memory_space<vmem>> -> memref<1x128x64xf32, #tpu.memory_space<vmem>>
        %dma_start3A_2035 = tpu.memref_squeeze %dma_start3A_2034 : memref<1x128x64xf32, #tpu.memory_space<vmem>> -> memref<128x64xf32, #tpu.memory_space<vmem>>
        %dma_start3A_2036 = arith.constant 0 : i32
        %dma_start3A_2037 = tpu.memref_slice %arg5[%dma_start3A_2029, %dma_start3A_2036] : memref<8x128xi32, #tpu.memory_space<vmem>> -> memref<1x128xi32, #tpu.memory_space<vmem>>
        %dma_start3A_2038 = tpu.memref_squeeze %dma_start3A_2037 : memref<1x128xi32, #tpu.memory_space<vmem>> -> memref<128xi32, #tpu.memory_space<vmem>>
        %dma_start3A_2039 = arith.constant 0 : i32
        %dma_start3A_2040 = arith.constant 0 : i32
        %dma_start3A_2041 = tpu.memref_slice %arg3[%dma_start3A_2039, %dma_start3A_2040] : memref<1001472x64xf32, #tpu.memory_space<hbm>> -> memref<1001472x64xf32, #tpu.memory_space<hbm>>
        %dma_start3A_2042 = tpu.memref_slice %arg8[%dma_start3A_2031] : memref<8x!tpu.dma_semaphore, #tpu.memory_space<semaphore_mem>> -> memref<1x!tpu.dma_semaphore, #tpu.memory_space<semaphore_mem>>
        %dma_start3A_2043 = tpu.memref_squeeze %dma_start3A_2042 : memref<1x!tpu.dma_semaphore, #tpu.memory_space<semaphore_mem>> -> memref<!tpu.dma_semaphore, #tpu.memory_space<semaphore_mem>>
        tpu.enqueue_indirect_dma source(%dma_start3A_2041 : memref<1001472x64xf32, #tpu.memory_space<hbm>>) target(%dma_start3A_2035 : memref<128x64xf32, #tpu.memory_space<vmem>>) offsets(%dma_start3A_2038 : memref<128xi32, #tpu.memory_space<vmem>>) semaphore(%dma_start3A_2043 : memref<!tpu.dma_semaphore, #tpu.memory_space<semaphore_mem>>)
        %add3A_2044 = arith.constant 4 : i32
        %add3A_2045 = arith.addi %add3A_1754, %add3A_2044 : i32
        %lt3A_2046 = arith.constant 200 : i32
        %lt3A_2047 = arith.cmpi slt, %add3A_2045, %lt3A_2046 : i32
        %convert_element_type3A_2048 = arith.extui %lt3A_2047 : i1 to i32
        %cond3A_2049 = arith.constant 0 : i32
        %cond3A_2050 = arith.cmpi ne, %convert_element_type3A_2048, %cond3A_2049 : i32
        scf.if %cond3A_2050 {
          %add3A_2051 = arith.addi %mul3A_2, %add3A_1754 : i32
          %add3A_2052 = arith.constant 4 : i32
          %add3A_2053 = arith.addi %add3A_2051, %add3A_2052 : i32
          %jit3A_2054 = arith.constant 32 : i32
          %div3A_2055 = arith.divsi %add3A_2053, %jit3A_2054 : i32
          %sign3A_2056 = arith.constant 0 : i32
          %sign3A_2057 = arith.cmpi sgt, %add3A_2053, %sign3A_2056 : i32
          %sign3A_2058 = arith.extui %sign3A_2057 : i1 to i32
          %sign3A_2059 = arith.constant 0 : i32
          %sign3A_2060 = arith.cmpi slt, %add3A_2053, %sign3A_2059 : i32
          %sign3A_2061 = arith.extui %sign3A_2060 : i1 to i32
          %sign3A_2062 = arith.subi %sign3A_2058, %sign3A_2061 : i32
          %sign3A_2063 = arith.constant 0 : i32
          %sign3A_2064 = arith.cmpi sgt, %jit3A_2054, %sign3A_2063 : i32
          %sign3A_2065 = arith.extui %sign3A_2064 : i1 to i32
          %sign3A_2066 = arith.constant 0 : i32
          %sign3A_2067 = arith.cmpi slt, %jit3A_2054, %sign3A_2066 : i32
          %sign3A_2068 = arith.extui %sign3A_2067 : i1 to i32
          %sign3A_2069 = arith.subi %sign3A_2065, %sign3A_2068 : i32
          %ne3A_2070 = arith.cmpi ne, %sign3A_2062, %sign3A_2069 : i32
          %rem3A_2071 = arith.remsi %add3A_2053, %jit3A_2054 : i32
          %ne3A_2072 = arith.constant 0 : i32
          %ne3A_2073 = arith.cmpi ne, %rem3A_2071, %ne3A_2072 : i32
          %and3A_2074 = arith.andi %ne3A_2070, %ne3A_2073 : i1
          %sub3A_2075 = arith.constant 1 : i32
          %sub3A_2076 = arith.subi %div3A_2055, %sub3A_2075 : i32
          %select_n3A_2077 = arith.select %and3A_2074, %sub3A_2076, %div3A_2055 : i32
          %mul3A_2078 = arith.constant 32 : i32
          %mul3A_2079 = arith.muli %select_n3A_2077, %mul3A_2078 : i32
          %sub3A_2080 = arith.subi %add3A_2053, %mul3A_2079 : i32
          %mul3A_2081 = arith.constant 128 : i32
          %mul3A_2082 = arith.muli %sub3A_2080, %mul3A_2081 : i32
          %dma_start3A_2083 = arith.constant 6 : i32
          %dma_start3A_2084 = arith.constant 6 : i32
          %dma_start3A_2085 = arith.constant 0 : i32
          %dma_start3A_2086 = tpu.memref_slice %arg5[%dma_start3A_2083, %dma_start3A_2085] : memref<8x128xi32, #tpu.memory_space<vmem>> -> memref<1x128xi32, #tpu.memory_space<vmem>>
          %dma_start3A_2087 = tpu.memref_squeeze %dma_start3A_2086 : memref<1x128xi32, #tpu.memory_space<vmem>> -> memref<128xi32, #tpu.memory_space<vmem>>
          %dma_start3A_2088 = tpu.memref_slice %arg2[%select_n3A_2077, %mul3A_2082] : memref<200x4096xi32, #tpu.memory_space<hbm>> -> memref<1x128xi32, #tpu.memory_space<hbm>>
          %dma_start3A_2089 = tpu.memref_squeeze %dma_start3A_2088 : memref<1x128xi32, #tpu.memory_space<hbm>> -> memref<128xi32, #tpu.memory_space<hbm>>
          %dma_start3A_2090 = tpu.memref_slice %arg7[%dma_start3A_2084] : memref<8x!tpu.dma_semaphore, #tpu.memory_space<semaphore_mem>> -> memref<1x!tpu.dma_semaphore, #tpu.memory_space<semaphore_mem>>
          %dma_start3A_2091 = tpu.memref_squeeze %dma_start3A_2090 : memref<1x!tpu.dma_semaphore, #tpu.memory_space<semaphore_mem>> -> memref<!tpu.dma_semaphore, #tpu.memory_space<semaphore_mem>>
          %dma_start3A_2092 = arith.constant 0 : i32
          %dma_start3A_2093 = tpu.memref_slice %arg5[%dma_start3A_2083, %dma_start3A_2092] : memref<8x128xi32, #tpu.memory_space<vmem>> -> memref<1x128xi32, #tpu.memory_space<vmem>>
          %dma_start3A_2094 = tpu.memref_squeeze %dma_start3A_2093 : memref<1x128xi32, #tpu.memory_space<vmem>> -> memref<128xi32, #tpu.memory_space<vmem>>
          %dma_start3A_2095 = tpu.memref_slice %arg2[%select_n3A_2077, %mul3A_2082] : memref<200x4096xi32, #tpu.memory_space<hbm>> -> memref<1x128xi32, #tpu.memory_space<hbm>>
          %dma_start3A_2096 = tpu.memref_squeeze %dma_start3A_2095 : memref<1x128xi32, #tpu.memory_space<hbm>> -> memref<128xi32, #tpu.memory_space<hbm>>
          tpu.enqueue_dma source(%dma_start3A_2096 : memref<128xi32, #tpu.memory_space<hbm>>) target(%dma_start3A_2094 : memref<128xi32, #tpu.memory_space<vmem>>) target_semaphore(%dma_start3A_2091 : memref<!tpu.dma_semaphore, #tpu.memory_space<semaphore_mem>>)
        } else {
        }
      } else {
      }
      %mul3A_1760 = arith.constant 8 : i32
      %mul3A_1761 = arith.muli %scan3A_1426, %mul3A_1760 : i32
      %add3A_1762 = arith.constant 7 : i32
      %add3A_1763 = arith.addi %mul3A_1761, %add3A_1762 : i32
      %dma_wait3A_1764 = arith.constant 7 : i32
      %dma_wait3A_1765 = arith.constant 7 : i32
      %dma_wait3A_1766 = arith.constant 0 : i32
      %dma_wait3A_1767 = arith.constant 0 : i32
      %dma_wait3A_1768 = tpu.memref_slice %arg6[%dma_wait3A_1764, %dma_wait3A_1766, %dma_wait3A_1767] : memref<8x128x64xf32, #tpu.memory_space<vmem>> -> memref<1x128x64xf32, #tpu.memory_space<vmem>>
      %dma_wait3A_1769 = tpu.memref_squeeze %dma_wait3A_1768 : memref<1x128x64xf32, #tpu.memory_space<vmem>> -> memref<128x64xf32, #tpu.memory_space<vmem>>
      %dma_wait3A_1770 = arith.constant 0 : i32
      %dma_wait3A_1771 = arith.constant 0 : i32
      %dma_wait3A_1772 = tpu.memref_slice %arg3[%dma_wait3A_1770, %dma_wait3A_1771] : memref<1001472x64xf32, #tpu.memory_space<hbm>> -> memref<128x64xf32, #tpu.memory_space<hbm>>
      %dma_wait3A_1773 = tpu.memref_slice %arg8[%dma_wait3A_1765] : memref<8x!tpu.dma_semaphore, #tpu.memory_space<semaphore_mem>> -> memref<1x!tpu.dma_semaphore, #tpu.memory_space<semaphore_mem>>
      %dma_wait3A_1774 = tpu.memref_squeeze %dma_wait3A_1773 : memref<1x!tpu.dma_semaphore, #tpu.memory_space<semaphore_mem>> -> memref<!tpu.dma_semaphore, #tpu.memory_space<semaphore_mem>>
      %dma_wait3A_1775 = arith.constant 0 : i32
      %dma_wait3A_1776 = arith.constant 0 : i32
      %dma_wait3A_1777 = tpu.memref_slice %arg6[%dma_wait3A_1764, %dma_wait3A_1775, %dma_wait3A_1776] : memref<8x128x64xf32, #tpu.memory_space<vmem>> -> memref<1x128x64xf32, #tpu.memory_space<vmem>>
      %dma_wait3A_1778 = tpu.memref_squeeze %dma_wait3A_1777 : memref<1x128x64xf32, #tpu.memory_space<vmem>> -> memref<128x64xf32, #tpu.memory_space<vmem>>
      %dma_wait3A_1779 = arith.constant 0 : i32
      %dma_wait3A_1780 = arith.constant 0 : i32
      %dma_wait3A_1781 = tpu.memref_slice %arg3[%dma_wait3A_1779, %dma_wait3A_1780] : memref<1001472x64xf32, #tpu.memory_space<hbm>> -> memref<128x64xf32, #tpu.memory_space<hbm>>
      tpu.wait_dma2 semaphore(%dma_wait3A_1774 : memref<!tpu.dma_semaphore, #tpu.memory_space<semaphore_mem>>) src(%dma_wait3A_1781 : memref<128x64xf32, #tpu.memory_space<hbm>>) dst(%dma_wait3A_1778 : memref<128x64xf32, #tpu.memory_space<vmem>>)
      %add3A_1782 = arith.addi %mul3A_2, %add3A_1763 : i32
      %mul3A_1783 = arith.constant 128 : i32
      %mul3A_1784 = arith.muli %add3A_1782, %mul3A_1783 : i32
      %dma_start3A_1785 = arith.constant 7 : i32
      %dma_start3A_1786 = arith.constant 7 : i32
      %dma_start3A_1787 = arith.constant 0 : i32
      %dma_start3A_1788 = arith.constant 0 : i32
      %dma_start3A_1789 = tpu.memref_slice %arg6[%dma_start3A_1785, %dma_start3A_1787, %dma_start3A_1788] : memref<8x128x64xf32, #tpu.memory_space<vmem>> -> memref<1x128x64xf32, #tpu.memory_space<vmem>>
      %dma_start3A_1790 = tpu.memref_squeeze %dma_start3A_1789 : memref<1x128x64xf32, #tpu.memory_space<vmem>> -> memref<128x64xf32, #tpu.memory_space<vmem>>
      %dma_start3A_1791 = arith.constant 0 : i32
      %dma_start3A_1792 = tpu.memref_slice %arg4[%mul3A_1784, %dma_start3A_1791] : memref<819200x64xf32, #tpu.memory_space<hbm>> -> memref<128x64xf32, #tpu.memory_space<hbm>>
      %dma_start3A_1793 = tpu.memref_slice %arg9[%dma_start3A_1786] : memref<8x!tpu.dma_semaphore, #tpu.memory_space<semaphore_mem>> -> memref<1x!tpu.dma_semaphore, #tpu.memory_space<semaphore_mem>>
      %dma_start3A_1794 = tpu.memref_squeeze %dma_start3A_1793 : memref<1x!tpu.dma_semaphore, #tpu.memory_space<semaphore_mem>> -> memref<!tpu.dma_semaphore, #tpu.memory_space<semaphore_mem>>
      %dma_start3A_1795 = arith.constant 0 : i32
      %dma_start3A_1796 = tpu.memref_slice %arg4[%mul3A_1784, %dma_start3A_1795] : memref<819200x64xf32, #tpu.memory_space<hbm>> -> memref<128x64xf32, #tpu.memory_space<hbm>>
      %dma_start3A_1797 = arith.constant 0 : i32
      %dma_start3A_1798 = arith.constant 0 : i32
      %dma_start3A_1799 = tpu.memref_slice %arg6[%dma_start3A_1785, %dma_start3A_1797, %dma_start3A_1798] : memref<8x128x64xf32, #tpu.memory_space<vmem>> -> memref<1x128x64xf32, #tpu.memory_space<vmem>>
      %dma_start3A_1800 = tpu.memref_squeeze %dma_start3A_1799 : memref<1x128x64xf32, #tpu.memory_space<vmem>> -> memref<128x64xf32, #tpu.memory_space<vmem>>
      tpu.enqueue_dma source(%dma_start3A_1800 : memref<128x64xf32, #tpu.memory_space<vmem>>) target(%dma_start3A_1796 : memref<128x64xf32, #tpu.memory_space<hbm>>) target_semaphore(%dma_start3A_1794 : memref<!tpu.dma_semaphore, #tpu.memory_space<semaphore_mem>>)
      %add3A_1801 = arith.constant 4 : i32
      %add3A_1802 = arith.addi %add3A_1763, %add3A_1801 : i32
      %lt3A_1803 = arith.constant 200 : i32
      %lt3A_1804 = arith.cmpi slt, %add3A_1802, %lt3A_1803 : i32
      %convert_element_type3A_1805 = arith.extui %lt3A_1804 : i1 to i32
      %cond3A_1806 = arith.constant 0 : i32
      %cond3A_1807 = arith.cmpi ne, %convert_element_type3A_1805, %cond3A_1806 : i32
      scf.if %cond3A_1807 {
        %dma_wait3A_1808 = arith.constant 0 : i32
        %dma_wait3A_1809 = arith.constant 3 : i32
        %dma_wait3A_1810 = arith.constant 3 : i32
        %dma_wait3A_1811 = arith.constant 0 : i32
        %dma_wait3A_1812 = tpu.memref_slice %arg5[%dma_wait3A_1809, %dma_wait3A_1811] : memref<8x128xi32, #tpu.memory_space<vmem>> -> memref<1x128xi32, #tpu.memory_space<vmem>>
        %dma_wait3A_1813 = tpu.memref_squeeze %dma_wait3A_1812 : memref<1x128xi32, #tpu.memory_space<vmem>> -> memref<128xi32, #tpu.memory_space<vmem>>
        %dma_wait3A_1814 = arith.constant 0 : i32
        %dma_wait3A_1815 = tpu.memref_slice %arg2[%dma_wait3A_1808, %dma_wait3A_1814] : memref<200x4096xi32, #tpu.memory_space<hbm>> -> memref<1x128xi32, #tpu.memory_space<hbm>>
        %dma_wait3A_1816 = tpu.memref_squeeze %dma_wait3A_1815 : memref<1x128xi32, #tpu.memory_space<hbm>> -> memref<128xi32, #tpu.memory_space<hbm>>
        %dma_wait3A_1817 = tpu.memref_slice %arg7[%dma_wait3A_1810] : memref<8x!tpu.dma_semaphore, #tpu.memory_space<semaphore_mem>> -> memref<1x!tpu.dma_semaphore, #tpu.memory_space<semaphore_mem>>
        %dma_wait3A_1818 = tpu.memref_squeeze %dma_wait3A_1817 : memref<1x!tpu.dma_semaphore, #tpu.memory_space<semaphore_mem>> -> memref<!tpu.dma_semaphore, #tpu.memory_space<semaphore_mem>>
        %dma_wait3A_1819 = arith.constant 0 : i32
        %dma_wait3A_1820 = tpu.memref_slice %arg5[%dma_wait3A_1809, %dma_wait3A_1819] : memref<8x128xi32, #tpu.memory_space<vmem>> -> memref<1x128xi32, #tpu.memory_space<vmem>>
        %dma_wait3A_1821 = tpu.memref_squeeze %dma_wait3A_1820 : memref<1x128xi32, #tpu.memory_space<vmem>> -> memref<128xi32, #tpu.memory_space<vmem>>
        %dma_wait3A_1822 = arith.constant 0 : i32
        %dma_wait3A_1823 = tpu.memref_slice %arg2[%dma_wait3A_1808, %dma_wait3A_1822] : memref<200x4096xi32, #tpu.memory_space<hbm>> -> memref<1x128xi32, #tpu.memory_space<hbm>>
        %dma_wait3A_1824 = tpu.memref_squeeze %dma_wait3A_1823 : memref<1x128xi32, #tpu.memory_space<hbm>> -> memref<128xi32, #tpu.memory_space<hbm>>
        tpu.wait_dma2 semaphore(%dma_wait3A_1818 : memref<!tpu.dma_semaphore, #tpu.memory_space<semaphore_mem>>) src(%dma_wait3A_1824 : memref<128xi32, #tpu.memory_space<hbm>>) dst(%dma_wait3A_1821 : memref<128xi32, #tpu.memory_space<vmem>>)
        %get3A_1825 = arith.constant 3 : i32
        %get3A_1826 = arith.index_cast %get3A_1825 : i32 to index
        %get3A_1827 = arith.constant 0 : index
        %get3A_1828 = tpu.vector_load %arg5[%get3A_1826, %get3A_1827] {strides = array<i32>} : memref<8x128xi32, #tpu.memory_space<vmem>>, vector<16xi32>,
        %and3A_1829 = arith.constant -2048 : i32
        %and3A_1830 = vector.broadcast %and3A_1829 : i32 to vector<16xi32>
        %and3A_1831 = arith.andi %get3A_1828, %and3A_1830 : vector<16xi32>
        %and3A_1832 = arith.constant 1023 : i32
        %and3A_1833 = vector.broadcast %and3A_1832 : i32 to vector<16xi32>
        %and3A_1834 = arith.andi %get3A_1828, %and3A_1833 : vector<16xi32>
        %shift_left3A_1835 = arith.constant 1 : i32
        %shift_left3A_1836 = vector.broadcast %shift_left3A_1835 : i32 to vector<16xi32>
        %shift_left3A_1837 = arith.shli %and3A_1834, %shift_left3A_1836 : vector<16xi32>
        %add3A_1838 = arith.addi %and3A_1831, %shift_left3A_1837 : vector<16xi32>
        %shift_right_arithmetic3A_1839 = arith.constant 10 : i32
        %shift_right_arithmetic3A_1840 = vector.broadcast %shift_right_arithmetic3A_1839 : i32 to vector<16xi32>
        %shift_right_arithmetic3A_1841 = arith.shrsi %get3A_1828, %shift_right_arithmetic3A_1840 : vector<16xi32>
        %and3A_1842 = arith.constant 1 : i32
        %and3A_1843 = vector.broadcast %and3A_1842 : i32 to vector<16xi32>
        %and3A_1844 = arith.andi %shift_right_arithmetic3A_1841, %and3A_1843 : vector<16xi32>
        %add3A_1845 = arith.addi %add3A_1838, %and3A_1844 : vector<16xi32>
        %swap3A_1846 = arith.constant 3 : i32
        %swap3A_1847 = arith.index_cast %swap3A_1846 : i32 to index
        %swap3A_1848 = arith.constant 0 : index
        %swap3A_1849 = tpu.vector_load %arg5[%swap3A_1847, %swap3A_1848] {strides = array<i32>} : memref<8x128xi32, #tpu.memory_space<vmem>>, vector<16xi32>,
        tpu.vector_store %arg5[%swap3A_1847, %swap3A_1848], %add3A_1845 {strides = array<i32>} : memref<8x128xi32, #tpu.memory_space<vmem>>, vector<16xi32>,
        %get3A_1850 = arith.constant 3 : i32
        %get3A_1851 = arith.index_cast %get3A_1850 : i32 to index
        %get3A_1852 = arith.constant 16 : index
        %get3A_1853 = tpu.vector_load %arg5[%get3A_1851, %get3A_1852] {strides = array<i32>} : memref<8x128xi32, #tpu.memory_space<vmem>>, vector<16xi32>,
        %and3A_1854 = arith.constant -2048 : i32
        %and3A_1855 = vector.broadcast %and3A_1854 : i32 to vector<16xi32>
        %and3A_1856 = arith.andi %get3A_1853, %and3A_1855 : vector<16xi32>
        %and3A_1857 = arith.constant 1023 : i32
        %and3A_1858 = vector.broadcast %and3A_1857 : i32 to vector<16xi32>
        %and3A_1859 = arith.andi %get3A_1853, %and3A_1858 : vector<16xi32>
        %shift_left3A_1860 = arith.constant 1 : i32
        %shift_left3A_1861 = vector.broadcast %shift_left3A_1860 : i32 to vector<16xi32>
        %shift_left3A_1862 = arith.shli %and3A_1859, %shift_left3A_1861 : vector<16xi32>
        %add3A_1863 = arith.addi %and3A_1856, %shift_left3A_1862 : vector<16xi32>
        %shift_right_arithmetic3A_1864 = arith.constant 10 : i32
        %shift_right_arithmetic3A_1865 = vector.broadcast %shift_right_arithmetic3A_1864 : i32 to vector<16xi32>
        %shift_right_arithmetic3A_1866 = arith.shrsi %get3A_1853, %shift_right_arithmetic3A_1865 : vector<16xi32>
        %and3A_1867 = arith.constant 1 : i32
        %and3A_1868 = vector.broadcast %and3A_1867 : i32 to vector<16xi32>
        %and3A_1869 = arith.andi %shift_right_arithmetic3A_1866, %and3A_1868 : vector<16xi32>
        %add3A_1870 = arith.addi %add3A_1863, %and3A_1869 : vector<16xi32>
        %swap3A_1871 = arith.constant 3 : i32
        %swap3A_1872 = arith.index_cast %swap3A_1871 : i32 to index
        %swap3A_1873 = arith.constant 16 : index
        %swap3A_1874 = tpu.vector_load %arg5[%swap3A_1872, %swap3A_1873] {strides = array<i32>} : memref<8x128xi32, #tpu.memory_space<vmem>>, vector<16xi32>,
        tpu.vector_store %arg5[%swap3A_1872, %swap3A_1873], %add3A_1870 {strides = array<i32>} : memref<8x128xi32, #tpu.memory_space<vmem>>, vector<16xi32>,
        %get3A_1875 = arith.constant 3 : i32
        %get3A_1876 = arith.index_cast %get3A_1875 : i32 to index
        %get3A_1877 = arith.constant 32 : index
        %get3A_1878 = tpu.vector_load %arg5[%get3A_1876, %get3A_1877] {strides = array<i32>} : memref<8x128xi32, #tpu.memory_space<vmem>>, vector<16xi32>,
        %and3A_1879 = arith.constant -2048 : i32
        %and3A_1880 = vector.broadcast %and3A_1879 : i32 to vector<16xi32>
        %and3A_1881 = arith.andi %get3A_1878, %and3A_1880 : vector<16xi32>
        %and3A_1882 = arith.constant 1023 : i32
        %and3A_1883 = vector.broadcast %and3A_1882 : i32 to vector<16xi32>
        %and3A_1884 = arith.andi %get3A_1878, %and3A_1883 : vector<16xi32>
        %shift_left3A_1885 = arith.constant 1 : i32
        %shift_left3A_1886 = vector.broadcast %shift_left3A_1885 : i32 to vector<16xi32>
        %shift_left3A_1887 = arith.shli %and3A_1884, %shift_left3A_1886 : vector<16xi32>
        %add3A_1888 = arith.addi %and3A_1881, %shift_left3A_1887 : vector<16xi32>
        %shift_right_arithmetic3A_1889 = arith.constant 10 : i32
        %shift_right_arithmetic3A_1890 = vector.broadcast %shift_right_arithmetic3A_1889 : i32 to vector<16xi32>
        %shift_right_arithmetic3A_1891 = arith.shrsi %get3A_1878, %shift_right_arithmetic3A_1890 : vector<16xi32>
        %and3A_1892 = arith.constant 1 : i32
        %and3A_1893 = vector.broadcast %and3A_1892 : i32 to vector<16xi32>
        %and3A_1894 = arith.andi %shift_right_arithmetic3A_1891, %and3A_1893 : vector<16xi32>
        %add3A_1895 = arith.addi %add3A_1888, %and3A_1894 : vector<16xi32>
        %swap3A_1896 = arith.constant 3 : i32
        %swap3A_1897 = arith.index_cast %swap3A_1896 : i32 to index
        %swap3A_1898 = arith.constant 32 : index
        %swap3A_1899 = tpu.vector_load %arg5[%swap3A_1897, %swap3A_1898] {strides = array<i32>} : memref<8x128xi32, #tpu.memory_space<vmem>>, vector<16xi32>,
        tpu.vector_store %arg5[%swap3A_1897, %swap3A_1898], %add3A_1895 {strides = array<i32>} : memref<8x128xi32, #tpu.memory_space<vmem>>, vector<16xi32>,
        %get3A_1900 = arith.constant 3 : i32
        %get3A_1901 = arith.index_cast %get3A_1900 : i32 to index
        %get3A_1902 = arith.constant 48 : index
        %get3A_1903 = tpu.vector_load %arg5[%get3A_1901, %get3A_1902] {strides = array<i32>} : memref<8x128xi32, #tpu.memory_space<vmem>>, vector<16xi32>,
        %and3A_1904 = arith.constant -2048 : i32
        %and3A_1905 = vector.broadcast %and3A_1904 : i32 to vector<16xi32>
        %and3A_1906 = arith.andi %get3A_1903, %and3A_1905 : vector<16xi32>
        %and3A_1907 = arith.constant 1023 : i32
        %and3A_1908 = vector.broadcast %and3A_1907 : i32 to vector<16xi32>
        %and3A_1909 = arith.andi %get3A_1903, %and3A_1908 : vector<16xi32>
        %shift_left3A_1910 = arith.constant 1 : i32
        %shift_left3A_1911 = vector.broadcast %shift_left3A_1910 : i32 to vector<16xi32>
        %shift_left3A_1912 = arith.shli %and3A_1909, %shift_left3A_1911 : vector<16xi32>
        %add3A_1913 = arith.addi %and3A_1906, %shift_left3A_1912 : vector<16xi32>
        %shift_right_arithmetic3A_1914 = arith.constant 10 : i32
        %shift_right_arithmetic3A_1915 = vector.broadcast %shift_right_arithmetic3A_1914 : i32 to vector<16xi32>
        %shift_right_arithmetic3A_1916 = arith.shrsi %get3A_1903, %shift_right_arithmetic3A_1915 : vector<16xi32>
        %and3A_1917 = arith.constant 1 : i32
        %and3A_1918 = vector.broadcast %and3A_1917 : i32 to vector<16xi32>
        %and3A_1919 = arith.andi %shift_right_arithmetic3A_1916, %and3A_1918 : vector<16xi32>
        %add3A_1920 = arith.addi %add3A_1913, %and3A_1919 : vector<16xi32>
        %swap3A_1921 = arith.constant 3 : i32
        %swap3A_1922 = arith.index_cast %swap3A_1921 : i32 to index
        %swap3A_1923 = arith.constant 48 : index
        %swap3A_1924 = tpu.vector_load %arg5[%swap3A_1922, %swap3A_1923] {strides = array<i32>} : memref<8x128xi32, #tpu.memory_space<vmem>>, vector<16xi32>,
        tpu.vector_store %arg5[%swap3A_1922, %swap3A_1923], %add3A_1920 {strides = array<i32>} : memref<8x128xi32, #tpu.memory_space<vmem>>, vector<16xi32>,
        %get3A_1925 = arith.constant 3 : i32
        %get3A_1926 = arith.index_cast %get3A_1925 : i32 to index
        %get3A_1927 = arith.constant 64 : index
        %get3A_1928 = tpu.vector_load %arg5[%get3A_1926, %get3A_1927] {strides = array<i32>} : memref<8x128xi32, #tpu.memory_space<vmem>>, vector<16xi32>,
        %and3A_1929 = arith.constant -2048 : i32
        %and3A_1930 = vector.broadcast %and3A_1929 : i32 to vector<16xi32>
        %and3A_1931 = arith.andi %get3A_1928, %and3A_1930 : vector<16xi32>
        %and3A_1932 = arith.constant 1023 : i32
        %and3A_1933 = vector.broadcast %and3A_1932 : i32 to vector<16xi32>
        %and3A_1934 = arith.andi %get3A_1928, %and3A_1933 : vector<16xi32>
        %shift_left3A_1935 = arith.constant 1 : i32
        %shift_left3A_1936 = vector.broadcast %shift_left3A_1935 : i32 to vector<16xi32>
        %shift_left3A_1937 = arith.shli %and3A_1934, %shift_left3A_1936 : vector<16xi32>
        %add3A_1938 = arith.addi %and3A_1931, %shift_left3A_1937 : vector<16xi32>
        %shift_right_arithmetic3A_1939 = arith.constant 10 : i32
        %shift_right_arithmetic3A_1940 = vector.broadcast %shift_right_arithmetic3A_1939 : i32 to vector<16xi32>
        %shift_right_arithmetic3A_1941 = arith.shrsi %get3A_1928, %shift_right_arithmetic3A_1940 : vector<16xi32>
        %and3A_1942 = arith.constant 1 : i32
        %and3A_1943 = vector.broadcast %and3A_1942 : i32 to vector<16xi32>
        %and3A_1944 = arith.andi %shift_right_arithmetic3A_1941, %and3A_1943 : vector<16xi32>
        %add3A_1945 = arith.addi %add3A_1938, %and3A_1944 : vector<16xi32>
        %swap3A_1946 = arith.constant 3 : i32
        %swap3A_1947 = arith.index_cast %swap3A_1946 : i32 to index
        %swap3A_1948 = arith.constant 64 : index
        %swap3A_1949 = tpu.vector_load %arg5[%swap3A_1947, %swap3A_1948] {strides = array<i32>} : memref<8x128xi32, #tpu.memory_space<vmem>>, vector<16xi32>,
        tpu.vector_store %arg5[%swap3A_1947, %swap3A_1948], %add3A_1945 {strides = array<i32>} : memref<8x128xi32, #tpu.memory_space<vmem>>, vector<16xi32>,
        %get3A_1950 = arith.constant 3 : i32
        %get3A_1951 = arith.index_cast %get3A_1950 : i32 to index
        %get3A_1952 = arith.constant 80 : index
        %get3A_1953 = tpu.vector_load %arg5[%get3A_1951, %get3A_1952] {strides = array<i32>} : memref<8x128xi32, #tpu.memory_space<vmem>>, vector<16xi32>,
        %and3A_1954 = arith.constant -2048 : i32
        %and3A_1955 = vector.broadcast %and3A_1954 : i32 to vector<16xi32>
        %and3A_1956 = arith.andi %get3A_1953, %and3A_1955 : vector<16xi32>
        %and3A_1957 = arith.constant 1023 : i32
        %and3A_1958 = vector.broadcast %and3A_1957 : i32 to vector<16xi32>
        %and3A_1959 = arith.andi %get3A_1953, %and3A_1958 : vector<16xi32>
        %shift_left3A_1960 = arith.constant 1 : i32
        %shift_left3A_1961 = vector.broadcast %shift_left3A_1960 : i32 to vector<16xi32>
        %shift_left3A_1962 = arith.shli %and3A_1959, %shift_left3A_1961 : vector<16xi32>
        %add3A_1963 = arith.addi %and3A_1956, %shift_left3A_1962 : vector<16xi32>
        %shift_right_arithmetic3A_1964 = arith.constant 10 : i32
        %shift_right_arithmetic3A_1965 = vector.broadcast %shift_right_arithmetic3A_1964 : i32 to vector<16xi32>
        %shift_right_arithmetic3A_1966 = arith.shrsi %get3A_1953, %shift_right_arithmetic3A_1965 : vector<16xi32>
        %and3A_1967 = arith.constant 1 : i32
        %and3A_1968 = vector.broadcast %and3A_1967 : i32 to vector<16xi32>
        %and3A_1969 = arith.andi %shift_right_arithmetic3A_1966, %and3A_1968 : vector<16xi32>
        %add3A_1970 = arith.addi %add3A_1963, %and3A_1969 : vector<16xi32>
        %swap3A_1971 = arith.constant 3 : i32
        %swap3A_1972 = arith.index_cast %swap3A_1971 : i32 to index
        %swap3A_1973 = arith.constant 80 : index
        %swap3A_1974 = tpu.vector_load %arg5[%swap3A_1972, %swap3A_1973] {strides = array<i32>} : memref<8x128xi32, #tpu.memory_space<vmem>>, vector<16xi32>,
        tpu.vector_store %arg5[%swap3A_1972, %swap3A_1973], %add3A_1970 {strides = array<i32>} : memref<8x128xi32, #tpu.memory_space<vmem>>, vector<16xi32>,
        %get3A_1975 = arith.constant 3 : i32
        %get3A_1976 = arith.index_cast %get3A_1975 : i32 to index
        %get3A_1977 = arith.constant 96 : index
        %get3A_1978 = tpu.vector_load %arg5[%get3A_1976, %get3A_1977] {strides = array<i32>} : memref<8x128xi32, #tpu.memory_space<vmem>>, vector<16xi32>,
        %and3A_1979 = arith.constant -2048 : i32
        %and3A_1980 = vector.broadcast %and3A_1979 : i32 to vector<16xi32>
        %and3A_1981 = arith.andi %get3A_1978, %and3A_1980 : vector<16xi32>
        %and3A_1982 = arith.constant 1023 : i32
        %and3A_1983 = vector.broadcast %and3A_1982 : i32 to vector<16xi32>
        %and3A_1984 = arith.andi %get3A_1978, %and3A_1983 : vector<16xi32>
        %shift_left3A_1985 = arith.constant 1 : i32
        %shift_left3A_1986 = vector.broadcast %shift_left3A_1985 : i32 to vector<16xi32>
        %shift_left3A_1987 = arith.shli %and3A_1984, %shift_left3A_1986 : vector<16xi32>
        %add3A_1988 = arith.addi %and3A_1981, %shift_left3A_1987 : vector<16xi32>
        %shift_right_arithmetic3A_1989 = arith.constant 10 : i32
        %shift_right_arithmetic3A_1990 = vector.broadcast %shift_right_arithmetic3A_1989 : i32 to vector<16xi32>
        %shift_right_arithmetic3A_1991 = arith.shrsi %get3A_1978, %shift_right_arithmetic3A_1990 : vector<16xi32>
        %and3A_1992 = arith.constant 1 : i32
        %and3A_1993 = vector.broadcast %and3A_1992 : i32 to vector<16xi32>
        %and3A_1994 = arith.andi %shift_right_arithmetic3A_1991, %and3A_1993 : vector<16xi32>
        %add3A_1995 = arith.addi %add3A_1988, %and3A_1994 : vector<16xi32>
        %swap3A_1996 = arith.constant 3 : i32
        %swap3A_1997 = arith.index_cast %swap3A_1996 : i32 to index
        %swap3A_1998 = arith.constant 96 : index
        %swap3A_1999 = tpu.vector_load %arg5[%swap3A_1997, %swap3A_1998] {strides = array<i32>} : memref<8x128xi32, #tpu.memory_space<vmem>>, vector<16xi32>,
        tpu.vector_store %arg5[%swap3A_1997, %swap3A_1998], %add3A_1995 {strides = array<i32>} : memref<8x128xi32, #tpu.memory_space<vmem>>, vector<16xi32>,
        %get3A_2000 = arith.constant 3 : i32
        %get3A_2001 = arith.index_cast %get3A_2000 : i32 to index
        %get3A_2002 = arith.constant 112 : index
        %get3A_2003 = tpu.vector_load %arg5[%get3A_2001, %get3A_2002] {strides = array<i32>} : memref<8x128xi32, #tpu.memory_space<vmem>>, vector<16xi32>,
        %and3A_2004 = arith.constant -2048 : i32
        %and3A_2005 = vector.broadcast %and3A_2004 : i32 to vector<16xi32>
        %and3A_2006 = arith.andi %get3A_2003, %and3A_2005 : vector<16xi32>
        %and3A_2007 = arith.constant 1023 : i32
        %and3A_2008 = vector.broadcast %and3A_2007 : i32 to vector<16xi32>
        %and3A_2009 = arith.andi %get3A_2003, %and3A_2008 : vector<16xi32>
        %shift_left3A_2010 = arith.constant 1 : i32
        %shift_left3A_2011 = vector.broadcast %shift_left3A_2010 : i32 to vector<16xi32>
        %shift_left3A_2012 = arith.shli %and3A_2009, %shift_left3A_2011 : vector<16xi32>
        %add3A_2013 = arith.addi %and3A_2006, %shift_left3A_2012 : vector<16xi32>
        %shift_right_arithmetic3A_2014 = arith.constant 10 : i32
        %shift_right_arithmetic3A_2015 = vector.broadcast %shift_right_arithmetic3A_2014 : i32 to vector<16xi32>
        %shift_right_arithmetic3A_2016 = arith.shrsi %get3A_2003, %shift_right_arithmetic3A_2015 : vector<16xi32>
        %and3A_2017 = arith.constant 1 : i32
        %and3A_2018 = vector.broadcast %and3A_2017 : i32 to vector<16xi32>
        %and3A_2019 = arith.andi %shift_right_arithmetic3A_2016, %and3A_2018 : vector<16xi32>
        %add3A_2020 = arith.addi %add3A_2013, %and3A_2019 : vector<16xi32>
        %swap3A_2021 = arith.constant 3 : i32
        %swap3A_2022 = arith.index_cast %swap3A_2021 : i32 to index
        %swap3A_2023 = arith.constant 112 : index
        %swap3A_2024 = tpu.vector_load %arg5[%swap3A_2022, %swap3A_2023] {strides = array<i32>} : memref<8x128xi32, #tpu.memory_space<vmem>>, vector<16xi32>,
        tpu.vector_store %arg5[%swap3A_2022, %swap3A_2023], %add3A_2020 {strides = array<i32>} : memref<8x128xi32, #tpu.memory_space<vmem>>, vector<16xi32>,
        %ge3A = arith.constant 8 : i32
        %ge3A_2025 = arith.cmpi sge, %add3A_1802, %ge3A : i32
        %convert_element_type3A_2026 = arith.extui %ge3A_2025 : i1 to i32
        %cond3A_2027 = arith.constant 0 : i32
        %cond3A_2028 = arith.cmpi ne, %convert_element_type3A_2026, %cond3A_2027 : i32
        scf.if %cond3A_2028 {
          %dma_wait3A_2051 = arith.constant 3 : i32
          %dma_wait3A_2052 = arith.constant 3 : i32
          %dma_wait3A_2053 = arith.constant 0 : i32
          %dma_wait3A_2054 = arith.constant 0 : i32
          %dma_wait3A_2055 = tpu.memref_slice %arg6[%dma_wait3A_2051, %dma_wait3A_2053, %dma_wait3A_2054] : memref<8x128x64xf32, #tpu.memory_space<vmem>> -> memref<1x128x64xf32, #tpu.memory_space<vmem>>
          %dma_wait3A_2056 = tpu.memref_squeeze %dma_wait3A_2055 : memref<1x128x64xf32, #tpu.memory_space<vmem>> -> memref<128x64xf32, #tpu.memory_space<vmem>>
          %dma_wait3A_2057 = arith.constant 0 : i32
          %dma_wait3A_2058 = arith.constant 0 : i32
          %dma_wait3A_2059 = tpu.memref_slice %arg4[%dma_wait3A_2057, %dma_wait3A_2058] : memref<819200x64xf32, #tpu.memory_space<hbm>> -> memref<128x64xf32, #tpu.memory_space<hbm>>
          %dma_wait3A_2060 = tpu.memref_slice %arg9[%dma_wait3A_2052] : memref<8x!tpu.dma_semaphore, #tpu.memory_space<semaphore_mem>> -> memref<1x!tpu.dma_semaphore, #tpu.memory_space<semaphore_mem>>
          %dma_wait3A_2061 = tpu.memref_squeeze %dma_wait3A_2060 : memref<1x!tpu.dma_semaphore, #tpu.memory_space<semaphore_mem>> -> memref<!tpu.dma_semaphore, #tpu.memory_space<semaphore_mem>>
          %dma_wait3A_2062 = arith.constant 0 : i32
          %dma_wait3A_2063 = arith.constant 0 : i32
          %dma_wait3A_2064 = tpu.memref_slice %arg4[%dma_wait3A_2062, %dma_wait3A_2063] : memref<819200x64xf32, #tpu.memory_space<hbm>> -> memref<128x64xf32, #tpu.memory_space<hbm>>
          %dma_wait3A_2065 = arith.constant 0 : i32
          %dma_wait3A_2066 = arith.constant 0 : i32
          %dma_wait3A_2067 = tpu.memref_slice %arg6[%dma_wait3A_2051, %dma_wait3A_2065, %dma_wait3A_2066] : memref<8x128x64xf32, #tpu.memory_space<vmem>> -> memref<1x128x64xf32, #tpu.memory_space<vmem>>
          %dma_wait3A_2068 = tpu.memref_squeeze %dma_wait3A_2067 : memref<1x128x64xf32, #tpu.memory_space<vmem>> -> memref<128x64xf32, #tpu.memory_space<vmem>>
          tpu.wait_dma2 semaphore(%dma_wait3A_2061 : memref<!tpu.dma_semaphore, #tpu.memory_space<semaphore_mem>>) src(%dma_wait3A_2068 : memref<128x64xf32, #tpu.memory_space<vmem>>) dst(%dma_wait3A_2064 : memref<128x64xf32, #tpu.memory_space<hbm>>)
        } else {
        }
        %dma_start3A_2029 = arith.constant 3 : i32
        %dma_start3A_2030 = arith.constant 3 : i32
        %dma_start3A_2031 = arith.constant 3 : i32
        %dma_start3A_2032 = arith.constant 0 : i32
        %dma_start3A_2033 = arith.constant 0 : i32
        %dma_start3A_2034 = tpu.memref_slice %arg6[%dma_start3A_2030, %dma_start3A_2032, %dma_start3A_2033] : memref<8x128x64xf32, #tpu.memory_space<vmem>> -> memref<1x128x64xf32, #tpu.memory_space<vmem>>
        %dma_start3A_2035 = tpu.memref_squeeze %dma_start3A_2034 : memref<1x128x64xf32, #tpu.memory_space<vmem>> -> memref<128x64xf32, #tpu.memory_space<vmem>>
        %dma_start3A_2036 = arith.constant 0 : i32
        %dma_start3A_2037 = tpu.memref_slice %arg5[%dma_start3A_2029, %dma_start3A_2036] : memref<8x128xi32, #tpu.memory_space<vmem>> -> memref<1x128xi32, #tpu.memory_space<vmem>>
        %dma_start3A_2038 = tpu.memref_squeeze %dma_start3A_2037 : memref<1x128xi32, #tpu.memory_space<vmem>> -> memref<128xi32, #tpu.memory_space<vmem>>
        %dma_start3A_2039 = arith.constant 0 : i32
        %dma_start3A_2040 = arith.constant 0 : i32
        %dma_start3A_2041 = tpu.memref_slice %arg3[%dma_start3A_2039, %dma_start3A_2040] : memref<1001472x64xf32, #tpu.memory_space<hbm>> -> memref<1001472x64xf32, #tpu.memory_space<hbm>>
        %dma_start3A_2042 = tpu.memref_slice %arg8[%dma_start3A_2031] : memref<8x!tpu.dma_semaphore, #tpu.memory_space<semaphore_mem>> -> memref<1x!tpu.dma_semaphore, #tpu.memory_space<semaphore_mem>>
        %dma_start3A_2043 = tpu.memref_squeeze %dma_start3A_2042 : memref<1x!tpu.dma_semaphore, #tpu.memory_space<semaphore_mem>> -> memref<!tpu.dma_semaphore, #tpu.memory_space<semaphore_mem>>
        tpu.enqueue_indirect_dma source(%dma_start3A_2041 : memref<1001472x64xf32, #tpu.memory_space<hbm>>) target(%dma_start3A_2035 : memref<128x64xf32, #tpu.memory_space<vmem>>) offsets(%dma_start3A_2038 : memref<128xi32, #tpu.memory_space<vmem>>) semaphore(%dma_start3A_2043 : memref<!tpu.dma_semaphore, #tpu.memory_space<semaphore_mem>>)
        %add3A_2044 = arith.constant 4 : i32
        %add3A_2045 = arith.addi %add3A_1802, %add3A_2044 : i32
        %lt3A_2046 = arith.constant 200 : i32
        %lt3A_2047 = arith.cmpi slt, %add3A_2045, %lt3A_2046 : i32
        %convert_element_type3A_2048 = arith.extui %lt3A_2047 : i1 to i32
        %cond3A_2049 = arith.constant 0 : i32
        %cond3A_2050 = arith.cmpi ne, %convert_element_type3A_2048, %cond3A_2049 : i32
        scf.if %cond3A_2050 {
          %add3A_2051 = arith.addi %mul3A_2, %add3A_1802 : i32
          %add3A_2052 = arith.constant 4 : i32
          %add3A_2053 = arith.addi %add3A_2051, %add3A_2052 : i32
          %jit3A_2054 = arith.constant 32 : i32
          %div3A_2055 = arith.divsi %add3A_2053, %jit3A_2054 : i32
          %sign3A_2056 = arith.constant 0 : i32
          %sign3A_2057 = arith.cmpi sgt, %add3A_2053, %sign3A_2056 : i32
          %sign3A_2058 = arith.extui %sign3A_2057 : i1 to i32
          %sign3A_2059 = arith.constant 0 : i32
          %sign3A_2060 = arith.cmpi slt, %add3A_2053, %sign3A_2059 : i32
          %sign3A_2061 = arith.extui %sign3A_2060 : i1 to i32
          %sign3A_2062 = arith.subi %sign3A_2058, %sign3A_2061 : i32
          %sign3A_2063 = arith.constant 0 : i32
          %sign3A_2064 = arith.cmpi sgt, %jit3A_2054, %sign3A_2063 : i32
          %sign3A_2065 = arith.extui %sign3A_2064 : i1 to i32
          %sign3A_2066 = arith.constant 0 : i32
          %sign3A_2067 = arith.cmpi slt, %jit3A_2054, %sign3A_2066 : i32
          %sign3A_2068 = arith.extui %sign3A_2067 : i1 to i32
          %sign3A_2069 = arith.subi %sign3A_2065, %sign3A_2068 : i32
          %ne3A_2070 = arith.cmpi ne, %sign3A_2062, %sign3A_2069 : i32
          %rem3A_2071 = arith.remsi %add3A_2053, %jit3A_2054 : i32
          %ne3A_2072 = arith.constant 0 : i32
          %ne3A_2073 = arith.cmpi ne, %rem3A_2071, %ne3A_2072 : i32
          %and3A_2074 = arith.andi %ne3A_2070, %ne3A_2073 : i1
          %sub3A_2075 = arith.constant 1 : i32
          %sub3A_2076 = arith.subi %div3A_2055, %sub3A_2075 : i32
          %select_n3A_2077 = arith.select %and3A_2074, %sub3A_2076, %div3A_2055 : i32
          %mul3A_2078 = arith.constant 32 : i32
          %mul3A_2079 = arith.muli %select_n3A_2077, %mul3A_2078 : i32
          %sub3A_2080 = arith.subi %add3A_2053, %mul3A_2079 : i32
          %mul3A_2081 = arith.constant 128 : i32
          %mul3A_2082 = arith.muli %sub3A_2080, %mul3A_2081 : i32
          %dma_start3A_2083 = arith.constant 7 : i32
          %dma_start3A_2084 = arith.constant 7 : i32
          %dma_start3A_2085 = arith.constant 0 : i32
          %dma_start3A_2086 = tpu.memref_slice %arg5[%dma_start3A_2083, %dma_start3A_2085] : memref<8x128xi32, #tpu.memory_space<vmem>> -> memref<1x128xi32, #tpu.memory_space<vmem>>
          %dma_start3A_2087 = tpu.memref_squeeze %dma_start3A_2086 : memref<1x128xi32, #tpu.memory_space<vmem>> -> memref<128xi32, #tpu.memory_space<vmem>>
          %dma_start3A_2088 = tpu.memref_slice %arg2[%select_n3A_2077, %mul3A_2082] : memref<200x4096xi32, #tpu.memory_space<hbm>> -> memref<1x128xi32, #tpu.memory_space<hbm>>
          %dma_start3A_2089 = tpu.memref_squeeze %dma_start3A_2088 : memref<1x128xi32, #tpu.memory_space<hbm>> -> memref<128xi32, #tpu.memory_space<hbm>>
          %dma_start3A_2090 = tpu.memref_slice %arg7[%dma_start3A_2084] : memref<8x!tpu.dma_semaphore, #tpu.memory_space<semaphore_mem>> -> memref<1x!tpu.dma_semaphore, #tpu.memory_space<semaphore_mem>>
          %dma_start3A_2091 = tpu.memref_squeeze %dma_start3A_2090 : memref<1x!tpu.dma_semaphore, #tpu.memory_space<semaphore_mem>> -> memref<!tpu.dma_semaphore, #tpu.memory_space<semaphore_mem>>
          %dma_start3A_2092 = arith.constant 0 : i32
          %dma_start3A_2093 = tpu.memref_slice %arg5[%dma_start3A_2083, %dma_start3A_2092] : memref<8x128xi32, #tpu.memory_space<vmem>> -> memref<1x128xi32, #tpu.memory_space<vmem>>
          %dma_start3A_2094 = tpu.memref_squeeze %dma_start3A_2093 : memref<1x128xi32, #tpu.memory_space<vmem>> -> memref<128xi32, #tpu.memory_space<vmem>>
          %dma_start3A_2095 = tpu.memref_slice %arg2[%select_n3A_2077, %mul3A_2082] : memref<200x4096xi32, #tpu.memory_space<hbm>> -> memref<1x128xi32, #tpu.memory_space<hbm>>
          %dma_start3A_2096 = tpu.memref_squeeze %dma_start3A_2095 : memref<1x128xi32, #tpu.memory_space<hbm>> -> memref<128xi32, #tpu.memory_space<hbm>>
          tpu.enqueue_dma source(%dma_start3A_2096 : memref<128xi32, #tpu.memory_space<hbm>>) target(%dma_start3A_2094 : memref<128xi32, #tpu.memory_space<vmem>>) target_semaphore(%dma_start3A_2091 : memref<!tpu.dma_semaphore, #tpu.memory_space<semaphore_mem>>)
        } else {
        }
      } else {
      }
    }
    %scan3A_1281 = arith.constant 25 : i32
    %dma_wait3A_1282 = arith.constant 0 : i32
    %dma_wait3A_1283 = arith.constant 0 : i32
    %dma_wait3A_1284 = arith.constant 0 : i32
    %dma_wait3A_1285 = arith.constant 0 : i32
    %dma_wait3A_1286 = tpu.memref_slice %arg6[%dma_wait3A_1282, %dma_wait3A_1284, %dma_wait3A_1285] : memref<8x128x64xf32, #tpu.memory_space<vmem>> -> memref<1x128x64xf32, #tpu.memory_space<vmem>>
    %dma_wait3A_1287 = tpu.memref_squeeze %dma_wait3A_1286 : memref<1x128x64xf32, #tpu.memory_space<vmem>> -> memref<128x64xf32, #tpu.memory_space<vmem>>
    %dma_wait3A_1288 = arith.constant 0 : i32
    %dma_wait3A_1289 = arith.constant 0 : i32
    %dma_wait3A_1290 = tpu.memref_slice %arg4[%dma_wait3A_1288, %dma_wait3A_1289] : memref<819200x64xf32, #tpu.memory_space<hbm>> -> memref<128x64xf32, #tpu.memory_space<hbm>>
    %dma_wait3A_1291 = tpu.memref_slice %arg9[%dma_wait3A_1283] : memref<8x!tpu.dma_semaphore, #tpu.memory_space<semaphore_mem>> -> memref<1x!tpu.dma_semaphore, #tpu.memory_space<semaphore_mem>>
    %dma_wait3A_1292 = tpu.memref_squeeze %dma_wait3A_1291 : memref<1x!tpu.dma_semaphore, #tpu.memory_space<semaphore_mem>> -> memref<!tpu.dma_semaphore, #tpu.memory_space<semaphore_mem>>
    %dma_wait3A_1293 = arith.constant 0 : i32
    %dma_wait3A_1294 = arith.constant 0 : i32
    %dma_wait3A_1295 = tpu.memref_slice %arg4[%dma_wait3A_1293, %dma_wait3A_1294] : memref<819200x64xf32, #tpu.memory_space<hbm>> -> memref<128x64xf32, #tpu.memory_space<hbm>>
    %dma_wait3A_1296 = arith.constant 0 : i32
    %dma_wait3A_1297 = arith.constant 0 : i32
    %dma_wait3A_1298 = tpu.memref_slice %arg6[%dma_wait3A_1282, %dma_wait3A_1296, %dma_wait3A_1297] : memref<8x128x64xf32, #tpu.memory_space<vmem>> -> memref<1x128x64xf32, #tpu.memory_space<vmem>>
    %dma_wait3A_1299 = tpu.memref_squeeze %dma_wait3A_1298 : memref<1x128x64xf32, #tpu.memory_space<vmem>> -> memref<128x64xf32, #tpu.memory_space<vmem>>
    tpu.wait_dma2 semaphore(%dma_wait3A_1292 : memref<!tpu.dma_semaphore, #tpu.memory_space<semaphore_mem>>) src(%dma_wait3A_1299 : memref<128x64xf32, #tpu.memory_space<vmem>>) dst(%dma_wait3A_1295 : memref<128x64xf32, #tpu.memory_space<hbm>>)
    %dma_wait3A_1300 = arith.constant 1 : i32
    %dma_wait3A_1301 = arith.constant 1 : i32
    %dma_wait3A_1302 = arith.constant 0 : i32
    %dma_wait3A_1303 = arith.constant 0 : i32
    %dma_wait3A_1304 = tpu.memref_slice %arg6[%dma_wait3A_1300, %dma_wait3A_1302, %dma_wait3A_1303] : memref<8x128x64xf32, #tpu.memory_space<vmem>> -> memref<1x128x64xf32, #tpu.memory_space<vmem>>
    %dma_wait3A_1305 = tpu.memref_squeeze %dma_wait3A_1304 : memref<1x128x64xf32, #tpu.memory_space<vmem>> -> memref<128x64xf32, #tpu.memory_space<vmem>>
    %dma_wait3A_1306 = arith.constant 0 : i32
    %dma_wait3A_1307 = arith.constant 0 : i32
    %dma_wait3A_1308 = tpu.memref_slice %arg4[%dma_wait3A_1306, %dma_wait3A_1307] : memref<819200x64xf32, #tpu.memory_space<hbm>> -> memref<128x64xf32, #tpu.memory_space<hbm>>
    %dma_wait3A_1309 = tpu.memref_slice %arg9[%dma_wait3A_1301] : memref<8x!tpu.dma_semaphore, #tpu.memory_space<semaphore_mem>> -> memref<1x!tpu.dma_semaphore, #tpu.memory_space<semaphore_mem>>
    %dma_wait3A_1310 = tpu.memref_squeeze %dma_wait3A_1309 : memref<1x!tpu.dma_semaphore, #tpu.memory_space<semaphore_mem>> -> memref<!tpu.dma_semaphore, #tpu.memory_space<semaphore_mem>>
    %dma_wait3A_1311 = arith.constant 0 : i32
    %dma_wait3A_1312 = arith.constant 0 : i32
    %dma_wait3A_1313 = tpu.memref_slice %arg4[%dma_wait3A_1311, %dma_wait3A_1312] : memref<819200x64xf32, #tpu.memory_space<hbm>> -> memref<128x64xf32, #tpu.memory_space<hbm>>
    %dma_wait3A_1314 = arith.constant 0 : i32
    %dma_wait3A_1315 = arith.constant 0 : i32
    %dma_wait3A_1316 = tpu.memref_slice %arg6[%dma_wait3A_1300, %dma_wait3A_1314, %dma_wait3A_1315] : memref<8x128x64xf32, #tpu.memory_space<vmem>> -> memref<1x128x64xf32, #tpu.memory_space<vmem>>
    %dma_wait3A_1317 = tpu.memref_squeeze %dma_wait3A_1316 : memref<1x128x64xf32, #tpu.memory_space<vmem>> -> memref<128x64xf32, #tpu.memory_space<vmem>>
    tpu.wait_dma2 semaphore(%dma_wait3A_1310 : memref<!tpu.dma_semaphore, #tpu.memory_space<semaphore_mem>>) src(%dma_wait3A_1317 : memref<128x64xf32, #tpu.memory_space<vmem>>) dst(%dma_wait3A_1313 : memref<128x64xf32, #tpu.memory_space<hbm>>)
    %dma_wait3A_1318 = arith.constant 2 : i32
    %dma_wait3A_1319 = arith.constant 2 : i32
    %dma_wait3A_1320 = arith.constant 0 : i32
    %dma_wait3A_1321 = arith.constant 0 : i32
    %dma_wait3A_1322 = tpu.memref_slice %arg6[%dma_wait3A_1318, %dma_wait3A_1320, %dma_wait3A_1321] : memref<8x128x64xf32, #tpu.memory_space<vmem>> -> memref<1x128x64xf32, #tpu.memory_space<vmem>>
    %dma_wait3A_1323 = tpu.memref_squeeze %dma_wait3A_1322 : memref<1x128x64xf32, #tpu.memory_space<vmem>> -> memref<128x64xf32, #tpu.memory_space<vmem>>
    %dma_wait3A_1324 = arith.constant 0 : i32
    %dma_wait3A_1325 = arith.constant 0 : i32
    %dma_wait3A_1326 = tpu.memref_slice %arg4[%dma_wait3A_1324, %dma_wait3A_1325] : memref<819200x64xf32, #tpu.memory_space<hbm>> -> memref<128x64xf32, #tpu.memory_space<hbm>>
    %dma_wait3A_1327 = tpu.memref_slice %arg9[%dma_wait3A_1319] : memref<8x!tpu.dma_semaphore, #tpu.memory_space<semaphore_mem>> -> memref<1x!tpu.dma_semaphore, #tpu.memory_space<semaphore_mem>>
    %dma_wait3A_1328 = tpu.memref_squeeze %dma_wait3A_1327 : memref<1x!tpu.dma_semaphore, #tpu.memory_space<semaphore_mem>> -> memref<!tpu.dma_semaphore, #tpu.memory_space<semaphore_mem>>
    %dma_wait3A_1329 = arith.constant 0 : i32
    %dma_wait3A_1330 = arith.constant 0 : i32
    %dma_wait3A_1331 = tpu.memref_slice %arg4[%dma_wait3A_1329, %dma_wait3A_1330] : memref<819200x64xf32, #tpu.memory_space<hbm>> -> memref<128x64xf32, #tpu.memory_space<hbm>>
    %dma_wait3A_1332 = arith.constant 0 : i32
    %dma_wait3A_1333 = arith.constant 0 : i32
    %dma_wait3A_1334 = tpu.memref_slice %arg6[%dma_wait3A_1318, %dma_wait3A_1332, %dma_wait3A_1333] : memref<8x128x64xf32, #tpu.memory_space<vmem>> -> memref<1x128x64xf32, #tpu.memory_space<vmem>>
    %dma_wait3A_1335 = tpu.memref_squeeze %dma_wait3A_1334 : memref<1x128x64xf32, #tpu.memory_space<vmem>> -> memref<128x64xf32, #tpu.memory_space<vmem>>
    tpu.wait_dma2 semaphore(%dma_wait3A_1328 : memref<!tpu.dma_semaphore, #tpu.memory_space<semaphore_mem>>) src(%dma_wait3A_1335 : memref<128x64xf32, #tpu.memory_space<vmem>>) dst(%dma_wait3A_1331 : memref<128x64xf32, #tpu.memory_space<hbm>>)
    %dma_wait3A_1336 = arith.constant 3 : i32
    %dma_wait3A_1337 = arith.constant 3 : i32
    %dma_wait3A_1338 = arith.constant 0 : i32
    %dma_wait3A_1339 = arith.constant 0 : i32
    %dma_wait3A_1340 = tpu.memref_slice %arg6[%dma_wait3A_1336, %dma_wait3A_1338, %dma_wait3A_1339] : memref<8x128x64xf32, #tpu.memory_space<vmem>> -> memref<1x128x64xf32, #tpu.memory_space<vmem>>
    %dma_wait3A_1341 = tpu.memref_squeeze %dma_wait3A_1340 : memref<1x128x64xf32, #tpu.memory_space<vmem>> -> memref<128x64xf32, #tpu.memory_space<vmem>>
    %dma_wait3A_1342 = arith.constant 0 : i32
    %dma_wait3A_1343 = arith.constant 0 : i32
    %dma_wait3A_1344 = tpu.memref_slice %arg4[%dma_wait3A_1342, %dma_wait3A_1343] : memref<819200x64xf32, #tpu.memory_space<hbm>> -> memref<128x64xf32, #tpu.memory_space<hbm>>
    %dma_wait3A_1345 = tpu.memref_slice %arg9[%dma_wait3A_1337] : memref<8x!tpu.dma_semaphore, #tpu.memory_space<semaphore_mem>> -> memref<1x!tpu.dma_semaphore, #tpu.memory_space<semaphore_mem>>
    %dma_wait3A_1346 = tpu.memref_squeeze %dma_wait3A_1345 : memref<1x!tpu.dma_semaphore, #tpu.memory_space<semaphore_mem>> -> memref<!tpu.dma_semaphore, #tpu.memory_space<semaphore_mem>>
    %dma_wait3A_1347 = arith.constant 0 : i32
    %dma_wait3A_1348 = arith.constant 0 : i32
    %dma_wait3A_1349 = tpu.memref_slice %arg4[%dma_wait3A_1347, %dma_wait3A_1348] : memref<819200x64xf32, #tpu.memory_space<hbm>> -> memref<128x64xf32, #tpu.memory_space<hbm>>
    %dma_wait3A_1350 = arith.constant 0 : i32
    %dma_wait3A_1351 = arith.constant 0 : i32
    %dma_wait3A_1352 = tpu.memref_slice %arg6[%dma_wait3A_1336, %dma_wait3A_1350, %dma_wait3A_1351] : memref<8x128x64xf32, #tpu.memory_space<vmem>> -> memref<1x128x64xf32, #tpu.memory_space<vmem>>
    %dma_wait3A_1353 = tpu.memref_squeeze %dma_wait3A_1352 : memref<1x128x64xf32, #tpu.memory_space<vmem>> -> memref<128x64xf32, #tpu.memory_space<vmem>>
    tpu.wait_dma2 semaphore(%dma_wait3A_1346 : memref<!tpu.dma_semaphore, #tpu.memory_space<semaphore_mem>>) src(%dma_wait3A_1353 : memref<128x64xf32, #tpu.memory_space<vmem>>) dst(%dma_wait3A_1349 : memref<128x64xf32, #tpu.memory_space<hbm>>)
    %dma_wait3A_1354 = arith.constant 4 : i32
    %dma_wait3A_1355 = arith.constant 4 : i32
    %dma_wait3A_1356 = arith.constant 0 : i32
    %dma_wait3A_1357 = arith.constant 0 : i32
    %dma_wait3A_1358 = tpu.memref_slice %arg6[%dma_wait3A_1354, %dma_wait3A_1356, %dma_wait3A_1357] : memref<8x128x64xf32, #tpu.memory_space<vmem>> -> memref<1x128x64xf32, #tpu.memory_space<vmem>>
    %dma_wait3A_1359 = tpu.memref_squeeze %dma_wait3A_1358 : memref<1x128x64xf32, #tpu.memory_space<vmem>> -> memref<128x64xf32, #tpu.memory_space<vmem>>
    %dma_wait3A_1360 = arith.constant 0 : i32
    %dma_wait3A_1361 = arith.constant 0 : i32
    %dma_wait3A_1362 = tpu.memref_slice %arg4[%dma_wait3A_1360, %dma_wait3A_1361] : memref<819200x64xf32, #tpu.memory_space<hbm>> -> memref<128x64xf32, #tpu.memory_space<hbm>>
    %dma_wait3A_1363 = tpu.memref_slice %arg9[%dma_wait3A_1355] : memref<8x!tpu.dma_semaphore, #tpu.memory_space<semaphore_mem>> -> memref<1x!tpu.dma_semaphore, #tpu.memory_space<semaphore_mem>>
    %dma_wait3A_1364 = tpu.memref_squeeze %dma_wait3A_1363 : memref<1x!tpu.dma_semaphore, #tpu.memory_space<semaphore_mem>> -> memref<!tpu.dma_semaphore, #tpu.memory_space<semaphore_mem>>
    %dma_wait3A_1365 = arith.constant 0 : i32
    %dma_wait3A_1366 = arith.constant 0 : i32
    %dma_wait3A_1367 = tpu.memref_slice %arg4[%dma_wait3A_1365, %dma_wait3A_1366] : memref<819200x64xf32, #tpu.memory_space<hbm>> -> memref<128x64xf32, #tpu.memory_space<hbm>>
    %dma_wait3A_1368 = arith.constant 0 : i32
    %dma_wait3A_1369 = arith.constant 0 : i32
    %dma_wait3A_1370 = tpu.memref_slice %arg6[%dma_wait3A_1354, %dma_wait3A_1368, %dma_wait3A_1369] : memref<8x128x64xf32, #tpu.memory_space<vmem>> -> memref<1x128x64xf32, #tpu.memory_space<vmem>>
    %dma_wait3A_1371 = tpu.memref_squeeze %dma_wait3A_1370 : memref<1x128x64xf32, #tpu.memory_space<vmem>> -> memref<128x64xf32, #tpu.memory_space<vmem>>
    tpu.wait_dma2 semaphore(%dma_wait3A_1364 : memref<!tpu.dma_semaphore, #tpu.memory_space<semaphore_mem>>) src(%dma_wait3A_1371 : memref<128x64xf32, #tpu.memory_space<vmem>>) dst(%dma_wait3A_1367 : memref<128x64xf32, #tpu.memory_space<hbm>>)
    %dma_wait3A_1372 = arith.constant 5 : i32
    %dma_wait3A_1373 = arith.constant 5 : i32
    %dma_wait3A_1374 = arith.constant 0 : i32
    %dma_wait3A_1375 = arith.constant 0 : i32
    %dma_wait3A_1376 = tpu.memref_slice %arg6[%dma_wait3A_1372, %dma_wait3A_1374, %dma_wait3A_1375] : memref<8x128x64xf32, #tpu.memory_space<vmem>> -> memref<1x128x64xf32, #tpu.memory_space<vmem>>
    %dma_wait3A_1377 = tpu.memref_squeeze %dma_wait3A_1376 : memref<1x128x64xf32, #tpu.memory_space<vmem>> -> memref<128x64xf32, #tpu.memory_space<vmem>>
    %dma_wait3A_1378 = arith.constant 0 : i32
    %dma_wait3A_1379 = arith.constant 0 : i32
    %dma_wait3A_1380 = tpu.memref_slice %arg4[%dma_wait3A_1378, %dma_wait3A_1379] : memref<819200x64xf32, #tpu.memory_space<hbm>> -> memref<128x64xf32, #tpu.memory_space<hbm>>
    %dma_wait3A_1381 = tpu.memref_slice %arg9[%dma_wait3A_1373] : memref<8x!tpu.dma_semaphore, #tpu.memory_space<semaphore_mem>> -> memref<1x!tpu.dma_semaphore, #tpu.memory_space<semaphore_mem>>
    %dma_wait3A_1382 = tpu.memref_squeeze %dma_wait3A_1381 : memref<1x!tpu.dma_semaphore, #tpu.memory_space<semaphore_mem>> -> memref<!tpu.dma_semaphore, #tpu.memory_space<semaphore_mem>>
    %dma_wait3A_1383 = arith.constant 0 : i32
    %dma_wait3A_1384 = arith.constant 0 : i32
    %dma_wait3A_1385 = tpu.memref_slice %arg4[%dma_wait3A_1383, %dma_wait3A_1384] : memref<819200x64xf32, #tpu.memory_space<hbm>> -> memref<128x64xf32, #tpu.memory_space<hbm>>
    %dma_wait3A_1386 = arith.constant 0 : i32
    %dma_wait3A_1387 = arith.constant 0 : i32
    %dma_wait3A_1388 = tpu.memref_slice %arg6[%dma_wait3A_1372, %dma_wait3A_1386, %dma_wait3A_1387] : memref<8x128x64xf32, #tpu.memory_space<vmem>> -> memref<1x128x64xf32, #tpu.memory_space<vmem>>
    %dma_wait3A_1389 = tpu.memref_squeeze %dma_wait3A_1388 : memref<1x128x64xf32, #tpu.memory_space<vmem>> -> memref<128x64xf32, #tpu.memory_space<vmem>>
    tpu.wait_dma2 semaphore(%dma_wait3A_1382 : memref<!tpu.dma_semaphore, #tpu.memory_space<semaphore_mem>>) src(%dma_wait3A_1389 : memref<128x64xf32, #tpu.memory_space<vmem>>) dst(%dma_wait3A_1385 : memref<128x64xf32, #tpu.memory_space<hbm>>)
    %dma_wait3A_1390 = arith.constant 6 : i32
    %dma_wait3A_1391 = arith.constant 6 : i32
    %dma_wait3A_1392 = arith.constant 0 : i32
    %dma_wait3A_1393 = arith.constant 0 : i32
    %dma_wait3A_1394 = tpu.memref_slice %arg6[%dma_wait3A_1390, %dma_wait3A_1392, %dma_wait3A_1393] : memref<8x128x64xf32, #tpu.memory_space<vmem>> -> memref<1x128x64xf32, #tpu.memory_space<vmem>>
    %dma_wait3A_1395 = tpu.memref_squeeze %dma_wait3A_1394 : memref<1x128x64xf32, #tpu.memory_space<vmem>> -> memref<128x64xf32, #tpu.memory_space<vmem>>
    %dma_wait3A_1396 = arith.constant 0 : i32
    %dma_wait3A_1397 = arith.constant 0 : i32
    %dma_wait3A_1398 = tpu.memref_slice %arg4[%dma_wait3A_1396, %dma_wait3A_1397] : memref<819200x64xf32, #tpu.memory_space<hbm>> -> memref<128x64xf32, #tpu.memory_space<hbm>>
    %dma_wait3A_1399 = tpu.memref_slice %arg9[%dma_wait3A_1391] : memref<8x!tpu.dma_semaphore, #tpu.memory_space<semaphore_mem>> -> memref<1x!tpu.dma_semaphore, #tpu.memory_space<semaphore_mem>>
    %dma_wait3A_1400 = tpu.memref_squeeze %dma_wait3A_1399 : memref<1x!tpu.dma_semaphore, #tpu.memory_space<semaphore_mem>> -> memref<!tpu.dma_semaphore, #tpu.memory_space<semaphore_mem>>
    %dma_wait3A_1401 = arith.constant 0 : i32
    %dma_wait3A_1402 = arith.constant 0 : i32
    %dma_wait3A_1403 = tpu.memref_slice %arg4[%dma_wait3A_1401, %dma_wait3A_1402] : memref<819200x64xf32, #tpu.memory_space<hbm>> -> memref<128x64xf32, #tpu.memory_space<hbm>>
    %dma_wait3A_1404 = arith.constant 0 : i32
    %dma_wait3A_1405 = arith.constant 0 : i32
    %dma_wait3A_1406 = tpu.memref_slice %arg6[%dma_wait3A_1390, %dma_wait3A_1404, %dma_wait3A_1405] : memref<8x128x64xf32, #tpu.memory_space<vmem>> -> memref<1x128x64xf32, #tpu.memory_space<vmem>>
    %dma_wait3A_1407 = tpu.memref_squeeze %dma_wait3A_1406 : memref<1x128x64xf32, #tpu.memory_space<vmem>> -> memref<128x64xf32, #tpu.memory_space<vmem>>
    tpu.wait_dma2 semaphore(%dma_wait3A_1400 : memref<!tpu.dma_semaphore, #tpu.memory_space<semaphore_mem>>) src(%dma_wait3A_1407 : memref<128x64xf32, #tpu.memory_space<vmem>>) dst(%dma_wait3A_1403 : memref<128x64xf32, #tpu.memory_space<hbm>>)
    %dma_wait3A_1408 = arith.constant 7 : i32
    %dma_wait3A_1409 = arith.constant 7 : i32
    %dma_wait3A_1410 = arith.constant 0 : i32
    %dma_wait3A_1411 = arith.constant 0 : i32
    %dma_wait3A_1412 = tpu.memref_slice %arg6[%dma_wait3A_1408, %dma_wait3A_1410, %dma_wait3A_1411] : memref<8x128x64xf32, #tpu.memory_space<vmem>> -> memref<1x128x64xf32, #tpu.memory_space<vmem>>
    %dma_wait3A_1413 = tpu.memref_squeeze %dma_wait3A_1412 : memref<1x128x64xf32, #tpu.memory_space<vmem>> -> memref<128x64xf32, #tpu.memory_space<vmem>>
    %dma_wait3A_1414 = arith.constant 0 : i32
    %dma_wait3A_1415 = arith.constant 0 : i32
    %dma_wait3A_1416 = tpu.memref_slice %arg4[%dma_wait3A_1414, %dma_wait3A_1415] : memref<819200x64xf32, #tpu.memory_space<hbm>> -> memref<128x64xf32, #tpu.memory_space<hbm>>
    %dma_wait3A_1417 = tpu.memref_slice %arg9[%dma_wait3A_1409] : memref<8x!tpu.dma_semaphore, #tpu.memory_space<semaphore_mem>> -> memref<1x!tpu.dma_semaphore, #tpu.memory_space<semaphore_mem>>
    %dma_wait3A_1418 = tpu.memref_squeeze %dma_wait3A_1417 : memref<1x!tpu.dma_semaphore, #tpu.memory_space<semaphore_mem>> -> memref<!tpu.dma_semaphore, #tpu.memory_space<semaphore_mem>>
    %dma_wait3A_1419 = arith.constant 0 : i32
    %dma_wait3A_1420 = arith.constant 0 : i32
    %dma_wait3A_1421 = tpu.memref_slice %arg4[%dma_wait3A_1419, %dma_wait3A_1420] : memref<819200x64xf32, #tpu.memory_space<hbm>> -> memref<128x64xf32, #tpu.memory_space<hbm>>
    %dma_wait3A_1422 = arith.constant 0 : i32
    %dma_wait3A_1423 = arith.constant 0 : i32
    %dma_wait3A_1424 = tpu.memref_slice %arg6[%dma_wait3A_1408, %dma_wait3A_1422, %dma_wait3A_1423] : memref<8x128x64xf32, #tpu.memory_space<vmem>> -> memref<1x128x64xf32, #tpu.memory_space<vmem>>
    %dma_wait3A_1425 = tpu.memref_squeeze %dma_wait3A_1424 : memref<1x128x64xf32, #tpu.memory_space<vmem>> -> memref<128x64xf32, #tpu.memory_space<vmem>>
    tpu.wait_dma2 semaphore(%dma_wait3A_1418 : memref<!tpu.dma_semaphore, #tpu.memory_space<semaphore_mem>>) src(%dma_wait3A_1425 : memref<128x64xf32, #tpu.memory_space<vmem>>) dst(%dma_wait3A_1421 : memref<128x64xf32, #tpu.memory_space<hbm>>)
    return
  }
}

module attributes {stable_mosaic.version = 14 : i64} {
  func.func @body(%arg0: i32, %arg1: memref<64x2048xf32, #tpu.memory_space<vmem>>, %arg2: memref<1024x128xf32, #tpu.memory_space<vmem>>) attributes {dimension_semantics = [#tpu.dimension_semantics<arbitrary>], iteration_bounds = array<i64: 489>, scalar_prefetch = 0 : i64, scratch_operands = 0 : i64, tpu.core_type = #tpu.core_type<tc>, window_params = [{transform_indices = @transform_0, window_bounds = array<i64: 64, 2048>}, {transform_indices = @transform_1, window_bounds = array<i64: 1024, 128>}]} {
    %get3A = arith.constant 0 : index
    %get3A_0 = arith.constant 0 : index
    %get3A_1 = vector.load %arg1[%get3A, %get3A_0] : memref<64x2048xf32, #tpu.memory_space<vmem>>, vector<64x2048xf32>
    %transpose3A = tpu.transpose %get3A_1, [1, 0] : vector<64x2048xf32> -> vector<2048x64xf32>
    %slice3A = vector.extract_strided_slice %transpose3A {offsets = [0, 0], sizes = [1024, 64], strides = [1, 1]} : vector<2048x64xf32> to vector<1024x64xf32>
    %mul3A = arith.constant 8.000000e+00 : f32
    %mul3A_2 = vector.broadcast %mul3A : f32 to vector<1024x64xf32>
    %mul3A_3 = arith.mulf %slice3A, %mul3A_2 : vector<1024x64xf32>
    %swap3A = arith.constant 0 : index
    %swap3A_4 = arith.constant 0 : index
    %swap3A_5 = vector.load %arg2[%swap3A, %swap3A_4] : memref<1024x128xf32, #tpu.memory_space<vmem>>, vector<1024x64xf32>
    tpu.vector_store %arg2[%swap3A, %swap3A_4], %mul3A_3 {strides = array<i32>} : memref<1024x128xf32, #tpu.memory_space<vmem>>, vector<1024x64xf32>,
    %slice3A_6 = vector.extract_strided_slice %transpose3A {offsets = [1024, 0], sizes = [1024, 64], strides = [1, 1]} : vector<2048x64xf32> to vector<1024x64xf32>
    %mul3A_7 = arith.constant 8.000000e+00 : f32
    %mul3A_8 = vector.broadcast %mul3A_7 : f32 to vector<1024x64xf32>
    %mul3A_9 = arith.mulf %slice3A_6, %mul3A_8 : vector<1024x64xf32>
    %swap3A_10 = arith.constant 0 : index
    %swap3A_11 = arith.constant 64 : index
    %swap3A_12 = vector.load %arg2[%swap3A_10, %swap3A_11] : memref<1024x128xf32, #tpu.memory_space<vmem>>, vector<1024x64xf32>
    tpu.vector_store %arg2[%swap3A_10, %swap3A_11], %mul3A_9 {strides = array<i32>} : memref<1024x128xf32, #tpu.memory_space<vmem>>, vector<1024x64xf32>,
    return
  }
  func.func @transform_0(%arg0: i32) -> (i32, i32) {
    %c0_i32 = arith.constant 0 : i32
    %c0_i32_0 = arith.constant 0 : i32
    return %c0_i32, %arg0 : i32, i32
  }
  func.func @transform_1(%arg0: i32) -> (i32, i32) {
    %c0_i32 = arith.constant 0 : i32
    %c0_i32_0 = arith.constant 0 : i32
    return %arg0, %c0_i32 : i32, i32
  }
}

</mosaic_0001>

<sc_bundles>
// kernel: kernel.4.cloned.1.call-start
scs
__scs_entry_jumppad:
0x0: {  	(pc) =	sbr.rel $0x88, $3  }
0x1: {  	(tag) =	ssettag $0x0;
	lr =	simm.s32 $0x1  }
0x2: {  	[smem:$0x3F9F] =	sst lr;
	_ =	strace $0xD0000000  }
0x3: {  	_ = 	snop  }
0x4: {  	_ = 	snop  }
0x5: {  	_ = 	snop  }
0x6: {  	_ = 	snop  }
0x7: {  	_ = 	snop  }
__scs_overlays_trampoline_lowered:
0x8: {  	[smem:$0x3FAE] =	sst s0  }
0x9: {  	[smem:$0x3FAF] =	sst s1  }
0xa: {  	[smem:$0x3FB0] =	sst s2  }
0xb: {  	[smem:$0x3FB1] =	sst s3  }
0xc: {  	[smem:$0x3FB2] =	sst s4  }
0xd: {  	[smem:$0x3FB3] =	sst s5  }
0xe: {  	[smem:$0x3FB4] =	sst s6  }
0xf: {  	[smem:$0x3FB5] =	sst s7  }
0x10: {  	[smem:$0x3FB6] =	sst s8  }
0x11: {  	[smem:$0x3FB7] =	sst s9;
	s0 =	simm.s32 @!p0 $0x0  }
0x12: {  	s1 =	sld [smem:$0x3F9D];
	s0 =	simm.s32 @p0 $0x1  }
0x13: {  	[smem:$0x3FB8] =	sst s0;
	s0 =	simm.s32 @!p1 $0x0  }
0x14: {  	s2 =	sld [smem:$0x3F9C];
	s0 =	simm.s32 @p1 $0x1  }
0x15: {  	[smem:$0x3FB9] =	sst s0;
	s0 =	simm.s32 @!p2 $0x0  }
0x16: {  	s3 =	sld [smem:$0x3FDB];
	s0 =	simm.s32 @p2 $0x1  }
0x17: {  	s4 =	simm.s32 $0x1BF5;
	[smem:$0x3FBB] =	sst s0  }
0x18: {  	s0 =	sld [smem:$0x3F9E];
	_ =	swait.ge [sflag:s4], $0x0  }
0x19: {  	s7 =	sld [smem:$0x3F9F]  }
0x1a: {  	s8 =	sadd.s32 $0xFFFFE003, lr  }
0x1b: {  	s9 =	sadd.s32 $0xFFFFFEF7, lr;
	s5 =	simm.s32 $0xFFFFFFFF;
	p2 =	slt.u32 s8, $0xFFFFF086  }
0x1c: {  	p1 =	slt.u32 s9, $0xF7A;
	s5 =	simm.s32 @!p2 $0x0  }
0x1d: {  	s5 =	simm.s32 @p1 $0x1;
	p0 =	seq.s32 s7, s2  }
0x1e: {  	s7 =	smul.u32 @!p0 $0xF7A, s2;
	p2 =	seq.s32 @!p0 s5, $0x0  }
0x1f: {  	s9 =	smul.u32 $0xF7A, s1;
	s8 =	simm.s32 @!p0 $0x1BF5;
	p2 =	por !p2, p0  }
0x20: {  	[sflag:s8] =	ssyncset.s32 @!p0 $0xFFFFF086;
	s6 =	sadd.s32 @!p0 s3, s7;
	s7 =	simm.s32 @!p0 $0x108  }
0x21: {  	s3 =	sadd.s32 s3, s9;
	s6 =	sadd.s32 @!p0 $0x88, s6;
	s7 =	simm.s32 @p2 $0x1082  }
0x22: {  	[simem:s7], [sflag:s8] =	dma.local @!p0 [hbm:s6], $0xF7A  }
0x23: {  	s9 =	sor.u32 $0xD0000000, s2;
	s6 =	simm.s32 $0x108;
	_ =	swait.ge @!p0 [sflag:s8], $0x0  }
0x24: {  	s3 =	sadd.s32 $0x88, s3;
	s6 =	simm.s32 @!p1 $0x1082;
	[sflag:s4] =	ssyncset.s32 $0xFFFFF086  }
0x25: {  	[simem:s6], [sflag:s4] =	dma.local [hbm:s3], $0xF7A  }
0x26: {  	[smem:$0x3F9F] =	sst s1;
	(tag) =	ssettag s2;
	_ =	strace s9  }
0x27: {  	s1 =	sld [smem:$0x3FAF]  }
0x28: {  	s2 =	sld [smem:$0x3FB0]  }
0x29: {  	s4 =	sld [smem:$0x3FB2]  }
0x2a: {  	p0 =	seq.s32 s5, $0x0;
	s5 =	sld [smem:$0x3FB3]  }
0x2b: {  	s6 =	sld [smem:$0x3FB4]  }
0x2c: {  	s7 =	sld [smem:$0x3FB5]  }
0x2d: {  	s3 =	simm.s32 $0x108;
	s8 =	sld [smem:$0x3FB6]  }
0x2e: {  	s3 =	simm.s32 @!p0 $0x1082;
	s9 =	sld [smem:$0x3FB7]  }
0x2f: {  	lr =	sadd.s32 s0, s3;
	s0 =	sld [smem:$0x3FAE]  }
0x30: {  	s3 =	sld [smem:$0x3FB1]  }
0x31: {  	[smem:$0x3FBA] =	sst s10  }
0x32: {  	s10 =	sld [smem:$0x3FB8];
	_ =	sdelay $0x3  }
0x33: {  	p0 =	seq.s32 s10, $0x1;
	s10 =	sld [smem:$0x3FBA];
	_ =	sdelay $0x3  }
0x34: {  	[smem:$0x3FBA] =	sst s10  }
0x35: {  	s10 =	sld [smem:$0x3FB9];
	_ =	sdelay $0x3  }
0x36: {  	p1 =	seq.s32 s10, $0x1;
	s10 =	sld [smem:$0x3FBA];
	_ =	sdelay $0x3  }
0x37: {  	[smem:$0x3FBA] =	sst s10  }
0x38: {  	s10 =	sld [smem:$0x3FBB]  }
0x39: {  	_ = 	snop;
	(pc) =	sbr.ind lr, $3  }
0x3a: {  	_ = 	snop  }
0x3b: {  	_ = 	snop  }
0x3c: {  	p2 =	seq.s32 s10, $0x1;
	s10 =	sld [smem:$0x3FBA]  }
0x3d: {  	_ =	shalt  }
0x3e: {  	_ =	shalt  }
0x3f: {  	_ =	shalt  }
0x40: {  	_ =	shalt  }
0x41: {  	_ =	shalt  }
0x42: {  	_ =	shalt  }
0x43: {  	_ =	shalt  }
0x44: {  	_ =	shalt  }
0x45: {  	_ =	shalt  }
0x46: {  	_ =	shalt  }
0x47: {  	_ =	shalt  }
0x48: {  	_ =	shalt  }
0x49: {  	_ =	shalt  }
0x4a: {  	_ =	shalt  }
0x4b: {  	_ =	shalt  }
0x4c: {  	_ =	shalt  }
0x4d: {  	_ =	shalt  }
0x4e: {  	_ =	shalt  }
0x4f: {  	_ =	shalt  }
0x50: {  	_ =	shalt  }
0x51: {  	_ =	shalt  }
0x52: {  	_ =	shalt  }
0x53: {  	_ =	shalt  }
0x54: {  	_ =	shalt  }
0x55: {  	_ =	shalt  }
0x56: {  	_ =	shalt  }
0x57: {  	_ =	shalt  }
0x58: {  	_ =	shalt  }
0x59: {  	_ =	shalt  }
0x5a: {  	_ =	shalt  }
0x5b: {  	_ =	shalt  }
0x5c: {  	_ =	shalt  }
0x5d: {  	_ =	shalt  }
0x5e: {  	_ =	shalt  }
0x5f: {  	_ =	shalt  }
0x60: {  	_ =	shalt  }
0x61: {  	_ =	shalt  }
0x62: {  	_ =	shalt  }
0x63: {  	_ =	shalt  }
0x64: {  	_ =	shalt  }
0x65: {  	_ =	shalt  }
0x66: {  	_ =	shalt  }
0x67: {  	_ =	shalt  }
0x68: {  	_ =	shalt  }
0x69: {  	_ =	shalt  }
0x6a: {  	_ =	shalt  }
0x6b: {  	_ =	shalt  }
0x6c: {  	_ =	shalt  }
0x6d: {  	_ =	shalt  }
0x6e: {  	_ =	shalt  }
0x6f: {  	_ =	shalt  }
0x70: {  	_ =	shalt  }
0x71: {  	_ =	shalt  }
0x72: {  	_ =	shalt  }
0x73: {  	_ =	shalt  }
0x74: {  	_ =	shalt  }
0x75: {  	_ =	shalt  }
0x76: {  	_ =	shalt  }
0x77: {  	_ =	shalt  }
0x78: {  	_ =	shalt  }
0x79: {  	_ =	shalt  }
0x7a: {  	_ =	shalt  }
0x7b: {  	_ =	shalt  }
0x7c: {  	_ =	shalt  }
0x7d: {  	_ =	shalt  }
0x7e: {  	_ =	shalt  }
0x7f: {  	_ =	shalt  }
0x80: {  	_ =	shalt  }
0x81: {  	_ =	shalt  }
0x82: {  	_ =	shalt  }
0x83: {  	_ =	shalt  }
0x84: {  	_ =	shalt  }
0x85: {  	_ =	shalt  }
0x86: {  	_ =	shalt  }
0x87: {  	_ =	shalt  }
.Lfunc_end0:
.L_simem_size_0:
called_computation.1_lowered:
.L_overlay_start_0:
0x88: {  	s2 =	sld [smem:$0x3FD9]  }
0x89: {  	s3 =	sld [smem:$0x3FFE];
	_ =	sdelay $0x1  }
0x8a: {  	s1 =	srdreg.scid  }
0x8b: {  	s0 =	sand.u32 $0x1, s1  }
0x8c: {  	s17 =	sshll.u32 s0, $0xA;
	s2 =	sadd.s32 s3, s2  }
0x8d: {  	s2 =	sadd.s32 s2, s17  }
0x8e: {  	[smem:$0x3FC6] =	sst s2  }
0x8f: {  	_ = 	snop  }
0x90: {  	s2 =	sld [smem:$0x3FD0];
	(tm) =	ssettm $0x1  }
0x91: {  	s18 =	sld [smem:$0x3FFB];
	_ =	sdelay $0x3  }
0x92: {  	_ =	strace s18  }
0x93: {  	s3 =	sld [smem:$0x3FFC];
	_ =	sdelay $0x3  }
0x94: {  	_ =	strace s3  }
0x95: {  	s3 =	sld [smem:$0x3FFD];
	_ =	sdelay $0x3  }
0x96: {  	_ =	strace s3  }
0x97: {  	_ =	strace $0x8FFFFFFF  }
0x98: {  	s19 =	sld [smem:$0x3FDB];
	_ =	sdelay $0x1  }
0x99: {  	s4 =	simm.s32 $_scs_section_size  }
0x9a: {  	s5 =	simm.s32 $_size__tile_overlayer_lowered;
	s6 =	simm.s32 $_tile_overlayer_lowered  }
0x9b: {  	s22 =	simm.s32 $0x1BFF;
	s21 =	sshll.u32 s6, $0x1;
	s3 =	sadd.s32 s4, s19  }
0x9c: {  	s7 =	simm.s32 $0x0;
	s20 =	sshll.u32 s5, $0x1;
	s5 =	sadd.s32 s21, s3  }
0x9d: {  	[timem:s7], [sflag:s22] =	dma.local [hbm:s5], s20  }
0x9e: {  	_ =	swait.ge [sflag:s22], s20  }
0x9f: {  	s4 =	ssub.s32 $0x0, s20;
	[sflag:s22] =	ssyncset.done $0x0  }
0xa0: {  	[sflag:s22] =	ssyncadd.s32 s4;
	_ =	sdelay $0x1  }
0xa1: {  	s23 =	simm.s32 $0x1B8B  }
0xa2: {  	_ =	swait.ge [sflag:s23], $0x1  }
0xa3: {  	[sflag:s23] =	ssyncset.done $0x0  }
0xa4: {  	s25 =	simm.s32 $0x1B8E;
	s24 =	sld [smem:$0x3FFE];
	[sflag:s23] =	ssyncadd.s32 $0xFFFFFFFF  }
0xa5: {  	s26 =	simm.s32 $execute0_lowered;
	[smem:$0x3FD2] =	sst s25  }
0xa6: {  	s5 =	sshll.u32 s26, $0x1;
	_ =	strace $0x80000046;
	[dreg:$0x1] =	wrdreg $0xFFFFFFFF  }
0xa7: {  	s28 =	simm.s32 $_size_execute0_lowered;
	s3 =	sadd.s32 s3, s5;
	[dreg:$0x0] =	wrdreg $0x0  }
0xa8: {  	s5 =	sshll.u32 s28, $0x1;
	[dreg:$0x2] =	wrdreg s3  }
0xa9: {  	[dreg:$0x3] =	wrdreg s5  }
0xaa: {  	[dreg:$0x4] =	wrdreg $0xC0  }
0xab: {  	_ =	task [dreg:s7], $0x5FFFF  }
0xac: {  	[dreg:$0x1] =	wrdreg $0xFFFFFFFF  }
0xad: {  	[dreg:$0x0] =	wrdreg $0x60  }
0xae: {  	[dreg:$0x2] =	wrdreg s24  }
0xaf: {  	[dreg:$0x3] =	wrdreg s2  }
0xb0: {  	[dreg:$0x4] =	wrdreg $0x9  }
0xb1: {  	_ =	task.clear_ibuf [dreg:s7], $0x5FFFF;
	_ =	strace $0x90000046  }
0xb2: {  	s29 =	simm.s32 $0x9;
	_ =	strace $0x80000048  }
0xb3: {  	_ =	swait.ge [sflag:s29], $0x1  }
0xb4: {  	[sflag:s29] =	ssyncadd.s32 $0xFFFFFFFF  }
0xb5: {  	_ =	strace $0x90000048  }
0xb6: {  	_ =	sfence  }
0xb7: {  	s30 =	sld [smem:$0x0];
	_ =	sdelay $0x2  }
0xb8: {  	s31 =	sshll.u32 s1, $0xD;
	s1 =	sshrl.u32 s1, $0x2  }
0xb9: {  	s3 =	sand.u32 $0x4000, s31;
	s1 =	sadd.s32 s1, s30  }
0xba: {  	s0 =	sor.u32 s3, s0;
	s1 =	sshll.u32 s1, $0x11  }
0xbb: {  	s0 =	sor.u32 s1, s0  }
0xbc: {  	s0 =	sadd.s32 $0x8F2B, s0  }
0xbd: {  	[sflag:s0] =	ssyncadd.remote.s32 $0x1  }
0xbe: {  	_ =	sfence.sel $0xFFFF  }
0xbf: {  	[dreg:$0x0] =	wrdreg $0xFFFFFFFF;
	(pc) =	sbr.abs _section_cstart, $3  }
0xc0: {  	[dreg:$0x1] =	wrdreg $0xFFFFFFFF  }
0xc1: {  	_ =	task.clear_ibuf [dreg:s7], $0x2FFFF;
	_ =	strace $0x9FFFFFFF  }
0xc2: {  	(tm) =	ssettm $0x7FFFFFFF  }
0xc3: {  	_ =	shalt  }
tec
execute0_lowered:
.L_overlay_start_1:
0x0: {  	(tag) =	ssettag $0x1  }
0x1: {  	s0 =	rddreg [dreg:$0x0]  }
0x2: {  	s1 =	srdreg.scid;
	s9 =	stileid.u32;
	s3 =	simm.s32 $0x0  }
0x3: {  	s11 =	simm.s32 $0x6;
	s12 =	simm.s32 $0xA400;
	s13 =	simm.s32 $0xB  }
0x4: {  	s29 =	simm.s32 $0xF;
	s31 =	simm.s32 $0x10;
	s16 =	smul.u32 $0x1900, s9  }
0x5: {  	s1 =	sand.u32 $0x1, s1;
	s2 =	sshll.u32 s9, $0x1;
	s19 =	smul.u32 $0x190, s9  }
0x6: {  	[smem:$0x7FF] =	sst s3;
	s5 =	sadd.s32 $0x800, s0;
	s24 =	smul.u32 $0x64000, s9  }
0x7: {  	s4 =	sadd.s32 $0x19800, s0;
	s2 =	sor.u32 s1, s2;
	s21 =	smul.u32 $0xC8, s1  }
0x8: {  	s9 =	simm.s32 $0x8400;
	s6 =	ssub.s32 $0x2, s1;
	s2 =	smul.u32 $0xC80, s2  }
0x9: {  	_ =	strace $0x80000047;
	s22 =	smul.u32 $0xC80, s1;
	s15 =	sshrl.u32 s6, $0x1  }
0xa: {  	s26 =	smul.u32 $0x32000, s1;
	s0 =	ssub.s32 s6, s15;
	s8 =	sadd.s32 s5, s2  }
0xb: {  	s1 =	simm.s32 $0x15;
	s0 =	smax.u32 s0, $0x1;
	[dreg:$0x3] =	wrdreg s8  }
0xc: {  	s23 =	sadd.s32 s21, s19;
	s2 =	sadd.s32 $0x10, s8;
	[dreg:$0xb] =	wrdreg s0  }
0xd: {  	s19 =	sadd.s32 s26, s24;
	s17 =	sadd.s32 $0x20, s8;
	[dreg:$0x4] =	wrdreg s2  }
0xe: {  	s21 =	simm.s32 $0xC400;
	s18 =	sadd.s32 $0x30, s8;
	[dreg:$0x5] =	wrdreg s17  }
0xf: {  	s24 =	simm.s32 $0xE400;
	s7 =	sadd.s32 $0x40, s8;
	[dreg:$0x6] =	wrdreg s18  }
0x10: {  	s26 =	simm.s32 $0xE;
	s20 =	sadd.s32 $0x50, s8;
	[dreg:$0x7] =	wrdreg s7  }
0x11: {  	s6 =	simm.s32 $0x0;
	s10 =	sadd.s32 $0x60, s8;
	[dreg:$0x8] =	wrdreg s20  }
0x12: {  	s25 =	sshll.u32 s23, $0xA;
	s8 =	sadd.s32 $0x70, s8;
	[dreg:$0x9] =	wrdreg s10  }
0x13: {  	s23 =	simm.s32 $0x8;
	s28 =	sor.u32 $0x800, s25;
	[dreg:$0xa] =	wrdreg s8  }
.Ltmp0:
0x14: {  	s30 =	sor.u32 $0x1800, s25;
	[dreg:$0xc] =	wrdreg s28;
	(pc) =	sbr.rel .LBB2_1-.Ltmp0, $4  }
0x15: {  	s2 =	sadd.s32 s16, s5;
	[dreg:$0xd] =	wrdreg s30;
	s17 =	smov.u32 s25  }
0x16: {  	s18 =	sor.u32 $0x1000, s25;
	s20 =	simm.s32 $0x80;
	s7 =	simm.s32 $0x9  }
0x17: {  	s8 =	simm.s32 $0x5;
	s10 =	simm.s32 $0xA;
	s5 =	simm.s32 $0x7  }
0x18: {  	s25 =	simm.s32 $0xD;
	s15 =	sadd.s32 s22, s2;
	s22 =	simm.s32 $0xC  }
.LBB2_15:
0x19: {  	s0 =	simm.s32 $0x11  }
0x1a: {  	_ =	swait.ge [sflag:s0], $0x2000  }
0x1b: {  	[sflag:s0] =	ssyncset.done $0x0  }
0x1c: {  	s2 =	simm.s32 $0x12;
	[sflag:s0] =	ssyncadd.s32 $0xFFFFE000  }
0x1d: {  	_ =	swait.ge [sflag:s2], $0x2000  }
0x1e: {  	[sflag:s2] =	ssyncset.done $0x0  }
0x1f: {  	s6 =	simm.s32 $0x13;
	[sflag:s2] =	ssyncadd.s32 $0xFFFFE000  }
0x20: {  	_ =	swait.ge [sflag:s6], $0x2000  }
0x21: {  	[sflag:s6] =	ssyncset.done $0x0  }
0x22: {  	s14 =	simm.s32 $0x14;
	[sflag:s6] =	ssyncadd.s32 $0xFFFFE000  }
0x23: {  	_ =	swait.ge [sflag:s14], $0x2000  }
0x24: {  	[sflag:s14] =	ssyncset.done $0x0  }
0x25: {  	[sflag:s14] =	ssyncadd.s32 $0xFFFFE000  }
0x26: {  	_ =	swait.ge [sflag:s1], $0x2000  }
0x27: {  	[sflag:s1] =	ssyncset.done $0x0  }
0x28: {  	s16 =	simm.s32 $0x16;
	[sflag:s1] =	ssyncadd.s32 $0xFFFFE000  }
0x29: {  	_ =	swait.ge [sflag:s16], $0x2000  }
0x2a: {  	[sflag:s16] =	ssyncset.done $0x0  }
0x2b: {  	s28 =	simm.s32 $0x17;
	[sflag:s16] =	ssyncadd.s32 $0xFFFFE000  }
0x2c: {  	_ =	swait.ge [sflag:s28], $0x2000  }
0x2d: {  	[sflag:s28] =	ssyncset.done $0x0  }
0x2e: {  	s2 =	simm.s32 $0x18;
	[sflag:s28] =	ssyncadd.s32 $0xFFFFE000  }
0x2f: {  	_ =	swait.ge [sflag:s2], $0x2000  }
0x30: {  	s6 =	rddreg [dreg:$0xe]  }
0x31: {  	s30 =	rddreg [dreg:$0xb];
	s6 =	sadd.s32 $0x1, s6  }
0x32: {  	p0 =	sne.s32 s6, s30  }
.Ltmp1:
0x33: {  	_ = 	snop;
	(pc) =	sbr.rel @!p0 .LBB2_16-.Ltmp1, $3  }
0x34: {  	_ =	sdelay $0x1  }
0x35: {  	[sflag:s2] =	ssyncset.done $0x0  }
0x36: {  	[sflag:s2] =	ssyncadd.s32 $0xFFFFE000  }
.LBB2_1:
0x37: {  	[dreg:$0xe] =	wrdreg s6  }
0x38: {  	s0 =	rddreg [dreg:$0x3]  }
0x39: {  	[tilespmem:s3], [sflag:$0x1] =	stream.linear.gather [hbm4b:s0+s3], $0x80, $0x38;
	[tilespmem:$0x10400] =	vst v63  }
0x3a: {  	s2 =	rddreg [dreg:$0x4]  }
0x3b: {  	[tilespmem:s20], [sflag:$0x2] =	stream.linear.gather [hbm4b:s2+s3], $0x80, $0x38;
	[tilespmem:$0x10400] =	vst v63  }
0x3c: {  	s6 =	rddreg [dreg:$0x5];
	s2 =	simm.s32 $0x100  }
0x3d: {  	[tilespmem:s2], [sflag:$0x3] =	stream.linear.gather [hbm4b:s6+s3], $0x80, $0x38;
	[tilespmem:$0x10400] =	vst v63  }
0x3e: {  	s14 =	rddreg [dreg:$0x6];
	s6 =	simm.s32 $0x180  }
0x3f: {  	[tilespmem:s6], [sflag:$0x4] =	stream.linear.gather [hbm4b:s14+s3], $0x80, $0x38;
	[tilespmem:$0x10400] =	vst v63  }
0x40: {  	s16 =	rddreg [dreg:$0x7];
	s14 =	simm.s32 $0x200  }
0x41: {  	[tilespmem:s14], [sflag:$0x5] =	stream.linear.gather [hbm4b:s16+s3], $0x80, $0x38;
	[tilespmem:$0x10400] =	vst v63  }
0x42: {  	s28 =	rddreg [dreg:$0x8];
	s30 =	simm.s32 $0x280  }
0x43: {  	[tilespmem:s30], [sflag:$0x6] =	stream.linear.gather [hbm4b:s28+s3], $0x80, $0x38;
	[tilespmem:$0x10400] =	vst v63  }
0x44: {  	s14 =	rddreg [dreg:$0x9];
	s16 =	simm.s32 $0x300  }
0x45: {  	[tilespmem:s16], [sflag:$0x7] =	stream.linear.gather [hbm4b:s14+s3], $0x80, $0x38;
	[tilespmem:$0x10400] =	vst v63  }
0x46: {  	s28 =	rddreg [dreg:$0xa];
	s30 =	simm.s32 $0x380;
	s14 =	simm.s32 $0x1  }
0x47: {  	[tilespmem:s30], [sflag:$0x8] =	stream.linear.gather [hbm4b:s28+s3], $0x80, $0x38;
	[tilespmem:$0x10400] =	vst v63  }
0x48: {  	_ =	swait.ge [sflag:s14], $0x80  }
0x49: {  	[sflag:s14] =	ssyncset.done $0x0  }
0x4a: {  	[sflag:s14] =	ssyncadd.s32 $0xFFFFFF80  }
0x4b: {  	v0 =	vld [tilespmem:$0x0]  }
0x4c: {  	v1 =	vld [tilespmem:$0x10]  }
0x4d: {  	v2 =	vld [tilespmem:$0x20]  }
0x4e: {  	v5 =	vld [tilespmem:$0x30]  }
0x4f: {  	v6 =	vld [tilespmem:$0x40]  }
0x50: {  	v47 =	vld [tilespmem:$0x50];
	v3 =	vshll.u32 v0, $0x1  }
0x51: {  	v8 =	vld [tilespmem:$0x60];
	v4 =	vand.u32 $0xFFFFF800, v0;
	v0 =	vshrl.u32 v0, $0xA;
	v44 =	vshll.u32 v1, $0x1  }
0x52: {  	v9 =	vld [tilespmem:$0x70];
	v45 =	vand.u32 $0xFFFFF800, v1;
	v1 =	vshrl.u32 v1, $0xA;
	v46 =	vshll.u32 v2, $0x1  }
0x53: {  	v7 =	vand.u32 $0xFFFFF800, v2;
	v2 =	vshrl.u32 v2, $0xA;
	v48 =	vshll.u32 v5, $0x1  }
0x54: {  	v49 =	vand.u32 $0xFFFFF800, v5;
	v5 =	vshrl.u32 v5, $0xA;
	v51 =	vshll.u32 v6, $0x1  }
0x55: {  	v52 =	vand.u32 $0xFFFFF800, v6;
	v53 =	vshrl.u32 v6, $0xA;
	v54 =	vshll.u32 v47, $0x1  }
0x56: {  	v10 =	vand.u32 $0xFFFFF800, v47;
	v59 =	vshll.u32 v8, $0x1;
	v60 =	vand.u32 $0xFFFFF800, v8  }
0x57: {  	v61 =	vshrl.u32 v8, $0xA;
	v63 =	vshll.u32 v9, $0x1;
	v8 =	vand.u32 $0xFFFFF800, v9  }
0x58: {  	v9 =	vshrl.u32 v9, $0xA;
	v3 =	vand.u32 $0x7FE, v3;
	v0 =	vand.u32 $0x1, v0  }
0x59: {  	v1 =	vand.u32 $0x1, v1;
	v2 =	vand.u32 $0x1, v2;
	v50 =	vand.u32 $0x1, v5  }
0x5a: {  	v5 =	vand.u32 $0x7FE, v51;
	v6 =	vand.u32 $0x7FE, v54;
	v55 =	vand.u32 $0x1, v53  }
0x5b: {  	v62 =	vand.u32 $0x1, v61;
	v3 =	vor.u32 v4, v3;
	v4 =	vand.u32 $0x7FE, v44  }
0x5c: {  	v0 =	vor.u32 v0, v3;
	v3 =	vor.u32 v45, v4;
	v4 =	vand.u32 $0x7FE, v46  }
0x5d: {  	v4 =	vor.u32 v7, v4;
	v1 =	vor.u32 v1, v3;
	v3 =	vand.u32 $0x7FE, v48;
	[tilespmem:$0x0] =	vst v0  }
0x5e: {  	v56 =	vor.u32 v10, v6;
	v2 =	vor.u32 v2, v4;
	v3 =	vor.u32 v49, v3;
	[tilespmem:$0x10] =	vst v1  }
0x5f: {  	v7 =	vshrl.u32 v47, $0xA;
	v4 =	vor.u32 v52, v5;
	v3 =	vor.u32 v50, v3;
	[tilespmem:$0x20] =	vst v2  }
0x60: {  	v57 =	vand.u32 $0x1, v7;
	v0 =	vor.u32 v55, v4;
	v4 =	vand.u32 $0x7FE, v59;
	[tilespmem:$0x30] =	vst v3  }
0x61: {  	v58 =	vor.u32 v57, v56;
	v2 =	vor.u32 v60, v4;
	[tilespmem:$0x40] =	vst v0;
	v4 =	vand.u32 $0x7FE, v63  }
0x62: {  	v11 =	vand.u32 $0x1, v9;
	[tilespmem:$0x50] =	vst v58;
	v10 =	vor.u32 v62, v2;
	v0 =	vor.u32 v8, v4  }
0x63: {  	[tilespmem:$0x60] =	vst v10;
	v0 =	vor.u32 v11, v0  }
0x64: {  	s16 =	simm.s32 $0x400;
	s28 =	simm.s32 $0x2;
	[tilespmem:$0x70] =	vst v0  }
0x65: {  	[tilespmem:s16], [sflag:$0x9] =	stream.indirect.gather [hbm4b:s4+s20], $0x40, s3, s20, $0xb8;
	[tilespmem:$0x10400] =	vst v63  }
0x66: {  	_ =	swait.ge [sflag:s28], $0x80  }
0x67: {  	[sflag:s28] =	ssyncset.done $0x0  }
0x68: {  	[sflag:s28] =	ssyncadd.s32 $0xFFFFFF80  }
0x69: {  	v12 =	vld [tilespmem:$0x80]  }
0x6a: {  	v13 =	vld [tilespmem:$0x90]  }
0x6b: {  	v14 =	vld [tilespmem:$0xA0]  }
0x6c: {  	v18 =	vld [tilespmem:$0xB0]  }
0x6d: {  	v21 =	vld [tilespmem:$0xC0]  }
0x6e: {  	v23 =	vld [tilespmem:$0xD0];
	v15 =	vshll.u32 v12, $0x1  }
0x6f: {  	v28 =	vld [tilespmem:$0xE0];
	v16 =	vand.u32 $0xFFFFF800, v12;
	v0 =	vshrl.u32 v12, $0xA;
	v17 =	vshll.u32 v13, $0x1  }
0x70: {  	v32 =	vld [tilespmem:$0xF0];
	v19 =	vand.u32 $0xFFFFF800, v13;
	v1 =	vshrl.u32 v13, $0xA;
	v20 =	vshll.u32 v14, $0x1  }
0x71: {  	v22 =	vand.u32 $0xFFFFF800, v14;
	v2 =	vshrl.u32 v14, $0xA;
	v24 =	vshll.u32 v18, $0x1  }
0x72: {  	v25 =	vand.u32 $0xFFFFF800, v18;
	v5 =	vshrl.u32 v18, $0xA;
	v27 =	vshll.u32 v21, $0x1  }
0x73: {  	v29 =	vand.u32 $0xFFFFF800, v21;
	v30 =	vshrl.u32 v21, $0xA;
	v31 =	vshll.u32 v23, $0x1  }
0x74: {  	v33 =	vand.u32 $0xFFFFF800, v23;
	v7 =	vshrl.u32 v23, $0xA;
	v38 =	vshll.u32 v28, $0x1  }
0x75: {  	v39 =	vand.u32 $0xFFFFF800, v28;
	v40 =	vshrl.u32 v28, $0xA;
	v42 =	vshll.u32 v32, $0x1  }
0x76: {  	v43 =	vand.u32 $0xFFFFF800, v32;
	v44 =	vshrl.u32 v32, $0xA;
	v3 =	vand.u32 $0x7FE, v15  }
0x77: {  	v0 =	vand.u32 $0x1, v0;
	v4 =	vand.u32 $0x7FE, v17;
	v1 =	vand.u32 $0x1, v1  }
0x78: {  	v2 =	vand.u32 $0x1, v2;
	v26 =	vand.u32 $0x1, v5;
	v5 =	vand.u32 $0x7FE, v27  }
0x79: {  	v6 =	vand.u32 $0x7FE, v31;
	v34 =	vand.u32 $0x1, v30;
	v3 =	vor.u32 v16, v3  }
0x7a: {  	v36 =	vand.u32 $0x1, v7;
	v35 =	vor.u32 v33, v6;
	v0 =	vor.u32 v0, v3  }
0x7b: {  	v3 =	vor.u32 v19, v4;
	v4 =	vand.u32 $0x7FE, v20;
	v37 =	vor.u32 v36, v35;
	[tilespmem:$0x80] =	vst v0  }
0x7c: {  	v4 =	vor.u32 v22, v4;
	v1 =	vor.u32 v1, v3;
	v3 =	vand.u32 $0x7FE, v24;
	[tilespmem:$0xD0] =	vst v37  }
0x7d: {  	v2 =	vor.u32 v2, v4;
	v3 =	vor.u32 v25, v3;
	v4 =	vor.u32 v29, v5;
	[tilespmem:$0x90] =	vst v1  }
0x7e: {  	v3 =	vor.u32 v26, v3;
	v0 =	vor.u32 v34, v4;
	[tilespmem:$0xA0] =	vst v2;
	v4 =	vand.u32 $0x7FE, v38  }
0x7f: {  	v41 =	vand.u32 $0x1, v40;
	[tilespmem:$0xB0] =	vst v3;
	v2 =	vor.u32 v39, v4;
	v4 =	vand.u32 $0x7FE, v42  }
0x80: {  	v46 =	vand.u32 $0x1, v44;
	[tilespmem:$0xC0] =	vst v0;
	v45 =	vor.u32 v41, v2;
	v0 =	vor.u32 v43, v4  }
0x81: {  	[tilespmem:$0xE0] =	vst v45;
	v0 =	vor.u32 v46, v0  }
0x82: {  	s30 =	simm.s32 $0x2400;
	s14 =	simm.s32 $0x3;
	[tilespmem:$0xF0] =	vst v0  }
0x83: {  	[tilespmem:s30], [sflag:$0xA] =	stream.indirect.gather [hbm4b:s4+s20], $0x40, s20, s20, $0xb8;
	[tilespmem:$0x10400] =	vst v63  }
0x84: {  	_ =	swait.ge [sflag:s14], $0x80  }
0x85: {  	[sflag:s14] =	ssyncset.done $0x0  }
0x86: {  	[sflag:s14] =	ssyncadd.s32 $0xFFFFFF80  }
0x87: {  	v47 =	vld [tilespmem:$0x100]  }
0x88: {  	v48 =	vld [tilespmem:$0x110]  }
0x89: {  	v49 =	vld [tilespmem:$0x120]  }
0x8a: {  	v53 =	vld [tilespmem:$0x130]  }
0x8b: {  	v56 =	vld [tilespmem:$0x140]  }
0x8c: {  	v58 =	vld [tilespmem:$0x150];
	v50 =	vshll.u32 v47, $0x1  }
0x8d: {  	v63 =	vld [tilespmem:$0x160];
	v51 =	vand.u32 $0xFFFFF800, v47;
	v0 =	vshrl.u32 v47, $0xA;
	v52 =	vshll.u32 v48, $0x1  }
0x8e: {  	v14 =	vld [tilespmem:$0x170];
	v54 =	vand.u32 $0xFFFFF800, v48;
	v1 =	vshrl.u32 v48, $0xA;
	v55 =	vshll.u32 v49, $0x1  }
0x8f: {  	v57 =	vand.u32 $0xFFFFF800, v49;
	v2 =	vshrl.u32 v49, $0xA;
	v59 =	vshll.u32 v53, $0x1  }
0x90: {  	v60 =	vand.u32 $0xFFFFF800, v53;
	v5 =	vshrl.u32 v53, $0xA;
	v62 =	vshll.u32 v56, $0x1  }
0x91: {  	v11 =	vand.u32 $0xFFFFF800, v56;
	v12 =	vshrl.u32 v56, $0xA;
	v13 =	vshll.u32 v58, $0x1  }
0x92: {  	v15 =	vand.u32 $0xFFFFF800, v58;
	v7 =	vshrl.u32 v58, $0xA;
	v20 =	vshll.u32 v63, $0x1  }
0x93: {  	v21 =	vand.u32 $0xFFFFF800, v63;
	v22 =	vshrl.u32 v63, $0xA;
	v24 =	vshll.u32 v14, $0x1  }
0x94: {  	v25 =	vand.u32 $0xFFFFF800, v14;
	v26 =	vshrl.u32 v14, $0xA;
	v3 =	vand.u32 $0x7FE, v50  }
0x95: {  	v0 =	vand.u32 $0x1, v0;
	v4 =	vand.u32 $0x7FE, v52;
	v1 =	vand.u32 $0x1, v1  }
0x96: {  	v2 =	vand.u32 $0x1, v2;
	v61 =	vand.u32 $0x1, v5;
	v5 =	vand.u32 $0x7FE, v62  }
0x97: {  	v6 =	vand.u32 $0x7FE, v13;
	v16 =	vand.u32 $0x1, v12;
	v3 =	vor.u32 v51, v3  }
0x98: {  	v18 =	vand.u32 $0x1, v7;
	v17 =	vor.u32 v15, v6;
	v0 =	vor.u32 v0, v3  }
0x99: {  	v3 =	vor.u32 v54, v4;
	v4 =	vand.u32 $0x7FE, v55;
	v19 =	vor.u32 v18, v17;
	[tilespmem:$0x100] =	vst v0  }
0x9a: {  	v4 =	vor.u32 v57, v4;
	v1 =	vor.u32 v1, v3;
	v3 =	vand.u32 $0x7FE, v59;
	[tilespmem:$0x150] =	vst v19  }
0x9b: {  	v2 =	vor.u32 v2, v4;
	v3 =	vor.u32 v60, v3;
	v4 =	vor.u32 v11, v5;
	[tilespmem:$0x110] =	vst v1  }
0x9c: {  	v3 =	vor.u32 v61, v3;
	v0 =	vor.u32 v16, v4;
	[tilespmem:$0x120] =	vst v2;
	v4 =	vand.u32 $0x7FE, v20  }
0x9d: {  	v23 =	vand.u32 $0x1, v22;
	[tilespmem:$0x130] =	vst v3;
	v2 =	vor.u32 v21, v4;
	v4 =	vand.u32 $0x7FE, v24  }
0x9e: {  	v28 =	vand.u32 $0x1, v26;
	[tilespmem:$0x140] =	vst v0;
	v27 =	vor.u32 v23, v2;
	v0 =	vor.u32 v25, v4  }
0x9f: {  	[tilespmem:$0x160] =	vst v27;
	v0 =	vor.u32 v28, v0  }
0xa0: {  	s16 =	simm.s32 $0x4400;
	s28 =	simm.s32 $0x4;
	[tilespmem:$0x170] =	vst v0  }
0xa1: {  	[tilespmem:s16], [sflag:$0xB] =	stream.indirect.gather [hbm4b:s4+s20], $0x40, s2, s20, $0xb8;
	[tilespmem:$0x10400] =	vst v63  }
0xa2: {  	_ =	swait.ge [sflag:s28], $0x80  }
0xa3: {  	[sflag:s28] =	ssyncset.done $0x0  }
0xa4: {  	[sflag:s28] =	ssyncadd.s32 $0xFFFFFF80  }
0xa5: {  	v29 =	vld [tilespmem:$0x180]  }
0xa6: {  	v30 =	vld [tilespmem:$0x190]  }
0xa7: {  	v31 =	vld [tilespmem:$0x1A0]  }
0xa8: {  	v35 =	vld [tilespmem:$0x1B0]  }
0xa9: {  	v38 =	vld [tilespmem:$0x1C0]  }
0xaa: {  	v40 =	vld [tilespmem:$0x1D0];
	v32 =	vshll.u32 v29, $0x1  }
0xab: {  	v45 =	vld [tilespmem:$0x1E0];
	v33 =	vand.u32 $0xFFFFF800, v29;
	v0 =	vshrl.u32 v29, $0xA;
	v34 =	vshll.u32 v30, $0x1  }
0xac: {  	v49 =	vld [tilespmem:$0x1F0];
	v36 =	vand.u32 $0xFFFFF800, v30;
	v1 =	vshrl.u32 v30, $0xA;
	v37 =	vshll.u32 v31, $0x1  }
0xad: {  	v39 =	vand.u32 $0xFFFFF800, v31;
	v2 =	vshrl.u32 v31, $0xA;
	v41 =	vshll.u32 v35, $0x1  }
0xae: {  	v42 =	vand.u32 $0xFFFFF800, v35;
	v5 =	vshrl.u32 v35, $0xA;
	v44 =	vshll.u32 v38, $0x1  }
0xaf: {  	v46 =	vand.u32 $0xFFFFF800, v38;
	v47 =	vshrl.u32 v38, $0xA;
	v48 =	vshll.u32 v40, $0x1  }
0xb0: {  	v50 =	vand.u32 $0xFFFFF800, v40;
	v7 =	vshrl.u32 v40, $0xA;
	v54 =	vshll.u32 v45, $0x1  }
0xb1: {  	v55 =	vand.u32 $0xFFFFF800, v45;
	v56 =	vshrl.u32 v45, $0xA;
	v58 =	vshll.u32 v49, $0x1  }
0xb2: {  	v59 =	vand.u32 $0xFFFFF800, v49;
	v60 =	vshrl.u32 v49, $0xA;
	v3 =	vand.u32 $0x7FE, v32  }
0xb3: {  	v0 =	vand.u32 $0x1, v0;
	v4 =	vand.u32 $0x7FE, v34;
	v1 =	vand.u32 $0x1, v1  }
0xb4: {  	v2 =	vand.u32 $0x1, v2;
	v43 =	vand.u32 $0x1, v5;
	v5 =	vand.u32 $0x7FE, v44  }
0xb5: {  	v6 =	vand.u32 $0x7FE, v48;
	v52 =	vand.u32 $0x1, v7;
	v3 =	vor.u32 v33, v3  }
0xb6: {  	v0 =	vor.u32 v0, v3;
	v3 =	vor.u32 v36, v4;
	v4 =	vand.u32 $0x7FE, v37  }
0xb7: {  	v51 =	vor.u32 v50, v6;
	v4 =	vor.u32 v39, v4;
	v1 =	vor.u32 v1, v3;
	[tilespmem:$0x180] =	vst v0  }
0xb8: {  	v3 =	vand.u32 $0x7FE, v41;
	v0 =	vor.u32 v52, v51;
	v2 =	vor.u32 v2, v4;
	[tilespmem:$0x190] =	vst v1  }
0xb9: {  	v3 =	vor.u32 v42, v3;
	v4 =	vor.u32 v46, v5;
	v5 =	vand.u32 $0x1, v47;
	[tilespmem:$0x1D0] =	vst v0  }
0xba: {  	v3 =	vor.u32 v43, v3;
	v53 =	vor.u32 v5, v4;
	[tilespmem:$0x1A0] =	vst v2;
	v4 =	vand.u32 $0x7FE, v54  }
.Ltmp2:
0xbb: {  	v57 =	vand.u32 $0x1, v56;
	[tilespmem:$0x1B0] =	vst v3;
	v2 =	vor.u32 v55, v4;
	v4 =	vand.u32 $0x7FE, v58;
	(pc) =	sbr.rel .LBB2_2-.Ltmp2, $4  }
0xbc: {  	v62 =	vand.u32 $0x1, v60;
	[tilespmem:$0x1C0] =	vst v53;
	v61 =	vor.u32 v57, v2;
	v1 =	vor.u32 v59, v4  }
0xbd: {  	[tilespmem:$0x1E0] =	vst v61;
	v63 =	vor.u32 v62, v1  }
0xbe: {  	s0 =	simm.s32 $0x0;
	s30 =	simm.s32 $0x6400;
	s2 =	rddreg [dreg:$0x1];
	[tilespmem:$0x1F0] =	vst v63  }
0xbf: {  	[tilespmem:s30], [sflag:$0xC] =	stream.indirect.gather [hbm4b:s4+s20], $0x40, s6, s20, $0xb8;
	[tilespmem:$0x10400] =	vst v63  }
.LBB2_14:
0xc0: {  	s0 =	sadd.s32 $0x80, s0  }
0xc1: {  	p0 =	sne.s32 s0, $0xC80  }
.Ltmp3:
0xc2: {  	_ = 	snop;
	(pc) =	sbr.rel @!p0 .LBB2_15-.Ltmp3, $2  }
0xc3: {  	_ =	sdelay $0x2  }
0xc4: {  	s2 =	sadd.s32 $0x2000, s2  }
.LBB2_2:
0xc5: {  	_ =	swait.ge [sflag:s7], $0x2000  }
0xc6: {  	[sflag:s7] =	ssyncset.done $0x0  }
0xc7: {  	s6 =	sadd.s32 s2, s19;
	s14 =	simm.s32 $0x400;
	[sflag:s7] =	ssyncadd.s32 $0xFFFFE000  }
0xc8: {  	[hbm4b:s6+s3] =	stream.linear.scatter [tilespmem:s14], [sflag:$0x11], $0x2000, $0x38;
	[tilespmem:$0x10400] =	vst v63  }
0xc9: {  	_ =	swait.ge [sflag:s8], $0x80  }
0xca: {  	[sflag:s8] =	ssyncset.done $0x0  }
0xcb: {  	[sflag:s8] =	ssyncadd.s32 $0xFFFFFF80  }
0xcc: {  	v0 =	vld [tilespmem:$0x200]  }
0xcd: {  	v1 =	vld [tilespmem:$0x210]  }
0xce: {  	v2 =	vld [tilespmem:$0x220]  }
0xcf: {  	v5 =	vld [tilespmem:$0x230]  }
0xd0: {  	v6 =	vld [tilespmem:$0x240]  }
0xd1: {  	v43 =	vld [tilespmem:$0x250];
	v3 =	vshll.u32 v0, $0x1  }
0xd2: {  	v8 =	vld [tilespmem:$0x260];
	v4 =	vand.u32 $0xFFFFF800, v0;
	v0 =	vshrl.u32 v0, $0xA;
	v40 =	vshll.u32 v1, $0x1  }
0xd3: {  	v9 =	vld [tilespmem:$0x270];
	v41 =	vand.u32 $0xFFFFF800, v1;
	v1 =	vshrl.u32 v1, $0xA;
	v42 =	vshll.u32 v2, $0x1  }
0xd4: {  	v7 =	vand.u32 $0xFFFFF800, v2;
	v2 =	vshrl.u32 v2, $0xA;
	v44 =	vshll.u32 v5, $0x1  }
0xd5: {  	v45 =	vand.u32 $0xFFFFF800, v5;
	v5 =	vshrl.u32 v5, $0xA;
	v47 =	vshll.u32 v6, $0x1  }
0xd6: {  	v48 =	vand.u32 $0xFFFFF800, v6;
	v49 =	vshrl.u32 v6, $0xA;
	v50 =	vshll.u32 v43, $0x1  }
0xd7: {  	v10 =	vand.u32 $0xFFFFF800, v43;
	v54 =	vshll.u32 v8, $0x1;
	v55 =	vand.u32 $0xFFFFF800, v8  }
0xd8: {  	v56 =	vshrl.u32 v8, $0xA;
	v58 =	vshll.u32 v9, $0x1;
	v59 =	vand.u32 $0xFFFFF800, v9  }
0xd9: {  	v60 =	vshrl.u32 v9, $0xA;
	v3 =	vand.u32 $0x7FE, v3;
	v0 =	vand.u32 $0x1, v0  }
0xda: {  	v1 =	vand.u32 $0x1, v1;
	v2 =	vand.u32 $0x1, v2;
	v46 =	vand.u32 $0x1, v5  }
0xdb: {  	v5 =	vand.u32 $0x7FE, v47;
	v6 =	vand.u32 $0x7FE, v50;
	v57 =	vand.u32 $0x1, v56  }
0xdc: {  	v3 =	vor.u32 v4, v3;
	v4 =	vand.u32 $0x7FE, v40;
	v51 =	vor.u32 v10, v6  }
0xdd: {  	v0 =	vor.u32 v0, v3;
	v3 =	vor.u32 v41, v4;
	v4 =	vand.u32 $0x7FE, v42  }
0xde: {  	v4 =	vor.u32 v7, v4;
	v1 =	vor.u32 v1, v3;
	v3 =	vand.u32 $0x7FE, v44;
	[tilespmem:$0x200] =	vst v0  }
0xdf: {  	v7 =	vshrl.u32 v43, $0xA;
	v2 =	vor.u32 v2, v4;
	v3 =	vor.u32 v45, v3;
	[tilespmem:$0x210] =	vst v1  }
0xe0: {  	p0 =	sne.s32 s0, $0x0;
	v4 =	vor.u32 v48, v5;
	v5 =	vand.u32 $0x1, v49;
	v3 =	vor.u32 v46, v3;
	[tilespmem:$0x220] =	vst v2  }
.Ltmp4:
0xe1: {  	v52 =	vand.u32 $0x1, v7;
	v53 =	vor.u32 v5, v4;
	v4 =	vand.u32 $0x7FE, v54;
	[tilespmem:$0x230] =	vst v3;
	(pc) =	sbr.rel @!p0 .LBB2_3-.Ltmp4, $4  }
0xe2: {  	v0 =	vor.u32 v52, v51;
	v2 =	vor.u32 v55, v4;
	[tilespmem:$0x240] =	vst v53;
	v4 =	vand.u32 $0x7FE, v58  }
0xe3: {  	v62 =	vand.u32 $0x1, v60;
	[tilespmem:$0x250] =	vst v0;
	v61 =	vor.u32 v57, v2;
	v1 =	vor.u32 v59, v4  }
0xe4: {  	[tilespmem:$0x260] =	vst v61;
	v63 =	vor.u32 v62, v1  }
0xe5: {  	[tilespmem:$0x270] =	vst v63  }
0xe6: {  	p1 =	seq.s32 s0, $0xC00  }
.Ltmp5:
0xe7: {  	_ = 	snop;
	(pc) =	sbr.rel @p1 .LBB2_6-.Ltmp5, $4  }
.Ltmp6:
0xe8: {  	_ =	swait.ge [sflag:s1], $0x2000;
	(pc) =	sbr.rel @!p1 .LBB2_5-.Ltmp6, $4  }
0xe9: {  	[sflag:s1] =	ssyncset.done $0x0  }
0xea: {  	s6 =	simm.s32 $0x200;
	p0 =	por $0x1, $0x1;
	[sflag:s1] =	ssyncadd.s32 $0xFFFFE000  }
0xeb: {  	[tilespmem:s9], [sflag:$0xD] =	stream.indirect.gather [hbm4b:s4+s20], $0x40, s6, s20, $0xb8;
	[tilespmem:$0x10400] =	vst v63  }
0xec: {  	_ = 	snop  }
.LBB2_3:
0xed: {  	s6 =	simm.s32 $0x200  }
0xee: {  	[tilespmem:s9], [sflag:$0xD] =	stream.indirect.gather [hbm4b:s4+s20], $0x40, s6, s20, $0xb8;
	[tilespmem:$0x10400] =	vst v63  }
.LBB2_5:
0xef: {  	s6 =	sadd.s32 s0, s15  }
0xf0: {  	p0 =	por $0x0, $0x0;
	s6 =	sadd.s32 $0x80, s6  }
0xf1: {  	[tilespmem:s3], [sflag:$0x1] =	stream.linear.gather [hbm4b:s6+s3], $0x80, $0x38;
	[tilespmem:$0x10400] =	vst v63  }
.LBB2_6:
0xf2: {  	_ =	swait.ge [sflag:s10], $0x2000  }
0xf3: {  	s6 =	sadd.s32 s2, s17;
	[sflag:s10] =	ssyncset.done $0x0  }
0xf4: {  	s14 =	simm.s32 $0x2400;
	s28 =	sadd.s32 $0x400, s6;
	[sflag:s10] =	ssyncadd.s32 $0xFFFFE000  }
0xf5: {  	[hbm4b:s28+s3] =	stream.linear.scatter [tilespmem:s14], [sflag:$0x12], $0x2000, $0x38;
	[tilespmem:$0x10400] =	vst v63  }
0xf6: {  	_ =	swait.ge [sflag:s11], $0x80  }
0xf7: {  	[sflag:s11] =	ssyncset.done $0x0  }
0xf8: {  	[sflag:s11] =	ssyncadd.s32 $0xFFFFFF80  }
0xf9: {  	v0 =	vld [tilespmem:$0x280]  }
0xfa: {  	v1 =	vld [tilespmem:$0x290]  }
0xfb: {  	v2 =	vld [tilespmem:$0x2A0]  }
0xfc: {  	v5 =	vld [tilespmem:$0x2B0]  }
0xfd: {  	v6 =	vld [tilespmem:$0x2C0]  }
0xfe: {  	v26 =	vld [tilespmem:$0x2D0];
	v3 =	vshll.u32 v0, $0x1  }
0xff: {  	v8 =	vld [tilespmem:$0x2E0];
	v4 =	vand.u32 $0xFFFFF800, v0;
	v0 =	vshrl.u32 v0, $0xA;
	v23 =	vshll.u32 v1, $0x1  }
0x100: {  	v9 =	vld [tilespmem:$0x2F0];
	v24 =	vand.u32 $0xFFFFF800, v1;
	v1 =	vshrl.u32 v1, $0xA;
	v25 =	vshll.u32 v2, $0x1  }
0x101: {  	v7 =	vand.u32 $0xFFFFF800, v2;
	v2 =	vshrl.u32 v2, $0xA;
	v27 =	vshll.u32 v5, $0x1  }
0x102: {  	v28 =	vand.u32 $0xFFFFF800, v5;
	v5 =	vshrl.u32 v5, $0xA;
	v30 =	vshll.u32 v6, $0x1  }
0x103: {  	v31 =	vand.u32 $0xFFFFF800, v6;
	v32 =	vshrl.u32 v6, $0xA;
	v33 =	vshll.u32 v26, $0x1  }
0x104: {  	v10 =	vand.u32 $0xFFFFF800, v26;
	v38 =	vshll.u32 v8, $0x1;
	v39 =	vand.u32 $0xFFFFF800, v8  }
0x105: {  	v40 =	vshrl.u32 v8, $0xA;
	v42 =	vshll.u32 v9, $0x1;
	v43 =	vand.u32 $0xFFFFF800, v9  }
0x106: {  	v44 =	vshrl.u32 v9, $0xA;
	v3 =	vand.u32 $0x7FE, v3;
	v0 =	vand.u32 $0x1, v0  }
0x107: {  	v1 =	vand.u32 $0x1, v1;
	v2 =	vand.u32 $0x1, v2;
	v29 =	vand.u32 $0x1, v5  }
0x108: {  	v5 =	vand.u32 $0x7FE, v30;
	v6 =	vand.u32 $0x7FE, v33;
	v34 =	vand.u32 $0x1, v32  }
0x109: {  	v41 =	vand.u32 $0x1, v40;
	v3 =	vor.u32 v4, v3;
	v4 =	vand.u32 $0x7FE, v23  }
0x10a: {  	v0 =	vor.u32 v0, v3;
	v3 =	vor.u32 v24, v4;
	v4 =	vand.u32 $0x7FE, v25  }
0x10b: {  	v4 =	vor.u32 v7, v4;
	v1 =	vor.u32 v1, v3;
	v3 =	vand.u32 $0x7FE, v27;
	[tilespmem:$0x280] =	vst v0  }
0x10c: {  	v35 =	vor.u32 v10, v6;
	v2 =	vor.u32 v2, v4;
	v3 =	vor.u32 v28, v3;
	[tilespmem:$0x290] =	vst v1  }
0x10d: {  	v7 =	vshrl.u32 v26, $0xA;
	v4 =	vor.u32 v31, v5;
	v3 =	vor.u32 v29, v3;
	[tilespmem:$0x2A0] =	vst v2  }
0x10e: {  	v36 =	vand.u32 $0x1, v7;
	v0 =	vor.u32 v34, v4;
	v4 =	vand.u32 $0x7FE, v38;
	[tilespmem:$0x2B0] =	vst v3  }
0x10f: {  	v37 =	vor.u32 v36, v35;
	v2 =	vor.u32 v39, v4;
	[tilespmem:$0x2C0] =	vst v0;
	v4 =	vand.u32 $0x7FE, v42  }
0x110: {  	v46 =	vand.u32 $0x1, v44;
	[tilespmem:$0x2D0] =	vst v37;
	v45 =	vor.u32 v41, v2;
	v0 =	vor.u32 v43, v4  }
0x111: {  	p1 =	seq.s32 s0, $0x0;
	[tilespmem:$0x2E0] =	vst v45;
	v0 =	vor.u32 v46, v0  }
0x112: {  	s28 =	simm.s32 @!p1 $0x16;
	[tilespmem:$0x2F0] =	vst v0  }
0x113: {  	_ =	swait.ge @!p1 [sflag:s28], $0x2000  }
0x114: {  	[sflag:s28] =	ssyncset.done @!p1 $0x0  }
0x115: {  	[sflag:s28] =	ssyncadd.s32 @!p1 $0xFFFFE000;
	s28 =	simm.s32 $0x280  }
0x116: {  	[tilespmem:s12], [sflag:$0xE] =	stream.indirect.gather [hbm4b:s4+s20], $0x40, s28, s20, $0xb8;
	[tilespmem:$0x10400] =	vst v63  }
0x117: {  	s28 =	sadd.s32 @!p0 s0, s15  }
0x118: {  	s30 =	simm.s32 @!p0 $0x0;
	s14 =	simm.s32 @!p0 $0x80;
	s16 =	sadd.s32 @!p0 $0x90, s28  }
0x119: {  	[tilespmem:s14], [sflag:$0x2] =	stream.linear.gather @!p0 [hbm4b:s16+s30], $0x80, $0x38;
	[tilespmem:$0x10400] =	vst v63  }
0x11a: {  	_ =	swait.ge [sflag:s13], $0x2000  }
0x11b: {  	[sflag:s13] =	ssyncset.done $0x0;
	s16 =	rddreg [dreg:$0xc]  }
0x11c: {  	[sflag:s13] =	ssyncadd.s32 $0xFFFFE000;
	s14 =	sadd.s32 s2, s16;
	s16 =	simm.s32 $0x4400  }
0x11d: {  	[hbm4b:s14+s3] =	stream.linear.scatter [tilespmem:s16], [sflag:$0x13], $0x2000, $0x38;
	[tilespmem:$0x10400] =	vst v63  }
0x11e: {  	_ =	swait.ge [sflag:s5], $0x80  }
0x11f: {  	[sflag:s5] =	ssyncset.done $0x0  }
0x120: {  	[sflag:s5] =	ssyncadd.s32 $0xFFFFFF80  }
0x121: {  	v47 =	vld [tilespmem:$0x300]  }
0x122: {  	v48 =	vld [tilespmem:$0x310]  }
0x123: {  	v49 =	vld [tilespmem:$0x320]  }
0x124: {  	v53 =	vld [tilespmem:$0x330]  }
0x125: {  	v56 =	vld [tilespmem:$0x340]  }
0x126: {  	v58 =	vld [tilespmem:$0x350];
	v50 =	vshll.u32 v47, $0x1  }
0x127: {  	v63 =	vld [tilespmem:$0x360];
	v51 =	vand.u32 $0xFFFFF800, v47;
	v0 =	vshrl.u32 v47, $0xA;
	v52 =	vshll.u32 v48, $0x1  }
0x128: {  	v14 =	vld [tilespmem:$0x370];
	v54 =	vand.u32 $0xFFFFF800, v48;
	v1 =	vshrl.u32 v48, $0xA;
	v55 =	vshll.u32 v49, $0x1  }
0x129: {  	v57 =	vand.u32 $0xFFFFF800, v49;
	v2 =	vshrl.u32 v49, $0xA;
	v59 =	vshll.u32 v53, $0x1  }
0x12a: {  	v60 =	vand.u32 $0xFFFFF800, v53;
	v5 =	vshrl.u32 v53, $0xA;
	v62 =	vshll.u32 v56, $0x1  }
0x12b: {  	v11 =	vand.u32 $0xFFFFF800, v56;
	v12 =	vshrl.u32 v56, $0xA;
	v13 =	vshll.u32 v58, $0x1  }
0x12c: {  	v15 =	vand.u32 $0xFFFFF800, v58;
	v7 =	vshrl.u32 v58, $0xA;
	v20 =	vshll.u32 v63, $0x1  }
0x12d: {  	v21 =	vand.u32 $0xFFFFF800, v63;
	v22 =	vshrl.u32 v63, $0xA;
	v24 =	vshll.u32 v14, $0x1  }
0x12e: {  	v25 =	vand.u32 $0xFFFFF800, v14;
	v26 =	vshrl.u32 v14, $0xA;
	v3 =	vand.u32 $0x7FE, v50  }
0x12f: {  	v0 =	vand.u32 $0x1, v0;
	v4 =	vand.u32 $0x7FE, v52;
	v1 =	vand.u32 $0x1, v1  }
0x130: {  	v2 =	vand.u32 $0x1, v2;
	v61 =	vand.u32 $0x1, v5;
	v5 =	vand.u32 $0x7FE, v62  }
0x131: {  	v6 =	vand.u32 $0x7FE, v13;
	v16 =	vand.u32 $0x1, v12;
	v3 =	vor.u32 v51, v3  }
0x132: {  	v18 =	vand.u32 $0x1, v7;
	v17 =	vor.u32 v15, v6;
	v0 =	vor.u32 v0, v3  }
0x133: {  	v3 =	vor.u32 v54, v4;
	v4 =	vand.u32 $0x7FE, v55;
	v19 =	vor.u32 v18, v17;
	[tilespmem:$0x300] =	vst v0  }
0x134: {  	v4 =	vor.u32 v57, v4;
	v1 =	vor.u32 v1, v3;
	v3 =	vand.u32 $0x7FE, v59;
	[tilespmem:$0x350] =	vst v19  }
0x135: {  	v2 =	vor.u32 v2, v4;
	v3 =	vor.u32 v60, v3;
	v4 =	vor.u32 v11, v5;
	[tilespmem:$0x310] =	vst v1  }
0x136: {  	v3 =	vor.u32 v61, v3;
	v0 =	vor.u32 v16, v4;
	[tilespmem:$0x320] =	vst v2;
	v4 =	vand.u32 $0x7FE, v20  }
0x137: {  	v23 =	vand.u32 $0x1, v22;
	[tilespmem:$0x330] =	vst v3;
	v2 =	vor.u32 v21, v4;
	v4 =	vand.u32 $0x7FE, v24  }
0x138: {  	v28 =	vand.u32 $0x1, v26;
	[tilespmem:$0x340] =	vst v0;
	v27 =	vor.u32 v23, v2;
	v0 =	vor.u32 v25, v4  }
0x139: {  	[tilespmem:$0x360] =	vst v27;
	v0 =	vor.u32 v28, v0  }
0x13a: {  	s14 =	simm.s32 @!p1 $0x17;
	[tilespmem:$0x370] =	vst v0  }
0x13b: {  	_ =	swait.ge @!p1 [sflag:s14], $0x2000  }
0x13c: {  	[sflag:s14] =	ssyncset.done @!p1 $0x0  }
0x13d: {  	s16 =	simm.s32 $0x300;
	[sflag:s14] =	ssyncadd.s32 @!p1 $0xFFFFE000  }
0x13e: {  	[tilespmem:s21], [sflag:$0xF] =	stream.indirect.gather [hbm4b:s4+s20], $0x40, s16, s20, $0xb8;
	[tilespmem:$0x10400] =	vst v63  }
0x13f: {  	s14 =	sadd.s32 @!p0 $0xA0, s28;
	s16 =	simm.s32 @!p0 $0x100  }
0x140: {  	[tilespmem:s16], [sflag:$0x3] =	stream.linear.gather @!p0 [hbm4b:s14+s30], $0x80, $0x38;
	[tilespmem:$0x10400] =	vst v63  }
0x141: {  	_ =	swait.ge [sflag:s22], $0x2000  }
0x142: {  	[sflag:s22] =	ssyncset.done $0x0  }
0x143: {  	s28 =	simm.s32 $0x6400;
	s16 =	sadd.s32 $0xC00, s6;
	[sflag:s22] =	ssyncadd.s32 $0xFFFFE000  }
0x144: {  	[hbm4b:s16+s3] =	stream.linear.scatter [tilespmem:s28], [sflag:$0x14], $0x2000, $0x38;
	[tilespmem:$0x10400] =	vst v63  }
0x145: {  	_ =	swait.ge [sflag:s23], $0x80  }
0x146: {  	[sflag:s23] =	ssyncset.done $0x0  }
0x147: {  	[sflag:s23] =	ssyncadd.s32 $0xFFFFFF80  }
0x148: {  	v29 =	vld [tilespmem:$0x380]  }
0x149: {  	v30 =	vld [tilespmem:$0x390]  }
0x14a: {  	v31 =	vld [tilespmem:$0x3A0]  }
0x14b: {  	v35 =	vld [tilespmem:$0x3B0]  }
0x14c: {  	v38 =	vld [tilespmem:$0x3C0]  }
0x14d: {  	v40 =	vld [tilespmem:$0x3D0];
	v32 =	vshll.u32 v29, $0x1  }
0x14e: {  	v45 =	vld [tilespmem:$0x3E0];
	v33 =	vand.u32 $0xFFFFF800, v29;
	v0 =	vshrl.u32 v29, $0xA;
	v34 =	vshll.u32 v30, $0x1  }
0x14f: {  	v49 =	vld [tilespmem:$0x3F0];
	v36 =	vand.u32 $0xFFFFF800, v30;
	v1 =	vshrl.u32 v30, $0xA;
	v37 =	vshll.u32 v31, $0x1  }
0x150: {  	v39 =	vand.u32 $0xFFFFF800, v31;
	v2 =	vshrl.u32 v31, $0xA;
	v41 =	vshll.u32 v35, $0x1  }
0x151: {  	v42 =	vand.u32 $0xFFFFF800, v35;
	v5 =	vshrl.u32 v35, $0xA;
	v44 =	vshll.u32 v38, $0x1  }
0x152: {  	v46 =	vand.u32 $0xFFFFF800, v38;
	v47 =	vshrl.u32 v38, $0xA;
	v48 =	vshll.u32 v40, $0x1  }
0x153: {  	v50 =	vand.u32 $0xFFFFF800, v40;
	v7 =	vshrl.u32 v40, $0xA;
	v54 =	vshll.u32 v45, $0x1  }
0x154: {  	v55 =	vand.u32 $0xFFFFF800, v45;
	v56 =	vshrl.u32 v45, $0xA;
	v58 =	vshll.u32 v49, $0x1  }
0x155: {  	v59 =	vand.u32 $0xFFFFF800, v49;
	v60 =	vshrl.u32 v49, $0xA;
	v3 =	vand.u32 $0x7FE, v32  }
0x156: {  	v0 =	vand.u32 $0x1, v0;
	v4 =	vand.u32 $0x7FE, v34;
	v1 =	vand.u32 $0x1, v1  }
0x157: {  	v2 =	vand.u32 $0x1, v2;
	v43 =	vand.u32 $0x1, v5;
	v5 =	vand.u32 $0x7FE, v44  }
0x158: {  	v6 =	vand.u32 $0x7FE, v48;
	v52 =	vand.u32 $0x1, v7;
	v3 =	vor.u32 v33, v3  }
0x159: {  	v0 =	vor.u32 v0, v3;
	v3 =	vor.u32 v36, v4;
	v4 =	vand.u32 $0x7FE, v37  }
0x15a: {  	v51 =	vor.u32 v50, v6;
	v4 =	vor.u32 v39, v4;
	v1 =	vor.u32 v1, v3;
	[tilespmem:$0x380] =	vst v0  }
0x15b: {  	v3 =	vand.u32 $0x7FE, v41;
	v0 =	vor.u32 v52, v51;
	v2 =	vor.u32 v2, v4;
	[tilespmem:$0x390] =	vst v1  }
0x15c: {  	v3 =	vor.u32 v42, v3;
	v4 =	vor.u32 v46, v5;
	v5 =	vand.u32 $0x1, v47;
	[tilespmem:$0x3D0] =	vst v0  }
0x15d: {  	v3 =	vor.u32 v43, v3;
	v53 =	vor.u32 v5, v4;
	[tilespmem:$0x3A0] =	vst v2;
	v4 =	vand.u32 $0x7FE, v54  }
0x15e: {  	v57 =	vand.u32 $0x1, v56;
	[tilespmem:$0x3B0] =	vst v3;
	v2 =	vor.u32 v55, v4;
	v4 =	vand.u32 $0x7FE, v58  }
0x15f: {  	v62 =	vand.u32 $0x1, v60;
	[tilespmem:$0x3C0] =	vst v53;
	v61 =	vor.u32 v57, v2;
	v1 =	vor.u32 v59, v4  }
0x160: {  	[tilespmem:$0x3E0] =	vst v61;
	v63 =	vor.u32 v62, v1  }
.Ltmp7:
0x161: {  	s14 =	simm.s32 @!p1 $0x18;
	[tilespmem:$0x3F0] =	vst v63;
	(pc) =	sbr.rel @!p0 .LBB2_7-.Ltmp7, $4  }
0x162: {  	_ =	swait.ge @!p1 [sflag:s14], $0x2000  }
0x163: {  	[sflag:s14] =	ssyncset.done @!p1 $0x0  }
0x164: {  	s30 =	sadd.s32 s2, s18;
	s28 =	simm.s32 $0x380;
	[sflag:s14] =	ssyncadd.s32 @!p1 $0xFFFFE000  }
0x165: {  	[tilespmem:s24], [sflag:$0x10] =	stream.indirect.gather [hbm4b:s4+s20], $0x40, s28, s20, $0xb8;
	[tilespmem:$0x10400] =	vst v63  }
.Ltmp8:
0x166: {  	(pc) =	sbr.rel .LBB2_9-.Ltmp8, $4  }
0x167: {  	_ =	swait.ge [sflag:s25], $0x2000  }
0x168: {  	[sflag:s25] =	ssyncset.done $0x0  }
0x169: {  	[sflag:s25] =	ssyncadd.s32 $0xFFFFE000  }
0x16a: {  	[hbm4b:s30+s3] =	stream.linear.scatter [tilespmem:s9], [sflag:$0x15], $0x2000, $0x38;
	[tilespmem:$0x10400] =	vst v63  }
.LBB2_7:
0x16b: {  	s28 =	sadd.s32 s0, s15  }
0x16c: {  	s16 =	simm.s32 $0x180;
	s14 =	sadd.s32 $0xB0, s28  }
0x16d: {  	[tilespmem:s16], [sflag:$0x4] =	stream.linear.gather [hbm4b:s14+s3], $0x80, $0x38;
	[tilespmem:$0x10400] =	vst v63  }
0x16e: {  	_ =	swait.ge [sflag:s25], $0x2000  }
0x16f: {  	[sflag:s25] =	ssyncset.done $0x0  }
0x170: {  	s16 =	simm.s32 $0x1;
	[sflag:s25] =	ssyncadd.s32 $0xFFFFE000  }
0x171: {  	[hbm4b:s30+s3] =	stream.linear.scatter [tilespmem:s9], [sflag:$0x15], $0x2000, $0x38;
	[tilespmem:$0x10400] =	vst v63  }
0x172: {  	_ =	swait.ge [sflag:s16], $0x80  }
0x173: {  	[sflag:s16] =	ssyncset.done $0x0  }
0x174: {  	[sflag:s16] =	ssyncadd.s32 $0xFFFFFF80  }
0x175: {  	v0 =	vld [tilespmem:$0x0]  }
0x176: {  	v1 =	vld [tilespmem:$0x10]  }
0x177: {  	v2 =	vld [tilespmem:$0x20]  }
0x178: {  	v5 =	vld [tilespmem:$0x30]  }
0x179: {  	v6 =	vld [tilespmem:$0x40]  }
0x17a: {  	v43 =	vld [tilespmem:$0x50];
	v3 =	vshll.u32 v0, $0x1  }
0x17b: {  	v8 =	vld [tilespmem:$0x60];
	v4 =	vand.u32 $0xFFFFF800, v0;
	v0 =	vshrl.u32 v0, $0xA;
	v40 =	vshll.u32 v1, $0x1  }
0x17c: {  	v9 =	vld [tilespmem:$0x70];
	v41 =	vand.u32 $0xFFFFF800, v1;
	v1 =	vshrl.u32 v1, $0xA;
	v42 =	vshll.u32 v2, $0x1  }
0x17d: {  	v7 =	vand.u32 $0xFFFFF800, v2;
	v2 =	vshrl.u32 v2, $0xA;
	v44 =	vshll.u32 v5, $0x1  }
0x17e: {  	v45 =	vand.u32 $0xFFFFF800, v5;
	v5 =	vshrl.u32 v5, $0xA;
	v47 =	vshll.u32 v6, $0x1  }
0x17f: {  	v48 =	vand.u32 $0xFFFFF800, v6;
	v49 =	vshrl.u32 v6, $0xA;
	v50 =	vshll.u32 v43, $0x1  }
0x180: {  	v10 =	vand.u32 $0xFFFFF800, v43;
	v54 =	vshll.u32 v8, $0x1;
	v55 =	vand.u32 $0xFFFFF800, v8  }
0x181: {  	v56 =	vshrl.u32 v8, $0xA;
	v58 =	vshll.u32 v9, $0x1;
	v59 =	vand.u32 $0xFFFFF800, v9  }
0x182: {  	v60 =	vshrl.u32 v9, $0xA;
	v3 =	vand.u32 $0x7FE, v3;
	v0 =	vand.u32 $0x1, v0  }
0x183: {  	v1 =	vand.u32 $0x1, v1;
	v2 =	vand.u32 $0x1, v2;
	v46 =	vand.u32 $0x1, v5  }
0x184: {  	v5 =	vand.u32 $0x7FE, v47;
	v6 =	vand.u32 $0x7FE, v50;
	v57 =	vand.u32 $0x1, v56  }
0x185: {  	v3 =	vor.u32 v4, v3;
	v4 =	vand.u32 $0x7FE, v40;
	v51 =	vor.u32 v10, v6  }
0x186: {  	v0 =	vor.u32 v0, v3;
	v3 =	vor.u32 v41, v4;
	v4 =	vand.u32 $0x7FE, v42  }
0x187: {  	v4 =	vor.u32 v7, v4;
	v1 =	vor.u32 v1, v3;
	v3 =	vand.u32 $0x7FE, v44;
	[tilespmem:$0x0] =	vst v0  }
0x188: {  	v7 =	vshrl.u32 v43, $0xA;
	v2 =	vor.u32 v2, v4;
	v3 =	vor.u32 v45, v3;
	[tilespmem:$0x10] =	vst v1  }
0x189: {  	v4 =	vor.u32 v48, v5;
	v5 =	vand.u32 $0x1, v49;
	v3 =	vor.u32 v46, v3;
	[tilespmem:$0x20] =	vst v2  }
0x18a: {  	v52 =	vand.u32 $0x1, v7;
	v53 =	vor.u32 v5, v4;
	v4 =	vand.u32 $0x7FE, v54;
	[tilespmem:$0x30] =	vst v3  }
0x18b: {  	v0 =	vor.u32 v52, v51;
	v2 =	vor.u32 v55, v4;
	[tilespmem:$0x40] =	vst v53;
	v4 =	vand.u32 $0x7FE, v58  }
0x18c: {  	v62 =	vand.u32 $0x1, v60;
	[tilespmem:$0x50] =	vst v0;
	v61 =	vor.u32 v57, v2;
	v1 =	vor.u32 v59, v4  }
0x18d: {  	[tilespmem:$0x60] =	vst v61;
	v63 =	vor.u32 v62, v1  }
0x18e: {  	s30 =	simm.s32 $0x11;
	[tilespmem:$0x70] =	vst v63  }
0x18f: {  	_ =	swait.ge [sflag:s30], $0x2000  }
0x190: {  	[sflag:s30] =	ssyncset.done $0x0  }
0x191: {  	s16 =	simm.s32 $0x400;
	[sflag:s30] =	ssyncadd.s32 $0xFFFFE000  }
0x192: {  	[tilespmem:s16], [sflag:$0x9] =	stream.indirect.gather [hbm4b:s4+s20], $0x40, s3, s20, $0xb8;
	[tilespmem:$0x10400] =	vst v63  }
0x193: {  	s28 =	sadd.s32 $0xC0, s28;
	s30 =	simm.s32 $0x200  }
0x194: {  	[tilespmem:s30], [sflag:$0x5] =	stream.linear.gather [hbm4b:s28+s3], $0x80, $0x38;
	[tilespmem:$0x10400] =	vst v63  }
.LBB2_9:
.Ltmp9:
0x195: {  	(pc) =	sbr.rel @!p0 .LBB2_10-.Ltmp9, $4  }
0x196: {  	_ =	swait.ge [sflag:s26], $0x2000  }
0x197: {  	[sflag:s26] =	ssyncset.done $0x0;
	s30 =	rddreg [dreg:$0xd]  }
0x198: {  	s14 =	sadd.s32 $0x1400, s6;
	[sflag:s26] =	ssyncadd.s32 $0xFFFFE000;
	s28 =	sadd.s32 s2, s30  }
0x199: {  	[hbm4b:s14+s3] =	stream.linear.scatter [tilespmem:s12], [sflag:$0x16], $0x2000, $0x38;
	[tilespmem:$0x10400] =	vst v63  }
.Ltmp10:
0x19a: {  	(pc) =	sbr.rel .LBB2_12-.Ltmp10, $4  }
0x19b: {  	_ =	swait.ge [sflag:s29], $0x2000  }
0x19c: {  	[sflag:s29] =	ssyncset.done $0x0  }
0x19d: {  	[sflag:s29] =	ssyncadd.s32 $0xFFFFE000  }
0x19e: {  	[hbm4b:s28+s3] =	stream.linear.scatter [tilespmem:s21], [sflag:$0x17], $0x2000, $0x38;
	[tilespmem:$0x10400] =	vst v63  }
.LBB2_10:
0x19f: {  	s14 =	simm.s32 $0x2  }
0x1a0: {  	_ =	swait.ge [sflag:s14], $0x80  }
0x1a1: {  	[sflag:s14] =	ssyncset.done $0x0  }
0x1a2: {  	[sflag:s14] =	ssyncadd.s32 $0xFFFFFF80  }
0x1a3: {  	v0 =	vld [tilespmem:$0x80]  }
0x1a4: {  	v1 =	vld [tilespmem:$0x90]  }
0x1a5: {  	v2 =	vld [tilespmem:$0xA0]  }
0x1a6: {  	v5 =	vld [tilespmem:$0xB0]  }
0x1a7: {  	v6 =	vld [tilespmem:$0xC0]  }
0x1a8: {  	v60 =	vld [tilespmem:$0xD0];
	v3 =	vshll.u32 v0, $0x1  }
0x1a9: {  	v8 =	vld [tilespmem:$0xE0];
	v4 =	vand.u32 $0xFFFFF800, v0;
	v0 =	vshrl.u32 v0, $0xA;
	v57 =	vshll.u32 v1, $0x1  }
0x1aa: {  	v9 =	vld [tilespmem:$0xF0];
	v58 =	vand.u32 $0xFFFFF800, v1;
	v1 =	vshrl.u32 v1, $0xA;
	v59 =	vshll.u32 v2, $0x1  }
0x1ab: {  	v7 =	vand.u32 $0xFFFFF800, v2;
	v2 =	vshrl.u32 v2, $0xA;
	v61 =	vshll.u32 v5, $0x1  }
0x1ac: {  	v62 =	vand.u32 $0xFFFFF800, v5;
	v5 =	vshrl.u32 v5, $0xA;
	v12 =	vshll.u32 v6, $0x1  }
0x1ad: {  	v13 =	vand.u32 $0xFFFFF800, v6;
	v14 =	vshrl.u32 v6, $0xA;
	v15 =	vshll.u32 v60, $0x1  }
0x1ae: {  	v10 =	vand.u32 $0xFFFFF800, v60;
	v20 =	vshll.u32 v8, $0x1;
	v21 =	vand.u32 $0xFFFFF800, v8  }
0x1af: {  	v22 =	vshrl.u32 v8, $0xA;
	v24 =	vshll.u32 v9, $0x1;
	v25 =	vand.u32 $0xFFFFF800, v9  }
0x1b0: {  	v26 =	vshrl.u32 v9, $0xA;
	v3 =	vand.u32 $0x7FE, v3;
	v0 =	vand.u32 $0x1, v0  }
0x1b1: {  	v1 =	vand.u32 $0x1, v1;
	v2 =	vand.u32 $0x1, v2;
	v63 =	vand.u32 $0x1, v5  }
0x1b2: {  	v5 =	vand.u32 $0x7FE, v12;
	v6 =	vand.u32 $0x7FE, v15;
	v16 =	vand.u32 $0x1, v14  }
0x1b3: {  	v23 =	vand.u32 $0x1, v22;
	v3 =	vor.u32 v4, v3;
	v4 =	vand.u32 $0x7FE, v57  }
0x1b4: {  	v0 =	vor.u32 v0, v3;
	v3 =	vor.u32 v58, v4;
	v4 =	vand.u32 $0x7FE, v59  }
0x1b5: {  	v4 =	vor.u32 v7, v4;
	v1 =	vor.u32 v1, v3;
	v3 =	vand.u32 $0x7FE, v61;
	[tilespmem:$0x80] =	vst v0  }
0x1b6: {  	v17 =	vor.u32 v10, v6;
	v2 =	vor.u32 v2, v4;
	v3 =	vor.u32 v62, v3;
	[tilespmem:$0x90] =	vst v1  }
0x1b7: {  	v7 =	vshrl.u32 v60, $0xA;
	v4 =	vor.u32 v13, v5;
	v3 =	vor.u32 v63, v3;
	[tilespmem:$0xA0] =	vst v2  }
0x1b8: {  	v18 =	vand.u32 $0x1, v7;
	v0 =	vor.u32 v16, v4;
	v4 =	vand.u32 $0x7FE, v20;
	[tilespmem:$0xB0] =	vst v3  }
0x1b9: {  	v19 =	vor.u32 v18, v17;
	v2 =	vor.u32 v21, v4;
	[tilespmem:$0xC0] =	vst v0;
	v4 =	vand.u32 $0x7FE, v24  }
0x1ba: {  	v28 =	vand.u32 $0x1, v26;
	[tilespmem:$0xD0] =	vst v19;
	v27 =	vor.u32 v23, v2;
	v0 =	vor.u32 v25, v4  }
0x1bb: {  	[tilespmem:$0xE0] =	vst v27;
	v0 =	vor.u32 v28, v0  }
0x1bc: {  	s16 =	simm.s32 $0x12;
	[tilespmem:$0xF0] =	vst v0  }
0x1bd: {  	_ =	swait.ge [sflag:s16], $0x2000  }
0x1be: {  	[sflag:s16] =	ssyncset.done $0x0  }
0x1bf: {  	s30 =	simm.s32 $0x2400;
	[sflag:s16] =	ssyncadd.s32 $0xFFFFE000  }
0x1c0: {  	[tilespmem:s30], [sflag:$0xA] =	stream.indirect.gather [hbm4b:s4+s20], $0x40, s20, s20, $0xb8;
	[tilespmem:$0x10400] =	vst v63  }
0x1c1: {  	s30 =	sadd.s32 s0, s15  }
0x1c2: {  	s16 =	simm.s32 $0x280;
	s14 =	sadd.s32 $0xD0, s30  }
0x1c3: {  	[tilespmem:s16], [sflag:$0x6] =	stream.linear.gather [hbm4b:s14+s3], $0x80, $0x38;
	[tilespmem:$0x10400] =	vst v63  }
0x1c4: {  	_ =	swait.ge [sflag:s29], $0x2000  }
0x1c5: {  	[sflag:s29] =	ssyncset.done $0x0  }
0x1c6: {  	s16 =	simm.s32 $0x3;
	[sflag:s29] =	ssyncadd.s32 $0xFFFFE000  }
0x1c7: {  	[hbm4b:s28+s3] =	stream.linear.scatter [tilespmem:s21], [sflag:$0x17], $0x2000, $0x38;
	[tilespmem:$0x10400] =	vst v63  }
0x1c8: {  	_ =	swait.ge [sflag:s16], $0x80  }
0x1c9: {  	[sflag:s16] =	ssyncset.done $0x0  }
0x1ca: {  	[sflag:s16] =	ssyncadd.s32 $0xFFFFFF80  }
0x1cb: {  	v29 =	vld [tilespmem:$0x100]  }
0x1cc: {  	v30 =	vld [tilespmem:$0x110]  }
0x1cd: {  	v31 =	vld [tilespmem:$0x120]  }
0x1ce: {  	v35 =	vld [tilespmem:$0x130]  }
0x1cf: {  	v38 =	vld [tilespmem:$0x140]  }
0x1d0: {  	v40 =	vld [tilespmem:$0x150];
	v32 =	vshll.u32 v29, $0x1  }
0x1d1: {  	v45 =	vld [tilespmem:$0x160];
	v33 =	vand.u32 $0xFFFFF800, v29;
	v0 =	vshrl.u32 v29, $0xA;
	v34 =	vshll.u32 v30, $0x1  }
0x1d2: {  	v49 =	vld [tilespmem:$0x170];
	v36 =	vand.u32 $0xFFFFF800, v30;
	v1 =	vshrl.u32 v30, $0xA;
	v37 =	vshll.u32 v31, $0x1  }
0x1d3: {  	v39 =	vand.u32 $0xFFFFF800, v31;
	v2 =	vshrl.u32 v31, $0xA;
	v41 =	vshll.u32 v35, $0x1  }
0x1d4: {  	v42 =	vand.u32 $0xFFFFF800, v35;
	v5 =	vshrl.u32 v35, $0xA;
	v44 =	vshll.u32 v38, $0x1  }
0x1d5: {  	v46 =	vand.u32 $0xFFFFF800, v38;
	v47 =	vshrl.u32 v38, $0xA;
	v48 =	vshll.u32 v40, $0x1  }
0x1d6: {  	v50 =	vand.u32 $0xFFFFF800, v40;
	v7 =	vshrl.u32 v40, $0xA;
	v54 =	vshll.u32 v45, $0x1  }
0x1d7: {  	v55 =	vand.u32 $0xFFFFF800, v45;
	v56 =	vshrl.u32 v45, $0xA;
	v58 =	vshll.u32 v49, $0x1  }
0x1d8: {  	v59 =	vand.u32 $0xFFFFF800, v49;
	v60 =	vshrl.u32 v49, $0xA;
	v3 =	vand.u32 $0x7FE, v32  }
0x1d9: {  	v0 =	vand.u32 $0x1, v0;
	v4 =	vand.u32 $0x7FE, v34;
	v1 =	vand.u32 $0x1, v1  }
0x1da: {  	v2 =	vand.u32 $0x1, v2;
	v43 =	vand.u32 $0x1, v5;
	v5 =	vand.u32 $0x7FE, v44  }
0x1db: {  	v6 =	vand.u32 $0x7FE, v48;
	v52 =	vand.u32 $0x1, v7;
	v3 =	vor.u32 v33, v3  }
0x1dc: {  	v0 =	vor.u32 v0, v3;
	v3 =	vor.u32 v36, v4;
	v4 =	vand.u32 $0x7FE, v37  }
0x1dd: {  	v51 =	vor.u32 v50, v6;
	v4 =	vor.u32 v39, v4;
	v1 =	vor.u32 v1, v3;
	[tilespmem:$0x100] =	vst v0  }
0x1de: {  	v3 =	vand.u32 $0x7FE, v41;
	v0 =	vor.u32 v52, v51;
	v2 =	vor.u32 v2, v4;
	[tilespmem:$0x110] =	vst v1  }
0x1df: {  	v3 =	vor.u32 v42, v3;
	v4 =	vor.u32 v46, v5;
	v5 =	vand.u32 $0x1, v47;
	[tilespmem:$0x150] =	vst v0  }
0x1e0: {  	v3 =	vor.u32 v43, v3;
	v53 =	vor.u32 v5, v4;
	[tilespmem:$0x120] =	vst v2;
	v4 =	vand.u32 $0x7FE, v54  }
0x1e1: {  	v57 =	vand.u32 $0x1, v56;
	[tilespmem:$0x130] =	vst v3;
	v2 =	vor.u32 v55, v4;
	v4 =	vand.u32 $0x7FE, v58  }
0x1e2: {  	v62 =	vand.u32 $0x1, v60;
	[tilespmem:$0x140] =	vst v53;
	v61 =	vor.u32 v57, v2;
	v1 =	vor.u32 v59, v4  }
0x1e3: {  	[tilespmem:$0x160] =	vst v61;
	v63 =	vor.u32 v62, v1  }
0x1e4: {  	s28 =	simm.s32 $0x13;
	[tilespmem:$0x170] =	vst v63  }
0x1e5: {  	_ =	swait.ge [sflag:s28], $0x2000  }
0x1e6: {  	[sflag:s28] =	ssyncset.done $0x0  }
0x1e7: {  	s16 =	simm.s32 $0x100;
	[sflag:s28] =	ssyncadd.s32 $0xFFFFE000;
	s28 =	simm.s32 $0x4400  }
0x1e8: {  	[tilespmem:s28], [sflag:$0xB] =	stream.indirect.gather [hbm4b:s4+s20], $0x40, s16, s20, $0xb8;
	[tilespmem:$0x10400] =	vst v63  }
0x1e9: {  	s28 =	sadd.s32 $0xE0, s30;
	s30 =	simm.s32 $0x300  }
0x1ea: {  	[tilespmem:s30], [sflag:$0x7] =	stream.linear.gather [hbm4b:s28+s3], $0x80, $0x38;
	[tilespmem:$0x10400] =	vst v63  }
.LBB2_12:
.Ltmp11:
0x1eb: {  	(pc) =	sbr.rel @p0 .LBB2_14-.Ltmp11, $4  }
0x1ec: {  	_ =	swait.ge [sflag:s31], $0x2000  }
0x1ed: {  	[sflag:s31] =	ssyncset.done $0x0  }
0x1ee: {  	s6 =	sadd.s32 $0x1C00, s6;
	[sflag:s31] =	ssyncadd.s32 $0xFFFFE000  }
0x1ef: {  	[hbm4b:s6+s3] =	stream.linear.scatter [tilespmem:s24], [sflag:$0x18], $0x2000, $0x38;
	[tilespmem:$0x10400] =	vst v63  }
0x1f0: {  	s6 =	simm.s32 $0x4  }
0x1f1: {  	_ =	swait.ge [sflag:s6], $0x80  }
0x1f2: {  	[sflag:s6] =	ssyncset.done $0x0  }
0x1f3: {  	[sflag:s6] =	ssyncadd.s32 $0xFFFFFF80  }
0x1f4: {  	v0 =	vld [tilespmem:$0x180]  }
0x1f5: {  	v1 =	vld [tilespmem:$0x190]  }
0x1f6: {  	v2 =	vld [tilespmem:$0x1A0]  }
0x1f7: {  	v5 =	vld [tilespmem:$0x1B0]  }
0x1f8: {  	v6 =	vld [tilespmem:$0x1C0]  }
0x1f9: {  	v43 =	vld [tilespmem:$0x1D0];
	v3 =	vshll.u32 v0, $0x1  }
0x1fa: {  	v8 =	vld [tilespmem:$0x1E0];
	v4 =	vand.u32 $0xFFFFF800, v0;
	v0 =	vshrl.u32 v0, $0xA;
	v40 =	vshll.u32 v1, $0x1  }
0x1fb: {  	v9 =	vld [tilespmem:$0x1F0];
	v41 =	vand.u32 $0xFFFFF800, v1;
	v1 =	vshrl.u32 v1, $0xA;
	v42 =	vshll.u32 v2, $0x1  }
0x1fc: {  	v7 =	vand.u32 $0xFFFFF800, v2;
	v2 =	vshrl.u32 v2, $0xA;
	v44 =	vshll.u32 v5, $0x1  }
0x1fd: {  	v45 =	vand.u32 $0xFFFFF800, v5;
	v5 =	vshrl.u32 v5, $0xA;
	v47 =	vshll.u32 v6, $0x1  }
0x1fe: {  	v48 =	vand.u32 $0xFFFFF800, v6;
	v49 =	vshrl.u32 v6, $0xA;
	v50 =	vshll.u32 v43, $0x1  }
0x1ff: {  	v10 =	vand.u32 $0xFFFFF800, v43;
	v54 =	vshll.u32 v8, $0x1;
	v55 =	vand.u32 $0xFFFFF800, v8  }
0x200: {  	v56 =	vshrl.u32 v8, $0xA;
	v58 =	vshll.u32 v9, $0x1;
	v59 =	vand.u32 $0xFFFFF800, v9  }
0x201: {  	v60 =	vshrl.u32 v9, $0xA;
	v3 =	vand.u32 $0x7FE, v3;
	v0 =	vand.u32 $0x1, v0  }
0x202: {  	v1 =	vand.u32 $0x1, v1;
	v2 =	vand.u32 $0x1, v2;
	v46 =	vand.u32 $0x1, v5  }
0x203: {  	v5 =	vand.u32 $0x7FE, v47;
	v6 =	vand.u32 $0x7FE, v50;
	v57 =	vand.u32 $0x1, v56  }
0x204: {  	v3 =	vor.u32 v4, v3;
	v4 =	vand.u32 $0x7FE, v40;
	v51 =	vor.u32 v10, v6  }
0x205: {  	v0 =	vor.u32 v0, v3;
	v3 =	vor.u32 v41, v4;
	v4 =	vand.u32 $0x7FE, v42  }
0x206: {  	v4 =	vor.u32 v7, v4;
	v1 =	vor.u32 v1, v3;
	v3 =	vand.u32 $0x7FE, v44;
	[tilespmem:$0x180] =	vst v0  }
0x207: {  	v7 =	vshrl.u32 v43, $0xA;
	v2 =	vor.u32 v2, v4;
	v3 =	vor.u32 v45, v3;
	[tilespmem:$0x190] =	vst v1  }
0x208: {  	v4 =	vor.u32 v48, v5;
	v5 =	vand.u32 $0x1, v49;
	v3 =	vor.u32 v46, v3;
	[tilespmem:$0x1A0] =	vst v2  }
0x209: {  	v52 =	vand.u32 $0x1, v7;
	v53 =	vor.u32 v5, v4;
	v4 =	vand.u32 $0x7FE, v54;
	[tilespmem:$0x1B0] =	vst v3  }
0x20a: {  	v0 =	vor.u32 v52, v51;
	v2 =	vor.u32 v55, v4;
	[tilespmem:$0x1C0] =	vst v53;
	v4 =	vand.u32 $0x7FE, v58  }
0x20b: {  	v62 =	vand.u32 $0x1, v60;
	[tilespmem:$0x1D0] =	vst v0;
	v61 =	vor.u32 v57, v2;
	v1 =	vor.u32 v59, v4  }
0x20c: {  	[tilespmem:$0x1E0] =	vst v61;
	v63 =	vor.u32 v62, v1  }
0x20d: {  	s14 =	simm.s32 $0x14;
	[tilespmem:$0x1F0] =	vst v63  }
0x20e: {  	_ =	swait.ge [sflag:s14], $0x2000  }
.Ltmp12:
0x20f: {  	s16 =	simm.s32 $0x180;
	[sflag:s14] =	ssyncset.done $0x0;
	(pc) =	sbr.rel .LBB2_14-.Ltmp12, $4  }
0x210: {  	s28 =	sadd.s32 s0, s15;
	[sflag:s14] =	ssyncadd.s32 $0xFFFFE000;
	s14 =	simm.s32 $0x6400  }
0x211: {  	[tilespmem:s14], [sflag:$0xC] =	stream.indirect.gather [hbm4b:s4+s20], $0x40, s16, s20, $0xb8;
	[tilespmem:$0x10400] =	vst v63  }
0x212: {  	s30 =	simm.s32 $0x380;
	s6 =	sadd.s32 $0xF0, s28  }
0x213: {  	[tilespmem:s30], [sflag:$0x8] =	stream.linear.gather [hbm4b:s6+s3], $0x80, $0x38;
	[tilespmem:$0x10400] =	vst v63  }
.LBB2_16:
0x214: {  	_ =	sfence.sel $0x180000  }
0x215: {  	[bflag:$0x0] =	sbarrier.arrive $0xFFFF  }
0x216: {  	_ =	strace $0x90000047  }
0x217: {  	s0 =	stileid.u32;
	[bflag:$0x2] =	sbarrier.arrive $0xFFFF  }
0x218: {  	p0 =	sne.s32 s0, $0x0;
	s0 =	rddreg [dreg:$0x2]  }
0x219: {  	s0 =	sadd.s32 @!p0 $0x100000, s0  }
0x21a: {  	[sflag:s0] =	ssyncadd.tile.s32 @!p0 $0x1;
	_ =	shalt  }
.Lfunc_end2:
_tile_overlayer_lowered:
.L_overlay_start_2:
0x21b: {  	(tag) =	ssettag $0x2  }
0x21c: {  	s0 =	rddreg [dreg:$0x0];
	s2 =	stileid.u32  }
0x21d: {  	s1 =	rddreg [dreg:$0x1];
	p0 =	sne.s32 s2, $0x0  }
0x21e: {  	s3 =	rddreg [dreg:$0x2];
	[bflag:$0x3] =	sbarrier.arrive $0xFFFF;
	s2 =	simm.s32 @!p0 $0x1C19  }
0x21f: {  	[timem:s3], [sflag:s2] =	dma.local @!p0 [hbm:s0], s1  }
0x220: {  	s0 =	simm.s32 @!p0 $0x19  }
0x221: {  	_ =	swait.ge @!p0 [sflag:s0], s1  }
0x222: {  	s1 =	ssub.s32 @!p0 $0x0, s1;
	[sflag:s0] =	ssyncset.done @!p0 $0x0  }
0x223: {  	[sflag:s0] =	ssyncadd.s32 @!p0 s1  }
0x224: {  	[bflag:$0x3] =	sbarrier.arrive $0xFFFF  }
0x225: {  	_ =	shalt  }

// kernel: sparse-core-data-format-call.cloned.1.call-start
scs
called_computation_lowered:
.L_overlay_start_0:
0x0: {  	s2 =	sld [smem:$0x3FD9]  }
0x1: {  	s3 =	sld [smem:$0x3FFE];
	_ =	sdelay $0x1  }
0x2: {  	s1 =	srdreg.scid  }
0x3: {  	s0 =	sand.u32 $0x1, s1  }
0x4: {  	s18 =	sshll.u32 s0, $0xA;
	s2 =	sadd.s32 s3, s2  }
0x5: {  	s2 =	sadd.s32 s2, s18  }
0x6: {  	[smem:$0x3FC6] =	sst s2  }
0x7: {  	_ = 	snop  }
0x8: {  	s2 =	sld [smem:$0x3FD0];
	(tm) =	ssettm $0x1  }
0x9: {  	s19 =	sld [smem:$0x3FFB];
	_ =	sdelay $0x3  }
0xa: {  	_ =	strace s19  }
0xb: {  	s3 =	sld [smem:$0x3FFC];
	_ =	sdelay $0x3  }
0xc: {  	_ =	strace s3  }
0xd: {  	s3 =	sld [smem:$0x3FFD];
	_ =	sdelay $0x3  }
0xe: {  	_ =	strace s3  }
0xf: {  	_ =	strace $0x8FFFFFFF  }
0x10: {  	s20 =	sld [smem:$0x3FDB];
	_ =	sdelay $0x1  }
0x11: {  	s4 =	simm.s32 $_scs_section_size  }
0x12: {  	s5 =	simm.s32 $_size__tile_overlayer_lowered;
	s6 =	simm.s32 $_tile_overlayer_lowered  }
0x13: {  	s23 =	simm.s32 $0x1BFF;
	s22 =	sshll.u32 s6, $0x1;
	s3 =	sadd.s32 s4, s20  }
0x14: {  	s7 =	simm.s32 $0x0;
	s21 =	sshll.u32 s5, $0x1;
	s5 =	sadd.s32 s22, s3  }
0x15: {  	[timem:s7], [sflag:s23] =	dma.local [hbm:s5], s21  }
0x16: {  	_ =	swait.ge [sflag:s23], s21  }
0x17: {  	s4 =	ssub.s32 $0x0, s21;
	[sflag:s23] =	ssyncset.done $0x0  }
0x18: {  	[sflag:s23] =	ssyncadd.s32 s4;
	_ =	sdelay $0x1  }
0x19: {  	s24 =	simm.s32 $0x1B8B  }
0x1a: {  	_ =	swait.ge [sflag:s24], $0x1  }
0x1b: {  	[sflag:s24] =	ssyncset.done $0x0  }
0x1c: {  	s26 =	simm.s32 $0x1B8E;
	s25 =	sld [smem:$0x3FFE];
	[sflag:s24] =	ssyncadd.s32 $0xFFFFFFFF  }
0x1d: {  	s27 =	simm.s32 $execute0_lowered;
	[smem:$0x3FD2] =	sst s26  }
0x1e: {  	s5 =	sshll.u32 s27, $0x1;
	_ =	strace $0x80000049;
	[dreg:$0x1] =	wrdreg $0xFFFFFFFF  }
0x1f: {  	s28 =	simm.s32 $_size_execute0_lowered;
	s3 =	sadd.s32 s3, s5;
	[dreg:$0x0] =	wrdreg $0x0  }
0x20: {  	s5 =	sshll.u32 s28, $0x1;
	[dreg:$0x2] =	wrdreg s3  }
0x21: {  	[dreg:$0x3] =	wrdreg s5  }
0x22: {  	[dreg:$0x4] =	wrdreg $0xC0  }
0x23: {  	_ =	task [dreg:s7], $0x5FFFF  }
0x24: {  	[dreg:$0x1] =	wrdreg $0xFFFFFFFF  }
0x25: {  	[dreg:$0x0] =	wrdreg $0x60  }
0x26: {  	[dreg:$0x2] =	wrdreg s25  }
0x27: {  	[dreg:$0x3] =	wrdreg s2  }
0x28: {  	[dreg:$0x4] =	wrdreg $0x9  }
0x29: {  	_ =	task.clear_ibuf [dreg:s7], $0x5FFFF;
	_ =	strace $0x90000049  }
0x2a: {  	s29 =	simm.s32 $0x9;
	_ =	strace $0x8000004B  }
0x2b: {  	_ =	swait.ge [sflag:s29], $0x1  }
0x2c: {  	[sflag:s29] =	ssyncadd.s32 $0xFFFFFFFF  }
0x2d: {  	_ =	strace $0x9000004B  }
0x2e: {  	_ =	sfence  }
0x2f: {  	s30 =	sld [smem:$0x0];
	_ =	sdelay $0x2  }
0x30: {  	s31 =	sshll.u32 s1, $0xD;
	s1 =	sshrl.u32 s1, $0x2  }
0x31: {  	s3 =	sand.u32 $0x4000, s31;
	s1 =	sadd.s32 s1, s30  }
0x32: {  	s0 =	sor.u32 s3, s0;
	s1 =	sshll.u32 s1, $0x11  }
0x33: {  	s0 =	sor.u32 s1, s0  }
0x34: {  	s0 =	sadd.s32 $0x8F2B, s0  }
0x35: {  	[sflag:s0] =	ssyncadd.remote.s32 $0x1  }
0x36: {  	_ =	sfence.sel $0xFFFF  }
0x37: {  	[dreg:$0x0] =	wrdreg $0xFFFFFFFF;
	(pc) =	sbr.abs _section_cstart, $3  }
0x38: {  	[dreg:$0x1] =	wrdreg $0xFFFFFFFF  }
0x39: {  	_ =	task.clear_ibuf [dreg:s7], $0x2FFFF;
	_ =	strace $0x9FFFFFFF  }
0x3a: {  	(tm) =	ssettm $0x7FFFFFFF  }
0x3b: {  	_ =	shalt  }
tec
execute0_lowered:
.L_overlay_start_1:
0x0: {  	(tag) =	ssettag $0x1  }
0x1: {  	s0 =	srdreg.scid  }
0x2: {  	s1 =	sshll.u32 s0, $0x4  }
0x3: {  	s5 =	rddreg [dreg:$0x0];
	s0 =	stileid.u32;
	s1 =	sand.u32 $0x10, s1  }
0x4: {  	s3 =	rddreg [dreg:$0x1];
	s31 =	simm.s32 $0x2;
	s4 =	sor.u32 s0, s1  }
0x5: {  	s13 =	simm.s32 $0x0;
	s9 =	simm.s32 $0x400;
	s2 =	sshll.u32 s4, $0x7  }
0x6: {  	s10 =	simm.s32 $0x8000;
	s14 =	simm.s32 $0x0;
	s6 =	ssub.s32 $0x1000, s2  }
0x7: {  	s1 =	rddreg [dreg:$0x2];
	_ =	strace $0x8000004A;
	s7 =	sand.u32 $0xF80, s6  }
0x8: {  	s4 =	sshll.u32 s4, $0xB;
	p0 =	sne.s32 s7, $0x0;
	s7 =	simm.s32 $0x1  }
.Ltmp0:
0x9: {  	s6 =	sshrl.u32 s6, $0xC;
	s7 =	simm.s32 @!p0 $0x0;
	(pc) =	sbr.rel .LBB1_1-.Ltmp0, $4  }
0xa: {  	s8 =	sadd.s32 s4, s5;
	s4 =	simm.s32 $0x1;
	s30 =	sadd.s32 s7, s6  }
0xb: {  	s11 =	simm.s32 $0x0;
	[sflag:s4] =	ssyncpa.u1 $0x0;
	s5 =	smul.u32 $0x64, s30  }
0xc: {  	s12 =	simm.s32 $0x0;
	[sflag:s31] =	ssyncpa.u1 $0x0;
	p0 =	por $0x0, $0x0  }
0xd: {  	s6 =	sadd.s32 $0x800, s8;
	s7 =	sadd.s32 $0x10800, s8;
	s8 =	sor.u32 $0x1, s5  }
.LBB1_7:
0xe: {  	s15 =	sadd.s32 $0x2, s11  }
0xf: {  	p2 =	sgt.s32 s15, $0xC7  }
0x10: {  	s15 =	simm.s32 @p2 $0x0;
	p2 =	sne.s32 s12, s8  }
.Ltmp1:
0x11: {  	p1 =	slt.u32 s12, $0x2;
	(pc) =	sbr.rel @!p2 .LBB1_8-.Ltmp1, $4  }
0x12: {  	s13 =	simm.s32 @!p1 $0x2  }
0x13: {  	s16 =	sadd.s32 $0x1, s12;
	s14 =	smov.u32 s11;
	_ =	swait.ge @!p1 [sflag:s13], $0x4000  }
0x14: {  	p0 =	por !p0, !p0;
	s12 =	smov.u32 s16;
	[sflag:s13] =	ssyncset.done @!p1 $0x0  }
0x15: {  	s11 =	smov.u32 s15;
	[sflag:s13] =	ssyncadd.s32 @!p1 $0xFFFFC000;
	s13 =	smov.u32 s2  }
.LBB1_1:
0x16: {  	p1 =	sge.u32 s12, s5  }
0x17: {  	s15 =	sxor.u32 @!p1 $0xFFFFFFFF, s12  }
0x18: {  	s16 =	sshll.u32 @!p1 s11, $0x10;
	s18 =	simm.s32 @!p1 $0x40;
	s15 =	sshll.u32 @!p1 s15, $0xE  }
0x19: {  	s19 =	simm.s32 @!p1 $0x80;
	s17 =	sadd.s32 @!p1 s16, s6;
	s15 =	sand.u32 @!p1 $0x4000, s15  }
0x1a: {  	[tilespmem:s15], [sflag:$0x1] =	stream.strided.gather @!p1 [hbm4b:s17+s18], $0x2000, s19, s18, $0x38;
	[tilespmem:$0x10100] =	vst v63  }
0x1b: {  	s31 =	sadd.s32 $0xFFFFFFFF, s12;
	s16 =	sadd.s32 @!p1 s16, s7;
	s15 =	sor.u32 @!p1 $0x2000, s15  }
0x1c: {  	[tilespmem:s15], [sflag:$0x1] =	stream.strided.gather @!p1 [hbm4b:s16+s18], $0x2000, s19, s18, $0x38;
	[tilespmem:$0x10100] =	vst v63  }
0x1d: {  	p1 =	sge.u32 s31, s5  }
.Ltmp2:
0x1e: {  	_ = 	snop;
	(pc) =	sbr.rel @p1 .LBB1_7-.Ltmp2, $1  }
0x1f: {  	_ =	sdelay $0x3  }
0x20: {  	s15 =	simm.s32 $0x1;
	s17 =	sand.u32 $0x1, s12  }
0x21: {  	_ =	swait.ge [sflag:s4], $0x4000;
	s15 =	simm.s32 @!p0 $0x0;
	s17 =	smul.u32 $0x10200, s17  }
0x22: {  	p2 =	por $0x1, $0x1;
	[sflag:s4] =	ssyncset.done $0x0;
	s16 =	smul.u32 $0x10200, s15  }
0x23: {  	s18 =	sshll.u32 s15, $0x10;
	[sflag:s4] =	ssyncadd.s32 $0xFFFFC000;
	s30 =	sshrl.u32 s17, $0x2  }
0x24: {  	s31 =	sshrl.u32 s18, $0x2;
	s18 =	simm.s32 $0x0;
	s16 =	sshrl.u32 s16, $0x2  }
0x25: {  	s15 =	sor.u32 $0x8000, s30;
	s17 =	sadd.s32 $0x20, s31;
	s16 =	sor.u32 $0x8000, s16  }
.LBB1_3:
0x26: {  	s19 =	sshll.u32 s18, $0xD  }
0x27: {  	s19 =	sand.u32 $0x3FFFE000, s19  }
0x28: {  	s21 =	sadd.s32 s19, s17  }
0x29: {  	s31 =	smul.u32 $0x8100, s18;
	v3 =	vld [tilespmem:s21+$0x10]  }
0x2a: {  	v1 =	vld [tilespmem:s21+$0xFFFFFFF0]  }
0x2b: {  	s18 =	sshra.s32 s31, $0x2;
	v0 =	vld [tilespmem:s21+$0x0]  }
0x2c: {  	s18 =	sadd.s32 s18, s16;
	v2 =	vld [tilespmem:s21+$0xFFFFFFE0]  }
0x2d: {  	s19 =	sadd.s32 $0x0, s18  }
0x2e: {  	p1 =	por p2, p2;
	s20 =	simm.s32 $0x4;
	s21 =	sadd.s32 $0x40, s21;
	[tilespmem:s19+$0x1830 ss:$0x81] =	vst.msk $0xffff, v3  }
.LBB1_4:
0x2f: {  	v3 =	vld [tilespmem:s21+$0x10];
	p2 =	sne.s32 s20, $0x1FC;
	[tilespmem:s19+$0x810 ss:$0x81] =	vst.msk $0xffff, v1;
	s22 =	smov.u32 s20;
	s20 =	sadd.s32 $0x4, s20  }
.Ltmp3:
0x30: {  	v1 =	vld [tilespmem:s21+$0xFFFFFFF0];
	[tilespmem:s19+$0x1020 ss:$0x81] =	vst.msk $0xffff, v0;
	(pc) =	sbr.rel @p2 .LBB1_4-.Ltmp3, $4  }
0x31: {  	v0 =	vld [tilespmem:s21+$0x0];
	[tilespmem:s19+$0x0 ss:$0x81] =	vst.msk $0xffff, v2  }
0x32: {  	s19 =	sshra.s32 s22, $0x2;
	v2 =	vld [tilespmem:s21+$0xFFFFFFE0]  }
0x33: {  	s19 =	sadd.s32 s19, s18  }
0x34: {  	s21 =	sadd.s32 $0x40, s21;
	[tilespmem:s19+$0x1830 ss:$0x81] =	vst.msk $0xffff, v3  }
.Ltmp4:
0x35: {  	(pc) =	sbr.rel @p1 .LBB1_3-.Ltmp4, $4  }
0x36: {  	_ = 	snop  }
0x37: {  	[tilespmem:s19+$0x810 ss:$0x81] =	vst.msk $0xffff, v1  }
0x38: {  	[tilespmem:s19+$0x1020 ss:$0x81] =	vst.msk $0xffff, v0  }
0x39: {  	s18 =	simm.s32 $0x1;
	p2 =	por $0x0, $0x0;
	[tilespmem:s19+$0x0 ss:$0x81] =	vst.msk $0xffff, v2  }
.Ltmp5:
0x3a: {  	(pc) =	sbr.rel .LBB1_7-.Ltmp5, $4  }
0x3b: {  	s14 =	sshll.u32 s14, $0xF  }
0x3c: {  	s14 =	sadd.s32 s3, s14  }
0x3d: {  	s13 =	sadd.s32 s13, s14  }
0x3e: {  	[hbm4b:s13+s9] =	stream.strided.scatter [tilespmem:s15], [sflag:$0x2], $0x4000, s10, s9, $0x20;
	[tilespmem:$0x10100] =	vst v63  }
.LBB1_8:
0x3f: {  	_ =	sfence.sel $0x180000  }
0x40: {  	s2 =	simm.s32 $0x1;
	[bflag:$0x0] =	sbarrier.arrive $0xFFFF  }
0x41: {  	s31 =	simm.s32 $0x2;
	[sflag:s2] =	ssyncpa.u1 $0x1  }
0x42: {  	[sflag:s31] =	ssyncpa.u1 $0x1  }
0x43: {  	p0 =	sne.s32 s0, $0x0;
	_ =	strace $0x9000004A  }
0x44: {  	s0 =	sadd.s32 @!p0 $0x100000, s1;
	[bflag:$0x2] =	sbarrier.arrive $0xFFFF  }
0x45: {  	[sflag:s0] =	ssyncadd.tile.s32 @!p0 $0x1;
	_ =	shalt  }
.Lfunc_end1:
_tile_overlayer_lowered:
.L_overlay_start_2:
0x46: {  	(tag) =	ssettag $0x2  }
0x47: {  	s0 =	rddreg [dreg:$0x0];
	s2 =	stileid.u32  }
0x48: {  	s1 =	rddreg [dreg:$0x1];
	p0 =	sne.s32 s2, $0x0  }
0x49: {  	s3 =	rddreg [dreg:$0x2];
	[bflag:$0x3] =	sbarrier.arrive $0xFFFF;
	s2 =	simm.s32 @!p0 $0x1C01  }
0x4a: {  	[timem:s3], [sflag:s2] =	dma.local @!p0 [hbm:s0], s1  }
0x4b: {  	s0 =	simm.s32 @!p0 $0x1  }
0x4c: {  	_ =	swait.ge @!p0 [sflag:s0], s1  }
0x4d: {  	s1 =	ssub.s32 @!p0 $0x0, s1;
	[sflag:s0] =	ssyncset.done @!p0 $0x0  }
0x4e: {  	[sflag:s0] =	ssyncadd.s32 @!p0 s1  }
0x4f: {  	[bflag:$0x3] =	sbarrier.arrive $0xFFFF  }
0x50: {  	_ =	shalt  }

</sc_bundles>
